<compile_context>
chip_gen: v7x
topology: tpu7x:2x2x1
jax: 0.10.2.dev20260603
libtpu: 0.0.44.dev20260713+nightly
codegen_flags: <defaults>
</compile_context>

<pallas_src>
import functools

import jax
import jax.numpy as jnp
from jax import lax
from jax.experimental import pallas as pl
from jax.experimental.pallas import tpu as pltpu
from jax.experimental.pallas import tpu_sc as plsc

T, D, E, F, FS = 2048, 1024, 64, 512, 512
TT = 512
NCH = T // TT
BT = 64
S = 8192
G = S // BT
NSLOT = 2 * T



def _router_shared_step(x_ref, wr_ref, wgs_ref, wus_ref, wds_ref, wsg_ref,
                        out_ref, xbf_ref, topi_ref, topw_ref):
    for c in range(NCH):
        sl = pl.ds(c * TT, TT)
        x = x_ref[sl, :]
        xb = x.astype(jnp.bfloat16)
        xbf_ref[sl, :] = xb
        logits = jnp.dot(x, wr_ref[...], preferred_element_type=jnp.float32)
        m = jnp.max(logits, axis=-1, keepdims=True)
        ex = jnp.exp(logits - m)
        p = ex / jnp.sum(ex, axis=-1, keepdims=True)
        cols = jax.lax.broadcasted_iota(jnp.int32, p.shape, 1)
        m1 = jnp.max(p, axis=-1, keepdims=True)
        i1 = jnp.min(jnp.where(p == m1, cols, E), axis=-1, keepdims=True)
        pm = jnp.where(cols == i1, -1.0, p)
        m2 = jnp.max(pm, axis=-1, keepdims=True)
        i2 = jnp.min(jnp.where(pm == m2, cols, E), axis=-1, keepdims=True)
        s = m1 + m2
        topi_ref[sl, :] = jnp.concatenate([i1, i2], axis=1)
        topw_ref[sl, :] = jnp.concatenate([m1 / s, m2 / s], axis=1)
        g = jnp.dot(xb, wgs_ref[...].astype(jnp.bfloat16),
                    preferred_element_type=jnp.float32)
        u = jnp.dot(xb, wus_ref[...].astype(jnp.bfloat16),
                    preferred_element_type=jnp.float32)
        h = (jax.nn.silu(g) * u).astype(jnp.bfloat16)
        sh = jnp.dot(h, wds_ref[...].astype(jnp.bfloat16),
                     preferred_element_type=jnp.float32)
        sg = jax.nn.sigmoid(jnp.dot(x, wsg_ref[...],
                                    preferred_element_type=jnp.float32))
        out_ref[sl, :] = sg * sh


def _router_shared(x, Wr, Wg_s, Wu_s, Wd_s, Wsg):
    return pl.pallas_call(
        _router_shared_step,
        grid=(1,),
        in_specs=[
            pl.BlockSpec((T, D), lambda i: (0, 0)),
            pl.BlockSpec((D, E), lambda i: (0, 0)),
            pl.BlockSpec((D, FS), lambda i: (0, 0)),
            pl.BlockSpec((D, FS), lambda i: (0, 0)),
            pl.BlockSpec((FS, D), lambda i: (0, 0)),
            pl.BlockSpec((D, 1), lambda i: (0, 0)),
        ],
        out_specs=[
            pl.BlockSpec((T, D), lambda i: (0, 0)),
            pl.BlockSpec((T, D), lambda i: (0, 0)),
            pl.BlockSpec((T, 2), lambda i: (0, 0)),
            pl.BlockSpec((T, 2), lambda i: (0, 0)),
        ],
        out_shape=[
            jax.ShapeDtypeStruct((T, D), jnp.float32),
            jax.ShapeDtypeStruct((T, D), jnp.bfloat16),
            jax.ShapeDtypeStruct((T, 2), jnp.int32),
            jax.ShapeDtypeStruct((T, 2), jnp.float32),
        ],
    )(x, Wr, Wg_s, Wu_s, Wd_s, Wsg)




def _ggemm_step(teid_ref, nt_ref, tok_ref, sw_ref, xbf_ref, wg_ref, wu_ref,
                wd_ref, hg_ref):
    g = pl.program_id(0)

    @pl.when(g < nt_ref[0])
    def _():
        onehot = (jax.lax.broadcasted_iota(jnp.int32, (BT, T), 1)
                  == tok_ref[...]).astype(jnp.bfloat16)
        xg = jnp.dot(onehot, xbf_ref[...],
                     preferred_element_type=jnp.float32).astype(jnp.bfloat16)
        gg = jnp.dot(xg, wg_ref[0].astype(jnp.bfloat16),
                     preferred_element_type=jnp.float32)
        uu = jnp.dot(xg, wu_ref[0].astype(jnp.bfloat16),
                     preferred_element_type=jnp.float32)
        h = (jax.nn.silu(gg) * uu).astype(jnp.bfloat16)
        hd = jnp.dot(h, wd_ref[0].astype(jnp.bfloat16),
                     preferred_element_type=jnp.float32)
        hg_ref[...] = hd * sw_ref[...]


def _grouped_gemm(tile_eid, n_tiles, sorted_tok, sorted_w, xbf,
                  Wg_e, Wu_e, Wd_e):
    grid_spec = pltpu.PrefetchScalarGridSpec(
        num_scalar_prefetch=2,
        grid=(G,),
        in_specs=[
            pl.BlockSpec((BT, 1), lambda g, teid, nt: (g, 0)),
            pl.BlockSpec((BT, 1), lambda g, teid, nt: (g, 0)),
            pl.BlockSpec((T, D), lambda g, teid, nt: (0, 0)),
            pl.BlockSpec((1, D, F), lambda g, teid, nt: (teid[g], 0, 0)),
            pl.BlockSpec((1, D, F), lambda g, teid, nt: (teid[g], 0, 0)),
            pl.BlockSpec((1, F, D), lambda g, teid, nt: (teid[g], 0, 0)),
        ],
        out_specs=pl.BlockSpec((BT, D), lambda g, teid, nt: (g, 0)),
    )
    return pl.pallas_call(
        _ggemm_step,
        grid_spec=grid_spec,
        out_shape=jax.ShapeDtypeStruct((S, D), jnp.float32),
        compiler_params=pltpu.CompilerParams(
            dimension_semantics=("arbitrary",),
        ),
    )(tile_eid, n_tiles, sorted_tok.reshape(S, 1),
      sorted_w.reshape(S, 1), xbf, Wg_e, Wu_e, Wd_e)



NW4 = 32
TPW = T // NW4
CH = 16


def _combine_body(oinit_hbm, hg_hbm, inv_hbm, out_hbm,
                  idx_v, rows_v, acc_v, sem):
    cid = lax.axis_index("c")
    sid = lax.axis_index("s")
    wid = sid * 2 + cid
    for c in range(TPW // CH):
        tb = wid * TPW + c * CH
        pltpu.sync_copy(inv_hbm.at[pl.ds(2 * tb, 2 * CH)], idx_v)
        pltpu.async_copy(hg_hbm.at[idx_v], rows_v, sem).wait()
        pltpu.sync_copy(oinit_hbm.at[pl.ds(tb, CH)], acc_v)

        for j in range(CH):
            def jq(q, c_, j=j):
                qq = q * 16
                a = acc_v[j, pl.ds(qq, 16)]
                r0 = rows_v[2 * j, pl.ds(qq, 16)]
                r1 = rows_v[2 * j + 1, pl.ds(qq, 16)]
                acc_v[j, pl.ds(qq, 16)] = a + r0 + r1
                return c_
            lax.fori_loop(0, D // 16, jq, jnp.int32(0))
        pltpu.sync_copy(acc_v, out_hbm.at[pl.ds(tb, CH)])


def _combine(out_init, hg, inv):
    mesh = plsc.VectorSubcoreMesh(core_axis_name="c", subcore_axis_name="s", num_cores=2, num_subcores=16)
    f = pl.kernel(
        _combine_body,
        compiler_params=pltpu.CompilerParams(needs_layout_passes=False),
        out_type=jax.ShapeDtypeStruct((T, D), jnp.float32),
        mesh=mesh,
        scratch_types=[
            pltpu.VMEM((2 * CH,), jnp.int32),
            pltpu.VMEM((2 * CH, D), jnp.float32),
            pltpu.VMEM((CH, D), jnp.float32),
            pltpu.SemaphoreType.DMA,
        ],
    )
    return f(out_init, hg, inv)


def _dispatch_meta_jnp(topi, topw):
    eflat = topi.reshape(-1)
    wflat = topw.reshape(-1)
    onehot = (eflat[:, None] == jnp.arange(E, dtype=jnp.int32)[None, :])
    csum = jnp.cumsum(onehot.astype(jnp.int32), axis=0)
    rank = jnp.take_along_axis(csum, eflat[:, None], axis=1)[:, 0] - 1
    counts = csum[-1]
    ntiles_e = (counts + BT - 1) // BT
    tile_off = jnp.cumsum(ntiles_e) - ntiles_e
    n_tiles = jnp.sum(ntiles_e).astype(jnp.int32)
    pos = tile_off[eflat] * BT + rank
    sorted_tok = jnp.zeros((S,), jnp.int32).at[pos].set(
        jnp.arange(2 * T, dtype=jnp.int32) // 2)
    sorted_w = jnp.zeros((S,), jnp.float32).at[pos].set(wflat)
    g_ar = jnp.arange(G, dtype=jnp.int32)
    te_full = jnp.searchsorted(tile_off + ntiles_e, g_ar, side='right'
                               ).astype(jnp.int32)
    e_last = te_full[jnp.maximum(n_tiles - 1, 0)]
    tile_eid = jnp.where(g_ar < n_tiles, te_full, e_last)
    nt16 = jnp.full((16,), n_tiles, jnp.int32)
    return sorted_tok, sorted_w, tile_eid, nt16, pos




def kernel(hidden_states, Wr, Wg_e, Wu_e, Wd_e, Wg_s, Wu_s, Wd_s, Wsg):
    x = hidden_states.reshape(-1, hidden_states.shape[-1])
    out_init, xbf, topi, topw = _router_shared(x, Wr, Wg_s, Wu_s, Wd_s, Wsg)
    stok, sw, teid, nt, inv = _dispatch_meta_jnp(topi, topw)
    hg = _grouped_gemm(teid, nt, stok, sw, xbf, Wg_e, Wu_e, Wd_e)
    out = _combine(out_init, hg, inv)
    return out.reshape(hidden_states.shape)

# --- scband reference (transcript-rebuilt; emitter-appended) ---
"""Pipeline reference for scband-qwen3-omni-moe-talker-for-conditional-generation-25924422599228 (READ-ONLY COPY).

The authoritative reference and input builder live on the scoring server;
editing this copy changes nothing except your own understanding.
"""

import jax, jax.numpy as jnp
import numpy as np

T, D, E, F, FS, TOPK = 2048, 1024, 64, 512, 512, 2

def setup_inputs(seed: int = 0) -> dict:
    key = jax.random.key(seed)
    ks = jax.random.split(key, 10)
    inp = {
        'hidden_states': jax.random.normal(ks[0], (T, D), dtype=jnp.float32),
        'Wr': jax.random.normal(ks[1], (D, E), dtype=jnp.float32) * 0.02,
        'Wg_e': jax.random.normal(ks[2], (E, D, F), dtype=jnp.float32) * 0.02,
        'Wu_e': jax.random.normal(ks[3], (E, D, F), dtype=jnp.float32) * 0.02,
        'Wd_e': jax.random.normal(ks[4], (E, F, D), dtype=jnp.float32) * 0.02,
        'Wg_s': jax.random.normal(ks[5], (D, FS), dtype=jnp.float32) * 0.02,
        'Wu_s': jax.random.normal(ks[6], (D, FS), dtype=jnp.float32) * 0.02,
        'Wd_s': jax.random.normal(ks[7], (FS, D), dtype=jnp.float32) * 0.02,
        'Wsg': jax.random.normal(ks[8], (D, 1), dtype=jnp.float32) * 0.02,
    }
    return inp

def reference(hidden_states, Wr, Wg_e, Wu_e, Wd_e, Wg_s, Wu_s, Wd_s, Wsg):
    x = hidden_states.reshape(-1, hidden_states.shape[-1])
    # shared expert (Qwen3MoeMLP: SwiGLU) gated by sigmoid(shared_expert_gate(x))
    shared = (jax.nn.silu(x @ Wg_s) * (x @ Wu_s)) @ Wd_s
    shared = jax.nn.sigmoid(x @ Wsg) * shared
    # router: softmax BEFORE top-k selection (Transformers Qwen3Moe router)
    router_logits = x @ Wr
    probs = jax.nn.softmax(router_logits, axis=-1)
    topv, topi = jax.lax.top_k(probs, TOPK)
    # norm_topk_prob=True: renormalize selected weights
    topv = topv / jnp.sum(topv, axis=-1, keepdims=True)
    out = jnp.zeros_like(x)
    num_experts = Wg_e.shape[0]
    for e in range(num_experts):
        w = jnp.sum(jnp.where(topi == e, topv, 0.0), axis=-1, keepdims=True)
        h = (jax.nn.silu(x @ Wg_e[e]) * (x @ Wu_e[e])) @ Wd_e[e]
        out = out + h * w
    out = out + shared
    return out.reshape(hidden_states.shape)

if __name__ == "__main__":
    import jax
    _d = setup_inputs()
    print(jax.jit(kernel)(*tuple(_d.values())))

</pallas_src>

<mosaic_0001>
#map = affine_map<(d0, d1) -> (0, 0)>
#map1 = affine_map<(d0, d1) -> (0)>
module attributes {stable_mosaic.version = 14 : i64} {
  func.func @_combine_body(%arg0: i32, %arg1: i32, %arg2: memref<2048x1024xf32, #tpu.memory_space<hbm>>, %arg3: memref<8192x1024xf32, #tpu.memory_space<hbm>>, %arg4: memref<4096xi32, #tpu.memory_space<hbm>>, %arg5: memref<2048x1024xf32, #tpu.memory_space<hbm>>, %arg6: memref<32xi32, #tpu.memory_space<vmem>>, %arg7: memref<32x1024xf32, #tpu.memory_space<vmem>>, %arg8: memref<16x1024xf32, #tpu.memory_space<vmem>>, %arg9: memref<!tpu.dma_semaphore, #tpu.memory_space<semaphore_mem>>) attributes {dimension_semantics = [#tpu.dimension_semantics<core_parallel>, #tpu.dimension_semantics<subcore_parallel>], iteration_bounds = array<i64: 2, 16>, scalar_prefetch = 0 : i64, scratch_operands = 4 : i64, tpu.core_type = #tpu.core_type<sc_vector_subcore>, window_params = [{transform_indices = #map}, {transform_indices = #map}, {transform_indices = #map1}, {transform_indices = #map}]} {
    %mul3A = arith.constant 2 : i32
    %mul3A_0 = arith.muli %arg1, %mul3A : i32
    %add3A = arith.addi %mul3A_0, %arg0 : i32
    %mul3A_1 = arith.constant 64 : i32
    %mul3A_2 = arith.muli %add3A, %mul3A_1 : i32
    %add3A_3 = arith.constant 0 : i32
    %add3A_4 = arith.addi %mul3A_2, %add3A_3 : i32
    %mul3A_5 = arith.constant 2 : i32
    %mul3A_6 = arith.muli %mul3A_5, %add3A_4 : i32
    "tpu.region"() ({
      %run_scoped3A = tpu.sem_alloc : memref<!tpu.dma_semaphore, #tpu.memory_space<semaphore_mem>>
      %dma_start3A_430 = tpu.memref_slice %arg4[%mul3A_6] : memref<4096xi32, #tpu.memory_space<hbm>> -> memref<32xi32, #tpu.memory_space<hbm>>
      %dma_start3A_431 = tpu.memref_slice %arg4[%mul3A_6] : memref<4096xi32, #tpu.memory_space<hbm>> -> memref<32xi32, #tpu.memory_space<hbm>>
      tpu.enqueue_dma source(%dma_start3A_431 : memref<32xi32, #tpu.memory_space<hbm>>) target(%arg6 : memref<32xi32, #tpu.memory_space<vmem>>) target_semaphore(%run_scoped3A : memref<!tpu.dma_semaphore, #tpu.memory_space<semaphore_mem>>)
      %dma_wait3A_432 = tpu.memref_slice %arg4[%mul3A_6] : memref<4096xi32, #tpu.memory_space<hbm>> -> memref<32xi32, #tpu.memory_space<hbm>>
      %dma_wait3A_433 = tpu.memref_slice %arg4[%mul3A_6] : memref<4096xi32, #tpu.memory_space<hbm>> -> memref<32xi32, #tpu.memory_space<hbm>>
      tpu.wait_dma2 semaphore(%run_scoped3A : memref<!tpu.dma_semaphore, #tpu.memory_space<semaphore_mem>>) src(%dma_wait3A_433 : memref<32xi32, #tpu.memory_space<hbm>>) dst(%arg6 : memref<32xi32, #tpu.memory_space<vmem>>)
      tpu.yield
    }) : () -> ()
    %dma_start3A = arith.constant 0 : i32
    %dma_start3A_7 = arith.constant 0 : i32
    %dma_start3A_8 = tpu.memref_slice %arg3[%dma_start3A, %dma_start3A_7] : memref<8192x1024xf32, #tpu.memory_space<hbm>> -> memref<8192x1024xf32, #tpu.memory_space<hbm>>
    tpu.enqueue_indirect_dma source(%dma_start3A_8 : memref<8192x1024xf32, #tpu.memory_space<hbm>>) target(%arg7 : memref<32x1024xf32, #tpu.memory_space<vmem>>) offsets(%arg6 : memref<32xi32, #tpu.memory_space<vmem>>) semaphore(%arg9 : memref<!tpu.dma_semaphore, #tpu.memory_space<semaphore_mem>>)
    %dma_wait3A = arith.constant 0 : i32
    %dma_wait3A_9 = arith.constant 0 : i32
    %dma_wait3A_10 = tpu.memref_slice %arg3[%dma_wait3A, %dma_wait3A_9] : memref<8192x1024xf32, #tpu.memory_space<hbm>> -> memref<8192x1024xf32, #tpu.memory_space<hbm>>
    tpu.wait_indirect_dma semaphore(%arg9 : memref<!tpu.dma_semaphore, #tpu.memory_space<semaphore_mem>>) src(%dma_wait3A_10 : memref<8192x1024xf32, #tpu.memory_space<hbm>>) dst(%arg7 : memref<32x1024xf32, #tpu.memory_space<vmem>>)
    "tpu.region"() ({
      %run_scoped3A = tpu.sem_alloc : memref<!tpu.dma_semaphore, #tpu.memory_space<semaphore_mem>>
      %dma_start3A_430 = arith.constant 0 : i32
      %dma_start3A_431 = tpu.memref_slice %arg2[%add3A_4, %dma_start3A_430] : memref<2048x1024xf32, #tpu.memory_space<hbm>> -> memref<16x1024xf32, #tpu.memory_space<hbm>>
      %dma_start3A_432 = arith.constant 0 : i32
      %dma_start3A_433 = tpu.memref_slice %arg2[%add3A_4, %dma_start3A_432] : memref<2048x1024xf32, #tpu.memory_space<hbm>> -> memref<16x1024xf32, #tpu.memory_space<hbm>>
      tpu.enqueue_dma source(%dma_start3A_433 : memref<16x1024xf32, #tpu.memory_space<hbm>>) target(%arg8 : memref<16x1024xf32, #tpu.memory_space<vmem>>) target_semaphore(%run_scoped3A : memref<!tpu.dma_semaphore, #tpu.memory_space<semaphore_mem>>)
      %dma_wait3A_434 = arith.constant 0 : i32
      %dma_wait3A_435 = tpu.memref_slice %arg2[%add3A_4, %dma_wait3A_434] : memref<2048x1024xf32, #tpu.memory_space<hbm>> -> memref<16x1024xf32, #tpu.memory_space<hbm>>
      %dma_wait3A_436 = arith.constant 0 : i32
      %dma_wait3A_437 = tpu.memref_slice %arg2[%add3A_4, %dma_wait3A_436] : memref<2048x1024xf32, #tpu.memory_space<hbm>> -> memref<16x1024xf32, #tpu.memory_space<hbm>>
      tpu.wait_dma2 semaphore(%run_scoped3A : memref<!tpu.dma_semaphore, #tpu.memory_space<semaphore_mem>>) src(%dma_wait3A_437 : memref<16x1024xf32, #tpu.memory_space<hbm>>) dst(%arg8 : memref<16x1024xf32, #tpu.memory_space<vmem>>)
      tpu.yield
    }) : () -> ()
    %scan3A = arith.constant 0 : i32
    %scan3A_11 = arith.constant 0 : i32
    %scan3A_12 = arith.constant 64 : i32
    %scan3A_13 = arith.addi %scan3A_11, %scan3A_12 : i32
    %scan3A_14 = arith.constant 1 : i32
    scf.for %scan3A_430 = %scan3A_11 to %scan3A_13 step %scan3A_14  : i32 {
      %mul3A_431 = arith.constant 16 : i32
      %mul3A_432 = arith.muli %scan3A_430, %mul3A_431 : i32
      %get3A = arith.constant 0 : i32
      %get3A_433 = arith.index_cast %get3A : i32 to index
      %get3A_434 = arith.index_cast %mul3A_432 : i32 to index
      %get3A_435 = tpu.vector_load %arg8[%get3A_433, %get3A_434] {strides = array<i32>} : memref<16x1024xf32, #tpu.memory_space<vmem>>, vector<16xf32>,
      %get3A_436 = arith.constant 0 : i32
      %get3A_437 = arith.index_cast %get3A_436 : i32 to index
      %get3A_438 = arith.index_cast %mul3A_432 : i32 to index
      %get3A_439 = tpu.vector_load %arg7[%get3A_437, %get3A_438] {strides = array<i32>} : memref<32x1024xf32, #tpu.memory_space<vmem>>, vector<16xf32>,
      %get3A_440 = arith.constant 1 : i32
      %get3A_441 = arith.index_cast %get3A_440 : i32 to index
      %get3A_442 = arith.index_cast %mul3A_432 : i32 to index
      %get3A_443 = tpu.vector_load %arg7[%get3A_441, %get3A_442] {strides = array<i32>} : memref<32x1024xf32, #tpu.memory_space<vmem>>, vector<16xf32>,
      %add3A_444 = arith.addf %get3A_435, %get3A_439 : vector<16xf32>
      %add3A_445 = arith.addf %add3A_444, %get3A_443 : vector<16xf32>
      %swap3A = arith.constant 0 : i32
      %swap3A_446 = arith.index_cast %swap3A : i32 to index
      %swap3A_447 = arith.index_cast %mul3A_432 : i32 to index
      %swap3A_448 = tpu.vector_load %arg8[%swap3A_446, %swap3A_447] {strides = array<i32>} : memref<16x1024xf32, #tpu.memory_space<vmem>>, vector<16xf32>,
      tpu.vector_store %arg8[%swap3A_446, %swap3A_447], %add3A_445 {strides = array<i32>} : memref<16x1024xf32, #tpu.memory_space<vmem>>, vector<16xf32>,
    }
    %scan3A_15 = arith.constant 64 : i32
    %scan3A_16 = arith.constant 0 : i32
    %scan3A_17 = arith.constant 0 : i32
    %scan3A_18 = arith.constant 64 : i32
    %scan3A_19 = arith.addi %scan3A_17, %scan3A_18 : i32
    %scan3A_20 = arith.constant 1 : i32
    scf.for %scan3A_430 = %scan3A_17 to %scan3A_19 step %scan3A_20  : i32 {
      %mul3A_431 = arith.constant 16 : i32
      %mul3A_432 = arith.muli %scan3A_430, %mul3A_431 : i32
      %get3A = arith.constant 1 : i32
      %get3A_433 = arith.index_cast %get3A : i32 to index
      %get3A_434 = arith.index_cast %mul3A_432 : i32 to index
      %get3A_435 = tpu.vector_load %arg8[%get3A_433, %get3A_434] {strides = array<i32>} : memref<16x1024xf32, #tpu.memory_space<vmem>>, vector<16xf32>,
      %get3A_436 = arith.constant 2 : i32
      %get3A_437 = arith.index_cast %get3A_436 : i32 to index
      %get3A_438 = arith.index_cast %mul3A_432 : i32 to index
      %get3A_439 = tpu.vector_load %arg7[%get3A_437, %get3A_438] {strides = array<i32>} : memref<32x1024xf32, #tpu.memory_space<vmem>>, vector<16xf32>,
      %get3A_440 = arith.constant 3 : i32
      %get3A_441 = arith.index_cast %get3A_440 : i32 to index
      %get3A_442 = arith.index_cast %mul3A_432 : i32 to index
      %get3A_443 = tpu.vector_load %arg7[%get3A_441, %get3A_442] {strides = array<i32>} : memref<32x1024xf32, #tpu.memory_space<vmem>>, vector<16xf32>,
      %add3A_444 = arith.addf %get3A_435, %get3A_439 : vector<16xf32>
      %add3A_445 = arith.addf %add3A_444, %get3A_443 : vector<16xf32>
      %swap3A = arith.constant 1 : i32
      %swap3A_446 = arith.index_cast %swap3A : i32 to index
      %swap3A_447 = arith.index_cast %mul3A_432 : i32 to index
      %swap3A_448 = tpu.vector_load %arg8[%swap3A_446, %swap3A_447] {strides = array<i32>} : memref<16x1024xf32, #tpu.memory_space<vmem>>, vector<16xf32>,
      tpu.vector_store %arg8[%swap3A_446, %swap3A_447], %add3A_445 {strides = array<i32>} : memref<16x1024xf32, #tpu.memory_space<vmem>>, vector<16xf32>,
    }
    %scan3A_21 = arith.constant 64 : i32
    %scan3A_22 = arith.constant 0 : i32
    %scan3A_23 = arith.constant 0 : i32
    %scan3A_24 = arith.constant 64 : i32
    %scan3A_25 = arith.addi %scan3A_23, %scan3A_24 : i32
    %scan3A_26 = arith.constant 1 : i32
    scf.for %scan3A_430 = %scan3A_23 to %scan3A_25 step %scan3A_26  : i32 {
      %mul3A_431 = arith.constant 16 : i32
      %mul3A_432 = arith.muli %scan3A_430, %mul3A_431 : i32
      %get3A = arith.constant 2 : i32
      %get3A_433 = arith.index_cast %get3A : i32 to index
      %get3A_434 = arith.index_cast %mul3A_432 : i32 to index
      %get3A_435 = tpu.vector_load %arg8[%get3A_433, %get3A_434] {strides = array<i32>} : memref<16x1024xf32, #tpu.memory_space<vmem>>, vector<16xf32>,
      %get3A_436 = arith.constant 4 : i32
      %get3A_437 = arith.index_cast %get3A_436 : i32 to index
      %get3A_438 = arith.index_cast %mul3A_432 : i32 to index
      %get3A_439 = tpu.vector_load %arg7[%get3A_437, %get3A_438] {strides = array<i32>} : memref<32x1024xf32, #tpu.memory_space<vmem>>, vector<16xf32>,
      %get3A_440 = arith.constant 5 : i32
      %get3A_441 = arith.index_cast %get3A_440 : i32 to index
      %get3A_442 = arith.index_cast %mul3A_432 : i32 to index
      %get3A_443 = tpu.vector_load %arg7[%get3A_441, %get3A_442] {strides = array<i32>} : memref<32x1024xf32, #tpu.memory_space<vmem>>, vector<16xf32>,
      %add3A_444 = arith.addf %get3A_435, %get3A_439 : vector<16xf32>
      %add3A_445 = arith.addf %add3A_444, %get3A_443 : vector<16xf32>
      %swap3A = arith.constant 2 : i32
      %swap3A_446 = arith.index_cast %swap3A : i32 to index
      %swap3A_447 = arith.index_cast %mul3A_432 : i32 to index
      %swap3A_448 = tpu.vector_load %arg8[%swap3A_446, %swap3A_447] {strides = array<i32>} : memref<16x1024xf32, #tpu.memory_space<vmem>>, vector<16xf32>,
      tpu.vector_store %arg8[%swap3A_446, %swap3A_447], %add3A_445 {strides = array<i32>} : memref<16x1024xf32, #tpu.memory_space<vmem>>, vector<16xf32>,
    }
    %scan3A_27 = arith.constant 64 : i32
    %scan3A_28 = arith.constant 0 : i32
    %scan3A_29 = arith.constant 0 : i32
    %scan3A_30 = arith.constant 64 : i32
    %scan3A_31 = arith.addi %scan3A_29, %scan3A_30 : i32
    %scan3A_32 = arith.constant 1 : i32
    scf.for %scan3A_430 = %scan3A_29 to %scan3A_31 step %scan3A_32  : i32 {
      %mul3A_431 = arith.constant 16 : i32
      %mul3A_432 = arith.muli %scan3A_430, %mul3A_431 : i32
      %get3A = arith.constant 3 : i32
      %get3A_433 = arith.index_cast %get3A : i32 to index
      %get3A_434 = arith.index_cast %mul3A_432 : i32 to index
      %get3A_435 = tpu.vector_load %arg8[%get3A_433, %get3A_434] {strides = array<i32>} : memref<16x1024xf32, #tpu.memory_space<vmem>>, vector<16xf32>,
      %get3A_436 = arith.constant 6 : i32
      %get3A_437 = arith.index_cast %get3A_436 : i32 to index
      %get3A_438 = arith.index_cast %mul3A_432 : i32 to index
      %get3A_439 = tpu.vector_load %arg7[%get3A_437, %get3A_438] {strides = array<i32>} : memref<32x1024xf32, #tpu.memory_space<vmem>>, vector<16xf32>,
      %get3A_440 = arith.constant 7 : i32
      %get3A_441 = arith.index_cast %get3A_440 : i32 to index
      %get3A_442 = arith.index_cast %mul3A_432 : i32 to index
      %get3A_443 = tpu.vector_load %arg7[%get3A_441, %get3A_442] {strides = array<i32>} : memref<32x1024xf32, #tpu.memory_space<vmem>>, vector<16xf32>,
      %add3A_444 = arith.addf %get3A_435, %get3A_439 : vector<16xf32>
      %add3A_445 = arith.addf %add3A_444, %get3A_443 : vector<16xf32>
      %swap3A = arith.constant 3 : i32
      %swap3A_446 = arith.index_cast %swap3A : i32 to index
      %swap3A_447 = arith.index_cast %mul3A_432 : i32 to index
      %swap3A_448 = tpu.vector_load %arg8[%swap3A_446, %swap3A_447] {strides = array<i32>} : memref<16x1024xf32, #tpu.memory_space<vmem>>, vector<16xf32>,
      tpu.vector_store %arg8[%swap3A_446, %swap3A_447], %add3A_445 {strides = array<i32>} : memref<16x1024xf32, #tpu.memory_space<vmem>>, vector<16xf32>,
    }
    %scan3A_33 = arith.constant 64 : i32
    %scan3A_34 = arith.constant 0 : i32
    %scan3A_35 = arith.constant 0 : i32
    %scan3A_36 = arith.constant 64 : i32
    %scan3A_37 = arith.addi %scan3A_35, %scan3A_36 : i32
    %scan3A_38 = arith.constant 1 : i32
    scf.for %scan3A_430 = %scan3A_35 to %scan3A_37 step %scan3A_38  : i32 {
      %mul3A_431 = arith.constant 16 : i32
      %mul3A_432 = arith.muli %scan3A_430, %mul3A_431 : i32
      %get3A = arith.constant 4 : i32
      %get3A_433 = arith.index_cast %get3A : i32 to index
      %get3A_434 = arith.index_cast %mul3A_432 : i32 to index
      %get3A_435 = tpu.vector_load %arg8[%get3A_433, %get3A_434] {strides = array<i32>} : memref<16x1024xf32, #tpu.memory_space<vmem>>, vector<16xf32>,
      %get3A_436 = arith.constant 8 : i32
      %get3A_437 = arith.index_cast %get3A_436 : i32 to index
      %get3A_438 = arith.index_cast %mul3A_432 : i32 to index
      %get3A_439 = tpu.vector_load %arg7[%get3A_437, %get3A_438] {strides = array<i32>} : memref<32x1024xf32, #tpu.memory_space<vmem>>, vector<16xf32>,
      %get3A_440 = arith.constant 9 : i32
      %get3A_441 = arith.index_cast %get3A_440 : i32 to index
      %get3A_442 = arith.index_cast %mul3A_432 : i32 to index
      %get3A_443 = tpu.vector_load %arg7[%get3A_441, %get3A_442] {strides = array<i32>} : memref<32x1024xf32, #tpu.memory_space<vmem>>, vector<16xf32>,
      %add3A_444 = arith.addf %get3A_435, %get3A_439 : vector<16xf32>
      %add3A_445 = arith.addf %add3A_444, %get3A_443 : vector<16xf32>
      %swap3A = arith.constant 4 : i32
      %swap3A_446 = arith.index_cast %swap3A : i32 to index
      %swap3A_447 = arith.index_cast %mul3A_432 : i32 to index
      %swap3A_448 = tpu.vector_load %arg8[%swap3A_446, %swap3A_447] {strides = array<i32>} : memref<16x1024xf32, #tpu.memory_space<vmem>>, vector<16xf32>,
      tpu.vector_store %arg8[%swap3A_446, %swap3A_447], %add3A_445 {strides = array<i32>} : memref<16x1024xf32, #tpu.memory_space<vmem>>, vector<16xf32>,
    }
    %scan3A_39 = arith.constant 64 : i32
    %scan3A_40 = arith.constant 0 : i32
    %scan3A_41 = arith.constant 0 : i32
    %scan3A_42 = arith.constant 64 : i32
    %scan3A_43 = arith.addi %scan3A_41, %scan3A_42 : i32
    %scan3A_44 = arith.constant 1 : i32
    scf.for %scan3A_430 = %scan3A_41 to %scan3A_43 step %scan3A_44  : i32 {
      %mul3A_431 = arith.constant 16 : i32
      %mul3A_432 = arith.muli %scan3A_430, %mul3A_431 : i32
      %get3A = arith.constant 5 : i32
      %get3A_433 = arith.index_cast %get3A : i32 to index
      %get3A_434 = arith.index_cast %mul3A_432 : i32 to index
      %get3A_435 = tpu.vector_load %arg8[%get3A_433, %get3A_434] {strides = array<i32>} : memref<16x1024xf32, #tpu.memory_space<vmem>>, vector<16xf32>,
      %get3A_436 = arith.constant 10 : i32
      %get3A_437 = arith.index_cast %get3A_436 : i32 to index
      %get3A_438 = arith.index_cast %mul3A_432 : i32 to index
      %get3A_439 = tpu.vector_load %arg7[%get3A_437, %get3A_438] {strides = array<i32>} : memref<32x1024xf32, #tpu.memory_space<vmem>>, vector<16xf32>,
      %get3A_440 = arith.constant 11 : i32
      %get3A_441 = arith.index_cast %get3A_440 : i32 to index
      %get3A_442 = arith.index_cast %mul3A_432 : i32 to index
      %get3A_443 = tpu.vector_load %arg7[%get3A_441, %get3A_442] {strides = array<i32>} : memref<32x1024xf32, #tpu.memory_space<vmem>>, vector<16xf32>,
      %add3A_444 = arith.addf %get3A_435, %get3A_439 : vector<16xf32>
      %add3A_445 = arith.addf %add3A_444, %get3A_443 : vector<16xf32>
      %swap3A = arith.constant 5 : i32
      %swap3A_446 = arith.index_cast %swap3A : i32 to index
      %swap3A_447 = arith.index_cast %mul3A_432 : i32 to index
      %swap3A_448 = tpu.vector_load %arg8[%swap3A_446, %swap3A_447] {strides = array<i32>} : memref<16x1024xf32, #tpu.memory_space<vmem>>, vector<16xf32>,
      tpu.vector_store %arg8[%swap3A_446, %swap3A_447], %add3A_445 {strides = array<i32>} : memref<16x1024xf32, #tpu.memory_space<vmem>>, vector<16xf32>,
    }
    %scan3A_45 = arith.constant 64 : i32
    %scan3A_46 = arith.constant 0 : i32
    %scan3A_47 = arith.constant 0 : i32
    %scan3A_48 = arith.constant 64 : i32
    %scan3A_49 = arith.addi %scan3A_47, %scan3A_48 : i32
    %scan3A_50 = arith.constant 1 : i32
    scf.for %scan3A_430 = %scan3A_47 to %scan3A_49 step %scan3A_50  : i32 {
      %mul3A_431 = arith.constant 16 : i32
      %mul3A_432 = arith.muli %scan3A_430, %mul3A_431 : i32
      %get3A = arith.constant 6 : i32
      %get3A_433 = arith.index_cast %get3A : i32 to index
      %get3A_434 = arith.index_cast %mul3A_432 : i32 to index
      %get3A_435 = tpu.vector_load %arg8[%get3A_433, %get3A_434] {strides = array<i32>} : memref<16x1024xf32, #tpu.memory_space<vmem>>, vector<16xf32>,
      %get3A_436 = arith.constant 12 : i32
      %get3A_437 = arith.index_cast %get3A_436 : i32 to index
      %get3A_438 = arith.index_cast %mul3A_432 : i32 to index
      %get3A_439 = tpu.vector_load %arg7[%get3A_437, %get3A_438] {strides = array<i32>} : memref<32x1024xf32, #tpu.memory_space<vmem>>, vector<16xf32>,
      %get3A_440 = arith.constant 13 : i32
      %get3A_441 = arith.index_cast %get3A_440 : i32 to index
      %get3A_442 = arith.index_cast %mul3A_432 : i32 to index
      %get3A_443 = tpu.vector_load %arg7[%get3A_441, %get3A_442] {strides = array<i32>} : memref<32x1024xf32, #tpu.memory_space<vmem>>, vector<16xf32>,
      %add3A_444 = arith.addf %get3A_435, %get3A_439 : vector<16xf32>
      %add3A_445 = arith.addf %add3A_444, %get3A_443 : vector<16xf32>
      %swap3A = arith.constant 6 : i32
      %swap3A_446 = arith.index_cast %swap3A : i32 to index
      %swap3A_447 = arith.index_cast %mul3A_432 : i32 to index
      %swap3A_448 = tpu.vector_load %arg8[%swap3A_446, %swap3A_447] {strides = array<i32>} : memref<16x1024xf32, #tpu.memory_space<vmem>>, vector<16xf32>,
      tpu.vector_store %arg8[%swap3A_446, %swap3A_447], %add3A_445 {strides = array<i32>} : memref<16x1024xf32, #tpu.memory_space<vmem>>, vector<16xf32>,
    }
    %scan3A_51 = arith.constant 64 : i32
    %scan3A_52 = arith.constant 0 : i32
    %scan3A_53 = arith.constant 0 : i32
    %scan3A_54 = arith.constant 64 : i32
    %scan3A_55 = arith.addi %scan3A_53, %scan3A_54 : i32
    %scan3A_56 = arith.constant 1 : i32
    scf.for %scan3A_430 = %scan3A_53 to %scan3A_55 step %scan3A_56  : i32 {
      %mul3A_431 = arith.constant 16 : i32
      %mul3A_432 = arith.muli %scan3A_430, %mul3A_431 : i32
      %get3A = arith.constant 7 : i32
      %get3A_433 = arith.index_cast %get3A : i32 to index
      %get3A_434 = arith.index_cast %mul3A_432 : i32 to index
      %get3A_435 = tpu.vector_load %arg8[%get3A_433, %get3A_434] {strides = array<i32>} : memref<16x1024xf32, #tpu.memory_space<vmem>>, vector<16xf32>,
      %get3A_436 = arith.constant 14 : i32
      %get3A_437 = arith.index_cast %get3A_436 : i32 to index
      %get3A_438 = arith.index_cast %mul3A_432 : i32 to index
      %get3A_439 = tpu.vector_load %arg7[%get3A_437, %get3A_438] {strides = array<i32>} : memref<32x1024xf32, #tpu.memory_space<vmem>>, vector<16xf32>,
      %get3A_440 = arith.constant 15 : i32
      %get3A_441 = arith.index_cast %get3A_440 : i32 to index
      %get3A_442 = arith.index_cast %mul3A_432 : i32 to index
      %get3A_443 = tpu.vector_load %arg7[%get3A_441, %get3A_442] {strides = array<i32>} : memref<32x1024xf32, #tpu.memory_space<vmem>>, vector<16xf32>,
      %add3A_444 = arith.addf %get3A_435, %get3A_439 : vector<16xf32>
      %add3A_445 = arith.addf %add3A_444, %get3A_443 : vector<16xf32>
      %swap3A = arith.constant 7 : i32
      %swap3A_446 = arith.index_cast %swap3A : i32 to index
      %swap3A_447 = arith.index_cast %mul3A_432 : i32 to index
      %swap3A_448 = tpu.vector_load %arg8[%swap3A_446, %swap3A_447] {strides = array<i32>} : memref<16x1024xf32, #tpu.memory_space<vmem>>, vector<16xf32>,
      tpu.vector_store %arg8[%swap3A_446, %swap3A_447], %add3A_445 {strides = array<i32>} : memref<16x1024xf32, #tpu.memory_space<vmem>>, vector<16xf32>,
    }
    %scan3A_57 = arith.constant 64 : i32
    %scan3A_58 = arith.constant 0 : i32
    %scan3A_59 = arith.constant 0 : i32
    %scan3A_60 = arith.constant 64 : i32
    %scan3A_61 = arith.addi %scan3A_59, %scan3A_60 : i32
    %scan3A_62 = arith.constant 1 : i32
    scf.for %scan3A_430 = %scan3A_59 to %scan3A_61 step %scan3A_62  : i32 {
      %mul3A_431 = arith.constant 16 : i32
      %mul3A_432 = arith.muli %scan3A_430, %mul3A_431 : i32
      %get3A = arith.constant 8 : i32
      %get3A_433 = arith.index_cast %get3A : i32 to index
      %get3A_434 = arith.index_cast %mul3A_432 : i32 to index
      %get3A_435 = tpu.vector_load %arg8[%get3A_433, %get3A_434] {strides = array<i32>} : memref<16x1024xf32, #tpu.memory_space<vmem>>, vector<16xf32>,
      %get3A_436 = arith.constant 16 : i32
      %get3A_437 = arith.index_cast %get3A_436 : i32 to index
      %get3A_438 = arith.index_cast %mul3A_432 : i32 to index
      %get3A_439 = tpu.vector_load %arg7[%get3A_437, %get3A_438] {strides = array<i32>} : memref<32x1024xf32, #tpu.memory_space<vmem>>, vector<16xf32>,
      %get3A_440 = arith.constant 17 : i32
      %get3A_441 = arith.index_cast %get3A_440 : i32 to index
      %get3A_442 = arith.index_cast %mul3A_432 : i32 to index
      %get3A_443 = tpu.vector_load %arg7[%get3A_441, %get3A_442] {strides = array<i32>} : memref<32x1024xf32, #tpu.memory_space<vmem>>, vector<16xf32>,
      %add3A_444 = arith.addf %get3A_435, %get3A_439 : vector<16xf32>
      %add3A_445 = arith.addf %add3A_444, %get3A_443 : vector<16xf32>
      %swap3A = arith.constant 8 : i32
      %swap3A_446 = arith.index_cast %swap3A : i32 to index
      %swap3A_447 = arith.index_cast %mul3A_432 : i32 to index
      %swap3A_448 = tpu.vector_load %arg8[%swap3A_446, %swap3A_447] {strides = array<i32>} : memref<16x1024xf32, #tpu.memory_space<vmem>>, vector<16xf32>,
      tpu.vector_store %arg8[%swap3A_446, %swap3A_447], %add3A_445 {strides = array<i32>} : memref<16x1024xf32, #tpu.memory_space<vmem>>, vector<16xf32>,
    }
    %scan3A_63 = arith.constant 64 : i32
    %scan3A_64 = arith.constant 0 : i32
    %scan3A_65 = arith.constant 0 : i32
    %scan3A_66 = arith.constant 64 : i32
    %scan3A_67 = arith.addi %scan3A_65, %scan3A_66 : i32
    %scan3A_68 = arith.constant 1 : i32
    scf.for %scan3A_430 = %scan3A_65 to %scan3A_67 step %scan3A_68  : i32 {
      %mul3A_431 = arith.constant 16 : i32
      %mul3A_432 = arith.muli %scan3A_430, %mul3A_431 : i32
      %get3A = arith.constant 9 : i32
      %get3A_433 = arith.index_cast %get3A : i32 to index
      %get3A_434 = arith.index_cast %mul3A_432 : i32 to index
      %get3A_435 = tpu.vector_load %arg8[%get3A_433, %get3A_434] {strides = array<i32>} : memref<16x1024xf32, #tpu.memory_space<vmem>>, vector<16xf32>,
      %get3A_436 = arith.constant 18 : i32
      %get3A_437 = arith.index_cast %get3A_436 : i32 to index
      %get3A_438 = arith.index_cast %mul3A_432 : i32 to index
      %get3A_439 = tpu.vector_load %arg7[%get3A_437, %get3A_438] {strides = array<i32>} : memref<32x1024xf32, #tpu.memory_space<vmem>>, vector<16xf32>,
      %get3A_440 = arith.constant 19 : i32
      %get3A_441 = arith.index_cast %get3A_440 : i32 to index
      %get3A_442 = arith.index_cast %mul3A_432 : i32 to index
      %get3A_443 = tpu.vector_load %arg7[%get3A_441, %get3A_442] {strides = array<i32>} : memref<32x1024xf32, #tpu.memory_space<vmem>>, vector<16xf32>,
      %add3A_444 = arith.addf %get3A_435, %get3A_439 : vector<16xf32>
      %add3A_445 = arith.addf %add3A_444, %get3A_443 : vector<16xf32>
      %swap3A = arith.constant 9 : i32
      %swap3A_446 = arith.index_cast %swap3A : i32 to index
      %swap3A_447 = arith.index_cast %mul3A_432 : i32 to index
      %swap3A_448 = tpu.vector_load %arg8[%swap3A_446, %swap3A_447] {strides = array<i32>} : memref<16x1024xf32, #tpu.memory_space<vmem>>, vector<16xf32>,
      tpu.vector_store %arg8[%swap3A_446, %swap3A_447], %add3A_445 {strides = array<i32>} : memref<16x1024xf32, #tpu.memory_space<vmem>>, vector<16xf32>,
    }
    %scan3A_69 = arith.constant 64 : i32
    %scan3A_70 = arith.constant 0 : i32
    %scan3A_71 = arith.constant 0 : i32
    %scan3A_72 = arith.constant 64 : i32
    %scan3A_73 = arith.addi %scan3A_71, %scan3A_72 : i32
    %scan3A_74 = arith.constant 1 : i32
    scf.for %scan3A_430 = %scan3A_71 to %scan3A_73 step %scan3A_74  : i32 {
      %mul3A_431 = arith.constant 16 : i32
      %mul3A_432 = arith.muli %scan3A_430, %mul3A_431 : i32
      %get3A = arith.constant 10 : i32
      %get3A_433 = arith.index_cast %get3A : i32 to index
      %get3A_434 = arith.index_cast %mul3A_432 : i32 to index
      %get3A_435 = tpu.vector_load %arg8[%get3A_433, %get3A_434] {strides = array<i32>} : memref<16x1024xf32, #tpu.memory_space<vmem>>, vector<16xf32>,
      %get3A_436 = arith.constant 20 : i32
      %get3A_437 = arith.index_cast %get3A_436 : i32 to index
      %get3A_438 = arith.index_cast %mul3A_432 : i32 to index
      %get3A_439 = tpu.vector_load %arg7[%get3A_437, %get3A_438] {strides = array<i32>} : memref<32x1024xf32, #tpu.memory_space<vmem>>, vector<16xf32>,
      %get3A_440 = arith.constant 21 : i32
      %get3A_441 = arith.index_cast %get3A_440 : i32 to index
      %get3A_442 = arith.index_cast %mul3A_432 : i32 to index
      %get3A_443 = tpu.vector_load %arg7[%get3A_441, %get3A_442] {strides = array<i32>} : memref<32x1024xf32, #tpu.memory_space<vmem>>, vector<16xf32>,
      %add3A_444 = arith.addf %get3A_435, %get3A_439 : vector<16xf32>
      %add3A_445 = arith.addf %add3A_444, %get3A_443 : vector<16xf32>
      %swap3A = arith.constant 10 : i32
      %swap3A_446 = arith.index_cast %swap3A : i32 to index
      %swap3A_447 = arith.index_cast %mul3A_432 : i32 to index
      %swap3A_448 = tpu.vector_load %arg8[%swap3A_446, %swap3A_447] {strides = array<i32>} : memref<16x1024xf32, #tpu.memory_space<vmem>>, vector<16xf32>,
      tpu.vector_store %arg8[%swap3A_446, %swap3A_447], %add3A_445 {strides = array<i32>} : memref<16x1024xf32, #tpu.memory_space<vmem>>, vector<16xf32>,
    }
    %scan3A_75 = arith.constant 64 : i32
    %scan3A_76 = arith.constant 0 : i32
    %scan3A_77 = arith.constant 0 : i32
    %scan3A_78 = arith.constant 64 : i32
    %scan3A_79 = arith.addi %scan3A_77, %scan3A_78 : i32
    %scan3A_80 = arith.constant 1 : i32
    scf.for %scan3A_430 = %scan3A_77 to %scan3A_79 step %scan3A_80  : i32 {
      %mul3A_431 = arith.constant 16 : i32
      %mul3A_432 = arith.muli %scan3A_430, %mul3A_431 : i32
      %get3A = arith.constant 11 : i32
      %get3A_433 = arith.index_cast %get3A : i32 to index
      %get3A_434 = arith.index_cast %mul3A_432 : i32 to index
      %get3A_435 = tpu.vector_load %arg8[%get3A_433, %get3A_434] {strides = array<i32>} : memref<16x1024xf32, #tpu.memory_space<vmem>>, vector<16xf32>,
      %get3A_436 = arith.constant 22 : i32
      %get3A_437 = arith.index_cast %get3A_436 : i32 to index
      %get3A_438 = arith.index_cast %mul3A_432 : i32 to index
      %get3A_439 = tpu.vector_load %arg7[%get3A_437, %get3A_438] {strides = array<i32>} : memref<32x1024xf32, #tpu.memory_space<vmem>>, vector<16xf32>,
      %get3A_440 = arith.constant 23 : i32
      %get3A_441 = arith.index_cast %get3A_440 : i32 to index
      %get3A_442 = arith.index_cast %mul3A_432 : i32 to index
      %get3A_443 = tpu.vector_load %arg7[%get3A_441, %get3A_442] {strides = array<i32>} : memref<32x1024xf32, #tpu.memory_space<vmem>>, vector<16xf32>,
      %add3A_444 = arith.addf %get3A_435, %get3A_439 : vector<16xf32>
      %add3A_445 = arith.addf %add3A_444, %get3A_443 : vector<16xf32>
      %swap3A = arith.constant 11 : i32
      %swap3A_446 = arith.index_cast %swap3A : i32 to index
      %swap3A_447 = arith.index_cast %mul3A_432 : i32 to index
      %swap3A_448 = tpu.vector_load %arg8[%swap3A_446, %swap3A_447] {strides = array<i32>} : memref<16x1024xf32, #tpu.memory_space<vmem>>, vector<16xf32>,
      tpu.vector_store %arg8[%swap3A_446, %swap3A_447], %add3A_445 {strides = array<i32>} : memref<16x1024xf32, #tpu.memory_space<vmem>>, vector<16xf32>,
    }
    %scan3A_81 = arith.constant 64 : i32
    %scan3A_82 = arith.constant 0 : i32
    %scan3A_83 = arith.constant 0 : i32
    %scan3A_84 = arith.constant 64 : i32
    %scan3A_85 = arith.addi %scan3A_83, %scan3A_84 : i32
    %scan3A_86 = arith.constant 1 : i32
    scf.for %scan3A_430 = %scan3A_83 to %scan3A_85 step %scan3A_86  : i32 {
      %mul3A_431 = arith.constant 16 : i32
      %mul3A_432 = arith.muli %scan3A_430, %mul3A_431 : i32
      %get3A = arith.constant 12 : i32
      %get3A_433 = arith.index_cast %get3A : i32 to index
      %get3A_434 = arith.index_cast %mul3A_432 : i32 to index
      %get3A_435 = tpu.vector_load %arg8[%get3A_433, %get3A_434] {strides = array<i32>} : memref<16x1024xf32, #tpu.memory_space<vmem>>, vector<16xf32>,
      %get3A_436 = arith.constant 24 : i32
      %get3A_437 = arith.index_cast %get3A_436 : i32 to index
      %get3A_438 = arith.index_cast %mul3A_432 : i32 to index
      %get3A_439 = tpu.vector_load %arg7[%get3A_437, %get3A_438] {strides = array<i32>} : memref<32x1024xf32, #tpu.memory_space<vmem>>, vector<16xf32>,
      %get3A_440 = arith.constant 25 : i32
      %get3A_441 = arith.index_cast %get3A_440 : i32 to index
      %get3A_442 = arith.index_cast %mul3A_432 : i32 to index
      %get3A_443 = tpu.vector_load %arg7[%get3A_441, %get3A_442] {strides = array<i32>} : memref<32x1024xf32, #tpu.memory_space<vmem>>, vector<16xf32>,
      %add3A_444 = arith.addf %get3A_435, %get3A_439 : vector<16xf32>
      %add3A_445 = arith.addf %add3A_444, %get3A_443 : vector<16xf32>
      %swap3A = arith.constant 12 : i32
      %swap3A_446 = arith.index_cast %swap3A : i32 to index
      %swap3A_447 = arith.index_cast %mul3A_432 : i32 to index
      %swap3A_448 = tpu.vector_load %arg8[%swap3A_446, %swap3A_447] {strides = array<i32>} : memref<16x1024xf32, #tpu.memory_space<vmem>>, vector<16xf32>,
      tpu.vector_store %arg8[%swap3A_446, %swap3A_447], %add3A_445 {strides = array<i32>} : memref<16x1024xf32, #tpu.memory_space<vmem>>, vector<16xf32>,
    }
    %scan3A_87 = arith.constant 64 : i32
    %scan3A_88 = arith.constant 0 : i32
    %scan3A_89 = arith.constant 0 : i32
    %scan3A_90 = arith.constant 64 : i32
    %scan3A_91 = arith.addi %scan3A_89, %scan3A_90 : i32
    %scan3A_92 = arith.constant 1 : i32
    scf.for %scan3A_430 = %scan3A_89 to %scan3A_91 step %scan3A_92  : i32 {
      %mul3A_431 = arith.constant 16 : i32
      %mul3A_432 = arith.muli %scan3A_430, %mul3A_431 : i32
      %get3A = arith.constant 13 : i32
      %get3A_433 = arith.index_cast %get3A : i32 to index
      %get3A_434 = arith.index_cast %mul3A_432 : i32 to index
      %get3A_435 = tpu.vector_load %arg8[%get3A_433, %get3A_434] {strides = array<i32>} : memref<16x1024xf32, #tpu.memory_space<vmem>>, vector<16xf32>,
      %get3A_436 = arith.constant 26 : i32
      %get3A_437 = arith.index_cast %get3A_436 : i32 to index
      %get3A_438 = arith.index_cast %mul3A_432 : i32 to index
      %get3A_439 = tpu.vector_load %arg7[%get3A_437, %get3A_438] {strides = array<i32>} : memref<32x1024xf32, #tpu.memory_space<vmem>>, vector<16xf32>,
      %get3A_440 = arith.constant 27 : i32
      %get3A_441 = arith.index_cast %get3A_440 : i32 to index
      %get3A_442 = arith.index_cast %mul3A_432 : i32 to index
      %get3A_443 = tpu.vector_load %arg7[%get3A_441, %get3A_442] {strides = array<i32>} : memref<32x1024xf32, #tpu.memory_space<vmem>>, vector<16xf32>,
      %add3A_444 = arith.addf %get3A_435, %get3A_439 : vector<16xf32>
      %add3A_445 = arith.addf %add3A_444, %get3A_443 : vector<16xf32>
      %swap3A = arith.constant 13 : i32
      %swap3A_446 = arith.index_cast %swap3A : i32 to index
      %swap3A_447 = arith.index_cast %mul3A_432 : i32 to index
      %swap3A_448 = tpu.vector_load %arg8[%swap3A_446, %swap3A_447] {strides = array<i32>} : memref<16x1024xf32, #tpu.memory_space<vmem>>, vector<16xf32>,
      tpu.vector_store %arg8[%swap3A_446, %swap3A_447], %add3A_445 {strides = array<i32>} : memref<16x1024xf32, #tpu.memory_space<vmem>>, vector<16xf32>,
    }
    %scan3A_93 = arith.constant 64 : i32
    %scan3A_94 = arith.constant 0 : i32
    %scan3A_95 = arith.constant 0 : i32
    %scan3A_96 = arith.constant 64 : i32
    %scan3A_97 = arith.addi %scan3A_95, %scan3A_96 : i32
    %scan3A_98 = arith.constant 1 : i32
    scf.for %scan3A_430 = %scan3A_95 to %scan3A_97 step %scan3A_98  : i32 {
      %mul3A_431 = arith.constant 16 : i32
      %mul3A_432 = arith.muli %scan3A_430, %mul3A_431 : i32
      %get3A = arith.constant 14 : i32
      %get3A_433 = arith.index_cast %get3A : i32 to index
      %get3A_434 = arith.index_cast %mul3A_432 : i32 to index
      %get3A_435 = tpu.vector_load %arg8[%get3A_433, %get3A_434] {strides = array<i32>} : memref<16x1024xf32, #tpu.memory_space<vmem>>, vector<16xf32>,
      %get3A_436 = arith.constant 28 : i32
      %get3A_437 = arith.index_cast %get3A_436 : i32 to index
      %get3A_438 = arith.index_cast %mul3A_432 : i32 to index
      %get3A_439 = tpu.vector_load %arg7[%get3A_437, %get3A_438] {strides = array<i32>} : memref<32x1024xf32, #tpu.memory_space<vmem>>, vector<16xf32>,
      %get3A_440 = arith.constant 29 : i32
      %get3A_441 = arith.index_cast %get3A_440 : i32 to index
      %get3A_442 = arith.index_cast %mul3A_432 : i32 to index
      %get3A_443 = tpu.vector_load %arg7[%get3A_441, %get3A_442] {strides = array<i32>} : memref<32x1024xf32, #tpu.memory_space<vmem>>, vector<16xf32>,
      %add3A_444 = arith.addf %get3A_435, %get3A_439 : vector<16xf32>
      %add3A_445 = arith.addf %add3A_444, %get3A_443 : vector<16xf32>
      %swap3A = arith.constant 14 : i32
      %swap3A_446 = arith.index_cast %swap3A : i32 to index
      %swap3A_447 = arith.index_cast %mul3A_432 : i32 to index
      %swap3A_448 = tpu.vector_load %arg8[%swap3A_446, %swap3A_447] {strides = array<i32>} : memref<16x1024xf32, #tpu.memory_space<vmem>>, vector<16xf32>,
      tpu.vector_store %arg8[%swap3A_446, %swap3A_447], %add3A_445 {strides = array<i32>} : memref<16x1024xf32, #tpu.memory_space<vmem>>, vector<16xf32>,
    }
    %scan3A_99 = arith.constant 64 : i32
    %scan3A_100 = arith.constant 0 : i32
    %scan3A_101 = arith.constant 0 : i32
    %scan3A_102 = arith.constant 64 : i32
    %scan3A_103 = arith.addi %scan3A_101, %scan3A_102 : i32
    %scan3A_104 = arith.constant 1 : i32
    scf.for %scan3A_430 = %scan3A_101 to %scan3A_103 step %scan3A_104  : i32 {
      %mul3A_431 = arith.constant 16 : i32
      %mul3A_432 = arith.muli %scan3A_430, %mul3A_431 : i32
      %get3A = arith.constant 15 : i32
      %get3A_433 = arith.index_cast %get3A : i32 to index
      %get3A_434 = arith.index_cast %mul3A_432 : i32 to index
      %get3A_435 = tpu.vector_load %arg8[%get3A_433, %get3A_434] {strides = array<i32>} : memref<16x1024xf32, #tpu.memory_space<vmem>>, vector<16xf32>,
      %get3A_436 = arith.constant 30 : i32
      %get3A_437 = arith.index_cast %get3A_436 : i32 to index
      %get3A_438 = arith.index_cast %mul3A_432 : i32 to index
      %get3A_439 = tpu.vector_load %arg7[%get3A_437, %get3A_438] {strides = array<i32>} : memref<32x1024xf32, #tpu.memory_space<vmem>>, vector<16xf32>,
      %get3A_440 = arith.constant 31 : i32
      %get3A_441 = arith.index_cast %get3A_440 : i32 to index
      %get3A_442 = arith.index_cast %mul3A_432 : i32 to index
      %get3A_443 = tpu.vector_load %arg7[%get3A_441, %get3A_442] {strides = array<i32>} : memref<32x1024xf32, #tpu.memory_space<vmem>>, vector<16xf32>,
      %add3A_444 = arith.addf %get3A_435, %get3A_439 : vector<16xf32>
      %add3A_445 = arith.addf %add3A_444, %get3A_443 : vector<16xf32>
      %swap3A = arith.constant 15 : i32
      %swap3A_446 = arith.index_cast %swap3A : i32 to index
      %swap3A_447 = arith.index_cast %mul3A_432 : i32 to index
      %swap3A_448 = tpu.vector_load %arg8[%swap3A_446, %swap3A_447] {strides = array<i32>} : memref<16x1024xf32, #tpu.memory_space<vmem>>, vector<16xf32>,
      tpu.vector_store %arg8[%swap3A_446, %swap3A_447], %add3A_445 {strides = array<i32>} : memref<16x1024xf32, #tpu.memory_space<vmem>>, vector<16xf32>,
    }
    %scan3A_105 = arith.constant 64 : i32
    "tpu.region"() ({
      %run_scoped3A = tpu.sem_alloc : memref<!tpu.dma_semaphore, #tpu.memory_space<semaphore_mem>>
      %dma_start3A_430 = arith.constant 0 : i32
      %dma_start3A_431 = tpu.memref_slice %arg5[%add3A_4, %dma_start3A_430] : memref<2048x1024xf32, #tpu.memory_space<hbm>> -> memref<16x1024xf32, #tpu.memory_space<hbm>>
      %dma_start3A_432 = arith.constant 0 : i32
      %dma_start3A_433 = tpu.memref_slice %arg5[%add3A_4, %dma_start3A_432] : memref<2048x1024xf32, #tpu.memory_space<hbm>> -> memref<16x1024xf32, #tpu.memory_space<hbm>>
      tpu.enqueue_dma source(%arg8 : memref<16x1024xf32, #tpu.memory_space<vmem>>) target(%dma_start3A_433 : memref<16x1024xf32, #tpu.memory_space<hbm>>) target_semaphore(%run_scoped3A : memref<!tpu.dma_semaphore, #tpu.memory_space<semaphore_mem>>)
      %dma_wait3A_434 = arith.constant 0 : i32
      %dma_wait3A_435 = tpu.memref_slice %arg5[%add3A_4, %dma_wait3A_434] : memref<2048x1024xf32, #tpu.memory_space<hbm>> -> memref<16x1024xf32, #tpu.memory_space<hbm>>
      %dma_wait3A_436 = arith.constant 0 : i32
      %dma_wait3A_437 = tpu.memref_slice %arg5[%add3A_4, %dma_wait3A_436] : memref<2048x1024xf32, #tpu.memory_space<hbm>> -> memref<16x1024xf32, #tpu.memory_space<hbm>>
      tpu.wait_dma2 semaphore(%run_scoped3A : memref<!tpu.dma_semaphore, #tpu.memory_space<semaphore_mem>>) src(%arg8 : memref<16x1024xf32, #tpu.memory_space<vmem>>) dst(%dma_wait3A_437 : memref<16x1024xf32, #tpu.memory_space<hbm>>)
      tpu.yield
    }) : () -> ()
    %mul3A_106 = arith.constant 64 : i32
    %mul3A_107 = arith.muli %add3A, %mul3A_106 : i32
    %add3A_108 = arith.constant 16 : i32
    %add3A_109 = arith.addi %mul3A_107, %add3A_108 : i32
    %mul3A_110 = arith.constant 2 : i32
    %mul3A_111 = arith.muli %mul3A_110, %add3A_109 : i32
    "tpu.region"() ({
      %run_scoped3A = tpu.sem_alloc : memref<!tpu.dma_semaphore, #tpu.memory_space<semaphore_mem>>
      %dma_start3A_430 = tpu.memref_slice %arg4[%mul3A_111] : memref<4096xi32, #tpu.memory_space<hbm>> -> memref<32xi32, #tpu.memory_space<hbm>>
      %dma_start3A_431 = tpu.memref_slice %arg4[%mul3A_111] : memref<4096xi32, #tpu.memory_space<hbm>> -> memref<32xi32, #tpu.memory_space<hbm>>
      tpu.enqueue_dma source(%dma_start3A_431 : memref<32xi32, #tpu.memory_space<hbm>>) target(%arg6 : memref<32xi32, #tpu.memory_space<vmem>>) target_semaphore(%run_scoped3A : memref<!tpu.dma_semaphore, #tpu.memory_space<semaphore_mem>>)
      %dma_wait3A_432 = tpu.memref_slice %arg4[%mul3A_111] : memref<4096xi32, #tpu.memory_space<hbm>> -> memref<32xi32, #tpu.memory_space<hbm>>
      %dma_wait3A_433 = tpu.memref_slice %arg4[%mul3A_111] : memref<4096xi32, #tpu.memory_space<hbm>> -> memref<32xi32, #tpu.memory_space<hbm>>
      tpu.wait_dma2 semaphore(%run_scoped3A : memref<!tpu.dma_semaphore, #tpu.memory_space<semaphore_mem>>) src(%dma_wait3A_433 : memref<32xi32, #tpu.memory_space<hbm>>) dst(%arg6 : memref<32xi32, #tpu.memory_space<vmem>>)
      tpu.yield
    }) : () -> ()
    %dma_start3A_112 = arith.constant 0 : i32
    %dma_start3A_113 = arith.constant 0 : i32
    %dma_start3A_114 = tpu.memref_slice %arg3[%dma_start3A_112, %dma_start3A_113] : memref<8192x1024xf32, #tpu.memory_space<hbm>> -> memref<8192x1024xf32, #tpu.memory_space<hbm>>
    tpu.enqueue_indirect_dma source(%dma_start3A_114 : memref<8192x1024xf32, #tpu.memory_space<hbm>>) target(%arg7 : memref<32x1024xf32, #tpu.memory_space<vmem>>) offsets(%arg6 : memref<32xi32, #tpu.memory_space<vmem>>) semaphore(%arg9 : memref<!tpu.dma_semaphore, #tpu.memory_space<semaphore_mem>>)
    %dma_wait3A_115 = arith.constant 0 : i32
    %dma_wait3A_116 = arith.constant 0 : i32
    %dma_wait3A_117 = tpu.memref_slice %arg3[%dma_wait3A_115, %dma_wait3A_116] : memref<8192x1024xf32, #tpu.memory_space<hbm>> -> memref<8192x1024xf32, #tpu.memory_space<hbm>>
    tpu.wait_indirect_dma semaphore(%arg9 : memref<!tpu.dma_semaphore, #tpu.memory_space<semaphore_mem>>) src(%dma_wait3A_117 : memref<8192x1024xf32, #tpu.memory_space<hbm>>) dst(%arg7 : memref<32x1024xf32, #tpu.memory_space<vmem>>)
    "tpu.region"() ({
      %run_scoped3A = tpu.sem_alloc : memref<!tpu.dma_semaphore, #tpu.memory_space<semaphore_mem>>
      %dma_start3A_430 = arith.constant 0 : i32
      %dma_start3A_431 = tpu.memref_slice %arg2[%add3A_109, %dma_start3A_430] : memref<2048x1024xf32, #tpu.memory_space<hbm>> -> memref<16x1024xf32, #tpu.memory_space<hbm>>
      %dma_start3A_432 = arith.constant 0 : i32
      %dma_start3A_433 = tpu.memref_slice %arg2[%add3A_109, %dma_start3A_432] : memref<2048x1024xf32, #tpu.memory_space<hbm>> -> memref<16x1024xf32, #tpu.memory_space<hbm>>
      tpu.enqueue_dma source(%dma_start3A_433 : memref<16x1024xf32, #tpu.memory_space<hbm>>) target(%arg8 : memref<16x1024xf32, #tpu.memory_space<vmem>>) target_semaphore(%run_scoped3A : memref<!tpu.dma_semaphore, #tpu.memory_space<semaphore_mem>>)
      %dma_wait3A_434 = arith.constant 0 : i32
      %dma_wait3A_435 = tpu.memref_slice %arg2[%add3A_109, %dma_wait3A_434] : memref<2048x1024xf32, #tpu.memory_space<hbm>> -> memref<16x1024xf32, #tpu.memory_space<hbm>>
      %dma_wait3A_436 = arith.constant 0 : i32
      %dma_wait3A_437 = tpu.memref_slice %arg2[%add3A_109, %dma_wait3A_436] : memref<2048x1024xf32, #tpu.memory_space<hbm>> -> memref<16x1024xf32, #tpu.memory_space<hbm>>
      tpu.wait_dma2 semaphore(%run_scoped3A : memref<!tpu.dma_semaphore, #tpu.memory_space<semaphore_mem>>) src(%dma_wait3A_437 : memref<16x1024xf32, #tpu.memory_space<hbm>>) dst(%arg8 : memref<16x1024xf32, #tpu.memory_space<vmem>>)
      tpu.yield
    }) : () -> ()
    %scan3A_118 = arith.constant 0 : i32
    %scan3A_119 = arith.constant 0 : i32
    %scan3A_120 = arith.constant 64 : i32
    %scan3A_121 = arith.addi %scan3A_119, %scan3A_120 : i32
    %scan3A_122 = arith.constant 1 : i32
    scf.for %scan3A_430 = %scan3A_119 to %scan3A_121 step %scan3A_122  : i32 {
      %mul3A_431 = arith.constant 16 : i32
      %mul3A_432 = arith.muli %scan3A_430, %mul3A_431 : i32
      %get3A = arith.constant 0 : i32
      %get3A_433 = arith.index_cast %get3A : i32 to index
      %get3A_434 = arith.index_cast %mul3A_432 : i32 to index
      %get3A_435 = tpu.vector_load %arg8[%get3A_433, %get3A_434] {strides = array<i32>} : memref<16x1024xf32, #tpu.memory_space<vmem>>, vector<16xf32>,
      %get3A_436 = arith.constant 0 : i32
      %get3A_437 = arith.index_cast %get3A_436 : i32 to index
      %get3A_438 = arith.index_cast %mul3A_432 : i32 to index
      %get3A_439 = tpu.vector_load %arg7[%get3A_437, %get3A_438] {strides = array<i32>} : memref<32x1024xf32, #tpu.memory_space<vmem>>, vector<16xf32>,
      %get3A_440 = arith.constant 1 : i32
      %get3A_441 = arith.index_cast %get3A_440 : i32 to index
      %get3A_442 = arith.index_cast %mul3A_432 : i32 to index
      %get3A_443 = tpu.vector_load %arg7[%get3A_441, %get3A_442] {strides = array<i32>} : memref<32x1024xf32, #tpu.memory_space<vmem>>, vector<16xf32>,
      %add3A_444 = arith.addf %get3A_435, %get3A_439 : vector<16xf32>
      %add3A_445 = arith.addf %add3A_444, %get3A_443 : vector<16xf32>
      %swap3A = arith.constant 0 : i32
      %swap3A_446 = arith.index_cast %swap3A : i32 to index
      %swap3A_447 = arith.index_cast %mul3A_432 : i32 to index
      %swap3A_448 = tpu.vector_load %arg8[%swap3A_446, %swap3A_447] {strides = array<i32>} : memref<16x1024xf32, #tpu.memory_space<vmem>>, vector<16xf32>,
      tpu.vector_store %arg8[%swap3A_446, %swap3A_447], %add3A_445 {strides = array<i32>} : memref<16x1024xf32, #tpu.memory_space<vmem>>, vector<16xf32>,
    }
    %scan3A_123 = arith.constant 64 : i32
    %scan3A_124 = arith.constant 0 : i32
    %scan3A_125 = arith.constant 0 : i32
    %scan3A_126 = arith.constant 64 : i32
    %scan3A_127 = arith.addi %scan3A_125, %scan3A_126 : i32
    %scan3A_128 = arith.constant 1 : i32
    scf.for %scan3A_430 = %scan3A_125 to %scan3A_127 step %scan3A_128  : i32 {
      %mul3A_431 = arith.constant 16 : i32
      %mul3A_432 = arith.muli %scan3A_430, %mul3A_431 : i32
      %get3A = arith.constant 1 : i32
      %get3A_433 = arith.index_cast %get3A : i32 to index
      %get3A_434 = arith.index_cast %mul3A_432 : i32 to index
      %get3A_435 = tpu.vector_load %arg8[%get3A_433, %get3A_434] {strides = array<i32>} : memref<16x1024xf32, #tpu.memory_space<vmem>>, vector<16xf32>,
      %get3A_436 = arith.constant 2 : i32
      %get3A_437 = arith.index_cast %get3A_436 : i32 to index
      %get3A_438 = arith.index_cast %mul3A_432 : i32 to index
      %get3A_439 = tpu.vector_load %arg7[%get3A_437, %get3A_438] {strides = array<i32>} : memref<32x1024xf32, #tpu.memory_space<vmem>>, vector<16xf32>,
      %get3A_440 = arith.constant 3 : i32
      %get3A_441 = arith.index_cast %get3A_440 : i32 to index
      %get3A_442 = arith.index_cast %mul3A_432 : i32 to index
      %get3A_443 = tpu.vector_load %arg7[%get3A_441, %get3A_442] {strides = array<i32>} : memref<32x1024xf32, #tpu.memory_space<vmem>>, vector<16xf32>,
      %add3A_444 = arith.addf %get3A_435, %get3A_439 : vector<16xf32>
      %add3A_445 = arith.addf %add3A_444, %get3A_443 : vector<16xf32>
      %swap3A = arith.constant 1 : i32
      %swap3A_446 = arith.index_cast %swap3A : i32 to index
      %swap3A_447 = arith.index_cast %mul3A_432 : i32 to index
      %swap3A_448 = tpu.vector_load %arg8[%swap3A_446, %swap3A_447] {strides = array<i32>} : memref<16x1024xf32, #tpu.memory_space<vmem>>, vector<16xf32>,
      tpu.vector_store %arg8[%swap3A_446, %swap3A_447], %add3A_445 {strides = array<i32>} : memref<16x1024xf32, #tpu.memory_space<vmem>>, vector<16xf32>,
    }
    %scan3A_129 = arith.constant 64 : i32
    %scan3A_130 = arith.constant 0 : i32
    %scan3A_131 = arith.constant 0 : i32
    %scan3A_132 = arith.constant 64 : i32
    %scan3A_133 = arith.addi %scan3A_131, %scan3A_132 : i32
    %scan3A_134 = arith.constant 1 : i32
    scf.for %scan3A_430 = %scan3A_131 to %scan3A_133 step %scan3A_134  : i32 {
      %mul3A_431 = arith.constant 16 : i32
      %mul3A_432 = arith.muli %scan3A_430, %mul3A_431 : i32
      %get3A = arith.constant 2 : i32
      %get3A_433 = arith.index_cast %get3A : i32 to index
      %get3A_434 = arith.index_cast %mul3A_432 : i32 to index
      %get3A_435 = tpu.vector_load %arg8[%get3A_433, %get3A_434] {strides = array<i32>} : memref<16x1024xf32, #tpu.memory_space<vmem>>, vector<16xf32>,
      %get3A_436 = arith.constant 4 : i32
      %get3A_437 = arith.index_cast %get3A_436 : i32 to index
      %get3A_438 = arith.index_cast %mul3A_432 : i32 to index
      %get3A_439 = tpu.vector_load %arg7[%get3A_437, %get3A_438] {strides = array<i32>} : memref<32x1024xf32, #tpu.memory_space<vmem>>, vector<16xf32>,
      %get3A_440 = arith.constant 5 : i32
      %get3A_441 = arith.index_cast %get3A_440 : i32 to index
      %get3A_442 = arith.index_cast %mul3A_432 : i32 to index
      %get3A_443 = tpu.vector_load %arg7[%get3A_441, %get3A_442] {strides = array<i32>} : memref<32x1024xf32, #tpu.memory_space<vmem>>, vector<16xf32>,
      %add3A_444 = arith.addf %get3A_435, %get3A_439 : vector<16xf32>
      %add3A_445 = arith.addf %add3A_444, %get3A_443 : vector<16xf32>
      %swap3A = arith.constant 2 : i32
      %swap3A_446 = arith.index_cast %swap3A : i32 to index
      %swap3A_447 = arith.index_cast %mul3A_432 : i32 to index
      %swap3A_448 = tpu.vector_load %arg8[%swap3A_446, %swap3A_447] {strides = array<i32>} : memref<16x1024xf32, #tpu.memory_space<vmem>>, vector<16xf32>,
      tpu.vector_store %arg8[%swap3A_446, %swap3A_447], %add3A_445 {strides = array<i32>} : memref<16x1024xf32, #tpu.memory_space<vmem>>, vector<16xf32>,
    }
    %scan3A_135 = arith.constant 64 : i32
    %scan3A_136 = arith.constant 0 : i32
    %scan3A_137 = arith.constant 0 : i32
    %scan3A_138 = arith.constant 64 : i32
    %scan3A_139 = arith.addi %scan3A_137, %scan3A_138 : i32
    %scan3A_140 = arith.constant 1 : i32
    scf.for %scan3A_430 = %scan3A_137 to %scan3A_139 step %scan3A_140  : i32 {
      %mul3A_431 = arith.constant 16 : i32
      %mul3A_432 = arith.muli %scan3A_430, %mul3A_431 : i32
      %get3A = arith.constant 3 : i32
      %get3A_433 = arith.index_cast %get3A : i32 to index
      %get3A_434 = arith.index_cast %mul3A_432 : i32 to index
      %get3A_435 = tpu.vector_load %arg8[%get3A_433, %get3A_434] {strides = array<i32>} : memref<16x1024xf32, #tpu.memory_space<vmem>>, vector<16xf32>,
      %get3A_436 = arith.constant 6 : i32
      %get3A_437 = arith.index_cast %get3A_436 : i32 to index
      %get3A_438 = arith.index_cast %mul3A_432 : i32 to index
      %get3A_439 = tpu.vector_load %arg7[%get3A_437, %get3A_438] {strides = array<i32>} : memref<32x1024xf32, #tpu.memory_space<vmem>>, vector<16xf32>,
      %get3A_440 = arith.constant 7 : i32
      %get3A_441 = arith.index_cast %get3A_440 : i32 to index
      %get3A_442 = arith.index_cast %mul3A_432 : i32 to index
      %get3A_443 = tpu.vector_load %arg7[%get3A_441, %get3A_442] {strides = array<i32>} : memref<32x1024xf32, #tpu.memory_space<vmem>>, vector<16xf32>,
      %add3A_444 = arith.addf %get3A_435, %get3A_439 : vector<16xf32>
      %add3A_445 = arith.addf %add3A_444, %get3A_443 : vector<16xf32>
      %swap3A = arith.constant 3 : i32
      %swap3A_446 = arith.index_cast %swap3A : i32 to index
      %swap3A_447 = arith.index_cast %mul3A_432 : i32 to index
      %swap3A_448 = tpu.vector_load %arg8[%swap3A_446, %swap3A_447] {strides = array<i32>} : memref<16x1024xf32, #tpu.memory_space<vmem>>, vector<16xf32>,
      tpu.vector_store %arg8[%swap3A_446, %swap3A_447], %add3A_445 {strides = array<i32>} : memref<16x1024xf32, #tpu.memory_space<vmem>>, vector<16xf32>,
    }
    %scan3A_141 = arith.constant 64 : i32
    %scan3A_142 = arith.constant 0 : i32
    %scan3A_143 = arith.constant 0 : i32
    %scan3A_144 = arith.constant 64 : i32
    %scan3A_145 = arith.addi %scan3A_143, %scan3A_144 : i32
    %scan3A_146 = arith.constant 1 : i32
    scf.for %scan3A_430 = %scan3A_143 to %scan3A_145 step %scan3A_146  : i32 {
      %mul3A_431 = arith.constant 16 : i32
      %mul3A_432 = arith.muli %scan3A_430, %mul3A_431 : i32
      %get3A = arith.constant 4 : i32
      %get3A_433 = arith.index_cast %get3A : i32 to index
      %get3A_434 = arith.index_cast %mul3A_432 : i32 to index
      %get3A_435 = tpu.vector_load %arg8[%get3A_433, %get3A_434] {strides = array<i32>} : memref<16x1024xf32, #tpu.memory_space<vmem>>, vector<16xf32>,
      %get3A_436 = arith.constant 8 : i32
      %get3A_437 = arith.index_cast %get3A_436 : i32 to index
      %get3A_438 = arith.index_cast %mul3A_432 : i32 to index
      %get3A_439 = tpu.vector_load %arg7[%get3A_437, %get3A_438] {strides = array<i32>} : memref<32x1024xf32, #tpu.memory_space<vmem>>, vector<16xf32>,
      %get3A_440 = arith.constant 9 : i32
      %get3A_441 = arith.index_cast %get3A_440 : i32 to index
      %get3A_442 = arith.index_cast %mul3A_432 : i32 to index
      %get3A_443 = tpu.vector_load %arg7[%get3A_441, %get3A_442] {strides = array<i32>} : memref<32x1024xf32, #tpu.memory_space<vmem>>, vector<16xf32>,
      %add3A_444 = arith.addf %get3A_435, %get3A_439 : vector<16xf32>
      %add3A_445 = arith.addf %add3A_444, %get3A_443 : vector<16xf32>
      %swap3A = arith.constant 4 : i32
      %swap3A_446 = arith.index_cast %swap3A : i32 to index
      %swap3A_447 = arith.index_cast %mul3A_432 : i32 to index
      %swap3A_448 = tpu.vector_load %arg8[%swap3A_446, %swap3A_447] {strides = array<i32>} : memref<16x1024xf32, #tpu.memory_space<vmem>>, vector<16xf32>,
      tpu.vector_store %arg8[%swap3A_446, %swap3A_447], %add3A_445 {strides = array<i32>} : memref<16x1024xf32, #tpu.memory_space<vmem>>, vector<16xf32>,
    }
    %scan3A_147 = arith.constant 64 : i32
    %scan3A_148 = arith.constant 0 : i32
    %scan3A_149 = arith.constant 0 : i32
    %scan3A_150 = arith.constant 64 : i32
    %scan3A_151 = arith.addi %scan3A_149, %scan3A_150 : i32
    %scan3A_152 = arith.constant 1 : i32
    scf.for %scan3A_430 = %scan3A_149 to %scan3A_151 step %scan3A_152  : i32 {
      %mul3A_431 = arith.constant 16 : i32
      %mul3A_432 = arith.muli %scan3A_430, %mul3A_431 : i32
      %get3A = arith.constant 5 : i32
      %get3A_433 = arith.index_cast %get3A : i32 to index
      %get3A_434 = arith.index_cast %mul3A_432 : i32 to index
      %get3A_435 = tpu.vector_load %arg8[%get3A_433, %get3A_434] {strides = array<i32>} : memref<16x1024xf32, #tpu.memory_space<vmem>>, vector<16xf32>,
      %get3A_436 = arith.constant 10 : i32
      %get3A_437 = arith.index_cast %get3A_436 : i32 to index
      %get3A_438 = arith.index_cast %mul3A_432 : i32 to index
      %get3A_439 = tpu.vector_load %arg7[%get3A_437, %get3A_438] {strides = array<i32>} : memref<32x1024xf32, #tpu.memory_space<vmem>>, vector<16xf32>,
      %get3A_440 = arith.constant 11 : i32
      %get3A_441 = arith.index_cast %get3A_440 : i32 to index
      %get3A_442 = arith.index_cast %mul3A_432 : i32 to index
      %get3A_443 = tpu.vector_load %arg7[%get3A_441, %get3A_442] {strides = array<i32>} : memref<32x1024xf32, #tpu.memory_space<vmem>>, vector<16xf32>,
      %add3A_444 = arith.addf %get3A_435, %get3A_439 : vector<16xf32>
      %add3A_445 = arith.addf %add3A_444, %get3A_443 : vector<16xf32>
      %swap3A = arith.constant 5 : i32
      %swap3A_446 = arith.index_cast %swap3A : i32 to index
      %swap3A_447 = arith.index_cast %mul3A_432 : i32 to index
      %swap3A_448 = tpu.vector_load %arg8[%swap3A_446, %swap3A_447] {strides = array<i32>} : memref<16x1024xf32, #tpu.memory_space<vmem>>, vector<16xf32>,
      tpu.vector_store %arg8[%swap3A_446, %swap3A_447], %add3A_445 {strides = array<i32>} : memref<16x1024xf32, #tpu.memory_space<vmem>>, vector<16xf32>,
    }
    %scan3A_153 = arith.constant 64 : i32
    %scan3A_154 = arith.constant 0 : i32
    %scan3A_155 = arith.constant 0 : i32
    %scan3A_156 = arith.constant 64 : i32
    %scan3A_157 = arith.addi %scan3A_155, %scan3A_156 : i32
    %scan3A_158 = arith.constant 1 : i32
    scf.for %scan3A_430 = %scan3A_155 to %scan3A_157 step %scan3A_158  : i32 {
      %mul3A_431 = arith.constant 16 : i32
      %mul3A_432 = arith.muli %scan3A_430, %mul3A_431 : i32
      %get3A = arith.constant 6 : i32
      %get3A_433 = arith.index_cast %get3A : i32 to index
      %get3A_434 = arith.index_cast %mul3A_432 : i32 to index
      %get3A_435 = tpu.vector_load %arg8[%get3A_433, %get3A_434] {strides = array<i32>} : memref<16x1024xf32, #tpu.memory_space<vmem>>, vector<16xf32>,
      %get3A_436 = arith.constant 12 : i32
      %get3A_437 = arith.index_cast %get3A_436 : i32 to index
      %get3A_438 = arith.index_cast %mul3A_432 : i32 to index
      %get3A_439 = tpu.vector_load %arg7[%get3A_437, %get3A_438] {strides = array<i32>} : memref<32x1024xf32, #tpu.memory_space<vmem>>, vector<16xf32>,
      %get3A_440 = arith.constant 13 : i32
      %get3A_441 = arith.index_cast %get3A_440 : i32 to index
      %get3A_442 = arith.index_cast %mul3A_432 : i32 to index
      %get3A_443 = tpu.vector_load %arg7[%get3A_441, %get3A_442] {strides = array<i32>} : memref<32x1024xf32, #tpu.memory_space<vmem>>, vector<16xf32>,
      %add3A_444 = arith.addf %get3A_435, %get3A_439 : vector<16xf32>
      %add3A_445 = arith.addf %add3A_444, %get3A_443 : vector<16xf32>
      %swap3A = arith.constant 6 : i32
      %swap3A_446 = arith.index_cast %swap3A : i32 to index
      %swap3A_447 = arith.index_cast %mul3A_432 : i32 to index
      %swap3A_448 = tpu.vector_load %arg8[%swap3A_446, %swap3A_447] {strides = array<i32>} : memref<16x1024xf32, #tpu.memory_space<vmem>>, vector<16xf32>,
      tpu.vector_store %arg8[%swap3A_446, %swap3A_447], %add3A_445 {strides = array<i32>} : memref<16x1024xf32, #tpu.memory_space<vmem>>, vector<16xf32>,
    }
    %scan3A_159 = arith.constant 64 : i32
    %scan3A_160 = arith.constant 0 : i32
    %scan3A_161 = arith.constant 0 : i32
    %scan3A_162 = arith.constant 64 : i32
    %scan3A_163 = arith.addi %scan3A_161, %scan3A_162 : i32
    %scan3A_164 = arith.constant 1 : i32
    scf.for %scan3A_430 = %scan3A_161 to %scan3A_163 step %scan3A_164  : i32 {
      %mul3A_431 = arith.constant 16 : i32
      %mul3A_432 = arith.muli %scan3A_430, %mul3A_431 : i32
      %get3A = arith.constant 7 : i32
      %get3A_433 = arith.index_cast %get3A : i32 to index
      %get3A_434 = arith.index_cast %mul3A_432 : i32 to index
      %get3A_435 = tpu.vector_load %arg8[%get3A_433, %get3A_434] {strides = array<i32>} : memref<16x1024xf32, #tpu.memory_space<vmem>>, vector<16xf32>,
      %get3A_436 = arith.constant 14 : i32
      %get3A_437 = arith.index_cast %get3A_436 : i32 to index
      %get3A_438 = arith.index_cast %mul3A_432 : i32 to index
      %get3A_439 = tpu.vector_load %arg7[%get3A_437, %get3A_438] {strides = array<i32>} : memref<32x1024xf32, #tpu.memory_space<vmem>>, vector<16xf32>,
      %get3A_440 = arith.constant 15 : i32
      %get3A_441 = arith.index_cast %get3A_440 : i32 to index
      %get3A_442 = arith.index_cast %mul3A_432 : i32 to index
      %get3A_443 = tpu.vector_load %arg7[%get3A_441, %get3A_442] {strides = array<i32>} : memref<32x1024xf32, #tpu.memory_space<vmem>>, vector<16xf32>,
      %add3A_444 = arith.addf %get3A_435, %get3A_439 : vector<16xf32>
      %add3A_445 = arith.addf %add3A_444, %get3A_443 : vector<16xf32>
      %swap3A = arith.constant 7 : i32
      %swap3A_446 = arith.index_cast %swap3A : i32 to index
      %swap3A_447 = arith.index_cast %mul3A_432 : i32 to index
      %swap3A_448 = tpu.vector_load %arg8[%swap3A_446, %swap3A_447] {strides = array<i32>} : memref<16x1024xf32, #tpu.memory_space<vmem>>, vector<16xf32>,
      tpu.vector_store %arg8[%swap3A_446, %swap3A_447], %add3A_445 {strides = array<i32>} : memref<16x1024xf32, #tpu.memory_space<vmem>>, vector<16xf32>,
    }
    %scan3A_165 = arith.constant 64 : i32
    %scan3A_166 = arith.constant 0 : i32
    %scan3A_167 = arith.constant 0 : i32
    %scan3A_168 = arith.constant 64 : i32
    %scan3A_169 = arith.addi %scan3A_167, %scan3A_168 : i32
    %scan3A_170 = arith.constant 1 : i32
    scf.for %scan3A_430 = %scan3A_167 to %scan3A_169 step %scan3A_170  : i32 {
      %mul3A_431 = arith.constant 16 : i32
      %mul3A_432 = arith.muli %scan3A_430, %mul3A_431 : i32
      %get3A = arith.constant 8 : i32
      %get3A_433 = arith.index_cast %get3A : i32 to index
      %get3A_434 = arith.index_cast %mul3A_432 : i32 to index
      %get3A_435 = tpu.vector_load %arg8[%get3A_433, %get3A_434] {strides = array<i32>} : memref<16x1024xf32, #tpu.memory_space<vmem>>, vector<16xf32>,
      %get3A_436 = arith.constant 16 : i32
      %get3A_437 = arith.index_cast %get3A_436 : i32 to index
      %get3A_438 = arith.index_cast %mul3A_432 : i32 to index
      %get3A_439 = tpu.vector_load %arg7[%get3A_437, %get3A_438] {strides = array<i32>} : memref<32x1024xf32, #tpu.memory_space<vmem>>, vector<16xf32>,
      %get3A_440 = arith.constant 17 : i32
      %get3A_441 = arith.index_cast %get3A_440 : i32 to index
      %get3A_442 = arith.index_cast %mul3A_432 : i32 to index
      %get3A_443 = tpu.vector_load %arg7[%get3A_441, %get3A_442] {strides = array<i32>} : memref<32x1024xf32, #tpu.memory_space<vmem>>, vector<16xf32>,
      %add3A_444 = arith.addf %get3A_435, %get3A_439 : vector<16xf32>
      %add3A_445 = arith.addf %add3A_444, %get3A_443 : vector<16xf32>
      %swap3A = arith.constant 8 : i32
      %swap3A_446 = arith.index_cast %swap3A : i32 to index
      %swap3A_447 = arith.index_cast %mul3A_432 : i32 to index
      %swap3A_448 = tpu.vector_load %arg8[%swap3A_446, %swap3A_447] {strides = array<i32>} : memref<16x1024xf32, #tpu.memory_space<vmem>>, vector<16xf32>,
      tpu.vector_store %arg8[%swap3A_446, %swap3A_447], %add3A_445 {strides = array<i32>} : memref<16x1024xf32, #tpu.memory_space<vmem>>, vector<16xf32>,
    }
    %scan3A_171 = arith.constant 64 : i32
    %scan3A_172 = arith.constant 0 : i32
    %scan3A_173 = arith.constant 0 : i32
    %scan3A_174 = arith.constant 64 : i32
    %scan3A_175 = arith.addi %scan3A_173, %scan3A_174 : i32
    %scan3A_176 = arith.constant 1 : i32
    scf.for %scan3A_430 = %scan3A_173 to %scan3A_175 step %scan3A_176  : i32 {
      %mul3A_431 = arith.constant 16 : i32
      %mul3A_432 = arith.muli %scan3A_430, %mul3A_431 : i32
      %get3A = arith.constant 9 : i32
      %get3A_433 = arith.index_cast %get3A : i32 to index
      %get3A_434 = arith.index_cast %mul3A_432 : i32 to index
      %get3A_435 = tpu.vector_load %arg8[%get3A_433, %get3A_434] {strides = array<i32>} : memref<16x1024xf32, #tpu.memory_space<vmem>>, vector<16xf32>,
      %get3A_436 = arith.constant 18 : i32
      %get3A_437 = arith.index_cast %get3A_436 : i32 to index
      %get3A_438 = arith.index_cast %mul3A_432 : i32 to index
      %get3A_439 = tpu.vector_load %arg7[%get3A_437, %get3A_438] {strides = array<i32>} : memref<32x1024xf32, #tpu.memory_space<vmem>>, vector<16xf32>,
      %get3A_440 = arith.constant 19 : i32
      %get3A_441 = arith.index_cast %get3A_440 : i32 to index
      %get3A_442 = arith.index_cast %mul3A_432 : i32 to index
      %get3A_443 = tpu.vector_load %arg7[%get3A_441, %get3A_442] {strides = array<i32>} : memref<32x1024xf32, #tpu.memory_space<vmem>>, vector<16xf32>,
      %add3A_444 = arith.addf %get3A_435, %get3A_439 : vector<16xf32>
      %add3A_445 = arith.addf %add3A_444, %get3A_443 : vector<16xf32>
      %swap3A = arith.constant 9 : i32
      %swap3A_446 = arith.index_cast %swap3A : i32 to index
      %swap3A_447 = arith.index_cast %mul3A_432 : i32 to index
      %swap3A_448 = tpu.vector_load %arg8[%swap3A_446, %swap3A_447] {strides = array<i32>} : memref<16x1024xf32, #tpu.memory_space<vmem>>, vector<16xf32>,
      tpu.vector_store %arg8[%swap3A_446, %swap3A_447], %add3A_445 {strides = array<i32>} : memref<16x1024xf32, #tpu.memory_space<vmem>>, vector<16xf32>,
    }
    %scan3A_177 = arith.constant 64 : i32
    %scan3A_178 = arith.constant 0 : i32
    %scan3A_179 = arith.constant 0 : i32
    %scan3A_180 = arith.constant 64 : i32
    %scan3A_181 = arith.addi %scan3A_179, %scan3A_180 : i32
    %scan3A_182 = arith.constant 1 : i32
    scf.for %scan3A_430 = %scan3A_179 to %scan3A_181 step %scan3A_182  : i32 {
      %mul3A_431 = arith.constant 16 : i32
      %mul3A_432 = arith.muli %scan3A_430, %mul3A_431 : i32
      %get3A = arith.constant 10 : i32
      %get3A_433 = arith.index_cast %get3A : i32 to index
      %get3A_434 = arith.index_cast %mul3A_432 : i32 to index
      %get3A_435 = tpu.vector_load %arg8[%get3A_433, %get3A_434] {strides = array<i32>} : memref<16x1024xf32, #tpu.memory_space<vmem>>, vector<16xf32>,
      %get3A_436 = arith.constant 20 : i32
      %get3A_437 = arith.index_cast %get3A_436 : i32 to index
      %get3A_438 = arith.index_cast %mul3A_432 : i32 to index
      %get3A_439 = tpu.vector_load %arg7[%get3A_437, %get3A_438] {strides = array<i32>} : memref<32x1024xf32, #tpu.memory_space<vmem>>, vector<16xf32>,
      %get3A_440 = arith.constant 21 : i32
      %get3A_441 = arith.index_cast %get3A_440 : i32 to index
      %get3A_442 = arith.index_cast %mul3A_432 : i32 to index
      %get3A_443 = tpu.vector_load %arg7[%get3A_441, %get3A_442] {strides = array<i32>} : memref<32x1024xf32, #tpu.memory_space<vmem>>, vector<16xf32>,
      %add3A_444 = arith.addf %get3A_435, %get3A_439 : vector<16xf32>
      %add3A_445 = arith.addf %add3A_444, %get3A_443 : vector<16xf32>
      %swap3A = arith.constant 10 : i32
      %swap3A_446 = arith.index_cast %swap3A : i32 to index
      %swap3A_447 = arith.index_cast %mul3A_432 : i32 to index
      %swap3A_448 = tpu.vector_load %arg8[%swap3A_446, %swap3A_447] {strides = array<i32>} : memref<16x1024xf32, #tpu.memory_space<vmem>>, vector<16xf32>,
      tpu.vector_store %arg8[%swap3A_446, %swap3A_447], %add3A_445 {strides = array<i32>} : memref<16x1024xf32, #tpu.memory_space<vmem>>, vector<16xf32>,
    }
    %scan3A_183 = arith.constant 64 : i32
    %scan3A_184 = arith.constant 0 : i32
    %scan3A_185 = arith.constant 0 : i32
    %scan3A_186 = arith.constant 64 : i32
    %scan3A_187 = arith.addi %scan3A_185, %scan3A_186 : i32
    %scan3A_188 = arith.constant 1 : i32
    scf.for %scan3A_430 = %scan3A_185 to %scan3A_187 step %scan3A_188  : i32 {
      %mul3A_431 = arith.constant 16 : i32
      %mul3A_432 = arith.muli %scan3A_430, %mul3A_431 : i32
      %get3A = arith.constant 11 : i32
      %get3A_433 = arith.index_cast %get3A : i32 to index
      %get3A_434 = arith.index_cast %mul3A_432 : i32 to index
      %get3A_435 = tpu.vector_load %arg8[%get3A_433, %get3A_434] {strides = array<i32>} : memref<16x1024xf32, #tpu.memory_space<vmem>>, vector<16xf32>,
      %get3A_436 = arith.constant 22 : i32
      %get3A_437 = arith.index_cast %get3A_436 : i32 to index
      %get3A_438 = arith.index_cast %mul3A_432 : i32 to index
      %get3A_439 = tpu.vector_load %arg7[%get3A_437, %get3A_438] {strides = array<i32>} : memref<32x1024xf32, #tpu.memory_space<vmem>>, vector<16xf32>,
      %get3A_440 = arith.constant 23 : i32
      %get3A_441 = arith.index_cast %get3A_440 : i32 to index
      %get3A_442 = arith.index_cast %mul3A_432 : i32 to index
      %get3A_443 = tpu.vector_load %arg7[%get3A_441, %get3A_442] {strides = array<i32>} : memref<32x1024xf32, #tpu.memory_space<vmem>>, vector<16xf32>,
      %add3A_444 = arith.addf %get3A_435, %get3A_439 : vector<16xf32>
      %add3A_445 = arith.addf %add3A_444, %get3A_443 : vector<16xf32>
      %swap3A = arith.constant 11 : i32
      %swap3A_446 = arith.index_cast %swap3A : i32 to index
      %swap3A_447 = arith.index_cast %mul3A_432 : i32 to index
      %swap3A_448 = tpu.vector_load %arg8[%swap3A_446, %swap3A_447] {strides = array<i32>} : memref<16x1024xf32, #tpu.memory_space<vmem>>, vector<16xf32>,
      tpu.vector_store %arg8[%swap3A_446, %swap3A_447], %add3A_445 {strides = array<i32>} : memref<16x1024xf32, #tpu.memory_space<vmem>>, vector<16xf32>,
    }
    %scan3A_189 = arith.constant 64 : i32
    %scan3A_190 = arith.constant 0 : i32
    %scan3A_191 = arith.constant 0 : i32
    %scan3A_192 = arith.constant 64 : i32
    %scan3A_193 = arith.addi %scan3A_191, %scan3A_192 : i32
    %scan3A_194 = arith.constant 1 : i32
    scf.for %scan3A_430 = %scan3A_191 to %scan3A_193 step %scan3A_194  : i32 {
      %mul3A_431 = arith.constant 16 : i32
      %mul3A_432 = arith.muli %scan3A_430, %mul3A_431 : i32
      %get3A = arith.constant 12 : i32
      %get3A_433 = arith.index_cast %get3A : i32 to index
      %get3A_434 = arith.index_cast %mul3A_432 : i32 to index
      %get3A_435 = tpu.vector_load %arg8[%get3A_433, %get3A_434] {strides = array<i32>} : memref<16x1024xf32, #tpu.memory_space<vmem>>, vector<16xf32>,
      %get3A_436 = arith.constant 24 : i32
      %get3A_437 = arith.index_cast %get3A_436 : i32 to index
      %get3A_438 = arith.index_cast %mul3A_432 : i32 to index
      %get3A_439 = tpu.vector_load %arg7[%get3A_437, %get3A_438] {strides = array<i32>} : memref<32x1024xf32, #tpu.memory_space<vmem>>, vector<16xf32>,
      %get3A_440 = arith.constant 25 : i32
      %get3A_441 = arith.index_cast %get3A_440 : i32 to index
      %get3A_442 = arith.index_cast %mul3A_432 : i32 to index
      %get3A_443 = tpu.vector_load %arg7[%get3A_441, %get3A_442] {strides = array<i32>} : memref<32x1024xf32, #tpu.memory_space<vmem>>, vector<16xf32>,
      %add3A_444 = arith.addf %get3A_435, %get3A_439 : vector<16xf32>
      %add3A_445 = arith.addf %add3A_444, %get3A_443 : vector<16xf32>
      %swap3A = arith.constant 12 : i32
      %swap3A_446 = arith.index_cast %swap3A : i32 to index
      %swap3A_447 = arith.index_cast %mul3A_432 : i32 to index
      %swap3A_448 = tpu.vector_load %arg8[%swap3A_446, %swap3A_447] {strides = array<i32>} : memref<16x1024xf32, #tpu.memory_space<vmem>>, vector<16xf32>,
      tpu.vector_store %arg8[%swap3A_446, %swap3A_447], %add3A_445 {strides = array<i32>} : memref<16x1024xf32, #tpu.memory_space<vmem>>, vector<16xf32>,
    }
    %scan3A_195 = arith.constant 64 : i32
    %scan3A_196 = arith.constant 0 : i32
    %scan3A_197 = arith.constant 0 : i32
    %scan3A_198 = arith.constant 64 : i32
    %scan3A_199 = arith.addi %scan3A_197, %scan3A_198 : i32
    %scan3A_200 = arith.constant 1 : i32
    scf.for %scan3A_430 = %scan3A_197 to %scan3A_199 step %scan3A_200  : i32 {
      %mul3A_431 = arith.constant 16 : i32
      %mul3A_432 = arith.muli %scan3A_430, %mul3A_431 : i32
      %get3A = arith.constant 13 : i32
      %get3A_433 = arith.index_cast %get3A : i32 to index
      %get3A_434 = arith.index_cast %mul3A_432 : i32 to index
      %get3A_435 = tpu.vector_load %arg8[%get3A_433, %get3A_434] {strides = array<i32>} : memref<16x1024xf32, #tpu.memory_space<vmem>>, vector<16xf32>,
      %get3A_436 = arith.constant 26 : i32
      %get3A_437 = arith.index_cast %get3A_436 : i32 to index
      %get3A_438 = arith.index_cast %mul3A_432 : i32 to index
      %get3A_439 = tpu.vector_load %arg7[%get3A_437, %get3A_438] {strides = array<i32>} : memref<32x1024xf32, #tpu.memory_space<vmem>>, vector<16xf32>,
      %get3A_440 = arith.constant 27 : i32
      %get3A_441 = arith.index_cast %get3A_440 : i32 to index
      %get3A_442 = arith.index_cast %mul3A_432 : i32 to index
      %get3A_443 = tpu.vector_load %arg7[%get3A_441, %get3A_442] {strides = array<i32>} : memref<32x1024xf32, #tpu.memory_space<vmem>>, vector<16xf32>,
      %add3A_444 = arith.addf %get3A_435, %get3A_439 : vector<16xf32>
      %add3A_445 = arith.addf %add3A_444, %get3A_443 : vector<16xf32>
      %swap3A = arith.constant 13 : i32
      %swap3A_446 = arith.index_cast %swap3A : i32 to index
      %swap3A_447 = arith.index_cast %mul3A_432 : i32 to index
      %swap3A_448 = tpu.vector_load %arg8[%swap3A_446, %swap3A_447] {strides = array<i32>} : memref<16x1024xf32, #tpu.memory_space<vmem>>, vector<16xf32>,
      tpu.vector_store %arg8[%swap3A_446, %swap3A_447], %add3A_445 {strides = array<i32>} : memref<16x1024xf32, #tpu.memory_space<vmem>>, vector<16xf32>,
    }
    %scan3A_201 = arith.constant 64 : i32
    %scan3A_202 = arith.constant 0 : i32
    %scan3A_203 = arith.constant 0 : i32
    %scan3A_204 = arith.constant 64 : i32
    %scan3A_205 = arith.addi %scan3A_203, %scan3A_204 : i32
    %scan3A_206 = arith.constant 1 : i32
    scf.for %scan3A_430 = %scan3A_203 to %scan3A_205 step %scan3A_206  : i32 {
      %mul3A_431 = arith.constant 16 : i32
      %mul3A_432 = arith.muli %scan3A_430, %mul3A_431 : i32
      %get3A = arith.constant 14 : i32
      %get3A_433 = arith.index_cast %get3A : i32 to index
      %get3A_434 = arith.index_cast %mul3A_432 : i32 to index
      %get3A_435 = tpu.vector_load %arg8[%get3A_433, %get3A_434] {strides = array<i32>} : memref<16x1024xf32, #tpu.memory_space<vmem>>, vector<16xf32>,
      %get3A_436 = arith.constant 28 : i32
      %get3A_437 = arith.index_cast %get3A_436 : i32 to index
      %get3A_438 = arith.index_cast %mul3A_432 : i32 to index
      %get3A_439 = tpu.vector_load %arg7[%get3A_437, %get3A_438] {strides = array<i32>} : memref<32x1024xf32, #tpu.memory_space<vmem>>, vector<16xf32>,
      %get3A_440 = arith.constant 29 : i32
      %get3A_441 = arith.index_cast %get3A_440 : i32 to index
      %get3A_442 = arith.index_cast %mul3A_432 : i32 to index
      %get3A_443 = tpu.vector_load %arg7[%get3A_441, %get3A_442] {strides = array<i32>} : memref<32x1024xf32, #tpu.memory_space<vmem>>, vector<16xf32>,
      %add3A_444 = arith.addf %get3A_435, %get3A_439 : vector<16xf32>
      %add3A_445 = arith.addf %add3A_444, %get3A_443 : vector<16xf32>
      %swap3A = arith.constant 14 : i32
      %swap3A_446 = arith.index_cast %swap3A : i32 to index
      %swap3A_447 = arith.index_cast %mul3A_432 : i32 to index
      %swap3A_448 = tpu.vector_load %arg8[%swap3A_446, %swap3A_447] {strides = array<i32>} : memref<16x1024xf32, #tpu.memory_space<vmem>>, vector<16xf32>,
      tpu.vector_store %arg8[%swap3A_446, %swap3A_447], %add3A_445 {strides = array<i32>} : memref<16x1024xf32, #tpu.memory_space<vmem>>, vector<16xf32>,
    }
    %scan3A_207 = arith.constant 64 : i32
    %scan3A_208 = arith.constant 0 : i32
    %scan3A_209 = arith.constant 0 : i32
    %scan3A_210 = arith.constant 64 : i32
    %scan3A_211 = arith.addi %scan3A_209, %scan3A_210 : i32
    %scan3A_212 = arith.constant 1 : i32
    scf.for %scan3A_430 = %scan3A_209 to %scan3A_211 step %scan3A_212  : i32 {
      %mul3A_431 = arith.constant 16 : i32
      %mul3A_432 = arith.muli %scan3A_430, %mul3A_431 : i32
      %get3A = arith.constant 15 : i32
      %get3A_433 = arith.index_cast %get3A : i32 to index
      %get3A_434 = arith.index_cast %mul3A_432 : i32 to index
      %get3A_435 = tpu.vector_load %arg8[%get3A_433, %get3A_434] {strides = array<i32>} : memref<16x1024xf32, #tpu.memory_space<vmem>>, vector<16xf32>,
      %get3A_436 = arith.constant 30 : i32
      %get3A_437 = arith.index_cast %get3A_436 : i32 to index
      %get3A_438 = arith.index_cast %mul3A_432 : i32 to index
      %get3A_439 = tpu.vector_load %arg7[%get3A_437, %get3A_438] {strides = array<i32>} : memref<32x1024xf32, #tpu.memory_space<vmem>>, vector<16xf32>,
      %get3A_440 = arith.constant 31 : i32
      %get3A_441 = arith.index_cast %get3A_440 : i32 to index
      %get3A_442 = arith.index_cast %mul3A_432 : i32 to index
      %get3A_443 = tpu.vector_load %arg7[%get3A_441, %get3A_442] {strides = array<i32>} : memref<32x1024xf32, #tpu.memory_space<vmem>>, vector<16xf32>,
      %add3A_444 = arith.addf %get3A_435, %get3A_439 : vector<16xf32>
      %add3A_445 = arith.addf %add3A_444, %get3A_443 : vector<16xf32>
      %swap3A = arith.constant 15 : i32
      %swap3A_446 = arith.index_cast %swap3A : i32 to index
      %swap3A_447 = arith.index_cast %mul3A_432 : i32 to index
      %swap3A_448 = tpu.vector_load %arg8[%swap3A_446, %swap3A_447] {strides = array<i32>} : memref<16x1024xf32, #tpu.memory_space<vmem>>, vector<16xf32>,
      tpu.vector_store %arg8[%swap3A_446, %swap3A_447], %add3A_445 {strides = array<i32>} : memref<16x1024xf32, #tpu.memory_space<vmem>>, vector<16xf32>,
    }
    %scan3A_213 = arith.constant 64 : i32
    "tpu.region"() ({
      %run_scoped3A = tpu.sem_alloc : memref<!tpu.dma_semaphore, #tpu.memory_space<semaphore_mem>>
      %dma_start3A_430 = arith.constant 0 : i32
      %dma_start3A_431 = tpu.memref_slice %arg5[%add3A_109, %dma_start3A_430] : memref<2048x1024xf32, #tpu.memory_space<hbm>> -> memref<16x1024xf32, #tpu.memory_space<hbm>>
      %dma_start3A_432 = arith.constant 0 : i32
      %dma_start3A_433 = tpu.memref_slice %arg5[%add3A_109, %dma_start3A_432] : memref<2048x1024xf32, #tpu.memory_space<hbm>> -> memref<16x1024xf32, #tpu.memory_space<hbm>>
      tpu.enqueue_dma source(%arg8 : memref<16x1024xf32, #tpu.memory_space<vmem>>) target(%dma_start3A_433 : memref<16x1024xf32, #tpu.memory_space<hbm>>) target_semaphore(%run_scoped3A : memref<!tpu.dma_semaphore, #tpu.memory_space<semaphore_mem>>)
      %dma_wait3A_434 = arith.constant 0 : i32
      %dma_wait3A_435 = tpu.memref_slice %arg5[%add3A_109, %dma_wait3A_434] : memref<2048x1024xf32, #tpu.memory_space<hbm>> -> memref<16x1024xf32, #tpu.memory_space<hbm>>
      %dma_wait3A_436 = arith.constant 0 : i32
      %dma_wait3A_437 = tpu.memref_slice %arg5[%add3A_109, %dma_wait3A_436] : memref<2048x1024xf32, #tpu.memory_space<hbm>> -> memref<16x1024xf32, #tpu.memory_space<hbm>>
      tpu.wait_dma2 semaphore(%run_scoped3A : memref<!tpu.dma_semaphore, #tpu.memory_space<semaphore_mem>>) src(%arg8 : memref<16x1024xf32, #tpu.memory_space<vmem>>) dst(%dma_wait3A_437 : memref<16x1024xf32, #tpu.memory_space<hbm>>)
      tpu.yield
    }) : () -> ()
    %mul3A_214 = arith.constant 64 : i32
    %mul3A_215 = arith.muli %add3A, %mul3A_214 : i32
    %add3A_216 = arith.constant 32 : i32
    %add3A_217 = arith.addi %mul3A_215, %add3A_216 : i32
    %mul3A_218 = arith.constant 2 : i32
    %mul3A_219 = arith.muli %mul3A_218, %add3A_217 : i32
    "tpu.region"() ({
      %run_scoped3A = tpu.sem_alloc : memref<!tpu.dma_semaphore, #tpu.memory_space<semaphore_mem>>
      %dma_start3A_430 = tpu.memref_slice %arg4[%mul3A_219] : memref<4096xi32, #tpu.memory_space<hbm>> -> memref<32xi32, #tpu.memory_space<hbm>>
      %dma_start3A_431 = tpu.memref_slice %arg4[%mul3A_219] : memref<4096xi32, #tpu.memory_space<hbm>> -> memref<32xi32, #tpu.memory_space<hbm>>
      tpu.enqueue_dma source(%dma_start3A_431 : memref<32xi32, #tpu.memory_space<hbm>>) target(%arg6 : memref<32xi32, #tpu.memory_space<vmem>>) target_semaphore(%run_scoped3A : memref<!tpu.dma_semaphore, #tpu.memory_space<semaphore_mem>>)
      %dma_wait3A_432 = tpu.memref_slice %arg4[%mul3A_219] : memref<4096xi32, #tpu.memory_space<hbm>> -> memref<32xi32, #tpu.memory_space<hbm>>
      %dma_wait3A_433 = tpu.memref_slice %arg4[%mul3A_219] : memref<4096xi32, #tpu.memory_space<hbm>> -> memref<32xi32, #tpu.memory_space<hbm>>
      tpu.wait_dma2 semaphore(%run_scoped3A : memref<!tpu.dma_semaphore, #tpu.memory_space<semaphore_mem>>) src(%dma_wait3A_433 : memref<32xi32, #tpu.memory_space<hbm>>) dst(%arg6 : memref<32xi32, #tpu.memory_space<vmem>>)
      tpu.yield
    }) : () -> ()
    %dma_start3A_220 = arith.constant 0 : i32
    %dma_start3A_221 = arith.constant 0 : i32
    %dma_start3A_222 = tpu.memref_slice %arg3[%dma_start3A_220, %dma_start3A_221] : memref<8192x1024xf32, #tpu.memory_space<hbm>> -> memref<8192x1024xf32, #tpu.memory_space<hbm>>
    tpu.enqueue_indirect_dma source(%dma_start3A_222 : memref<8192x1024xf32, #tpu.memory_space<hbm>>) target(%arg7 : memref<32x1024xf32, #tpu.memory_space<vmem>>) offsets(%arg6 : memref<32xi32, #tpu.memory_space<vmem>>) semaphore(%arg9 : memref<!tpu.dma_semaphore, #tpu.memory_space<semaphore_mem>>)
    %dma_wait3A_223 = arith.constant 0 : i32
    %dma_wait3A_224 = arith.constant 0 : i32
    %dma_wait3A_225 = tpu.memref_slice %arg3[%dma_wait3A_223, %dma_wait3A_224] : memref<8192x1024xf32, #tpu.memory_space<hbm>> -> memref<8192x1024xf32, #tpu.memory_space<hbm>>
    tpu.wait_indirect_dma semaphore(%arg9 : memref<!tpu.dma_semaphore, #tpu.memory_space<semaphore_mem>>) src(%dma_wait3A_225 : memref<8192x1024xf32, #tpu.memory_space<hbm>>) dst(%arg7 : memref<32x1024xf32, #tpu.memory_space<vmem>>)
    "tpu.region"() ({
      %run_scoped3A = tpu.sem_alloc : memref<!tpu.dma_semaphore, #tpu.memory_space<semaphore_mem>>
      %dma_start3A_430 = arith.constant 0 : i32
      %dma_start3A_431 = tpu.memref_slice %arg2[%add3A_217, %dma_start3A_430] : memref<2048x1024xf32, #tpu.memory_space<hbm>> -> memref<16x1024xf32, #tpu.memory_space<hbm>>
      %dma_start3A_432 = arith.constant 0 : i32
      %dma_start3A_433 = tpu.memref_slice %arg2[%add3A_217, %dma_start3A_432] : memref<2048x1024xf32, #tpu.memory_space<hbm>> -> memref<16x1024xf32, #tpu.memory_space<hbm>>
      tpu.enqueue_dma source(%dma_start3A_433 : memref<16x1024xf32, #tpu.memory_space<hbm>>) target(%arg8 : memref<16x1024xf32, #tpu.memory_space<vmem>>) target_semaphore(%run_scoped3A : memref<!tpu.dma_semaphore, #tpu.memory_space<semaphore_mem>>)
      %dma_wait3A_434 = arith.constant 0 : i32
      %dma_wait3A_435 = tpu.memref_slice %arg2[%add3A_217, %dma_wait3A_434] : memref<2048x1024xf32, #tpu.memory_space<hbm>> -> memref<16x1024xf32, #tpu.memory_space<hbm>>
      %dma_wait3A_436 = arith.constant 0 : i32
      %dma_wait3A_437 = tpu.memref_slice %arg2[%add3A_217, %dma_wait3A_436] : memref<2048x1024xf32, #tpu.memory_space<hbm>> -> memref<16x1024xf32, #tpu.memory_space<hbm>>
      tpu.wait_dma2 semaphore(%run_scoped3A : memref<!tpu.dma_semaphore, #tpu.memory_space<semaphore_mem>>) src(%dma_wait3A_437 : memref<16x1024xf32, #tpu.memory_space<hbm>>) dst(%arg8 : memref<16x1024xf32, #tpu.memory_space<vmem>>)
      tpu.yield
    }) : () -> ()
    %scan3A_226 = arith.constant 0 : i32
    %scan3A_227 = arith.constant 0 : i32
    %scan3A_228 = arith.constant 64 : i32
    %scan3A_229 = arith.addi %scan3A_227, %scan3A_228 : i32
    %scan3A_230 = arith.constant 1 : i32
    scf.for %scan3A_430 = %scan3A_227 to %scan3A_229 step %scan3A_230  : i32 {
      %mul3A_431 = arith.constant 16 : i32
      %mul3A_432 = arith.muli %scan3A_430, %mul3A_431 : i32
      %get3A = arith.constant 0 : i32
      %get3A_433 = arith.index_cast %get3A : i32 to index
      %get3A_434 = arith.index_cast %mul3A_432 : i32 to index
      %get3A_435 = tpu.vector_load %arg8[%get3A_433, %get3A_434] {strides = array<i32>} : memref<16x1024xf32, #tpu.memory_space<vmem>>, vector<16xf32>,
      %get3A_436 = arith.constant 0 : i32
      %get3A_437 = arith.index_cast %get3A_436 : i32 to index
      %get3A_438 = arith.index_cast %mul3A_432 : i32 to index
      %get3A_439 = tpu.vector_load %arg7[%get3A_437, %get3A_438] {strides = array<i32>} : memref<32x1024xf32, #tpu.memory_space<vmem>>, vector<16xf32>,
      %get3A_440 = arith.constant 1 : i32
      %get3A_441 = arith.index_cast %get3A_440 : i32 to index
      %get3A_442 = arith.index_cast %mul3A_432 : i32 to index
      %get3A_443 = tpu.vector_load %arg7[%get3A_441, %get3A_442] {strides = array<i32>} : memref<32x1024xf32, #tpu.memory_space<vmem>>, vector<16xf32>,
      %add3A_444 = arith.addf %get3A_435, %get3A_439 : vector<16xf32>
      %add3A_445 = arith.addf %add3A_444, %get3A_443 : vector<16xf32>
      %swap3A = arith.constant 0 : i32
      %swap3A_446 = arith.index_cast %swap3A : i32 to index
      %swap3A_447 = arith.index_cast %mul3A_432 : i32 to index
      %swap3A_448 = tpu.vector_load %arg8[%swap3A_446, %swap3A_447] {strides = array<i32>} : memref<16x1024xf32, #tpu.memory_space<vmem>>, vector<16xf32>,
      tpu.vector_store %arg8[%swap3A_446, %swap3A_447], %add3A_445 {strides = array<i32>} : memref<16x1024xf32, #tpu.memory_space<vmem>>, vector<16xf32>,
    }
    %scan3A_231 = arith.constant 64 : i32
    %scan3A_232 = arith.constant 0 : i32
    %scan3A_233 = arith.constant 0 : i32
    %scan3A_234 = arith.constant 64 : i32
    %scan3A_235 = arith.addi %scan3A_233, %scan3A_234 : i32
    %scan3A_236 = arith.constant 1 : i32
    scf.for %scan3A_430 = %scan3A_233 to %scan3A_235 step %scan3A_236  : i32 {
      %mul3A_431 = arith.constant 16 : i32
      %mul3A_432 = arith.muli %scan3A_430, %mul3A_431 : i32
      %get3A = arith.constant 1 : i32
      %get3A_433 = arith.index_cast %get3A : i32 to index
      %get3A_434 = arith.index_cast %mul3A_432 : i32 to index
      %get3A_435 = tpu.vector_load %arg8[%get3A_433, %get3A_434] {strides = array<i32>} : memref<16x1024xf32, #tpu.memory_space<vmem>>, vector<16xf32>,
      %get3A_436 = arith.constant 2 : i32
      %get3A_437 = arith.index_cast %get3A_436 : i32 to index
      %get3A_438 = arith.index_cast %mul3A_432 : i32 to index
      %get3A_439 = tpu.vector_load %arg7[%get3A_437, %get3A_438] {strides = array<i32>} : memref<32x1024xf32, #tpu.memory_space<vmem>>, vector<16xf32>,
      %get3A_440 = arith.constant 3 : i32
      %get3A_441 = arith.index_cast %get3A_440 : i32 to index
      %get3A_442 = arith.index_cast %mul3A_432 : i32 to index
      %get3A_443 = tpu.vector_load %arg7[%get3A_441, %get3A_442] {strides = array<i32>} : memref<32x1024xf32, #tpu.memory_space<vmem>>, vector<16xf32>,
      %add3A_444 = arith.addf %get3A_435, %get3A_439 : vector<16xf32>
      %add3A_445 = arith.addf %add3A_444, %get3A_443 : vector<16xf32>
      %swap3A = arith.constant 1 : i32
      %swap3A_446 = arith.index_cast %swap3A : i32 to index
      %swap3A_447 = arith.index_cast %mul3A_432 : i32 to index
      %swap3A_448 = tpu.vector_load %arg8[%swap3A_446, %swap3A_447] {strides = array<i32>} : memref<16x1024xf32, #tpu.memory_space<vmem>>, vector<16xf32>,
      tpu.vector_store %arg8[%swap3A_446, %swap3A_447], %add3A_445 {strides = array<i32>} : memref<16x1024xf32, #tpu.memory_space<vmem>>, vector<16xf32>,
    }
    %scan3A_237 = arith.constant 64 : i32
    %scan3A_238 = arith.constant 0 : i32
    %scan3A_239 = arith.constant 0 : i32
    %scan3A_240 = arith.constant 64 : i32
    %scan3A_241 = arith.addi %scan3A_239, %scan3A_240 : i32
    %scan3A_242 = arith.constant 1 : i32
    scf.for %scan3A_430 = %scan3A_239 to %scan3A_241 step %scan3A_242  : i32 {
      %mul3A_431 = arith.constant 16 : i32
      %mul3A_432 = arith.muli %scan3A_430, %mul3A_431 : i32
      %get3A = arith.constant 2 : i32
      %get3A_433 = arith.index_cast %get3A : i32 to index
      %get3A_434 = arith.index_cast %mul3A_432 : i32 to index
      %get3A_435 = tpu.vector_load %arg8[%get3A_433, %get3A_434] {strides = array<i32>} : memref<16x1024xf32, #tpu.memory_space<vmem>>, vector<16xf32>,
      %get3A_436 = arith.constant 4 : i32
      %get3A_437 = arith.index_cast %get3A_436 : i32 to index
      %get3A_438 = arith.index_cast %mul3A_432 : i32 to index
      %get3A_439 = tpu.vector_load %arg7[%get3A_437, %get3A_438] {strides = array<i32>} : memref<32x1024xf32, #tpu.memory_space<vmem>>, vector<16xf32>,
      %get3A_440 = arith.constant 5 : i32
      %get3A_441 = arith.index_cast %get3A_440 : i32 to index
      %get3A_442 = arith.index_cast %mul3A_432 : i32 to index
      %get3A_443 = tpu.vector_load %arg7[%get3A_441, %get3A_442] {strides = array<i32>} : memref<32x1024xf32, #tpu.memory_space<vmem>>, vector<16xf32>,
      %add3A_444 = arith.addf %get3A_435, %get3A_439 : vector<16xf32>
      %add3A_445 = arith.addf %add3A_444, %get3A_443 : vector<16xf32>
      %swap3A = arith.constant 2 : i32
      %swap3A_446 = arith.index_cast %swap3A : i32 to index
      %swap3A_447 = arith.index_cast %mul3A_432 : i32 to index
      %swap3A_448 = tpu.vector_load %arg8[%swap3A_446, %swap3A_447] {strides = array<i32>} : memref<16x1024xf32, #tpu.memory_space<vmem>>, vector<16xf32>,
      tpu.vector_store %arg8[%swap3A_446, %swap3A_447], %add3A_445 {strides = array<i32>} : memref<16x1024xf32, #tpu.memory_space<vmem>>, vector<16xf32>,
    }
    %scan3A_243 = arith.constant 64 : i32
    %scan3A_244 = arith.constant 0 : i32
    %scan3A_245 = arith.constant 0 : i32
    %scan3A_246 = arith.constant 64 : i32
    %scan3A_247 = arith.addi %scan3A_245, %scan3A_246 : i32
    %scan3A_248 = arith.constant 1 : i32
    scf.for %scan3A_430 = %scan3A_245 to %scan3A_247 step %scan3A_248  : i32 {
      %mul3A_431 = arith.constant 16 : i32
      %mul3A_432 = arith.muli %scan3A_430, %mul3A_431 : i32
      %get3A = arith.constant 3 : i32
      %get3A_433 = arith.index_cast %get3A : i32 to index
      %get3A_434 = arith.index_cast %mul3A_432 : i32 to index
      %get3A_435 = tpu.vector_load %arg8[%get3A_433, %get3A_434] {strides = array<i32>} : memref<16x1024xf32, #tpu.memory_space<vmem>>, vector<16xf32>,
      %get3A_436 = arith.constant 6 : i32
      %get3A_437 = arith.index_cast %get3A_436 : i32 to index
      %get3A_438 = arith.index_cast %mul3A_432 : i32 to index
      %get3A_439 = tpu.vector_load %arg7[%get3A_437, %get3A_438] {strides = array<i32>} : memref<32x1024xf32, #tpu.memory_space<vmem>>, vector<16xf32>,
      %get3A_440 = arith.constant 7 : i32
      %get3A_441 = arith.index_cast %get3A_440 : i32 to index
      %get3A_442 = arith.index_cast %mul3A_432 : i32 to index
      %get3A_443 = tpu.vector_load %arg7[%get3A_441, %get3A_442] {strides = array<i32>} : memref<32x1024xf32, #tpu.memory_space<vmem>>, vector<16xf32>,
      %add3A_444 = arith.addf %get3A_435, %get3A_439 : vector<16xf32>
      %add3A_445 = arith.addf %add3A_444, %get3A_443 : vector<16xf32>
      %swap3A = arith.constant 3 : i32
      %swap3A_446 = arith.index_cast %swap3A : i32 to index
      %swap3A_447 = arith.index_cast %mul3A_432 : i32 to index
      %swap3A_448 = tpu.vector_load %arg8[%swap3A_446, %swap3A_447] {strides = array<i32>} : memref<16x1024xf32, #tpu.memory_space<vmem>>, vector<16xf32>,
      tpu.vector_store %arg8[%swap3A_446, %swap3A_447], %add3A_445 {strides = array<i32>} : memref<16x1024xf32, #tpu.memory_space<vmem>>, vector<16xf32>,
    }
    %scan3A_249 = arith.constant 64 : i32
    %scan3A_250 = arith.constant 0 : i32
    %scan3A_251 = arith.constant 0 : i32
    %scan3A_252 = arith.constant 64 : i32
    %scan3A_253 = arith.addi %scan3A_251, %scan3A_252 : i32
    %scan3A_254 = arith.constant 1 : i32
    scf.for %scan3A_430 = %scan3A_251 to %scan3A_253 step %scan3A_254  : i32 {
      %mul3A_431 = arith.constant 16 : i32
      %mul3A_432 = arith.muli %scan3A_430, %mul3A_431 : i32
      %get3A = arith.constant 4 : i32
      %get3A_433 = arith.index_cast %get3A : i32 to index
      %get3A_434 = arith.index_cast %mul3A_432 : i32 to index
      %get3A_435 = tpu.vector_load %arg8[%get3A_433, %get3A_434] {strides = array<i32>} : memref<16x1024xf32, #tpu.memory_space<vmem>>, vector<16xf32>,
      %get3A_436 = arith.constant 8 : i32
      %get3A_437 = arith.index_cast %get3A_436 : i32 to index
      %get3A_438 = arith.index_cast %mul3A_432 : i32 to index
      %get3A_439 = tpu.vector_load %arg7[%get3A_437, %get3A_438] {strides = array<i32>} : memref<32x1024xf32, #tpu.memory_space<vmem>>, vector<16xf32>,
      %get3A_440 = arith.constant 9 : i32
      %get3A_441 = arith.index_cast %get3A_440 : i32 to index
      %get3A_442 = arith.index_cast %mul3A_432 : i32 to index
      %get3A_443 = tpu.vector_load %arg7[%get3A_441, %get3A_442] {strides = array<i32>} : memref<32x1024xf32, #tpu.memory_space<vmem>>, vector<16xf32>,
      %add3A_444 = arith.addf %get3A_435, %get3A_439 : vector<16xf32>
      %add3A_445 = arith.addf %add3A_444, %get3A_443 : vector<16xf32>
      %swap3A = arith.constant 4 : i32
      %swap3A_446 = arith.index_cast %swap3A : i32 to index
      %swap3A_447 = arith.index_cast %mul3A_432 : i32 to index
      %swap3A_448 = tpu.vector_load %arg8[%swap3A_446, %swap3A_447] {strides = array<i32>} : memref<16x1024xf32, #tpu.memory_space<vmem>>, vector<16xf32>,
      tpu.vector_store %arg8[%swap3A_446, %swap3A_447], %add3A_445 {strides = array<i32>} : memref<16x1024xf32, #tpu.memory_space<vmem>>, vector<16xf32>,
    }
    %scan3A_255 = arith.constant 64 : i32
    %scan3A_256 = arith.constant 0 : i32
    %scan3A_257 = arith.constant 0 : i32
    %scan3A_258 = arith.constant 64 : i32
    %scan3A_259 = arith.addi %scan3A_257, %scan3A_258 : i32
    %scan3A_260 = arith.constant 1 : i32
    scf.for %scan3A_430 = %scan3A_257 to %scan3A_259 step %scan3A_260  : i32 {
      %mul3A_431 = arith.constant 16 : i32
      %mul3A_432 = arith.muli %scan3A_430, %mul3A_431 : i32
      %get3A = arith.constant 5 : i32
      %get3A_433 = arith.index_cast %get3A : i32 to index
      %get3A_434 = arith.index_cast %mul3A_432 : i32 to index
      %get3A_435 = tpu.vector_load %arg8[%get3A_433, %get3A_434] {strides = array<i32>} : memref<16x1024xf32, #tpu.memory_space<vmem>>, vector<16xf32>,
      %get3A_436 = arith.constant 10 : i32
      %get3A_437 = arith.index_cast %get3A_436 : i32 to index
      %get3A_438 = arith.index_cast %mul3A_432 : i32 to index
      %get3A_439 = tpu.vector_load %arg7[%get3A_437, %get3A_438] {strides = array<i32>} : memref<32x1024xf32, #tpu.memory_space<vmem>>, vector<16xf32>,
      %get3A_440 = arith.constant 11 : i32
      %get3A_441 = arith.index_cast %get3A_440 : i32 to index
      %get3A_442 = arith.index_cast %mul3A_432 : i32 to index
      %get3A_443 = tpu.vector_load %arg7[%get3A_441, %get3A_442] {strides = array<i32>} : memref<32x1024xf32, #tpu.memory_space<vmem>>, vector<16xf32>,
      %add3A_444 = arith.addf %get3A_435, %get3A_439 : vector<16xf32>
      %add3A_445 = arith.addf %add3A_444, %get3A_443 : vector<16xf32>
      %swap3A = arith.constant 5 : i32
      %swap3A_446 = arith.index_cast %swap3A : i32 to index
      %swap3A_447 = arith.index_cast %mul3A_432 : i32 to index
      %swap3A_448 = tpu.vector_load %arg8[%swap3A_446, %swap3A_447] {strides = array<i32>} : memref<16x1024xf32, #tpu.memory_space<vmem>>, vector<16xf32>,
      tpu.vector_store %arg8[%swap3A_446, %swap3A_447], %add3A_445 {strides = array<i32>} : memref<16x1024xf32, #tpu.memory_space<vmem>>, vector<16xf32>,
    }
    %scan3A_261 = arith.constant 64 : i32
    %scan3A_262 = arith.constant 0 : i32
    %scan3A_263 = arith.constant 0 : i32
    %scan3A_264 = arith.constant 64 : i32
    %scan3A_265 = arith.addi %scan3A_263, %scan3A_264 : i32
    %scan3A_266 = arith.constant 1 : i32
    scf.for %scan3A_430 = %scan3A_263 to %scan3A_265 step %scan3A_266  : i32 {
      %mul3A_431 = arith.constant 16 : i32
      %mul3A_432 = arith.muli %scan3A_430, %mul3A_431 : i32
      %get3A = arith.constant 6 : i32
      %get3A_433 = arith.index_cast %get3A : i32 to index
      %get3A_434 = arith.index_cast %mul3A_432 : i32 to index
      %get3A_435 = tpu.vector_load %arg8[%get3A_433, %get3A_434] {strides = array<i32>} : memref<16x1024xf32, #tpu.memory_space<vmem>>, vector<16xf32>,
      %get3A_436 = arith.constant 12 : i32
      %get3A_437 = arith.index_cast %get3A_436 : i32 to index
      %get3A_438 = arith.index_cast %mul3A_432 : i32 to index
      %get3A_439 = tpu.vector_load %arg7[%get3A_437, %get3A_438] {strides = array<i32>} : memref<32x1024xf32, #tpu.memory_space<vmem>>, vector<16xf32>,
      %get3A_440 = arith.constant 13 : i32
      %get3A_441 = arith.index_cast %get3A_440 : i32 to index
      %get3A_442 = arith.index_cast %mul3A_432 : i32 to index
      %get3A_443 = tpu.vector_load %arg7[%get3A_441, %get3A_442] {strides = array<i32>} : memref<32x1024xf32, #tpu.memory_space<vmem>>, vector<16xf32>,
      %add3A_444 = arith.addf %get3A_435, %get3A_439 : vector<16xf32>
      %add3A_445 = arith.addf %add3A_444, %get3A_443 : vector<16xf32>
      %swap3A = arith.constant 6 : i32
      %swap3A_446 = arith.index_cast %swap3A : i32 to index
      %swap3A_447 = arith.index_cast %mul3A_432 : i32 to index
      %swap3A_448 = tpu.vector_load %arg8[%swap3A_446, %swap3A_447] {strides = array<i32>} : memref<16x1024xf32, #tpu.memory_space<vmem>>, vector<16xf32>,
      tpu.vector_store %arg8[%swap3A_446, %swap3A_447], %add3A_445 {strides = array<i32>} : memref<16x1024xf32, #tpu.memory_space<vmem>>, vector<16xf32>,
    }
    %scan3A_267 = arith.constant 64 : i32
    %scan3A_268 = arith.constant 0 : i32
    %scan3A_269 = arith.constant 0 : i32
    %scan3A_270 = arith.constant 64 : i32
    %scan3A_271 = arith.addi %scan3A_269, %scan3A_270 : i32
    %scan3A_272 = arith.constant 1 : i32
    scf.for %scan3A_430 = %scan3A_269 to %scan3A_271 step %scan3A_272  : i32 {
      %mul3A_431 = arith.constant 16 : i32
      %mul3A_432 = arith.muli %scan3A_430, %mul3A_431 : i32
      %get3A = arith.constant 7 : i32
      %get3A_433 = arith.index_cast %get3A : i32 to index
      %get3A_434 = arith.index_cast %mul3A_432 : i32 to index
      %get3A_435 = tpu.vector_load %arg8[%get3A_433, %get3A_434] {strides = array<i32>} : memref<16x1024xf32, #tpu.memory_space<vmem>>, vector<16xf32>,
      %get3A_436 = arith.constant 14 : i32
      %get3A_437 = arith.index_cast %get3A_436 : i32 to index
      %get3A_438 = arith.index_cast %mul3A_432 : i32 to index
      %get3A_439 = tpu.vector_load %arg7[%get3A_437, %get3A_438] {strides = array<i32>} : memref<32x1024xf32, #tpu.memory_space<vmem>>, vector<16xf32>,
      %get3A_440 = arith.constant 15 : i32
      %get3A_441 = arith.index_cast %get3A_440 : i32 to index
      %get3A_442 = arith.index_cast %mul3A_432 : i32 to index
      %get3A_443 = tpu.vector_load %arg7[%get3A_441, %get3A_442] {strides = array<i32>} : memref<32x1024xf32, #tpu.memory_space<vmem>>, vector<16xf32>,
      %add3A_444 = arith.addf %get3A_435, %get3A_439 : vector<16xf32>
      %add3A_445 = arith.addf %add3A_444, %get3A_443 : vector<16xf32>
      %swap3A = arith.constant 7 : i32
      %swap3A_446 = arith.index_cast %swap3A : i32 to index
      %swap3A_447 = arith.index_cast %mul3A_432 : i32 to index
      %swap3A_448 = tpu.vector_load %arg8[%swap3A_446, %swap3A_447] {strides = array<i32>} : memref<16x1024xf32, #tpu.memory_space<vmem>>, vector<16xf32>,
      tpu.vector_store %arg8[%swap3A_446, %swap3A_447], %add3A_445 {strides = array<i32>} : memref<16x1024xf32, #tpu.memory_space<vmem>>, vector<16xf32>,
    }
    %scan3A_273 = arith.constant 64 : i32
    %scan3A_274 = arith.constant 0 : i32
    %scan3A_275 = arith.constant 0 : i32
    %scan3A_276 = arith.constant 64 : i32
    %scan3A_277 = arith.addi %scan3A_275, %scan3A_276 : i32
    %scan3A_278 = arith.constant 1 : i32
    scf.for %scan3A_430 = %scan3A_275 to %scan3A_277 step %scan3A_278  : i32 {
      %mul3A_431 = arith.constant 16 : i32
      %mul3A_432 = arith.muli %scan3A_430, %mul3A_431 : i32
      %get3A = arith.constant 8 : i32
      %get3A_433 = arith.index_cast %get3A : i32 to index
      %get3A_434 = arith.index_cast %mul3A_432 : i32 to index
      %get3A_435 = tpu.vector_load %arg8[%get3A_433, %get3A_434] {strides = array<i32>} : memref<16x1024xf32, #tpu.memory_space<vmem>>, vector<16xf32>,
      %get3A_436 = arith.constant 16 : i32
      %get3A_437 = arith.index_cast %get3A_436 : i32 to index
      %get3A_438 = arith.index_cast %mul3A_432 : i32 to index
      %get3A_439 = tpu.vector_load %arg7[%get3A_437, %get3A_438] {strides = array<i32>} : memref<32x1024xf32, #tpu.memory_space<vmem>>, vector<16xf32>,
      %get3A_440 = arith.constant 17 : i32
      %get3A_441 = arith.index_cast %get3A_440 : i32 to index
      %get3A_442 = arith.index_cast %mul3A_432 : i32 to index
      %get3A_443 = tpu.vector_load %arg7[%get3A_441, %get3A_442] {strides = array<i32>} : memref<32x1024xf32, #tpu.memory_space<vmem>>, vector<16xf32>,
      %add3A_444 = arith.addf %get3A_435, %get3A_439 : vector<16xf32>
      %add3A_445 = arith.addf %add3A_444, %get3A_443 : vector<16xf32>
      %swap3A = arith.constant 8 : i32
      %swap3A_446 = arith.index_cast %swap3A : i32 to index
      %swap3A_447 = arith.index_cast %mul3A_432 : i32 to index
      %swap3A_448 = tpu.vector_load %arg8[%swap3A_446, %swap3A_447] {strides = array<i32>} : memref<16x1024xf32, #tpu.memory_space<vmem>>, vector<16xf32>,
      tpu.vector_store %arg8[%swap3A_446, %swap3A_447], %add3A_445 {strides = array<i32>} : memref<16x1024xf32, #tpu.memory_space<vmem>>, vector<16xf32>,
    }
    %scan3A_279 = arith.constant 64 : i32
    %scan3A_280 = arith.constant 0 : i32
    %scan3A_281 = arith.constant 0 : i32
    %scan3A_282 = arith.constant 64 : i32
    %scan3A_283 = arith.addi %scan3A_281, %scan3A_282 : i32
    %scan3A_284 = arith.constant 1 : i32
    scf.for %scan3A_430 = %scan3A_281 to %scan3A_283 step %scan3A_284  : i32 {
      %mul3A_431 = arith.constant 16 : i32
      %mul3A_432 = arith.muli %scan3A_430, %mul3A_431 : i32
      %get3A = arith.constant 9 : i32
      %get3A_433 = arith.index_cast %get3A : i32 to index
      %get3A_434 = arith.index_cast %mul3A_432 : i32 to index
      %get3A_435 = tpu.vector_load %arg8[%get3A_433, %get3A_434] {strides = array<i32>} : memref<16x1024xf32, #tpu.memory_space<vmem>>, vector<16xf32>,
      %get3A_436 = arith.constant 18 : i32
      %get3A_437 = arith.index_cast %get3A_436 : i32 to index
      %get3A_438 = arith.index_cast %mul3A_432 : i32 to index
      %get3A_439 = tpu.vector_load %arg7[%get3A_437, %get3A_438] {strides = array<i32>} : memref<32x1024xf32, #tpu.memory_space<vmem>>, vector<16xf32>,
      %get3A_440 = arith.constant 19 : i32
      %get3A_441 = arith.index_cast %get3A_440 : i32 to index
      %get3A_442 = arith.index_cast %mul3A_432 : i32 to index
      %get3A_443 = tpu.vector_load %arg7[%get3A_441, %get3A_442] {strides = array<i32>} : memref<32x1024xf32, #tpu.memory_space<vmem>>, vector<16xf32>,
      %add3A_444 = arith.addf %get3A_435, %get3A_439 : vector<16xf32>
      %add3A_445 = arith.addf %add3A_444, %get3A_443 : vector<16xf32>
      %swap3A = arith.constant 9 : i32
      %swap3A_446 = arith.index_cast %swap3A : i32 to index
      %swap3A_447 = arith.index_cast %mul3A_432 : i32 to index
      %swap3A_448 = tpu.vector_load %arg8[%swap3A_446, %swap3A_447] {strides = array<i32>} : memref<16x1024xf32, #tpu.memory_space<vmem>>, vector<16xf32>,
      tpu.vector_store %arg8[%swap3A_446, %swap3A_447], %add3A_445 {strides = array<i32>} : memref<16x1024xf32, #tpu.memory_space<vmem>>, vector<16xf32>,
    }
    %scan3A_285 = arith.constant 64 : i32
    %scan3A_286 = arith.constant 0 : i32
    %scan3A_287 = arith.constant 0 : i32
    %scan3A_288 = arith.constant 64 : i32
    %scan3A_289 = arith.addi %scan3A_287, %scan3A_288 : i32
    %scan3A_290 = arith.constant 1 : i32
    scf.for %scan3A_430 = %scan3A_287 to %scan3A_289 step %scan3A_290  : i32 {
      %mul3A_431 = arith.constant 16 : i32
      %mul3A_432 = arith.muli %scan3A_430, %mul3A_431 : i32
      %get3A = arith.constant 10 : i32
      %get3A_433 = arith.index_cast %get3A : i32 to index
      %get3A_434 = arith.index_cast %mul3A_432 : i32 to index
      %get3A_435 = tpu.vector_load %arg8[%get3A_433, %get3A_434] {strides = array<i32>} : memref<16x1024xf32, #tpu.memory_space<vmem>>, vector<16xf32>,
      %get3A_436 = arith.constant 20 : i32
      %get3A_437 = arith.index_cast %get3A_436 : i32 to index
      %get3A_438 = arith.index_cast %mul3A_432 : i32 to index
      %get3A_439 = tpu.vector_load %arg7[%get3A_437, %get3A_438] {strides = array<i32>} : memref<32x1024xf32, #tpu.memory_space<vmem>>, vector<16xf32>,
      %get3A_440 = arith.constant 21 : i32
      %get3A_441 = arith.index_cast %get3A_440 : i32 to index
      %get3A_442 = arith.index_cast %mul3A_432 : i32 to index
      %get3A_443 = tpu.vector_load %arg7[%get3A_441, %get3A_442] {strides = array<i32>} : memref<32x1024xf32, #tpu.memory_space<vmem>>, vector<16xf32>,
      %add3A_444 = arith.addf %get3A_435, %get3A_439 : vector<16xf32>
      %add3A_445 = arith.addf %add3A_444, %get3A_443 : vector<16xf32>
      %swap3A = arith.constant 10 : i32
      %swap3A_446 = arith.index_cast %swap3A : i32 to index
      %swap3A_447 = arith.index_cast %mul3A_432 : i32 to index
      %swap3A_448 = tpu.vector_load %arg8[%swap3A_446, %swap3A_447] {strides = array<i32>} : memref<16x1024xf32, #tpu.memory_space<vmem>>, vector<16xf32>,
      tpu.vector_store %arg8[%swap3A_446, %swap3A_447], %add3A_445 {strides = array<i32>} : memref<16x1024xf32, #tpu.memory_space<vmem>>, vector<16xf32>,
    }
    %scan3A_291 = arith.constant 64 : i32
    %scan3A_292 = arith.constant 0 : i32
    %scan3A_293 = arith.constant 0 : i32
    %scan3A_294 = arith.constant 64 : i32
    %scan3A_295 = arith.addi %scan3A_293, %scan3A_294 : i32
    %scan3A_296 = arith.constant 1 : i32
    scf.for %scan3A_430 = %scan3A_293 to %scan3A_295 step %scan3A_296  : i32 {
      %mul3A_431 = arith.constant 16 : i32
      %mul3A_432 = arith.muli %scan3A_430, %mul3A_431 : i32
      %get3A = arith.constant 11 : i32
      %get3A_433 = arith.index_cast %get3A : i32 to index
      %get3A_434 = arith.index_cast %mul3A_432 : i32 to index
      %get3A_435 = tpu.vector_load %arg8[%get3A_433, %get3A_434] {strides = array<i32>} : memref<16x1024xf32, #tpu.memory_space<vmem>>, vector<16xf32>,
      %get3A_436 = arith.constant 22 : i32
      %get3A_437 = arith.index_cast %get3A_436 : i32 to index
      %get3A_438 = arith.index_cast %mul3A_432 : i32 to index
      %get3A_439 = tpu.vector_load %arg7[%get3A_437, %get3A_438] {strides = array<i32>} : memref<32x1024xf32, #tpu.memory_space<vmem>>, vector<16xf32>,
      %get3A_440 = arith.constant 23 : i32
      %get3A_441 = arith.index_cast %get3A_440 : i32 to index
      %get3A_442 = arith.index_cast %mul3A_432 : i32 to index
      %get3A_443 = tpu.vector_load %arg7[%get3A_441, %get3A_442] {strides = array<i32>} : memref<32x1024xf32, #tpu.memory_space<vmem>>, vector<16xf32>,
      %add3A_444 = arith.addf %get3A_435, %get3A_439 : vector<16xf32>
      %add3A_445 = arith.addf %add3A_444, %get3A_443 : vector<16xf32>
      %swap3A = arith.constant 11 : i32
      %swap3A_446 = arith.index_cast %swap3A : i32 to index
      %swap3A_447 = arith.index_cast %mul3A_432 : i32 to index
      %swap3A_448 = tpu.vector_load %arg8[%swap3A_446, %swap3A_447] {strides = array<i32>} : memref<16x1024xf32, #tpu.memory_space<vmem>>, vector<16xf32>,
      tpu.vector_store %arg8[%swap3A_446, %swap3A_447], %add3A_445 {strides = array<i32>} : memref<16x1024xf32, #tpu.memory_space<vmem>>, vector<16xf32>,
    }
    %scan3A_297 = arith.constant 64 : i32
    %scan3A_298 = arith.constant 0 : i32
    %scan3A_299 = arith.constant 0 : i32
    %scan3A_300 = arith.constant 64 : i32
    %scan3A_301 = arith.addi %scan3A_299, %scan3A_300 : i32
    %scan3A_302 = arith.constant 1 : i32
    scf.for %scan3A_430 = %scan3A_299 to %scan3A_301 step %scan3A_302  : i32 {
      %mul3A_431 = arith.constant 16 : i32
      %mul3A_432 = arith.muli %scan3A_430, %mul3A_431 : i32
      %get3A = arith.constant 12 : i32
      %get3A_433 = arith.index_cast %get3A : i32 to index
      %get3A_434 = arith.index_cast %mul3A_432 : i32 to index
      %get3A_435 = tpu.vector_load %arg8[%get3A_433, %get3A_434] {strides = array<i32>} : memref<16x1024xf32, #tpu.memory_space<vmem>>, vector<16xf32>,
      %get3A_436 = arith.constant 24 : i32
      %get3A_437 = arith.index_cast %get3A_436 : i32 to index
      %get3A_438 = arith.index_cast %mul3A_432 : i32 to index
      %get3A_439 = tpu.vector_load %arg7[%get3A_437, %get3A_438] {strides = array<i32>} : memref<32x1024xf32, #tpu.memory_space<vmem>>, vector<16xf32>,
      %get3A_440 = arith.constant 25 : i32
      %get3A_441 = arith.index_cast %get3A_440 : i32 to index
      %get3A_442 = arith.index_cast %mul3A_432 : i32 to index
      %get3A_443 = tpu.vector_load %arg7[%get3A_441, %get3A_442] {strides = array<i32>} : memref<32x1024xf32, #tpu.memory_space<vmem>>, vector<16xf32>,
      %add3A_444 = arith.addf %get3A_435, %get3A_439 : vector<16xf32>
      %add3A_445 = arith.addf %add3A_444, %get3A_443 : vector<16xf32>
      %swap3A = arith.constant 12 : i32
      %swap3A_446 = arith.index_cast %swap3A : i32 to index
      %swap3A_447 = arith.index_cast %mul3A_432 : i32 to index
      %swap3A_448 = tpu.vector_load %arg8[%swap3A_446, %swap3A_447] {strides = array<i32>} : memref<16x1024xf32, #tpu.memory_space<vmem>>, vector<16xf32>,
      tpu.vector_store %arg8[%swap3A_446, %swap3A_447], %add3A_445 {strides = array<i32>} : memref<16x1024xf32, #tpu.memory_space<vmem>>, vector<16xf32>,
    }
    %scan3A_303 = arith.constant 64 : i32
    %scan3A_304 = arith.constant 0 : i32
    %scan3A_305 = arith.constant 0 : i32
    %scan3A_306 = arith.constant 64 : i32
    %scan3A_307 = arith.addi %scan3A_305, %scan3A_306 : i32
    %scan3A_308 = arith.constant 1 : i32
    scf.for %scan3A_430 = %scan3A_305 to %scan3A_307 step %scan3A_308  : i32 {
      %mul3A_431 = arith.constant 16 : i32
      %mul3A_432 = arith.muli %scan3A_430, %mul3A_431 : i32
      %get3A = arith.constant 13 : i32
      %get3A_433 = arith.index_cast %get3A : i32 to index
      %get3A_434 = arith.index_cast %mul3A_432 : i32 to index
      %get3A_435 = tpu.vector_load %arg8[%get3A_433, %get3A_434] {strides = array<i32>} : memref<16x1024xf32, #tpu.memory_space<vmem>>, vector<16xf32>,
      %get3A_436 = arith.constant 26 : i32
      %get3A_437 = arith.index_cast %get3A_436 : i32 to index
      %get3A_438 = arith.index_cast %mul3A_432 : i32 to index
      %get3A_439 = tpu.vector_load %arg7[%get3A_437, %get3A_438] {strides = array<i32>} : memref<32x1024xf32, #tpu.memory_space<vmem>>, vector<16xf32>,
      %get3A_440 = arith.constant 27 : i32
      %get3A_441 = arith.index_cast %get3A_440 : i32 to index
      %get3A_442 = arith.index_cast %mul3A_432 : i32 to index
      %get3A_443 = tpu.vector_load %arg7[%get3A_441, %get3A_442] {strides = array<i32>} : memref<32x1024xf32, #tpu.memory_space<vmem>>, vector<16xf32>,
      %add3A_444 = arith.addf %get3A_435, %get3A_439 : vector<16xf32>
      %add3A_445 = arith.addf %add3A_444, %get3A_443 : vector<16xf32>
      %swap3A = arith.constant 13 : i32
      %swap3A_446 = arith.index_cast %swap3A : i32 to index
      %swap3A_447 = arith.index_cast %mul3A_432 : i32 to index
      %swap3A_448 = tpu.vector_load %arg8[%swap3A_446, %swap3A_447] {strides = array<i32>} : memref<16x1024xf32, #tpu.memory_space<vmem>>, vector<16xf32>,
      tpu.vector_store %arg8[%swap3A_446, %swap3A_447], %add3A_445 {strides = array<i32>} : memref<16x1024xf32, #tpu.memory_space<vmem>>, vector<16xf32>,
    }
    %scan3A_309 = arith.constant 64 : i32
    %scan3A_310 = arith.constant 0 : i32
    %scan3A_311 = arith.constant 0 : i32
    %scan3A_312 = arith.constant 64 : i32
    %scan3A_313 = arith.addi %scan3A_311, %scan3A_312 : i32
    %scan3A_314 = arith.constant 1 : i32
    scf.for %scan3A_430 = %scan3A_311 to %scan3A_313 step %scan3A_314  : i32 {
      %mul3A_431 = arith.constant 16 : i32
      %mul3A_432 = arith.muli %scan3A_430, %mul3A_431 : i32
      %get3A = arith.constant 14 : i32
      %get3A_433 = arith.index_cast %get3A : i32 to index
      %get3A_434 = arith.index_cast %mul3A_432 : i32 to index
      %get3A_435 = tpu.vector_load %arg8[%get3A_433, %get3A_434] {strides = array<i32>} : memref<16x1024xf32, #tpu.memory_space<vmem>>, vector<16xf32>,
      %get3A_436 = arith.constant 28 : i32
      %get3A_437 = arith.index_cast %get3A_436 : i32 to index
      %get3A_438 = arith.index_cast %mul3A_432 : i32 to index
      %get3A_439 = tpu.vector_load %arg7[%get3A_437, %get3A_438] {strides = array<i32>} : memref<32x1024xf32, #tpu.memory_space<vmem>>, vector<16xf32>,
      %get3A_440 = arith.constant 29 : i32
      %get3A_441 = arith.index_cast %get3A_440 : i32 to index
      %get3A_442 = arith.index_cast %mul3A_432 : i32 to index
      %get3A_443 = tpu.vector_load %arg7[%get3A_441, %get3A_442] {strides = array<i32>} : memref<32x1024xf32, #tpu.memory_space<vmem>>, vector<16xf32>,
      %add3A_444 = arith.addf %get3A_435, %get3A_439 : vector<16xf32>
      %add3A_445 = arith.addf %add3A_444, %get3A_443 : vector<16xf32>
      %swap3A = arith.constant 14 : i32
      %swap3A_446 = arith.index_cast %swap3A : i32 to index
      %swap3A_447 = arith.index_cast %mul3A_432 : i32 to index
      %swap3A_448 = tpu.vector_load %arg8[%swap3A_446, %swap3A_447] {strides = array<i32>} : memref<16x1024xf32, #tpu.memory_space<vmem>>, vector<16xf32>,
      tpu.vector_store %arg8[%swap3A_446, %swap3A_447], %add3A_445 {strides = array<i32>} : memref<16x1024xf32, #tpu.memory_space<vmem>>, vector<16xf32>,
    }
    %scan3A_315 = arith.constant 64 : i32
    %scan3A_316 = arith.constant 0 : i32
    %scan3A_317 = arith.constant 0 : i32
    %scan3A_318 = arith.constant 64 : i32
    %scan3A_319 = arith.addi %scan3A_317, %scan3A_318 : i32
    %scan3A_320 = arith.constant 1 : i32
    scf.for %scan3A_430 = %scan3A_317 to %scan3A_319 step %scan3A_320  : i32 {
      %mul3A_431 = arith.constant 16 : i32
      %mul3A_432 = arith.muli %scan3A_430, %mul3A_431 : i32
      %get3A = arith.constant 15 : i32
      %get3A_433 = arith.index_cast %get3A : i32 to index
      %get3A_434 = arith.index_cast %mul3A_432 : i32 to index
      %get3A_435 = tpu.vector_load %arg8[%get3A_433, %get3A_434] {strides = array<i32>} : memref<16x1024xf32, #tpu.memory_space<vmem>>, vector<16xf32>,
      %get3A_436 = arith.constant 30 : i32
      %get3A_437 = arith.index_cast %get3A_436 : i32 to index
      %get3A_438 = arith.index_cast %mul3A_432 : i32 to index
      %get3A_439 = tpu.vector_load %arg7[%get3A_437, %get3A_438] {strides = array<i32>} : memref<32x1024xf32, #tpu.memory_space<vmem>>, vector<16xf32>,
      %get3A_440 = arith.constant 31 : i32
      %get3A_441 = arith.index_cast %get3A_440 : i32 to index
      %get3A_442 = arith.index_cast %mul3A_432 : i32 to index
      %get3A_443 = tpu.vector_load %arg7[%get3A_441, %get3A_442] {strides = array<i32>} : memref<32x1024xf32, #tpu.memory_space<vmem>>, vector<16xf32>,
      %add3A_444 = arith.addf %get3A_435, %get3A_439 : vector<16xf32>
      %add3A_445 = arith.addf %add3A_444, %get3A_443 : vector<16xf32>
      %swap3A = arith.constant 15 : i32
      %swap3A_446 = arith.index_cast %swap3A : i32 to index
      %swap3A_447 = arith.index_cast %mul3A_432 : i32 to index
      %swap3A_448 = tpu.vector_load %arg8[%swap3A_446, %swap3A_447] {strides = array<i32>} : memref<16x1024xf32, #tpu.memory_space<vmem>>, vector<16xf32>,
      tpu.vector_store %arg8[%swap3A_446, %swap3A_447], %add3A_445 {strides = array<i32>} : memref<16x1024xf32, #tpu.memory_space<vmem>>, vector<16xf32>,
    }
    %scan3A_321 = arith.constant 64 : i32
    "tpu.region"() ({
      %run_scoped3A = tpu.sem_alloc : memref<!tpu.dma_semaphore, #tpu.memory_space<semaphore_mem>>
      %dma_start3A_430 = arith.constant 0 : i32
      %dma_start3A_431 = tpu.memref_slice %arg5[%add3A_217, %dma_start3A_430] : memref<2048x1024xf32, #tpu.memory_space<hbm>> -> memref<16x1024xf32, #tpu.memory_space<hbm>>
      %dma_start3A_432 = arith.constant 0 : i32
      %dma_start3A_433 = tpu.memref_slice %arg5[%add3A_217, %dma_start3A_432] : memref<2048x1024xf32, #tpu.memory_space<hbm>> -> memref<16x1024xf32, #tpu.memory_space<hbm>>
      tpu.enqueue_dma source(%arg8 : memref<16x1024xf32, #tpu.memory_space<vmem>>) target(%dma_start3A_433 : memref<16x1024xf32, #tpu.memory_space<hbm>>) target_semaphore(%run_scoped3A : memref<!tpu.dma_semaphore, #tpu.memory_space<semaphore_mem>>)
      %dma_wait3A_434 = arith.constant 0 : i32
      %dma_wait3A_435 = tpu.memref_slice %arg5[%add3A_217, %dma_wait3A_434] : memref<2048x1024xf32, #tpu.memory_space<hbm>> -> memref<16x1024xf32, #tpu.memory_space<hbm>>
      %dma_wait3A_436 = arith.constant 0 : i32
      %dma_wait3A_437 = tpu.memref_slice %arg5[%add3A_217, %dma_wait3A_436] : memref<2048x1024xf32, #tpu.memory_space<hbm>> -> memref<16x1024xf32, #tpu.memory_space<hbm>>
      tpu.wait_dma2 semaphore(%run_scoped3A : memref<!tpu.dma_semaphore, #tpu.memory_space<semaphore_mem>>) src(%arg8 : memref<16x1024xf32, #tpu.memory_space<vmem>>) dst(%dma_wait3A_437 : memref<16x1024xf32, #tpu.memory_space<hbm>>)
      tpu.yield
    }) : () -> ()
    %mul3A_322 = arith.constant 64 : i32
    %mul3A_323 = arith.muli %add3A, %mul3A_322 : i32
    %add3A_324 = arith.constant 48 : i32
    %add3A_325 = arith.addi %mul3A_323, %add3A_324 : i32
    %mul3A_326 = arith.constant 2 : i32
    %mul3A_327 = arith.muli %mul3A_326, %add3A_325 : i32
    "tpu.region"() ({
      %run_scoped3A = tpu.sem_alloc : memref<!tpu.dma_semaphore, #tpu.memory_space<semaphore_mem>>
      %dma_start3A_430 = tpu.memref_slice %arg4[%mul3A_327] : memref<4096xi32, #tpu.memory_space<hbm>> -> memref<32xi32, #tpu.memory_space<hbm>>
      %dma_start3A_431 = tpu.memref_slice %arg4[%mul3A_327] : memref<4096xi32, #tpu.memory_space<hbm>> -> memref<32xi32, #tpu.memory_space<hbm>>
      tpu.enqueue_dma source(%dma_start3A_431 : memref<32xi32, #tpu.memory_space<hbm>>) target(%arg6 : memref<32xi32, #tpu.memory_space<vmem>>) target_semaphore(%run_scoped3A : memref<!tpu.dma_semaphore, #tpu.memory_space<semaphore_mem>>)
      %dma_wait3A_432 = tpu.memref_slice %arg4[%mul3A_327] : memref<4096xi32, #tpu.memory_space<hbm>> -> memref<32xi32, #tpu.memory_space<hbm>>
      %dma_wait3A_433 = tpu.memref_slice %arg4[%mul3A_327] : memref<4096xi32, #tpu.memory_space<hbm>> -> memref<32xi32, #tpu.memory_space<hbm>>
      tpu.wait_dma2 semaphore(%run_scoped3A : memref<!tpu.dma_semaphore, #tpu.memory_space<semaphore_mem>>) src(%dma_wait3A_433 : memref<32xi32, #tpu.memory_space<hbm>>) dst(%arg6 : memref<32xi32, #tpu.memory_space<vmem>>)
      tpu.yield
    }) : () -> ()
    %dma_start3A_328 = arith.constant 0 : i32
    %dma_start3A_329 = arith.constant 0 : i32
    %dma_start3A_330 = tpu.memref_slice %arg3[%dma_start3A_328, %dma_start3A_329] : memref<8192x1024xf32, #tpu.memory_space<hbm>> -> memref<8192x1024xf32, #tpu.memory_space<hbm>>
    tpu.enqueue_indirect_dma source(%dma_start3A_330 : memref<8192x1024xf32, #tpu.memory_space<hbm>>) target(%arg7 : memref<32x1024xf32, #tpu.memory_space<vmem>>) offsets(%arg6 : memref<32xi32, #tpu.memory_space<vmem>>) semaphore(%arg9 : memref<!tpu.dma_semaphore, #tpu.memory_space<semaphore_mem>>)
    %dma_wait3A_331 = arith.constant 0 : i32
    %dma_wait3A_332 = arith.constant 0 : i32
    %dma_wait3A_333 = tpu.memref_slice %arg3[%dma_wait3A_331, %dma_wait3A_332] : memref<8192x1024xf32, #tpu.memory_space<hbm>> -> memref<8192x1024xf32, #tpu.memory_space<hbm>>
    tpu.wait_indirect_dma semaphore(%arg9 : memref<!tpu.dma_semaphore, #tpu.memory_space<semaphore_mem>>) src(%dma_wait3A_333 : memref<8192x1024xf32, #tpu.memory_space<hbm>>) dst(%arg7 : memref<32x1024xf32, #tpu.memory_space<vmem>>)
    "tpu.region"() ({
      %run_scoped3A = tpu.sem_alloc : memref<!tpu.dma_semaphore, #tpu.memory_space<semaphore_mem>>
      %dma_start3A_430 = arith.constant 0 : i32
      %dma_start3A_431 = tpu.memref_slice %arg2[%add3A_325, %dma_start3A_430] : memref<2048x1024xf32, #tpu.memory_space<hbm>> -> memref<16x1024xf32, #tpu.memory_space<hbm>>
      %dma_start3A_432 = arith.constant 0 : i32
      %dma_start3A_433 = tpu.memref_slice %arg2[%add3A_325, %dma_start3A_432] : memref<2048x1024xf32, #tpu.memory_space<hbm>> -> memref<16x1024xf32, #tpu.memory_space<hbm>>
      tpu.enqueue_dma source(%dma_start3A_433 : memref<16x1024xf32, #tpu.memory_space<hbm>>) target(%arg8 : memref<16x1024xf32, #tpu.memory_space<vmem>>) target_semaphore(%run_scoped3A : memref<!tpu.dma_semaphore, #tpu.memory_space<semaphore_mem>>)
      %dma_wait3A_434 = arith.constant 0 : i32
      %dma_wait3A_435 = tpu.memref_slice %arg2[%add3A_325, %dma_wait3A_434] : memref<2048x1024xf32, #tpu.memory_space<hbm>> -> memref<16x1024xf32, #tpu.memory_space<hbm>>
      %dma_wait3A_436 = arith.constant 0 : i32
      %dma_wait3A_437 = tpu.memref_slice %arg2[%add3A_325, %dma_wait3A_436] : memref<2048x1024xf32, #tpu.memory_space<hbm>> -> memref<16x1024xf32, #tpu.memory_space<hbm>>
      tpu.wait_dma2 semaphore(%run_scoped3A : memref<!tpu.dma_semaphore, #tpu.memory_space<semaphore_mem>>) src(%dma_wait3A_437 : memref<16x1024xf32, #tpu.memory_space<hbm>>) dst(%arg8 : memref<16x1024xf32, #tpu.memory_space<vmem>>)
      tpu.yield
    }) : () -> ()
    %scan3A_334 = arith.constant 0 : i32
    %scan3A_335 = arith.constant 0 : i32
    %scan3A_336 = arith.constant 64 : i32
    %scan3A_337 = arith.addi %scan3A_335, %scan3A_336 : i32
    %scan3A_338 = arith.constant 1 : i32
    scf.for %scan3A_430 = %scan3A_335 to %scan3A_337 step %scan3A_338  : i32 {
      %mul3A_431 = arith.constant 16 : i32
      %mul3A_432 = arith.muli %scan3A_430, %mul3A_431 : i32
      %get3A = arith.constant 0 : i32
      %get3A_433 = arith.index_cast %get3A : i32 to index
      %get3A_434 = arith.index_cast %mul3A_432 : i32 to index
      %get3A_435 = tpu.vector_load %arg8[%get3A_433, %get3A_434] {strides = array<i32>} : memref<16x1024xf32, #tpu.memory_space<vmem>>, vector<16xf32>,
      %get3A_436 = arith.constant 0 : i32
      %get3A_437 = arith.index_cast %get3A_436 : i32 to index
      %get3A_438 = arith.index_cast %mul3A_432 : i32 to index
      %get3A_439 = tpu.vector_load %arg7[%get3A_437, %get3A_438] {strides = array<i32>} : memref<32x1024xf32, #tpu.memory_space<vmem>>, vector<16xf32>,
      %get3A_440 = arith.constant 1 : i32
      %get3A_441 = arith.index_cast %get3A_440 : i32 to index
      %get3A_442 = arith.index_cast %mul3A_432 : i32 to index
      %get3A_443 = tpu.vector_load %arg7[%get3A_441, %get3A_442] {strides = array<i32>} : memref<32x1024xf32, #tpu.memory_space<vmem>>, vector<16xf32>,
      %add3A_444 = arith.addf %get3A_435, %get3A_439 : vector<16xf32>
      %add3A_445 = arith.addf %add3A_444, %get3A_443 : vector<16xf32>
      %swap3A = arith.constant 0 : i32
      %swap3A_446 = arith.index_cast %swap3A : i32 to index
      %swap3A_447 = arith.index_cast %mul3A_432 : i32 to index
      %swap3A_448 = tpu.vector_load %arg8[%swap3A_446, %swap3A_447] {strides = array<i32>} : memref<16x1024xf32, #tpu.memory_space<vmem>>, vector<16xf32>,
      tpu.vector_store %arg8[%swap3A_446, %swap3A_447], %add3A_445 {strides = array<i32>} : memref<16x1024xf32, #tpu.memory_space<vmem>>, vector<16xf32>,
    }
    %scan3A_339 = arith.constant 64 : i32
    %scan3A_340 = arith.constant 0 : i32
    %scan3A_341 = arith.constant 0 : i32
    %scan3A_342 = arith.constant 64 : i32
    %scan3A_343 = arith.addi %scan3A_341, %scan3A_342 : i32
    %scan3A_344 = arith.constant 1 : i32
    scf.for %scan3A_430 = %scan3A_341 to %scan3A_343 step %scan3A_344  : i32 {
      %mul3A_431 = arith.constant 16 : i32
      %mul3A_432 = arith.muli %scan3A_430, %mul3A_431 : i32
      %get3A = arith.constant 1 : i32
      %get3A_433 = arith.index_cast %get3A : i32 to index
      %get3A_434 = arith.index_cast %mul3A_432 : i32 to index
      %get3A_435 = tpu.vector_load %arg8[%get3A_433, %get3A_434] {strides = array<i32>} : memref<16x1024xf32, #tpu.memory_space<vmem>>, vector<16xf32>,
      %get3A_436 = arith.constant 2 : i32
      %get3A_437 = arith.index_cast %get3A_436 : i32 to index
      %get3A_438 = arith.index_cast %mul3A_432 : i32 to index
      %get3A_439 = tpu.vector_load %arg7[%get3A_437, %get3A_438] {strides = array<i32>} : memref<32x1024xf32, #tpu.memory_space<vmem>>, vector<16xf32>,
      %get3A_440 = arith.constant 3 : i32
      %get3A_441 = arith.index_cast %get3A_440 : i32 to index
      %get3A_442 = arith.index_cast %mul3A_432 : i32 to index
      %get3A_443 = tpu.vector_load %arg7[%get3A_441, %get3A_442] {strides = array<i32>} : memref<32x1024xf32, #tpu.memory_space<vmem>>, vector<16xf32>,
      %add3A_444 = arith.addf %get3A_435, %get3A_439 : vector<16xf32>
      %add3A_445 = arith.addf %add3A_444, %get3A_443 : vector<16xf32>
      %swap3A = arith.constant 1 : i32
      %swap3A_446 = arith.index_cast %swap3A : i32 to index
      %swap3A_447 = arith.index_cast %mul3A_432 : i32 to index
      %swap3A_448 = tpu.vector_load %arg8[%swap3A_446, %swap3A_447] {strides = array<i32>} : memref<16x1024xf32, #tpu.memory_space<vmem>>, vector<16xf32>,
      tpu.vector_store %arg8[%swap3A_446, %swap3A_447], %add3A_445 {strides = array<i32>} : memref<16x1024xf32, #tpu.memory_space<vmem>>, vector<16xf32>,
    }
    %scan3A_345 = arith.constant 64 : i32
    %scan3A_346 = arith.constant 0 : i32
    %scan3A_347 = arith.constant 0 : i32
    %scan3A_348 = arith.constant 64 : i32
    %scan3A_349 = arith.addi %scan3A_347, %scan3A_348 : i32
    %scan3A_350 = arith.constant 1 : i32
    scf.for %scan3A_430 = %scan3A_347 to %scan3A_349 step %scan3A_350  : i32 {
      %mul3A_431 = arith.constant 16 : i32
      %mul3A_432 = arith.muli %scan3A_430, %mul3A_431 : i32
      %get3A = arith.constant 2 : i32
      %get3A_433 = arith.index_cast %get3A : i32 to index
      %get3A_434 = arith.index_cast %mul3A_432 : i32 to index
      %get3A_435 = tpu.vector_load %arg8[%get3A_433, %get3A_434] {strides = array<i32>} : memref<16x1024xf32, #tpu.memory_space<vmem>>, vector<16xf32>,
      %get3A_436 = arith.constant 4 : i32
      %get3A_437 = arith.index_cast %get3A_436 : i32 to index
      %get3A_438 = arith.index_cast %mul3A_432 : i32 to index
      %get3A_439 = tpu.vector_load %arg7[%get3A_437, %get3A_438] {strides = array<i32>} : memref<32x1024xf32, #tpu.memory_space<vmem>>, vector<16xf32>,
      %get3A_440 = arith.constant 5 : i32
      %get3A_441 = arith.index_cast %get3A_440 : i32 to index
      %get3A_442 = arith.index_cast %mul3A_432 : i32 to index
      %get3A_443 = tpu.vector_load %arg7[%get3A_441, %get3A_442] {strides = array<i32>} : memref<32x1024xf32, #tpu.memory_space<vmem>>, vector<16xf32>,
      %add3A_444 = arith.addf %get3A_435, %get3A_439 : vector<16xf32>
      %add3A_445 = arith.addf %add3A_444, %get3A_443 : vector<16xf32>
      %swap3A = arith.constant 2 : i32
      %swap3A_446 = arith.index_cast %swap3A : i32 to index
      %swap3A_447 = arith.index_cast %mul3A_432 : i32 to index
      %swap3A_448 = tpu.vector_load %arg8[%swap3A_446, %swap3A_447] {strides = array<i32>} : memref<16x1024xf32, #tpu.memory_space<vmem>>, vector<16xf32>,
      tpu.vector_store %arg8[%swap3A_446, %swap3A_447], %add3A_445 {strides = array<i32>} : memref<16x1024xf32, #tpu.memory_space<vmem>>, vector<16xf32>,
    }
    %scan3A_351 = arith.constant 64 : i32
    %scan3A_352 = arith.constant 0 : i32
    %scan3A_353 = arith.constant 0 : i32
    %scan3A_354 = arith.constant 64 : i32
    %scan3A_355 = arith.addi %scan3A_353, %scan3A_354 : i32
    %scan3A_356 = arith.constant 1 : i32
    scf.for %scan3A_430 = %scan3A_353 to %scan3A_355 step %scan3A_356  : i32 {
      %mul3A_431 = arith.constant 16 : i32
      %mul3A_432 = arith.muli %scan3A_430, %mul3A_431 : i32
      %get3A = arith.constant 3 : i32
      %get3A_433 = arith.index_cast %get3A : i32 to index
      %get3A_434 = arith.index_cast %mul3A_432 : i32 to index
      %get3A_435 = tpu.vector_load %arg8[%get3A_433, %get3A_434] {strides = array<i32>} : memref<16x1024xf32, #tpu.memory_space<vmem>>, vector<16xf32>,
      %get3A_436 = arith.constant 6 : i32
      %get3A_437 = arith.index_cast %get3A_436 : i32 to index
      %get3A_438 = arith.index_cast %mul3A_432 : i32 to index
      %get3A_439 = tpu.vector_load %arg7[%get3A_437, %get3A_438] {strides = array<i32>} : memref<32x1024xf32, #tpu.memory_space<vmem>>, vector<16xf32>,
      %get3A_440 = arith.constant 7 : i32
      %get3A_441 = arith.index_cast %get3A_440 : i32 to index
      %get3A_442 = arith.index_cast %mul3A_432 : i32 to index
      %get3A_443 = tpu.vector_load %arg7[%get3A_441, %get3A_442] {strides = array<i32>} : memref<32x1024xf32, #tpu.memory_space<vmem>>, vector<16xf32>,
      %add3A_444 = arith.addf %get3A_435, %get3A_439 : vector<16xf32>
      %add3A_445 = arith.addf %add3A_444, %get3A_443 : vector<16xf32>
      %swap3A = arith.constant 3 : i32
      %swap3A_446 = arith.index_cast %swap3A : i32 to index
      %swap3A_447 = arith.index_cast %mul3A_432 : i32 to index
      %swap3A_448 = tpu.vector_load %arg8[%swap3A_446, %swap3A_447] {strides = array<i32>} : memref<16x1024xf32, #tpu.memory_space<vmem>>, vector<16xf32>,
      tpu.vector_store %arg8[%swap3A_446, %swap3A_447], %add3A_445 {strides = array<i32>} : memref<16x1024xf32, #tpu.memory_space<vmem>>, vector<16xf32>,
    }
    %scan3A_357 = arith.constant 64 : i32
    %scan3A_358 = arith.constant 0 : i32
    %scan3A_359 = arith.constant 0 : i32
    %scan3A_360 = arith.constant 64 : i32
    %scan3A_361 = arith.addi %scan3A_359, %scan3A_360 : i32
    %scan3A_362 = arith.constant 1 : i32
    scf.for %scan3A_430 = %scan3A_359 to %scan3A_361 step %scan3A_362  : i32 {
      %mul3A_431 = arith.constant 16 : i32
      %mul3A_432 = arith.muli %scan3A_430, %mul3A_431 : i32
      %get3A = arith.constant 4 : i32
      %get3A_433 = arith.index_cast %get3A : i32 to index
      %get3A_434 = arith.index_cast %mul3A_432 : i32 to index
      %get3A_435 = tpu.vector_load %arg8[%get3A_433, %get3A_434] {strides = array<i32>} : memref<16x1024xf32, #tpu.memory_space<vmem>>, vector<16xf32>,
      %get3A_436 = arith.constant 8 : i32
      %get3A_437 = arith.index_cast %get3A_436 : i32 to index
      %get3A_438 = arith.index_cast %mul3A_432 : i32 to index
      %get3A_439 = tpu.vector_load %arg7[%get3A_437, %get3A_438] {strides = array<i32>} : memref<32x1024xf32, #tpu.memory_space<vmem>>, vector<16xf32>,
      %get3A_440 = arith.constant 9 : i32
      %get3A_441 = arith.index_cast %get3A_440 : i32 to index
      %get3A_442 = arith.index_cast %mul3A_432 : i32 to index
      %get3A_443 = tpu.vector_load %arg7[%get3A_441, %get3A_442] {strides = array<i32>} : memref<32x1024xf32, #tpu.memory_space<vmem>>, vector<16xf32>,
      %add3A_444 = arith.addf %get3A_435, %get3A_439 : vector<16xf32>
      %add3A_445 = arith.addf %add3A_444, %get3A_443 : vector<16xf32>
      %swap3A = arith.constant 4 : i32
      %swap3A_446 = arith.index_cast %swap3A : i32 to index
      %swap3A_447 = arith.index_cast %mul3A_432 : i32 to index
      %swap3A_448 = tpu.vector_load %arg8[%swap3A_446, %swap3A_447] {strides = array<i32>} : memref<16x1024xf32, #tpu.memory_space<vmem>>, vector<16xf32>,
      tpu.vector_store %arg8[%swap3A_446, %swap3A_447], %add3A_445 {strides = array<i32>} : memref<16x1024xf32, #tpu.memory_space<vmem>>, vector<16xf32>,
    }
    %scan3A_363 = arith.constant 64 : i32
    %scan3A_364 = arith.constant 0 : i32
    %scan3A_365 = arith.constant 0 : i32
    %scan3A_366 = arith.constant 64 : i32
    %scan3A_367 = arith.addi %scan3A_365, %scan3A_366 : i32
    %scan3A_368 = arith.constant 1 : i32
    scf.for %scan3A_430 = %scan3A_365 to %scan3A_367 step %scan3A_368  : i32 {
      %mul3A_431 = arith.constant 16 : i32
      %mul3A_432 = arith.muli %scan3A_430, %mul3A_431 : i32
      %get3A = arith.constant 5 : i32
      %get3A_433 = arith.index_cast %get3A : i32 to index
      %get3A_434 = arith.index_cast %mul3A_432 : i32 to index
      %get3A_435 = tpu.vector_load %arg8[%get3A_433, %get3A_434] {strides = array<i32>} : memref<16x1024xf32, #tpu.memory_space<vmem>>, vector<16xf32>,
      %get3A_436 = arith.constant 10 : i32
      %get3A_437 = arith.index_cast %get3A_436 : i32 to index
      %get3A_438 = arith.index_cast %mul3A_432 : i32 to index
      %get3A_439 = tpu.vector_load %arg7[%get3A_437, %get3A_438] {strides = array<i32>} : memref<32x1024xf32, #tpu.memory_space<vmem>>, vector<16xf32>,
      %get3A_440 = arith.constant 11 : i32
      %get3A_441 = arith.index_cast %get3A_440 : i32 to index
      %get3A_442 = arith.index_cast %mul3A_432 : i32 to index
      %get3A_443 = tpu.vector_load %arg7[%get3A_441, %get3A_442] {strides = array<i32>} : memref<32x1024xf32, #tpu.memory_space<vmem>>, vector<16xf32>,
      %add3A_444 = arith.addf %get3A_435, %get3A_439 : vector<16xf32>
      %add3A_445 = arith.addf %add3A_444, %get3A_443 : vector<16xf32>
      %swap3A = arith.constant 5 : i32
      %swap3A_446 = arith.index_cast %swap3A : i32 to index
      %swap3A_447 = arith.index_cast %mul3A_432 : i32 to index
      %swap3A_448 = tpu.vector_load %arg8[%swap3A_446, %swap3A_447] {strides = array<i32>} : memref<16x1024xf32, #tpu.memory_space<vmem>>, vector<16xf32>,
      tpu.vector_store %arg8[%swap3A_446, %swap3A_447], %add3A_445 {strides = array<i32>} : memref<16x1024xf32, #tpu.memory_space<vmem>>, vector<16xf32>,
    }
    %scan3A_369 = arith.constant 64 : i32
    %scan3A_370 = arith.constant 0 : i32
    %scan3A_371 = arith.constant 0 : i32
    %scan3A_372 = arith.constant 64 : i32
    %scan3A_373 = arith.addi %scan3A_371, %scan3A_372 : i32
    %scan3A_374 = arith.constant 1 : i32
    scf.for %scan3A_430 = %scan3A_371 to %scan3A_373 step %scan3A_374  : i32 {
      %mul3A_431 = arith.constant 16 : i32
      %mul3A_432 = arith.muli %scan3A_430, %mul3A_431 : i32
      %get3A = arith.constant 6 : i32
      %get3A_433 = arith.index_cast %get3A : i32 to index
      %get3A_434 = arith.index_cast %mul3A_432 : i32 to index
      %get3A_435 = tpu.vector_load %arg8[%get3A_433, %get3A_434] {strides = array<i32>} : memref<16x1024xf32, #tpu.memory_space<vmem>>, vector<16xf32>,
      %get3A_436 = arith.constant 12 : i32
      %get3A_437 = arith.index_cast %get3A_436 : i32 to index
      %get3A_438 = arith.index_cast %mul3A_432 : i32 to index
      %get3A_439 = tpu.vector_load %arg7[%get3A_437, %get3A_438] {strides = array<i32>} : memref<32x1024xf32, #tpu.memory_space<vmem>>, vector<16xf32>,
      %get3A_440 = arith.constant 13 : i32
      %get3A_441 = arith.index_cast %get3A_440 : i32 to index
      %get3A_442 = arith.index_cast %mul3A_432 : i32 to index
      %get3A_443 = tpu.vector_load %arg7[%get3A_441, %get3A_442] {strides = array<i32>} : memref<32x1024xf32, #tpu.memory_space<vmem>>, vector<16xf32>,
      %add3A_444 = arith.addf %get3A_435, %get3A_439 : vector<16xf32>
      %add3A_445 = arith.addf %add3A_444, %get3A_443 : vector<16xf32>
      %swap3A = arith.constant 6 : i32
      %swap3A_446 = arith.index_cast %swap3A : i32 to index
      %swap3A_447 = arith.index_cast %mul3A_432 : i32 to index
      %swap3A_448 = tpu.vector_load %arg8[%swap3A_446, %swap3A_447] {strides = array<i32>} : memref<16x1024xf32, #tpu.memory_space<vmem>>, vector<16xf32>,
      tpu.vector_store %arg8[%swap3A_446, %swap3A_447], %add3A_445 {strides = array<i32>} : memref<16x1024xf32, #tpu.memory_space<vmem>>, vector<16xf32>,
    }
    %scan3A_375 = arith.constant 64 : i32
    %scan3A_376 = arith.constant 0 : i32
    %scan3A_377 = arith.constant 0 : i32
    %scan3A_378 = arith.constant 64 : i32
    %scan3A_379 = arith.addi %scan3A_377, %scan3A_378 : i32
    %scan3A_380 = arith.constant 1 : i32
    scf.for %scan3A_430 = %scan3A_377 to %scan3A_379 step %scan3A_380  : i32 {
      %mul3A_431 = arith.constant 16 : i32
      %mul3A_432 = arith.muli %scan3A_430, %mul3A_431 : i32
      %get3A = arith.constant 7 : i32
      %get3A_433 = arith.index_cast %get3A : i32 to index
      %get3A_434 = arith.index_cast %mul3A_432 : i32 to index
      %get3A_435 = tpu.vector_load %arg8[%get3A_433, %get3A_434] {strides = array<i32>} : memref<16x1024xf32, #tpu.memory_space<vmem>>, vector<16xf32>,
      %get3A_436 = arith.constant 14 : i32
      %get3A_437 = arith.index_cast %get3A_436 : i32 to index
      %get3A_438 = arith.index_cast %mul3A_432 : i32 to index
      %get3A_439 = tpu.vector_load %arg7[%get3A_437, %get3A_438] {strides = array<i32>} : memref<32x1024xf32, #tpu.memory_space<vmem>>, vector<16xf32>,
      %get3A_440 = arith.constant 15 : i32
      %get3A_441 = arith.index_cast %get3A_440 : i32 to index
      %get3A_442 = arith.index_cast %mul3A_432 : i32 to index
      %get3A_443 = tpu.vector_load %arg7[%get3A_441, %get3A_442] {strides = array<i32>} : memref<32x1024xf32, #tpu.memory_space<vmem>>, vector<16xf32>,
      %add3A_444 = arith.addf %get3A_435, %get3A_439 : vector<16xf32>
      %add3A_445 = arith.addf %add3A_444, %get3A_443 : vector<16xf32>
      %swap3A = arith.constant 7 : i32
      %swap3A_446 = arith.index_cast %swap3A : i32 to index
      %swap3A_447 = arith.index_cast %mul3A_432 : i32 to index
      %swap3A_448 = tpu.vector_load %arg8[%swap3A_446, %swap3A_447] {strides = array<i32>} : memref<16x1024xf32, #tpu.memory_space<vmem>>, vector<16xf32>,
      tpu.vector_store %arg8[%swap3A_446, %swap3A_447], %add3A_445 {strides = array<i32>} : memref<16x1024xf32, #tpu.memory_space<vmem>>, vector<16xf32>,
    }
    %scan3A_381 = arith.constant 64 : i32
    %scan3A_382 = arith.constant 0 : i32
    %scan3A_383 = arith.constant 0 : i32
    %scan3A_384 = arith.constant 64 : i32
    %scan3A_385 = arith.addi %scan3A_383, %scan3A_384 : i32
    %scan3A_386 = arith.constant 1 : i32
    scf.for %scan3A_430 = %scan3A_383 to %scan3A_385 step %scan3A_386  : i32 {
      %mul3A_431 = arith.constant 16 : i32
      %mul3A_432 = arith.muli %scan3A_430, %mul3A_431 : i32
      %get3A = arith.constant 8 : i32
      %get3A_433 = arith.index_cast %get3A : i32 to index
      %get3A_434 = arith.index_cast %mul3A_432 : i32 to index
      %get3A_435 = tpu.vector_load %arg8[%get3A_433, %get3A_434] {strides = array<i32>} : memref<16x1024xf32, #tpu.memory_space<vmem>>, vector<16xf32>,
      %get3A_436 = arith.constant 16 : i32
      %get3A_437 = arith.index_cast %get3A_436 : i32 to index
      %get3A_438 = arith.index_cast %mul3A_432 : i32 to index
      %get3A_439 = tpu.vector_load %arg7[%get3A_437, %get3A_438] {strides = array<i32>} : memref<32x1024xf32, #tpu.memory_space<vmem>>, vector<16xf32>,
      %get3A_440 = arith.constant 17 : i32
      %get3A_441 = arith.index_cast %get3A_440 : i32 to index
      %get3A_442 = arith.index_cast %mul3A_432 : i32 to index
      %get3A_443 = tpu.vector_load %arg7[%get3A_441, %get3A_442] {strides = array<i32>} : memref<32x1024xf32, #tpu.memory_space<vmem>>, vector<16xf32>,
      %add3A_444 = arith.addf %get3A_435, %get3A_439 : vector<16xf32>
      %add3A_445 = arith.addf %add3A_444, %get3A_443 : vector<16xf32>
      %swap3A = arith.constant 8 : i32
      %swap3A_446 = arith.index_cast %swap3A : i32 to index
      %swap3A_447 = arith.index_cast %mul3A_432 : i32 to index
      %swap3A_448 = tpu.vector_load %arg8[%swap3A_446, %swap3A_447] {strides = array<i32>} : memref<16x1024xf32, #tpu.memory_space<vmem>>, vector<16xf32>,
      tpu.vector_store %arg8[%swap3A_446, %swap3A_447], %add3A_445 {strides = array<i32>} : memref<16x1024xf32, #tpu.memory_space<vmem>>, vector<16xf32>,
    }
    %scan3A_387 = arith.constant 64 : i32
    %scan3A_388 = arith.constant 0 : i32
    %scan3A_389 = arith.constant 0 : i32
    %scan3A_390 = arith.constant 64 : i32
    %scan3A_391 = arith.addi %scan3A_389, %scan3A_390 : i32
    %scan3A_392 = arith.constant 1 : i32
    scf.for %scan3A_430 = %scan3A_389 to %scan3A_391 step %scan3A_392  : i32 {
      %mul3A_431 = arith.constant 16 : i32
      %mul3A_432 = arith.muli %scan3A_430, %mul3A_431 : i32
      %get3A = arith.constant 9 : i32
      %get3A_433 = arith.index_cast %get3A : i32 to index
      %get3A_434 = arith.index_cast %mul3A_432 : i32 to index
      %get3A_435 = tpu.vector_load %arg8[%get3A_433, %get3A_434] {strides = array<i32>} : memref<16x1024xf32, #tpu.memory_space<vmem>>, vector<16xf32>,
      %get3A_436 = arith.constant 18 : i32
      %get3A_437 = arith.index_cast %get3A_436 : i32 to index
      %get3A_438 = arith.index_cast %mul3A_432 : i32 to index
      %get3A_439 = tpu.vector_load %arg7[%get3A_437, %get3A_438] {strides = array<i32>} : memref<32x1024xf32, #tpu.memory_space<vmem>>, vector<16xf32>,
      %get3A_440 = arith.constant 19 : i32
      %get3A_441 = arith.index_cast %get3A_440 : i32 to index
      %get3A_442 = arith.index_cast %mul3A_432 : i32 to index
      %get3A_443 = tpu.vector_load %arg7[%get3A_441, %get3A_442] {strides = array<i32>} : memref<32x1024xf32, #tpu.memory_space<vmem>>, vector<16xf32>,
      %add3A_444 = arith.addf %get3A_435, %get3A_439 : vector<16xf32>
      %add3A_445 = arith.addf %add3A_444, %get3A_443 : vector<16xf32>
      %swap3A = arith.constant 9 : i32
      %swap3A_446 = arith.index_cast %swap3A : i32 to index
      %swap3A_447 = arith.index_cast %mul3A_432 : i32 to index
      %swap3A_448 = tpu.vector_load %arg8[%swap3A_446, %swap3A_447] {strides = array<i32>} : memref<16x1024xf32, #tpu.memory_space<vmem>>, vector<16xf32>,
      tpu.vector_store %arg8[%swap3A_446, %swap3A_447], %add3A_445 {strides = array<i32>} : memref<16x1024xf32, #tpu.memory_space<vmem>>, vector<16xf32>,
    }
    %scan3A_393 = arith.constant 64 : i32
    %scan3A_394 = arith.constant 0 : i32
    %scan3A_395 = arith.constant 0 : i32
    %scan3A_396 = arith.constant 64 : i32
    %scan3A_397 = arith.addi %scan3A_395, %scan3A_396 : i32
    %scan3A_398 = arith.constant 1 : i32
    scf.for %scan3A_430 = %scan3A_395 to %scan3A_397 step %scan3A_398  : i32 {
      %mul3A_431 = arith.constant 16 : i32
      %mul3A_432 = arith.muli %scan3A_430, %mul3A_431 : i32
      %get3A = arith.constant 10 : i32
      %get3A_433 = arith.index_cast %get3A : i32 to index
      %get3A_434 = arith.index_cast %mul3A_432 : i32 to index
      %get3A_435 = tpu.vector_load %arg8[%get3A_433, %get3A_434] {strides = array<i32>} : memref<16x1024xf32, #tpu.memory_space<vmem>>, vector<16xf32>,
      %get3A_436 = arith.constant 20 : i32
      %get3A_437 = arith.index_cast %get3A_436 : i32 to index
      %get3A_438 = arith.index_cast %mul3A_432 : i32 to index
      %get3A_439 = tpu.vector_load %arg7[%get3A_437, %get3A_438] {strides = array<i32>} : memref<32x1024xf32, #tpu.memory_space<vmem>>, vector<16xf32>,
      %get3A_440 = arith.constant 21 : i32
      %get3A_441 = arith.index_cast %get3A_440 : i32 to index
      %get3A_442 = arith.index_cast %mul3A_432 : i32 to index
      %get3A_443 = tpu.vector_load %arg7[%get3A_441, %get3A_442] {strides = array<i32>} : memref<32x1024xf32, #tpu.memory_space<vmem>>, vector<16xf32>,
      %add3A_444 = arith.addf %get3A_435, %get3A_439 : vector<16xf32>
      %add3A_445 = arith.addf %add3A_444, %get3A_443 : vector<16xf32>
      %swap3A = arith.constant 10 : i32
      %swap3A_446 = arith.index_cast %swap3A : i32 to index
      %swap3A_447 = arith.index_cast %mul3A_432 : i32 to index
      %swap3A_448 = tpu.vector_load %arg8[%swap3A_446, %swap3A_447] {strides = array<i32>} : memref<16x1024xf32, #tpu.memory_space<vmem>>, vector<16xf32>,
      tpu.vector_store %arg8[%swap3A_446, %swap3A_447], %add3A_445 {strides = array<i32>} : memref<16x1024xf32, #tpu.memory_space<vmem>>, vector<16xf32>,
    }
    %scan3A_399 = arith.constant 64 : i32
    %scan3A_400 = arith.constant 0 : i32
    %scan3A_401 = arith.constant 0 : i32
    %scan3A_402 = arith.constant 64 : i32
    %scan3A_403 = arith.addi %scan3A_401, %scan3A_402 : i32
    %scan3A_404 = arith.constant 1 : i32
    scf.for %scan3A_430 = %scan3A_401 to %scan3A_403 step %scan3A_404  : i32 {
      %mul3A_431 = arith.constant 16 : i32
      %mul3A_432 = arith.muli %scan3A_430, %mul3A_431 : i32
      %get3A = arith.constant 11 : i32
      %get3A_433 = arith.index_cast %get3A : i32 to index
      %get3A_434 = arith.index_cast %mul3A_432 : i32 to index
      %get3A_435 = tpu.vector_load %arg8[%get3A_433, %get3A_434] {strides = array<i32>} : memref<16x1024xf32, #tpu.memory_space<vmem>>, vector<16xf32>,
      %get3A_436 = arith.constant 22 : i32
      %get3A_437 = arith.index_cast %get3A_436 : i32 to index
      %get3A_438 = arith.index_cast %mul3A_432 : i32 to index
      %get3A_439 = tpu.vector_load %arg7[%get3A_437, %get3A_438] {strides = array<i32>} : memref<32x1024xf32, #tpu.memory_space<vmem>>, vector<16xf32>,
      %get3A_440 = arith.constant 23 : i32
      %get3A_441 = arith.index_cast %get3A_440 : i32 to index
      %get3A_442 = arith.index_cast %mul3A_432 : i32 to index
      %get3A_443 = tpu.vector_load %arg7[%get3A_441, %get3A_442] {strides = array<i32>} : memref<32x1024xf32, #tpu.memory_space<vmem>>, vector<16xf32>,
      %add3A_444 = arith.addf %get3A_435, %get3A_439 : vector<16xf32>
      %add3A_445 = arith.addf %add3A_444, %get3A_443 : vector<16xf32>
      %swap3A = arith.constant 11 : i32
      %swap3A_446 = arith.index_cast %swap3A : i32 to index
      %swap3A_447 = arith.index_cast %mul3A_432 : i32 to index
      %swap3A_448 = tpu.vector_load %arg8[%swap3A_446, %swap3A_447] {strides = array<i32>} : memref<16x1024xf32, #tpu.memory_space<vmem>>, vector<16xf32>,
      tpu.vector_store %arg8[%swap3A_446, %swap3A_447], %add3A_445 {strides = array<i32>} : memref<16x1024xf32, #tpu.memory_space<vmem>>, vector<16xf32>,
    }
    %scan3A_405 = arith.constant 64 : i32
    %scan3A_406 = arith.constant 0 : i32
    %scan3A_407 = arith.constant 0 : i32
    %scan3A_408 = arith.constant 64 : i32
    %scan3A_409 = arith.addi %scan3A_407, %scan3A_408 : i32
    %scan3A_410 = arith.constant 1 : i32
    scf.for %scan3A_430 = %scan3A_407 to %scan3A_409 step %scan3A_410  : i32 {
      %mul3A_431 = arith.constant 16 : i32
      %mul3A_432 = arith.muli %scan3A_430, %mul3A_431 : i32
      %get3A = arith.constant 12 : i32
      %get3A_433 = arith.index_cast %get3A : i32 to index
      %get3A_434 = arith.index_cast %mul3A_432 : i32 to index
      %get3A_435 = tpu.vector_load %arg8[%get3A_433, %get3A_434] {strides = array<i32>} : memref<16x1024xf32, #tpu.memory_space<vmem>>, vector<16xf32>,
      %get3A_436 = arith.constant 24 : i32
      %get3A_437 = arith.index_cast %get3A_436 : i32 to index
      %get3A_438 = arith.index_cast %mul3A_432 : i32 to index
      %get3A_439 = tpu.vector_load %arg7[%get3A_437, %get3A_438] {strides = array<i32>} : memref<32x1024xf32, #tpu.memory_space<vmem>>, vector<16xf32>,
      %get3A_440 = arith.constant 25 : i32
      %get3A_441 = arith.index_cast %get3A_440 : i32 to index
      %get3A_442 = arith.index_cast %mul3A_432 : i32 to index
      %get3A_443 = tpu.vector_load %arg7[%get3A_441, %get3A_442] {strides = array<i32>} : memref<32x1024xf32, #tpu.memory_space<vmem>>, vector<16xf32>,
      %add3A_444 = arith.addf %get3A_435, %get3A_439 : vector<16xf32>
      %add3A_445 = arith.addf %add3A_444, %get3A_443 : vector<16xf32>
      %swap3A = arith.constant 12 : i32
      %swap3A_446 = arith.index_cast %swap3A : i32 to index
      %swap3A_447 = arith.index_cast %mul3A_432 : i32 to index
      %swap3A_448 = tpu.vector_load %arg8[%swap3A_446, %swap3A_447] {strides = array<i32>} : memref<16x1024xf32, #tpu.memory_space<vmem>>, vector<16xf32>,
      tpu.vector_store %arg8[%swap3A_446, %swap3A_447], %add3A_445 {strides = array<i32>} : memref<16x1024xf32, #tpu.memory_space<vmem>>, vector<16xf32>,
    }
    %scan3A_411 = arith.constant 64 : i32
    %scan3A_412 = arith.constant 0 : i32
    %scan3A_413 = arith.constant 0 : i32
    %scan3A_414 = arith.constant 64 : i32
    %scan3A_415 = arith.addi %scan3A_413, %scan3A_414 : i32
    %scan3A_416 = arith.constant 1 : i32
    scf.for %scan3A_430 = %scan3A_413 to %scan3A_415 step %scan3A_416  : i32 {
      %mul3A_431 = arith.constant 16 : i32
      %mul3A_432 = arith.muli %scan3A_430, %mul3A_431 : i32
      %get3A = arith.constant 13 : i32
      %get3A_433 = arith.index_cast %get3A : i32 to index
      %get3A_434 = arith.index_cast %mul3A_432 : i32 to index
      %get3A_435 = tpu.vector_load %arg8[%get3A_433, %get3A_434] {strides = array<i32>} : memref<16x1024xf32, #tpu.memory_space<vmem>>, vector<16xf32>,
      %get3A_436 = arith.constant 26 : i32
      %get3A_437 = arith.index_cast %get3A_436 : i32 to index
      %get3A_438 = arith.index_cast %mul3A_432 : i32 to index
      %get3A_439 = tpu.vector_load %arg7[%get3A_437, %get3A_438] {strides = array<i32>} : memref<32x1024xf32, #tpu.memory_space<vmem>>, vector<16xf32>,
      %get3A_440 = arith.constant 27 : i32
      %get3A_441 = arith.index_cast %get3A_440 : i32 to index
      %get3A_442 = arith.index_cast %mul3A_432 : i32 to index
      %get3A_443 = tpu.vector_load %arg7[%get3A_441, %get3A_442] {strides = array<i32>} : memref<32x1024xf32, #tpu.memory_space<vmem>>, vector<16xf32>,
      %add3A_444 = arith.addf %get3A_435, %get3A_439 : vector<16xf32>
      %add3A_445 = arith.addf %add3A_444, %get3A_443 : vector<16xf32>
      %swap3A = arith.constant 13 : i32
      %swap3A_446 = arith.index_cast %swap3A : i32 to index
      %swap3A_447 = arith.index_cast %mul3A_432 : i32 to index
      %swap3A_448 = tpu.vector_load %arg8[%swap3A_446, %swap3A_447] {strides = array<i32>} : memref<16x1024xf32, #tpu.memory_space<vmem>>, vector<16xf32>,
      tpu.vector_store %arg8[%swap3A_446, %swap3A_447], %add3A_445 {strides = array<i32>} : memref<16x1024xf32, #tpu.memory_space<vmem>>, vector<16xf32>,
    }
    %scan3A_417 = arith.constant 64 : i32
    %scan3A_418 = arith.constant 0 : i32
    %scan3A_419 = arith.constant 0 : i32
    %scan3A_420 = arith.constant 64 : i32
    %scan3A_421 = arith.addi %scan3A_419, %scan3A_420 : i32
    %scan3A_422 = arith.constant 1 : i32
    scf.for %scan3A_430 = %scan3A_419 to %scan3A_421 step %scan3A_422  : i32 {
      %mul3A_431 = arith.constant 16 : i32
      %mul3A_432 = arith.muli %scan3A_430, %mul3A_431 : i32
      %get3A = arith.constant 14 : i32
      %get3A_433 = arith.index_cast %get3A : i32 to index
      %get3A_434 = arith.index_cast %mul3A_432 : i32 to index
      %get3A_435 = tpu.vector_load %arg8[%get3A_433, %get3A_434] {strides = array<i32>} : memref<16x1024xf32, #tpu.memory_space<vmem>>, vector<16xf32>,
      %get3A_436 = arith.constant 28 : i32
      %get3A_437 = arith.index_cast %get3A_436 : i32 to index
      %get3A_438 = arith.index_cast %mul3A_432 : i32 to index
      %get3A_439 = tpu.vector_load %arg7[%get3A_437, %get3A_438] {strides = array<i32>} : memref<32x1024xf32, #tpu.memory_space<vmem>>, vector<16xf32>,
      %get3A_440 = arith.constant 29 : i32
      %get3A_441 = arith.index_cast %get3A_440 : i32 to index
      %get3A_442 = arith.index_cast %mul3A_432 : i32 to index
      %get3A_443 = tpu.vector_load %arg7[%get3A_441, %get3A_442] {strides = array<i32>} : memref<32x1024xf32, #tpu.memory_space<vmem>>, vector<16xf32>,
      %add3A_444 = arith.addf %get3A_435, %get3A_439 : vector<16xf32>
      %add3A_445 = arith.addf %add3A_444, %get3A_443 : vector<16xf32>
      %swap3A = arith.constant 14 : i32
      %swap3A_446 = arith.index_cast %swap3A : i32 to index
      %swap3A_447 = arith.index_cast %mul3A_432 : i32 to index
      %swap3A_448 = tpu.vector_load %arg8[%swap3A_446, %swap3A_447] {strides = array<i32>} : memref<16x1024xf32, #tpu.memory_space<vmem>>, vector<16xf32>,
      tpu.vector_store %arg8[%swap3A_446, %swap3A_447], %add3A_445 {strides = array<i32>} : memref<16x1024xf32, #tpu.memory_space<vmem>>, vector<16xf32>,
    }
    %scan3A_423 = arith.constant 64 : i32
    %scan3A_424 = arith.constant 0 : i32
    %scan3A_425 = arith.constant 0 : i32
    %scan3A_426 = arith.constant 64 : i32
    %scan3A_427 = arith.addi %scan3A_425, %scan3A_426 : i32
    %scan3A_428 = arith.constant 1 : i32
    scf.for %scan3A_430 = %scan3A_425 to %scan3A_427 step %scan3A_428  : i32 {
      %mul3A_431 = arith.constant 16 : i32
      %mul3A_432 = arith.muli %scan3A_430, %mul3A_431 : i32
      %get3A = arith.constant 15 : i32
      %get3A_433 = arith.index_cast %get3A : i32 to index
      %get3A_434 = arith.index_cast %mul3A_432 : i32 to index
      %get3A_435 = tpu.vector_load %arg8[%get3A_433, %get3A_434] {strides = array<i32>} : memref<16x1024xf32, #tpu.memory_space<vmem>>, vector<16xf32>,
      %get3A_436 = arith.constant 30 : i32
      %get3A_437 = arith.index_cast %get3A_436 : i32 to index
      %get3A_438 = arith.index_cast %mul3A_432 : i32 to index
      %get3A_439 = tpu.vector_load %arg7[%get3A_437, %get3A_438] {strides = array<i32>} : memref<32x1024xf32, #tpu.memory_space<vmem>>, vector<16xf32>,
      %get3A_440 = arith.constant 31 : i32
      %get3A_441 = arith.index_cast %get3A_440 : i32 to index
      %get3A_442 = arith.index_cast %mul3A_432 : i32 to index
      %get3A_443 = tpu.vector_load %arg7[%get3A_441, %get3A_442] {strides = array<i32>} : memref<32x1024xf32, #tpu.memory_space<vmem>>, vector<16xf32>,
      %add3A_444 = arith.addf %get3A_435, %get3A_439 : vector<16xf32>
      %add3A_445 = arith.addf %add3A_444, %get3A_443 : vector<16xf32>
      %swap3A = arith.constant 15 : i32
      %swap3A_446 = arith.index_cast %swap3A : i32 to index
      %swap3A_447 = arith.index_cast %mul3A_432 : i32 to index
      %swap3A_448 = tpu.vector_load %arg8[%swap3A_446, %swap3A_447] {strides = array<i32>} : memref<16x1024xf32, #tpu.memory_space<vmem>>, vector<16xf32>,
      tpu.vector_store %arg8[%swap3A_446, %swap3A_447], %add3A_445 {strides = array<i32>} : memref<16x1024xf32, #tpu.memory_space<vmem>>, vector<16xf32>,
    }
    %scan3A_429 = arith.constant 64 : i32
    "tpu.region"() ({
      %run_scoped3A = tpu.sem_alloc : memref<!tpu.dma_semaphore, #tpu.memory_space<semaphore_mem>>
      %dma_start3A_430 = arith.constant 0 : i32
      %dma_start3A_431 = tpu.memref_slice %arg5[%add3A_325, %dma_start3A_430] : memref<2048x1024xf32, #tpu.memory_space<hbm>> -> memref<16x1024xf32, #tpu.memory_space<hbm>>
      %dma_start3A_432 = arith.constant 0 : i32
      %dma_start3A_433 = tpu.memref_slice %arg5[%add3A_325, %dma_start3A_432] : memref<2048x1024xf32, #tpu.memory_space<hbm>> -> memref<16x1024xf32, #tpu.memory_space<hbm>>
      tpu.enqueue_dma source(%arg8 : memref<16x1024xf32, #tpu.memory_space<vmem>>) target(%dma_start3A_433 : memref<16x1024xf32, #tpu.memory_space<hbm>>) target_semaphore(%run_scoped3A : memref<!tpu.dma_semaphore, #tpu.memory_space<semaphore_mem>>)
      %dma_wait3A_434 = arith.constant 0 : i32
      %dma_wait3A_435 = tpu.memref_slice %arg5[%add3A_325, %dma_wait3A_434] : memref<2048x1024xf32, #tpu.memory_space<hbm>> -> memref<16x1024xf32, #tpu.memory_space<hbm>>
      %dma_wait3A_436 = arith.constant 0 : i32
      %dma_wait3A_437 = tpu.memref_slice %arg5[%add3A_325, %dma_wait3A_436] : memref<2048x1024xf32, #tpu.memory_space<hbm>> -> memref<16x1024xf32, #tpu.memory_space<hbm>>
      tpu.wait_dma2 semaphore(%run_scoped3A : memref<!tpu.dma_semaphore, #tpu.memory_space<semaphore_mem>>) src(%arg8 : memref<16x1024xf32, #tpu.memory_space<vmem>>) dst(%dma_wait3A_437 : memref<16x1024xf32, #tpu.memory_space<hbm>>)
      tpu.yield
    }) : () -> ()
    return
  }
}

module attributes {stable_mosaic.version = 14 : i64} {
  func.func @_router_shared_step(%arg0: i32, %arg1: memref<2048x1024xf32, #tpu.memory_space<vmem>>, %arg2: memref<1024x64xf32, #tpu.memory_space<vmem>>, %arg3: memref<1024x512xf32, #tpu.memory_space<vmem>>, %arg4: memref<1024x512xf32, #tpu.memory_space<vmem>>, %arg5: memref<512x1024xf32, #tpu.memory_space<vmem>>, %arg6: memref<1024x1xf32, #tpu.memory_space<vmem>>, %arg7: memref<2048x1024xf32, #tpu.memory_space<vmem>>, %arg8: memref<2048x1024xbf16, #tpu.memory_space<vmem>>, %arg9: memref<2048x2xi32, #tpu.memory_space<vmem>>, %arg10: memref<2048x2xf32, #tpu.memory_space<vmem>>) attributes {dimension_semantics = [#tpu.dimension_semantics<arbitrary>], iteration_bounds = array<i64: 1>, scalar_prefetch = 0 : i64, scratch_operands = 0 : i64, tpu.core_type = #tpu.core_type<tc>, window_params = [{pipeline_mode = #tpu.pipeline_mode<synchronous>, transform_indices = @transform_0, window_bounds = array<i64: 2048, 1024>}, {pipeline_mode = #tpu.pipeline_mode<synchronous>, transform_indices = @transform_1, window_bounds = array<i64: 1024, 64>}, {pipeline_mode = #tpu.pipeline_mode<synchronous>, transform_indices = @transform_2, window_bounds = array<i64: 1024, 512>}, {pipeline_mode = #tpu.pipeline_mode<synchronous>, transform_indices = @transform_3, window_bounds = array<i64: 1024, 512>}, {pipeline_mode = #tpu.pipeline_mode<synchronous>, transform_indices = @transform_4, window_bounds = array<i64: 512, 1024>}, {pipeline_mode = #tpu.pipeline_mode<synchronous>, transform_indices = @transform_5, window_bounds = array<i64: 1024, 1>}, {pipeline_mode = #tpu.pipeline_mode<synchronous>, transform_indices = @transform_6, window_bounds = array<i64: 2048, 1024>}, {pipeline_mode = #tpu.pipeline_mode<synchronous>, transform_indices = @transform_7, window_bounds = array<i64: 2048, 1024>}, {pipeline_mode = #tpu.pipeline_mode<synchronous>, transform_indices = @transform_8, window_bounds = array<i64: 2048, 2>}, {pipeline_mode = #tpu.pipeline_mode<synchronous>, transform_indices = @transform_9, window_bounds = array<i64: 2048, 2>}]} {
    %get3A = arith.constant 0 : index
    %get3A_0 = arith.constant 0 : index
    %get3A_1 = vector.load %arg1[%get3A, %get3A_0] : memref<2048x1024xf32, #tpu.memory_space<vmem>>, vector<512x1024xf32>
    %convert_element_type3A = arith.truncf %get3A_1 : vector<512x1024xf32> to vector<512x1024xbf16>
    %swap3A = arith.constant 0 : index
    %swap3A_2 = arith.constant 0 : index
    %swap3A_3 = vector.load %arg8[%swap3A, %swap3A_2] : memref<2048x1024xbf16, #tpu.memory_space<vmem>>, vector<512x1024xbf16>
    tpu.vector_store %arg8[%swap3A, %swap3A_2], %convert_element_type3A {strides = array<i32>} : memref<2048x1024xbf16, #tpu.memory_space<vmem>>, vector<512x1024xbf16>,
    %get3A_4 = arith.constant 0 : index
    %get3A_5 = arith.constant 0 : index
    %get3A_6 = vector.load %arg2[%get3A_4, %get3A_5] : memref<1024x64xf32, #tpu.memory_space<vmem>>, vector<1024x64xf32>
    %dot_general3A = arith.constant dense<0.000000e+00> : vector<512x64xf32>
    %dot_general3A_7 = tpu.matmul %get3A_1, %get3A_6, %dot_general3A {dimension_numbers = #tpu.dot_dimension_numbers<[1], [0], [0], [1], [0, 0, 1, 1], [], []>, transpose_lhs_hint = false} : vector<512x1024xf32>, vector<1024x64xf32>, vector<512x64xf32> -> vector<512x64xf32>
    %reduce_max3A = arith.constant dense<0xFF800000> : vector<512xf32>
    %reduce_max3A_8 = vector.multi_reduction <maximumf>, %dot_general3A_7, %reduce_max3A [1] : vector<512x64xf32> to vector<512xf32>
    %broadcast_in_dim3A = vector.shape_cast %reduce_max3A_8 : vector<512xf32> to vector<512x1xf32>
    %sub3A = vector.broadcast %broadcast_in_dim3A : vector<512x1xf32> to vector<512x64xf32>
    %sub3A_9 = arith.subf %dot_general3A_7, %sub3A : vector<512x64xf32>
    %exp3A = math.exp %sub3A_9 : vector<512x64xf32>
    %reduce_sum3A = arith.constant dense<0.000000e+00> : vector<512xf32>
    %reduce_sum3A_10 = vector.multi_reduction <add>, %exp3A, %reduce_sum3A [1] : vector<512x64xf32> to vector<512xf32>
    %broadcast_in_dim3A_11 = vector.shape_cast %reduce_sum3A_10 : vector<512xf32> to vector<512x1xf32>
    %div3A = vector.broadcast %broadcast_in_dim3A_11 : vector<512x1xf32> to vector<512x64xf32>
    %div3A_12 = arith.divf %exp3A, %div3A : vector<512x64xf32>
    %iota3A = tpu.iota {dimensions = array<i32: 1>} : vector<512x64xi32>
    %reduce_max3A_13 = arith.constant dense<0xFF800000> : vector<512xf32>
    %reduce_max3A_14 = vector.multi_reduction <maximumf>, %div3A_12, %reduce_max3A_13 [1] : vector<512x64xf32> to vector<512xf32>
    %broadcast_in_dim3A_15 = vector.shape_cast %reduce_max3A_14 : vector<512xf32> to vector<512x1xf32>
    %eq3A = vector.broadcast %broadcast_in_dim3A_15 : vector<512x1xf32> to vector<512x64xf32>
    %eq3A_16 = arith.cmpf oeq, %div3A_12, %eq3A : vector<512x64xf32>
    %jit3A = arith.constant 64 : i32
    %broadcast_in_dim3A_17 = vector.broadcast %jit3A : i32 to vector<512x64xi32>
    %select_n3A = arith.select %eq3A_16, %iota3A, %broadcast_in_dim3A_17 : vector<512x64xi1>, vector<512x64xi32>
    %reduce_min3A = arith.constant dense<2147483647> : vector<512xi32>
    %reduce_min3A_18 = vector.multi_reduction <minsi>, %select_n3A, %reduce_min3A [1] : vector<512x64xi32> to vector<512xi32>
    %broadcast_in_dim3A_19 = vector.shape_cast %reduce_min3A_18 : vector<512xi32> to vector<512x1xi32>
    %eq3A_20 = vector.broadcast %broadcast_in_dim3A_19 : vector<512x1xi32> to vector<512x64xi32>
    %eq3A_21 = arith.cmpi eq, %iota3A, %eq3A_20 : vector<512x64xi32>
    %jit3A_22 = arith.constant -1.000000e+00 : f32
    %broadcast_in_dim3A_23 = vector.broadcast %jit3A_22 : f32 to vector<512x64xf32>
    %select_n3A_24 = arith.select %eq3A_21, %broadcast_in_dim3A_23, %div3A_12 : vector<512x64xi1>, vector<512x64xf32>
    %reduce_max3A_25 = arith.constant dense<0xFF800000> : vector<512xf32>
    %reduce_max3A_26 = vector.multi_reduction <maximumf>, %select_n3A_24, %reduce_max3A_25 [1] : vector<512x64xf32> to vector<512xf32>
    %broadcast_in_dim3A_27 = vector.shape_cast %reduce_max3A_26 : vector<512xf32> to vector<512x1xf32>
    %eq3A_28 = vector.broadcast %broadcast_in_dim3A_27 : vector<512x1xf32> to vector<512x64xf32>
    %eq3A_29 = arith.cmpf oeq, %select_n3A_24, %eq3A_28 : vector<512x64xf32>
    %jit3A_30 = arith.constant 64 : i32
    %broadcast_in_dim3A_31 = vector.broadcast %jit3A_30 : i32 to vector<512x64xi32>
    %select_n3A_32 = arith.select %eq3A_29, %iota3A, %broadcast_in_dim3A_31 : vector<512x64xi1>, vector<512x64xi32>
    %reduce_min3A_33 = arith.constant dense<2147483647> : vector<512xi32>
    %reduce_min3A_34 = vector.multi_reduction <minsi>, %select_n3A_32, %reduce_min3A_33 [1] : vector<512x64xi32> to vector<512xi32>
    %broadcast_in_dim3A_35 = vector.shape_cast %reduce_min3A_34 : vector<512xi32> to vector<512x1xi32>
    %add3A = arith.addf %broadcast_in_dim3A_15, %broadcast_in_dim3A_27 : vector<512x1xf32>
    %concatenate3A = tpu.concatenate %broadcast_in_dim3A_19, %broadcast_in_dim3A_35 in 1 : vector<512x1xi32>, vector<512x1xi32> -> vector<512x2xi32>
    %swap3A_36 = arith.constant 0 : index
    %swap3A_37 = arith.constant 0 : index
    %swap3A_38 = vector.load %arg9[%swap3A_36, %swap3A_37] : memref<2048x2xi32, #tpu.memory_space<vmem>>, vector<512x2xi32>
    tpu.vector_store %arg9[%swap3A_36, %swap3A_37], %concatenate3A {strides = array<i32>} : memref<2048x2xi32, #tpu.memory_space<vmem>>, vector<512x2xi32>,
    %div3A_39 = arith.divf %broadcast_in_dim3A_15, %add3A : vector<512x1xf32>
    %div3A_40 = arith.divf %broadcast_in_dim3A_27, %add3A : vector<512x1xf32>
    %concatenate3A_41 = tpu.concatenate %div3A_39, %div3A_40 in 1 : vector<512x1xf32>, vector<512x1xf32> -> vector<512x2xf32>
    %swap3A_42 = arith.constant 0 : index
    %swap3A_43 = arith.constant 0 : index
    %swap3A_44 = vector.load %arg10[%swap3A_42, %swap3A_43] : memref<2048x2xf32, #tpu.memory_space<vmem>>, vector<512x2xf32>
    tpu.vector_store %arg10[%swap3A_42, %swap3A_43], %concatenate3A_41 {strides = array<i32>} : memref<2048x2xf32, #tpu.memory_space<vmem>>, vector<512x2xf32>,
    %get3A_45 = arith.constant 0 : index
    %get3A_46 = arith.constant 0 : index
    %get3A_47 = vector.load %arg3[%get3A_45, %get3A_46] : memref<1024x512xf32, #tpu.memory_space<vmem>>, vector<1024x512xf32>
    %convert_element_type3A_48 = arith.truncf %get3A_47 : vector<1024x512xf32> to vector<1024x512xbf16>
    %dot_general3A_49 = arith.constant dense<0.000000e+00> : vector<512x512xf32>
    %dot_general3A_50 = tpu.matmul %convert_element_type3A, %convert_element_type3A_48, %dot_general3A_49 {dimension_numbers = #tpu.dot_dimension_numbers<[1], [0], [0], [1], [0, 0, 1, 1], [], []>, transpose_lhs_hint = false} : vector<512x1024xbf16>, vector<1024x512xbf16>, vector<512x512xf32> -> vector<512x512xf32>
    %get3A_51 = arith.constant 0 : index
    %get3A_52 = arith.constant 0 : index
    %get3A_53 = vector.load %arg4[%get3A_51, %get3A_52] : memref<1024x512xf32, #tpu.memory_space<vmem>>, vector<1024x512xf32>
    %convert_element_type3A_54 = arith.truncf %get3A_53 : vector<1024x512xf32> to vector<1024x512xbf16>
    %dot_general3A_55 = arith.constant dense<0.000000e+00> : vector<512x512xf32>
    %dot_general3A_56 = tpu.matmul %convert_element_type3A, %convert_element_type3A_54, %dot_general3A_55 {dimension_numbers = #tpu.dot_dimension_numbers<[1], [0], [0], [1], [0, 0, 1, 1], [], []>, transpose_lhs_hint = false} : vector<512x1024xbf16>, vector<1024x512xbf16>, vector<512x512xf32> -> vector<512x512xf32>
    %logistic3A = arith.negf %dot_general3A_50 : vector<512x512xf32>
    %logistic3A_57 = math.exp %logistic3A : vector<512x512xf32>
    %logistic3A_58 = arith.constant 1.000000e+00 : f32
    %logistic3A_59 = vector.broadcast %logistic3A_58 : f32 to vector<512x512xf32>
    %logistic3A_60 = arith.addf %logistic3A_59, %logistic3A_57 : vector<512x512xf32>
    %logistic3A_61 = arith.divf %logistic3A_59, %logistic3A_60 : vector<512x512xf32>
    %mul3A = arith.mulf %dot_general3A_50, %logistic3A_61 : vector<512x512xf32>
    %mul3A_62 = arith.mulf %mul3A, %dot_general3A_56 : vector<512x512xf32>
    %convert_element_type3A_63 = arith.truncf %mul3A_62 : vector<512x512xf32> to vector<512x512xbf16>
    %get3A_64 = arith.constant 0 : index
    %get3A_65 = arith.constant 0 : index
    %get3A_66 = vector.load %arg5[%get3A_64, %get3A_65] : memref<512x1024xf32, #tpu.memory_space<vmem>>, vector<512x1024xf32>
    %convert_element_type3A_67 = arith.truncf %get3A_66 : vector<512x1024xf32> to vector<512x1024xbf16>
    %dot_general3A_68 = arith.constant dense<0.000000e+00> : vector<512x1024xf32>
    %dot_general3A_69 = tpu.matmul %convert_element_type3A_63, %convert_element_type3A_67, %dot_general3A_68 {dimension_numbers = #tpu.dot_dimension_numbers<[1], [0], [0], [1], [0, 0, 1, 1], [], []>, transpose_lhs_hint = false} : vector<512x512xbf16>, vector<512x1024xbf16>, vector<512x1024xf32> -> vector<512x1024xf32>
    %get3A_70 = arith.constant 0 : index
    %get3A_71 = arith.constant 0 : index
    %get3A_72 = vector.load %arg6[%get3A_70, %get3A_71] : memref<1024x1xf32, #tpu.memory_space<vmem>>, vector<1024x1xf32>
    %dot_general3A_73 = arith.constant dense<0.000000e+00> : vector<512x1xf32>
    %dot_general3A_74 = tpu.matmul %get3A_1, %get3A_72, %dot_general3A_73 {dimension_numbers = #tpu.dot_dimension_numbers<[1], [0], [0], [1], [0, 0, 1, 1], [], []>, transpose_lhs_hint = false} : vector<512x1024xf32>, vector<1024x1xf32>, vector<512x1xf32> -> vector<512x1xf32>
    %logistic3A_75 = arith.negf %dot_general3A_74 : vector<512x1xf32>
    %logistic3A_76 = math.exp %logistic3A_75 : vector<512x1xf32>
    %logistic3A_77 = arith.constant 1.000000e+00 : f32
    %logistic3A_78 = vector.broadcast %logistic3A_77 : f32 to vector<512x1xf32>
    %logistic3A_79 = arith.addf %logistic3A_78, %logistic3A_76 : vector<512x1xf32>
    %logistic3A_80 = arith.divf %logistic3A_78, %logistic3A_79 : vector<512x1xf32>
    %mul3A_81 = vector.broadcast %logistic3A_80 : vector<512x1xf32> to vector<512x1024xf32>
    %mul3A_82 = arith.mulf %mul3A_81, %dot_general3A_69 : vector<512x1024xf32>
    %swap3A_83 = arith.constant 0 : index
    %swap3A_84 = arith.constant 0 : index
    %swap3A_85 = vector.load %arg7[%swap3A_83, %swap3A_84] : memref<2048x1024xf32, #tpu.memory_space<vmem>>, vector<512x1024xf32>
    tpu.vector_store %arg7[%swap3A_83, %swap3A_84], %mul3A_82 {strides = array<i32>} : memref<2048x1024xf32, #tpu.memory_space<vmem>>, vector<512x1024xf32>,
    %get3A_86 = arith.constant 512 : index
    %get3A_87 = arith.constant 0 : index
    %get3A_88 = vector.load %arg1[%get3A_86, %get3A_87] : memref<2048x1024xf32, #tpu.memory_space<vmem>>, vector<512x1024xf32>
    %convert_element_type3A_89 = arith.truncf %get3A_88 : vector<512x1024xf32> to vector<512x1024xbf16>
    %swap3A_90 = arith.constant 512 : index
    %swap3A_91 = arith.constant 0 : index
    %swap3A_92 = vector.load %arg8[%swap3A_90, %swap3A_91] : memref<2048x1024xbf16, #tpu.memory_space<vmem>>, vector<512x1024xbf16>
    tpu.vector_store %arg8[%swap3A_90, %swap3A_91], %convert_element_type3A_89 {strides = array<i32>} : memref<2048x1024xbf16, #tpu.memory_space<vmem>>, vector<512x1024xbf16>,
    %get3A_93 = arith.constant 0 : index
    %get3A_94 = arith.constant 0 : index
    %get3A_95 = vector.load %arg2[%get3A_93, %get3A_94] : memref<1024x64xf32, #tpu.memory_space<vmem>>, vector<1024x64xf32>
    %dot_general3A_96 = arith.constant dense<0.000000e+00> : vector<512x64xf32>
    %dot_general3A_97 = tpu.matmul %get3A_88, %get3A_95, %dot_general3A_96 {dimension_numbers = #tpu.dot_dimension_numbers<[1], [0], [0], [1], [0, 0, 1, 1], [], []>, transpose_lhs_hint = false} : vector<512x1024xf32>, vector<1024x64xf32>, vector<512x64xf32> -> vector<512x64xf32>
    %reduce_max3A_98 = arith.constant dense<0xFF800000> : vector<512xf32>
    %reduce_max3A_99 = vector.multi_reduction <maximumf>, %dot_general3A_97, %reduce_max3A_98 [1] : vector<512x64xf32> to vector<512xf32>
    %broadcast_in_dim3A_100 = vector.shape_cast %reduce_max3A_99 : vector<512xf32> to vector<512x1xf32>
    %sub3A_101 = vector.broadcast %broadcast_in_dim3A_100 : vector<512x1xf32> to vector<512x64xf32>
    %sub3A_102 = arith.subf %dot_general3A_97, %sub3A_101 : vector<512x64xf32>
    %exp3A_103 = math.exp %sub3A_102 : vector<512x64xf32>
    %reduce_sum3A_104 = arith.constant dense<0.000000e+00> : vector<512xf32>
    %reduce_sum3A_105 = vector.multi_reduction <add>, %exp3A_103, %reduce_sum3A_104 [1] : vector<512x64xf32> to vector<512xf32>
    %broadcast_in_dim3A_106 = vector.shape_cast %reduce_sum3A_105 : vector<512xf32> to vector<512x1xf32>
    %div3A_107 = vector.broadcast %broadcast_in_dim3A_106 : vector<512x1xf32> to vector<512x64xf32>
    %div3A_108 = arith.divf %exp3A_103, %div3A_107 : vector<512x64xf32>
    %iota3A_109 = tpu.iota {dimensions = array<i32: 1>} : vector<512x64xi32>
    %reduce_max3A_110 = arith.constant dense<0xFF800000> : vector<512xf32>
    %reduce_max3A_111 = vector.multi_reduction <maximumf>, %div3A_108, %reduce_max3A_110 [1] : vector<512x64xf32> to vector<512xf32>
    %broadcast_in_dim3A_112 = vector.shape_cast %reduce_max3A_111 : vector<512xf32> to vector<512x1xf32>
    %eq3A_113 = vector.broadcast %broadcast_in_dim3A_112 : vector<512x1xf32> to vector<512x64xf32>
    %eq3A_114 = arith.cmpf oeq, %div3A_108, %eq3A_113 : vector<512x64xf32>
    %jit3A_115 = arith.constant 64 : i32
    %broadcast_in_dim3A_116 = vector.broadcast %jit3A_115 : i32 to vector<512x64xi32>
    %select_n3A_117 = arith.select %eq3A_114, %iota3A_109, %broadcast_in_dim3A_116 : vector<512x64xi1>, vector<512x64xi32>
    %reduce_min3A_118 = arith.constant dense<2147483647> : vector<512xi32>
    %reduce_min3A_119 = vector.multi_reduction <minsi>, %select_n3A_117, %reduce_min3A_118 [1] : vector<512x64xi32> to vector<512xi32>
    %broadcast_in_dim3A_120 = vector.shape_cast %reduce_min3A_119 : vector<512xi32> to vector<512x1xi32>
    %eq3A_121 = vector.broadcast %broadcast_in_dim3A_120 : vector<512x1xi32> to vector<512x64xi32>
    %eq3A_122 = arith.cmpi eq, %iota3A_109, %eq3A_121 : vector<512x64xi32>
    %jit3A_123 = arith.constant -1.000000e+00 : f32
    %broadcast_in_dim3A_124 = vector.broadcast %jit3A_123 : f32 to vector<512x64xf32>
    %select_n3A_125 = arith.select %eq3A_122, %broadcast_in_dim3A_124, %div3A_108 : vector<512x64xi1>, vector<512x64xf32>
    %reduce_max3A_126 = arith.constant dense<0xFF800000> : vector<512xf32>
    %reduce_max3A_127 = vector.multi_reduction <maximumf>, %select_n3A_125, %reduce_max3A_126 [1] : vector<512x64xf32> to vector<512xf32>
    %broadcast_in_dim3A_128 = vector.shape_cast %reduce_max3A_127 : vector<512xf32> to vector<512x1xf32>
    %eq3A_129 = vector.broadcast %broadcast_in_dim3A_128 : vector<512x1xf32> to vector<512x64xf32>
    %eq3A_130 = arith.cmpf oeq, %select_n3A_125, %eq3A_129 : vector<512x64xf32>
    %jit3A_131 = arith.constant 64 : i32
    %broadcast_in_dim3A_132 = vector.broadcast %jit3A_131 : i32 to vector<512x64xi32>
    %select_n3A_133 = arith.select %eq3A_130, %iota3A_109, %broadcast_in_dim3A_132 : vector<512x64xi1>, vector<512x64xi32>
    %reduce_min3A_134 = arith.constant dense<2147483647> : vector<512xi32>
    %reduce_min3A_135 = vector.multi_reduction <minsi>, %select_n3A_133, %reduce_min3A_134 [1] : vector<512x64xi32> to vector<512xi32>
    %broadcast_in_dim3A_136 = vector.shape_cast %reduce_min3A_135 : vector<512xi32> to vector<512x1xi32>
    %add3A_137 = arith.addf %broadcast_in_dim3A_112, %broadcast_in_dim3A_128 : vector<512x1xf32>
    %concatenate3A_138 = tpu.concatenate %broadcast_in_dim3A_120, %broadcast_in_dim3A_136 in 1 : vector<512x1xi32>, vector<512x1xi32> -> vector<512x2xi32>
    %swap3A_139 = arith.constant 512 : index
    %swap3A_140 = arith.constant 0 : index
    %swap3A_141 = vector.load %arg9[%swap3A_139, %swap3A_140] : memref<2048x2xi32, #tpu.memory_space<vmem>>, vector<512x2xi32>
    tpu.vector_store %arg9[%swap3A_139, %swap3A_140], %concatenate3A_138 {strides = array<i32>} : memref<2048x2xi32, #tpu.memory_space<vmem>>, vector<512x2xi32>,
    %div3A_142 = arith.divf %broadcast_in_dim3A_112, %add3A_137 : vector<512x1xf32>
    %div3A_143 = arith.divf %broadcast_in_dim3A_128, %add3A_137 : vector<512x1xf32>
    %concatenate3A_144 = tpu.concatenate %div3A_142, %div3A_143 in 1 : vector<512x1xf32>, vector<512x1xf32> -> vector<512x2xf32>
    %swap3A_145 = arith.constant 512 : index
    %swap3A_146 = arith.constant 0 : index
    %swap3A_147 = vector.load %arg10[%swap3A_145, %swap3A_146] : memref<2048x2xf32, #tpu.memory_space<vmem>>, vector<512x2xf32>
    tpu.vector_store %arg10[%swap3A_145, %swap3A_146], %concatenate3A_144 {strides = array<i32>} : memref<2048x2xf32, #tpu.memory_space<vmem>>, vector<512x2xf32>,
    %get3A_148 = arith.constant 0 : index
    %get3A_149 = arith.constant 0 : index
    %get3A_150 = vector.load %arg3[%get3A_148, %get3A_149] : memref<1024x512xf32, #tpu.memory_space<vmem>>, vector<1024x512xf32>
    %convert_element_type3A_151 = arith.truncf %get3A_150 : vector<1024x512xf32> to vector<1024x512xbf16>
    %dot_general3A_152 = arith.constant dense<0.000000e+00> : vector<512x512xf32>
    %dot_general3A_153 = tpu.matmul %convert_element_type3A_89, %convert_element_type3A_151, %dot_general3A_152 {dimension_numbers = #tpu.dot_dimension_numbers<[1], [0], [0], [1], [0, 0, 1, 1], [], []>, transpose_lhs_hint = false} : vector<512x1024xbf16>, vector<1024x512xbf16>, vector<512x512xf32> -> vector<512x512xf32>
    %get3A_154 = arith.constant 0 : index
    %get3A_155 = arith.constant 0 : index
    %get3A_156 = vector.load %arg4[%get3A_154, %get3A_155] : memref<1024x512xf32, #tpu.memory_space<vmem>>, vector<1024x512xf32>
    %convert_element_type3A_157 = arith.truncf %get3A_156 : vector<1024x512xf32> to vector<1024x512xbf16>
    %dot_general3A_158 = arith.constant dense<0.000000e+00> : vector<512x512xf32>
    %dot_general3A_159 = tpu.matmul %convert_element_type3A_89, %convert_element_type3A_157, %dot_general3A_158 {dimension_numbers = #tpu.dot_dimension_numbers<[1], [0], [0], [1], [0, 0, 1, 1], [], []>, transpose_lhs_hint = false} : vector<512x1024xbf16>, vector<1024x512xbf16>, vector<512x512xf32> -> vector<512x512xf32>
    %logistic3A_160 = arith.negf %dot_general3A_153 : vector<512x512xf32>
    %logistic3A_161 = math.exp %logistic3A_160 : vector<512x512xf32>
    %logistic3A_162 = arith.constant 1.000000e+00 : f32
    %logistic3A_163 = vector.broadcast %logistic3A_162 : f32 to vector<512x512xf32>
    %logistic3A_164 = arith.addf %logistic3A_163, %logistic3A_161 : vector<512x512xf32>
    %logistic3A_165 = arith.divf %logistic3A_163, %logistic3A_164 : vector<512x512xf32>
    %mul3A_166 = arith.mulf %dot_general3A_153, %logistic3A_165 : vector<512x512xf32>
    %mul3A_167 = arith.mulf %mul3A_166, %dot_general3A_159 : vector<512x512xf32>
    %convert_element_type3A_168 = arith.truncf %mul3A_167 : vector<512x512xf32> to vector<512x512xbf16>
    %get3A_169 = arith.constant 0 : index
    %get3A_170 = arith.constant 0 : index
    %get3A_171 = vector.load %arg5[%get3A_169, %get3A_170] : memref<512x1024xf32, #tpu.memory_space<vmem>>, vector<512x1024xf32>
    %convert_element_type3A_172 = arith.truncf %get3A_171 : vector<512x1024xf32> to vector<512x1024xbf16>
    %dot_general3A_173 = arith.constant dense<0.000000e+00> : vector<512x1024xf32>
    %dot_general3A_174 = tpu.matmul %convert_element_type3A_168, %convert_element_type3A_172, %dot_general3A_173 {dimension_numbers = #tpu.dot_dimension_numbers<[1], [0], [0], [1], [0, 0, 1, 1], [], []>, transpose_lhs_hint = false} : vector<512x512xbf16>, vector<512x1024xbf16>, vector<512x1024xf32> -> vector<512x1024xf32>
    %get3A_175 = arith.constant 0 : index
    %get3A_176 = arith.constant 0 : index
    %get3A_177 = vector.load %arg6[%get3A_175, %get3A_176] : memref<1024x1xf32, #tpu.memory_space<vmem>>, vector<1024x1xf32>
    %dot_general3A_178 = arith.constant dense<0.000000e+00> : vector<512x1xf32>
    %dot_general3A_179 = tpu.matmul %get3A_88, %get3A_177, %dot_general3A_178 {dimension_numbers = #tpu.dot_dimension_numbers<[1], [0], [0], [1], [0, 0, 1, 1], [], []>, transpose_lhs_hint = false} : vector<512x1024xf32>, vector<1024x1xf32>, vector<512x1xf32> -> vector<512x1xf32>
    %logistic3A_180 = arith.negf %dot_general3A_179 : vector<512x1xf32>
    %logistic3A_181 = math.exp %logistic3A_180 : vector<512x1xf32>
    %logistic3A_182 = arith.constant 1.000000e+00 : f32
    %logistic3A_183 = vector.broadcast %logistic3A_182 : f32 to vector<512x1xf32>
    %logistic3A_184 = arith.addf %logistic3A_183, %logistic3A_181 : vector<512x1xf32>
    %logistic3A_185 = arith.divf %logistic3A_183, %logistic3A_184 : vector<512x1xf32>
    %mul3A_186 = vector.broadcast %logistic3A_185 : vector<512x1xf32> to vector<512x1024xf32>
    %mul3A_187 = arith.mulf %mul3A_186, %dot_general3A_174 : vector<512x1024xf32>
    %swap3A_188 = arith.constant 512 : index
    %swap3A_189 = arith.constant 0 : index
    %swap3A_190 = vector.load %arg7[%swap3A_188, %swap3A_189] : memref<2048x1024xf32, #tpu.memory_space<vmem>>, vector<512x1024xf32>
    tpu.vector_store %arg7[%swap3A_188, %swap3A_189], %mul3A_187 {strides = array<i32>} : memref<2048x1024xf32, #tpu.memory_space<vmem>>, vector<512x1024xf32>,
    %get3A_191 = arith.constant 1024 : index
    %get3A_192 = arith.constant 0 : index
    %get3A_193 = vector.load %arg1[%get3A_191, %get3A_192] : memref<2048x1024xf32, #tpu.memory_space<vmem>>, vector<512x1024xf32>
    %convert_element_type3A_194 = arith.truncf %get3A_193 : vector<512x1024xf32> to vector<512x1024xbf16>
    %swap3A_195 = arith.constant 1024 : index
    %swap3A_196 = arith.constant 0 : index
    %swap3A_197 = vector.load %arg8[%swap3A_195, %swap3A_196] : memref<2048x1024xbf16, #tpu.memory_space<vmem>>, vector<512x1024xbf16>
    tpu.vector_store %arg8[%swap3A_195, %swap3A_196], %convert_element_type3A_194 {strides = array<i32>} : memref<2048x1024xbf16, #tpu.memory_space<vmem>>, vector<512x1024xbf16>,
    %get3A_198 = arith.constant 0 : index
    %get3A_199 = arith.constant 0 : index
    %get3A_200 = vector.load %arg2[%get3A_198, %get3A_199] : memref<1024x64xf32, #tpu.memory_space<vmem>>, vector<1024x64xf32>
    %dot_general3A_201 = arith.constant dense<0.000000e+00> : vector<512x64xf32>
    %dot_general3A_202 = tpu.matmul %get3A_193, %get3A_200, %dot_general3A_201 {dimension_numbers = #tpu.dot_dimension_numbers<[1], [0], [0], [1], [0, 0, 1, 1], [], []>, transpose_lhs_hint = false} : vector<512x1024xf32>, vector<1024x64xf32>, vector<512x64xf32> -> vector<512x64xf32>
    %reduce_max3A_203 = arith.constant dense<0xFF800000> : vector<512xf32>
    %reduce_max3A_204 = vector.multi_reduction <maximumf>, %dot_general3A_202, %reduce_max3A_203 [1] : vector<512x64xf32> to vector<512xf32>
    %broadcast_in_dim3A_205 = vector.shape_cast %reduce_max3A_204 : vector<512xf32> to vector<512x1xf32>
    %sub3A_206 = vector.broadcast %broadcast_in_dim3A_205 : vector<512x1xf32> to vector<512x64xf32>
    %sub3A_207 = arith.subf %dot_general3A_202, %sub3A_206 : vector<512x64xf32>
    %exp3A_208 = math.exp %sub3A_207 : vector<512x64xf32>
    %reduce_sum3A_209 = arith.constant dense<0.000000e+00> : vector<512xf32>
    %reduce_sum3A_210 = vector.multi_reduction <add>, %exp3A_208, %reduce_sum3A_209 [1] : vector<512x64xf32> to vector<512xf32>
    %broadcast_in_dim3A_211 = vector.shape_cast %reduce_sum3A_210 : vector<512xf32> to vector<512x1xf32>
    %div3A_212 = vector.broadcast %broadcast_in_dim3A_211 : vector<512x1xf32> to vector<512x64xf32>
    %div3A_213 = arith.divf %exp3A_208, %div3A_212 : vector<512x64xf32>
    %iota3A_214 = tpu.iota {dimensions = array<i32: 1>} : vector<512x64xi32>
    %reduce_max3A_215 = arith.constant dense<0xFF800000> : vector<512xf32>
    %reduce_max3A_216 = vector.multi_reduction <maximumf>, %div3A_213, %reduce_max3A_215 [1] : vector<512x64xf32> to vector<512xf32>
    %broadcast_in_dim3A_217 = vector.shape_cast %reduce_max3A_216 : vector<512xf32> to vector<512x1xf32>
    %eq3A_218 = vector.broadcast %broadcast_in_dim3A_217 : vector<512x1xf32> to vector<512x64xf32>
    %eq3A_219 = arith.cmpf oeq, %div3A_213, %eq3A_218 : vector<512x64xf32>
    %jit3A_220 = arith.constant 64 : i32
    %broadcast_in_dim3A_221 = vector.broadcast %jit3A_220 : i32 to vector<512x64xi32>
    %select_n3A_222 = arith.select %eq3A_219, %iota3A_214, %broadcast_in_dim3A_221 : vector<512x64xi1>, vector<512x64xi32>
    %reduce_min3A_223 = arith.constant dense<2147483647> : vector<512xi32>
    %reduce_min3A_224 = vector.multi_reduction <minsi>, %select_n3A_222, %reduce_min3A_223 [1] : vector<512x64xi32> to vector<512xi32>
    %broadcast_in_dim3A_225 = vector.shape_cast %reduce_min3A_224 : vector<512xi32> to vector<512x1xi32>
    %eq3A_226 = vector.broadcast %broadcast_in_dim3A_225 : vector<512x1xi32> to vector<512x64xi32>
    %eq3A_227 = arith.cmpi eq, %iota3A_214, %eq3A_226 : vector<512x64xi32>
    %jit3A_228 = arith.constant -1.000000e+00 : f32
    %broadcast_in_dim3A_229 = vector.broadcast %jit3A_228 : f32 to vector<512x64xf32>
    %select_n3A_230 = arith.select %eq3A_227, %broadcast_in_dim3A_229, %div3A_213 : vector<512x64xi1>, vector<512x64xf32>
    %reduce_max3A_231 = arith.constant dense<0xFF800000> : vector<512xf32>
    %reduce_max3A_232 = vector.multi_reduction <maximumf>, %select_n3A_230, %reduce_max3A_231 [1] : vector<512x64xf32> to vector<512xf32>
    %broadcast_in_dim3A_233 = vector.shape_cast %reduce_max3A_232 : vector<512xf32> to vector<512x1xf32>
    %eq3A_234 = vector.broadcast %broadcast_in_dim3A_233 : vector<512x1xf32> to vector<512x64xf32>
    %eq3A_235 = arith.cmpf oeq, %select_n3A_230, %eq3A_234 : vector<512x64xf32>
    %jit3A_236 = arith.constant 64 : i32
    %broadcast_in_dim3A_237 = vector.broadcast %jit3A_236 : i32 to vector<512x64xi32>
    %select_n3A_238 = arith.select %eq3A_235, %iota3A_214, %broadcast_in_dim3A_237 : vector<512x64xi1>, vector<512x64xi32>
    %reduce_min3A_239 = arith.constant dense<2147483647> : vector<512xi32>
    %reduce_min3A_240 = vector.multi_reduction <minsi>, %select_n3A_238, %reduce_min3A_239 [1] : vector<512x64xi32> to vector<512xi32>
    %broadcast_in_dim3A_241 = vector.shape_cast %reduce_min3A_240 : vector<512xi32> to vector<512x1xi32>
    %add3A_242 = arith.addf %broadcast_in_dim3A_217, %broadcast_in_dim3A_233 : vector<512x1xf32>
    %concatenate3A_243 = tpu.concatenate %broadcast_in_dim3A_225, %broadcast_in_dim3A_241 in 1 : vector<512x1xi32>, vector<512x1xi32> -> vector<512x2xi32>
    %swap3A_244 = arith.constant 1024 : index
    %swap3A_245 = arith.constant 0 : index
    %swap3A_246 = vector.load %arg9[%swap3A_244, %swap3A_245] : memref<2048x2xi32, #tpu.memory_space<vmem>>, vector<512x2xi32>
    tpu.vector_store %arg9[%swap3A_244, %swap3A_245], %concatenate3A_243 {strides = array<i32>} : memref<2048x2xi32, #tpu.memory_space<vmem>>, vector<512x2xi32>,
    %div3A_247 = arith.divf %broadcast_in_dim3A_217, %add3A_242 : vector<512x1xf32>
    %div3A_248 = arith.divf %broadcast_in_dim3A_233, %add3A_242 : vector<512x1xf32>
    %concatenate3A_249 = tpu.concatenate %div3A_247, %div3A_248 in 1 : vector<512x1xf32>, vector<512x1xf32> -> vector<512x2xf32>
    %swap3A_250 = arith.constant 1024 : index
    %swap3A_251 = arith.constant 0 : index
    %swap3A_252 = vector.load %arg10[%swap3A_250, %swap3A_251] : memref<2048x2xf32, #tpu.memory_space<vmem>>, vector<512x2xf32>
    tpu.vector_store %arg10[%swap3A_250, %swap3A_251], %concatenate3A_249 {strides = array<i32>} : memref<2048x2xf32, #tpu.memory_space<vmem>>, vector<512x2xf32>,
    %get3A_253 = arith.constant 0 : index
    %get3A_254 = arith.constant 0 : index
    %get3A_255 = vector.load %arg3[%get3A_253, %get3A_254] : memref<1024x512xf32, #tpu.memory_space<vmem>>, vector<1024x512xf32>
    %convert_element_type3A_256 = arith.truncf %get3A_255 : vector<1024x512xf32> to vector<1024x512xbf16>
    %dot_general3A_257 = arith.constant dense<0.000000e+00> : vector<512x512xf32>
    %dot_general3A_258 = tpu.matmul %convert_element_type3A_194, %convert_element_type3A_256, %dot_general3A_257 {dimension_numbers = #tpu.dot_dimension_numbers<[1], [0], [0], [1], [0, 0, 1, 1], [], []>, transpose_lhs_hint = false} : vector<512x1024xbf16>, vector<1024x512xbf16>, vector<512x512xf32> -> vector<512x512xf32>
    %get3A_259 = arith.constant 0 : index
    %get3A_260 = arith.constant 0 : index
    %get3A_261 = vector.load %arg4[%get3A_259, %get3A_260] : memref<1024x512xf32, #tpu.memory_space<vmem>>, vector<1024x512xf32>
    %convert_element_type3A_262 = arith.truncf %get3A_261 : vector<1024x512xf32> to vector<1024x512xbf16>
    %dot_general3A_263 = arith.constant dense<0.000000e+00> : vector<512x512xf32>
    %dot_general3A_264 = tpu.matmul %convert_element_type3A_194, %convert_element_type3A_262, %dot_general3A_263 {dimension_numbers = #tpu.dot_dimension_numbers<[1], [0], [0], [1], [0, 0, 1, 1], [], []>, transpose_lhs_hint = false} : vector<512x1024xbf16>, vector<1024x512xbf16>, vector<512x512xf32> -> vector<512x512xf32>
    %logistic3A_265 = arith.negf %dot_general3A_258 : vector<512x512xf32>
    %logistic3A_266 = math.exp %logistic3A_265 : vector<512x512xf32>
    %logistic3A_267 = arith.constant 1.000000e+00 : f32
    %logistic3A_268 = vector.broadcast %logistic3A_267 : f32 to vector<512x512xf32>
    %logistic3A_269 = arith.addf %logistic3A_268, %logistic3A_266 : vector<512x512xf32>
    %logistic3A_270 = arith.divf %logistic3A_268, %logistic3A_269 : vector<512x512xf32>
    %mul3A_271 = arith.mulf %dot_general3A_258, %logistic3A_270 : vector<512x512xf32>
    %mul3A_272 = arith.mulf %mul3A_271, %dot_general3A_264 : vector<512x512xf32>
    %convert_element_type3A_273 = arith.truncf %mul3A_272 : vector<512x512xf32> to vector<512x512xbf16>
    %get3A_274 = arith.constant 0 : index
    %get3A_275 = arith.constant 0 : index
    %get3A_276 = vector.load %arg5[%get3A_274, %get3A_275] : memref<512x1024xf32, #tpu.memory_space<vmem>>, vector<512x1024xf32>
    %convert_element_type3A_277 = arith.truncf %get3A_276 : vector<512x1024xf32> to vector<512x1024xbf16>
    %dot_general3A_278 = arith.constant dense<0.000000e+00> : vector<512x1024xf32>
    %dot_general3A_279 = tpu.matmul %convert_element_type3A_273, %convert_element_type3A_277, %dot_general3A_278 {dimension_numbers = #tpu.dot_dimension_numbers<[1], [0], [0], [1], [0, 0, 1, 1], [], []>, transpose_lhs_hint = false} : vector<512x512xbf16>, vector<512x1024xbf16>, vector<512x1024xf32> -> vector<512x1024xf32>
    %get3A_280 = arith.constant 0 : index
    %get3A_281 = arith.constant 0 : index
    %get3A_282 = vector.load %arg6[%get3A_280, %get3A_281] : memref<1024x1xf32, #tpu.memory_space<vmem>>, vector<1024x1xf32>
    %dot_general3A_283 = arith.constant dense<0.000000e+00> : vector<512x1xf32>
    %dot_general3A_284 = tpu.matmul %get3A_193, %get3A_282, %dot_general3A_283 {dimension_numbers = #tpu.dot_dimension_numbers<[1], [0], [0], [1], [0, 0, 1, 1], [], []>, transpose_lhs_hint = false} : vector<512x1024xf32>, vector<1024x1xf32>, vector<512x1xf32> -> vector<512x1xf32>
    %logistic3A_285 = arith.negf %dot_general3A_284 : vector<512x1xf32>
    %logistic3A_286 = math.exp %logistic3A_285 : vector<512x1xf32>
    %logistic3A_287 = arith.constant 1.000000e+00 : f32
    %logistic3A_288 = vector.broadcast %logistic3A_287 : f32 to vector<512x1xf32>
    %logistic3A_289 = arith.addf %logistic3A_288, %logistic3A_286 : vector<512x1xf32>
    %logistic3A_290 = arith.divf %logistic3A_288, %logistic3A_289 : vector<512x1xf32>
    %mul3A_291 = vector.broadcast %logistic3A_290 : vector<512x1xf32> to vector<512x1024xf32>
    %mul3A_292 = arith.mulf %mul3A_291, %dot_general3A_279 : vector<512x1024xf32>
    %swap3A_293 = arith.constant 1024 : index
    %swap3A_294 = arith.constant 0 : index
    %swap3A_295 = vector.load %arg7[%swap3A_293, %swap3A_294] : memref<2048x1024xf32, #tpu.memory_space<vmem>>, vector<512x1024xf32>
    tpu.vector_store %arg7[%swap3A_293, %swap3A_294], %mul3A_292 {strides = array<i32>} : memref<2048x1024xf32, #tpu.memory_space<vmem>>, vector<512x1024xf32>,
    %get3A_296 = arith.constant 1536 : index
    %get3A_297 = arith.constant 0 : index
    %get3A_298 = vector.load %arg1[%get3A_296, %get3A_297] : memref<2048x1024xf32, #tpu.memory_space<vmem>>, vector<512x1024xf32>
    %convert_element_type3A_299 = arith.truncf %get3A_298 : vector<512x1024xf32> to vector<512x1024xbf16>
    %swap3A_300 = arith.constant 1536 : index
    %swap3A_301 = arith.constant 0 : index
    %swap3A_302 = vector.load %arg8[%swap3A_300, %swap3A_301] : memref<2048x1024xbf16, #tpu.memory_space<vmem>>, vector<512x1024xbf16>
    tpu.vector_store %arg8[%swap3A_300, %swap3A_301], %convert_element_type3A_299 {strides = array<i32>} : memref<2048x1024xbf16, #tpu.memory_space<vmem>>, vector<512x1024xbf16>,
    %get3A_303 = arith.constant 0 : index
    %get3A_304 = arith.constant 0 : index
    %get3A_305 = vector.load %arg2[%get3A_303, %get3A_304] : memref<1024x64xf32, #tpu.memory_space<vmem>>, vector<1024x64xf32>
    %dot_general3A_306 = arith.constant dense<0.000000e+00> : vector<512x64xf32>
    %dot_general3A_307 = tpu.matmul %get3A_298, %get3A_305, %dot_general3A_306 {dimension_numbers = #tpu.dot_dimension_numbers<[1], [0], [0], [1], [0, 0, 1, 1], [], []>, transpose_lhs_hint = false} : vector<512x1024xf32>, vector<1024x64xf32>, vector<512x64xf32> -> vector<512x64xf32>
    %reduce_max3A_308 = arith.constant dense<0xFF800000> : vector<512xf32>
    %reduce_max3A_309 = vector.multi_reduction <maximumf>, %dot_general3A_307, %reduce_max3A_308 [1] : vector<512x64xf32> to vector<512xf32>
    %broadcast_in_dim3A_310 = vector.shape_cast %reduce_max3A_309 : vector<512xf32> to vector<512x1xf32>
    %sub3A_311 = vector.broadcast %broadcast_in_dim3A_310 : vector<512x1xf32> to vector<512x64xf32>
    %sub3A_312 = arith.subf %dot_general3A_307, %sub3A_311 : vector<512x64xf32>
    %exp3A_313 = math.exp %sub3A_312 : vector<512x64xf32>
    %reduce_sum3A_314 = arith.constant dense<0.000000e+00> : vector<512xf32>
    %reduce_sum3A_315 = vector.multi_reduction <add>, %exp3A_313, %reduce_sum3A_314 [1] : vector<512x64xf32> to vector<512xf32>
    %broadcast_in_dim3A_316 = vector.shape_cast %reduce_sum3A_315 : vector<512xf32> to vector<512x1xf32>
    %div3A_317 = vector.broadcast %broadcast_in_dim3A_316 : vector<512x1xf32> to vector<512x64xf32>
    %div3A_318 = arith.divf %exp3A_313, %div3A_317 : vector<512x64xf32>
    %iota3A_319 = tpu.iota {dimensions = array<i32: 1>} : vector<512x64xi32>
    %reduce_max3A_320 = arith.constant dense<0xFF800000> : vector<512xf32>
    %reduce_max3A_321 = vector.multi_reduction <maximumf>, %div3A_318, %reduce_max3A_320 [1] : vector<512x64xf32> to vector<512xf32>
    %broadcast_in_dim3A_322 = vector.shape_cast %reduce_max3A_321 : vector<512xf32> to vector<512x1xf32>
    %eq3A_323 = vector.broadcast %broadcast_in_dim3A_322 : vector<512x1xf32> to vector<512x64xf32>
    %eq3A_324 = arith.cmpf oeq, %div3A_318, %eq3A_323 : vector<512x64xf32>
    %jit3A_325 = arith.constant 64 : i32
    %broadcast_in_dim3A_326 = vector.broadcast %jit3A_325 : i32 to vector<512x64xi32>
    %select_n3A_327 = arith.select %eq3A_324, %iota3A_319, %broadcast_in_dim3A_326 : vector<512x64xi1>, vector<512x64xi32>
    %reduce_min3A_328 = arith.constant dense<2147483647> : vector<512xi32>
    %reduce_min3A_329 = vector.multi_reduction <minsi>, %select_n3A_327, %reduce_min3A_328 [1] : vector<512x64xi32> to vector<512xi32>
    %broadcast_in_dim3A_330 = vector.shape_cast %reduce_min3A_329 : vector<512xi32> to vector<512x1xi32>
    %eq3A_331 = vector.broadcast %broadcast_in_dim3A_330 : vector<512x1xi32> to vector<512x64xi32>
    %eq3A_332 = arith.cmpi eq, %iota3A_319, %eq3A_331 : vector<512x64xi32>
    %jit3A_333 = arith.constant -1.000000e+00 : f32
    %broadcast_in_dim3A_334 = vector.broadcast %jit3A_333 : f32 to vector<512x64xf32>
    %select_n3A_335 = arith.select %eq3A_332, %broadcast_in_dim3A_334, %div3A_318 : vector<512x64xi1>, vector<512x64xf32>
    %reduce_max3A_336 = arith.constant dense<0xFF800000> : vector<512xf32>
    %reduce_max3A_337 = vector.multi_reduction <maximumf>, %select_n3A_335, %reduce_max3A_336 [1] : vector<512x64xf32> to vector<512xf32>
    %broadcast_in_dim3A_338 = vector.shape_cast %reduce_max3A_337 : vector<512xf32> to vector<512x1xf32>
    %eq3A_339 = vector.broadcast %broadcast_in_dim3A_338 : vector<512x1xf32> to vector<512x64xf32>
    %eq3A_340 = arith.cmpf oeq, %select_n3A_335, %eq3A_339 : vector<512x64xf32>
    %jit3A_341 = arith.constant 64 : i32
    %broadcast_in_dim3A_342 = vector.broadcast %jit3A_341 : i32 to vector<512x64xi32>
    %select_n3A_343 = arith.select %eq3A_340, %iota3A_319, %broadcast_in_dim3A_342 : vector<512x64xi1>, vector<512x64xi32>
    %reduce_min3A_344 = arith.constant dense<2147483647> : vector<512xi32>
    %reduce_min3A_345 = vector.multi_reduction <minsi>, %select_n3A_343, %reduce_min3A_344 [1] : vector<512x64xi32> to vector<512xi32>
    %broadcast_in_dim3A_346 = vector.shape_cast %reduce_min3A_345 : vector<512xi32> to vector<512x1xi32>
    %add3A_347 = arith.addf %broadcast_in_dim3A_322, %broadcast_in_dim3A_338 : vector<512x1xf32>
    %concatenate3A_348 = tpu.concatenate %broadcast_in_dim3A_330, %broadcast_in_dim3A_346 in 1 : vector<512x1xi32>, vector<512x1xi32> -> vector<512x2xi32>
    %swap3A_349 = arith.constant 1536 : index
    %swap3A_350 = arith.constant 0 : index
    %swap3A_351 = vector.load %arg9[%swap3A_349, %swap3A_350] : memref<2048x2xi32, #tpu.memory_space<vmem>>, vector<512x2xi32>
    tpu.vector_store %arg9[%swap3A_349, %swap3A_350], %concatenate3A_348 {strides = array<i32>} : memref<2048x2xi32, #tpu.memory_space<vmem>>, vector<512x2xi32>,
    %div3A_352 = arith.divf %broadcast_in_dim3A_322, %add3A_347 : vector<512x1xf32>
    %div3A_353 = arith.divf %broadcast_in_dim3A_338, %add3A_347 : vector<512x1xf32>
    %concatenate3A_354 = tpu.concatenate %div3A_352, %div3A_353 in 1 : vector<512x1xf32>, vector<512x1xf32> -> vector<512x2xf32>
    %swap3A_355 = arith.constant 1536 : index
    %swap3A_356 = arith.constant 0 : index
    %swap3A_357 = vector.load %arg10[%swap3A_355, %swap3A_356] : memref<2048x2xf32, #tpu.memory_space<vmem>>, vector<512x2xf32>
    tpu.vector_store %arg10[%swap3A_355, %swap3A_356], %concatenate3A_354 {strides = array<i32>} : memref<2048x2xf32, #tpu.memory_space<vmem>>, vector<512x2xf32>,
    %get3A_358 = arith.constant 0 : index
    %get3A_359 = arith.constant 0 : index
    %get3A_360 = vector.load %arg3[%get3A_358, %get3A_359] : memref<1024x512xf32, #tpu.memory_space<vmem>>, vector<1024x512xf32>
    %convert_element_type3A_361 = arith.truncf %get3A_360 : vector<1024x512xf32> to vector<1024x512xbf16>
    %dot_general3A_362 = arith.constant dense<0.000000e+00> : vector<512x512xf32>
    %dot_general3A_363 = tpu.matmul %convert_element_type3A_299, %convert_element_type3A_361, %dot_general3A_362 {dimension_numbers = #tpu.dot_dimension_numbers<[1], [0], [0], [1], [0, 0, 1, 1], [], []>, transpose_lhs_hint = false} : vector<512x1024xbf16>, vector<1024x512xbf16>, vector<512x512xf32> -> vector<512x512xf32>
    %get3A_364 = arith.constant 0 : index
    %get3A_365 = arith.constant 0 : index
    %get3A_366 = vector.load %arg4[%get3A_364, %get3A_365] : memref<1024x512xf32, #tpu.memory_space<vmem>>, vector<1024x512xf32>
    %convert_element_type3A_367 = arith.truncf %get3A_366 : vector<1024x512xf32> to vector<1024x512xbf16>
    %dot_general3A_368 = arith.constant dense<0.000000e+00> : vector<512x512xf32>
    %dot_general3A_369 = tpu.matmul %convert_element_type3A_299, %convert_element_type3A_367, %dot_general3A_368 {dimension_numbers = #tpu.dot_dimension_numbers<[1], [0], [0], [1], [0, 0, 1, 1], [], []>, transpose_lhs_hint = false} : vector<512x1024xbf16>, vector<1024x512xbf16>, vector<512x512xf32> -> vector<512x512xf32>
    %logistic3A_370 = arith.negf %dot_general3A_363 : vector<512x512xf32>
    %logistic3A_371 = math.exp %logistic3A_370 : vector<512x512xf32>
    %logistic3A_372 = arith.constant 1.000000e+00 : f32
    %logistic3A_373 = vector.broadcast %logistic3A_372 : f32 to vector<512x512xf32>
    %logistic3A_374 = arith.addf %logistic3A_373, %logistic3A_371 : vector<512x512xf32>
    %logistic3A_375 = arith.divf %logistic3A_373, %logistic3A_374 : vector<512x512xf32>
    %mul3A_376 = arith.mulf %dot_general3A_363, %logistic3A_375 : vector<512x512xf32>
    %mul3A_377 = arith.mulf %mul3A_376, %dot_general3A_369 : vector<512x512xf32>
    %convert_element_type3A_378 = arith.truncf %mul3A_377 : vector<512x512xf32> to vector<512x512xbf16>
    %get3A_379 = arith.constant 0 : index
    %get3A_380 = arith.constant 0 : index
    %get3A_381 = vector.load %arg5[%get3A_379, %get3A_380] : memref<512x1024xf32, #tpu.memory_space<vmem>>, vector<512x1024xf32>
    %convert_element_type3A_382 = arith.truncf %get3A_381 : vector<512x1024xf32> to vector<512x1024xbf16>
    %dot_general3A_383 = arith.constant dense<0.000000e+00> : vector<512x1024xf32>
    %dot_general3A_384 = tpu.matmul %convert_element_type3A_378, %convert_element_type3A_382, %dot_general3A_383 {dimension_numbers = #tpu.dot_dimension_numbers<[1], [0], [0], [1], [0, 0, 1, 1], [], []>, transpose_lhs_hint = false} : vector<512x512xbf16>, vector<512x1024xbf16>, vector<512x1024xf32> -> vector<512x1024xf32>
    %get3A_385 = arith.constant 0 : index
    %get3A_386 = arith.constant 0 : index
    %get3A_387 = vector.load %arg6[%get3A_385, %get3A_386] : memref<1024x1xf32, #tpu.memory_space<vmem>>, vector<1024x1xf32>
    %dot_general3A_388 = arith.constant dense<0.000000e+00> : vector<512x1xf32>
    %dot_general3A_389 = tpu.matmul %get3A_298, %get3A_387, %dot_general3A_388 {dimension_numbers = #tpu.dot_dimension_numbers<[1], [0], [0], [1], [0, 0, 1, 1], [], []>, transpose_lhs_hint = false} : vector<512x1024xf32>, vector<1024x1xf32>, vector<512x1xf32> -> vector<512x1xf32>
    %logistic3A_390 = arith.negf %dot_general3A_389 : vector<512x1xf32>
    %logistic3A_391 = math.exp %logistic3A_390 : vector<512x1xf32>
    %logistic3A_392 = arith.constant 1.000000e+00 : f32
    %logistic3A_393 = vector.broadcast %logistic3A_392 : f32 to vector<512x1xf32>
    %logistic3A_394 = arith.addf %logistic3A_393, %logistic3A_391 : vector<512x1xf32>
    %logistic3A_395 = arith.divf %logistic3A_393, %logistic3A_394 : vector<512x1xf32>
    %mul3A_396 = vector.broadcast %logistic3A_395 : vector<512x1xf32> to vector<512x1024xf32>
    %mul3A_397 = arith.mulf %mul3A_396, %dot_general3A_384 : vector<512x1024xf32>
    %swap3A_398 = arith.constant 1536 : index
    %swap3A_399 = arith.constant 0 : index
    %swap3A_400 = vector.load %arg7[%swap3A_398, %swap3A_399] : memref<2048x1024xf32, #tpu.memory_space<vmem>>, vector<512x1024xf32>
    tpu.vector_store %arg7[%swap3A_398, %swap3A_399], %mul3A_397 {strides = array<i32>} : memref<2048x1024xf32, #tpu.memory_space<vmem>>, vector<512x1024xf32>,
    return
  }
  func.func @transform_0(%arg0: i32) -> (i32, i32) {
    %c0_i32 = arith.constant 0 : i32
    %c0_i32_0 = arith.constant 0 : i32
    %c0_i32_1 = arith.constant 0 : i32
    return %c0_i32, %c0_i32_0 : i32, i32
  }
  func.func @transform_1(%arg0: i32) -> (i32, i32) {
    %c0_i32 = arith.constant 0 : i32
    %c0_i32_0 = arith.constant 0 : i32
    %c0_i32_1 = arith.constant 0 : i32
    return %c0_i32, %c0_i32_0 : i32, i32
  }
  func.func @transform_2(%arg0: i32) -> (i32, i32) {
    %c0_i32 = arith.constant 0 : i32
    %c0_i32_0 = arith.constant 0 : i32
    %c0_i32_1 = arith.constant 0 : i32
    return %c0_i32, %c0_i32_0 : i32, i32
  }
  func.func @transform_3(%arg0: i32) -> (i32, i32) {
    %c0_i32 = arith.constant 0 : i32
    %c0_i32_0 = arith.constant 0 : i32
    %c0_i32_1 = arith.constant 0 : i32
    return %c0_i32, %c0_i32_0 : i32, i32
  }
  func.func @transform_4(%arg0: i32) -> (i32, i32) {
    %c0_i32 = arith.constant 0 : i32
    %c0_i32_0 = arith.constant 0 : i32
    %c0_i32_1 = arith.constant 0 : i32
    return %c0_i32, %c0_i32_0 : i32, i32
  }
  func.func @transform_5(%arg0: i32) -> (i32, i32) {
    %c0_i32 = arith.constant 0 : i32
    %c0_i32_0 = arith.constant 0 : i32
    %c0_i32_1 = arith.constant 0 : i32
    return %c0_i32, %c0_i32_0 : i32, i32
  }
  func.func @transform_6(%arg0: i32) -> (i32, i32) {
    %c0_i32 = arith.constant 0 : i32
    %c0_i32_0 = arith.constant 0 : i32
    %c0_i32_1 = arith.constant 0 : i32
    return %c0_i32, %c0_i32_0 : i32, i32
  }
  func.func @transform_7(%arg0: i32) -> (i32, i32) {
    %c0_i32 = arith.constant 0 : i32
    %c0_i32_0 = arith.constant 0 : i32
    %c0_i32_1 = arith.constant 0 : i32
    return %c0_i32, %c0_i32_0 : i32, i32
  }
  func.func @transform_8(%arg0: i32) -> (i32, i32) {
    %c0_i32 = arith.constant 0 : i32
    %c0_i32_0 = arith.constant 0 : i32
    %c0_i32_1 = arith.constant 0 : i32
    return %c0_i32, %c0_i32_0 : i32, i32
  }
  func.func @transform_9(%arg0: i32) -> (i32, i32) {
    %c0_i32 = arith.constant 0 : i32
    %c0_i32_0 = arith.constant 0 : i32
    %c0_i32_1 = arith.constant 0 : i32
    return %c0_i32, %c0_i32_0 : i32, i32
  }
}

module attributes {stable_mosaic.version = 14 : i64} {
  func.func @_ggemm_step(%arg0: i32, %arg1: memref<128xi32, #tpu.memory_space<smem>>, %arg2: memref<16xi32, #tpu.memory_space<smem>>, %arg3: memref<64x1xi32, #tpu.memory_space<vmem>>, %arg4: memref<64x1xf32, #tpu.memory_space<vmem>>, %arg5: memref<2048x1024xbf16, #tpu.memory_space<vmem>>, %arg6: memref<1x1024x512xf32, #tpu.memory_space<vmem>>, %arg7: memref<1x1024x512xf32, #tpu.memory_space<vmem>>, %arg8: memref<1x512x1024xf32, #tpu.memory_space<vmem>>, %arg9: memref<64x1024xf32, #tpu.memory_space<vmem>>) attributes {dimension_semantics = [#tpu.dimension_semantics<arbitrary>], iteration_bounds = array<i64: 128>, scalar_prefetch = 2 : i64, scratch_operands = 0 : i64, tpu.core_type = #tpu.core_type<tc>, window_params = [{transform_indices = @transform_0, window_bounds = array<i64: 64, 1>}, {transform_indices = @transform_1, window_bounds = array<i64: 64, 1>}, {pipeline_mode = #tpu.pipeline_mode<synchronous>, transform_indices = @transform_2, window_bounds = array<i64: 2048, 1024>}, {transform_indices = @transform_3, window_bounds = array<i64: 1, 1024, 512>}, {transform_indices = @transform_4, window_bounds = array<i64: 1, 1024, 512>}, {transform_indices = @transform_5, window_bounds = array<i64: 1, 512, 1024>}, {transform_indices = @transform_6, window_bounds = array<i64: 64, 1024>}]} {
    %get3A = arith.constant 0 : index
    %get3A_0 = memref.load %arg2[%get3A] : memref<16xi32, #tpu.memory_space<smem>>
    %lt3A = arith.cmpi slt, %arg0, %get3A_0 : i32
    %convert_element_type3A = arith.extui %lt3A : i1 to i32
    %cond3A = arith.constant 0 : i32
    %cond3A_1 = arith.cmpi ne, %convert_element_type3A, %cond3A : i32
    scf.if %cond3A_1 {
      %iota3A = tpu.iota {dimensions = array<i32: 1>} : vector<64x2048xi32>
      %get3A_2 = arith.constant 0 : index
      %get3A_3 = arith.constant 0 : index
      %get3A_4 = vector.load %arg3[%get3A_2, %get3A_3] : memref<64x1xi32, #tpu.memory_space<vmem>>, vector<64x1xi32>
      %eq3A = vector.broadcast %get3A_4 : vector<64x1xi32> to vector<64x2048xi32>
      %eq3A_5 = arith.cmpi eq, %iota3A, %eq3A : vector<64x2048xi32>
      %convert_element_type3A_6 = arith.extui %eq3A_5 : vector<64x2048xi1> to vector<64x2048xi32>
      %convert_element_type3A_7 = arith.sitofp %convert_element_type3A_6 : vector<64x2048xi32> to vector<64x2048xf32>
      %convert_element_type3A_8 = arith.truncf %convert_element_type3A_7 : vector<64x2048xf32> to vector<64x2048xbf16>
      %get3A_9 = arith.constant 0 : index
      %get3A_10 = arith.constant 0 : index
      %get3A_11 = vector.load %arg5[%get3A_9, %get3A_10] : memref<2048x1024xbf16, #tpu.memory_space<vmem>>, vector<2048x1024xbf16>
      %dot_general3A = arith.constant dense<0.000000e+00> : vector<64x1024xf32>
      %dot_general3A_12 = tpu.matmul %convert_element_type3A_8, %get3A_11, %dot_general3A {dimension_numbers = #tpu.dot_dimension_numbers<[1], [0], [0], [1], [0, 0, 1, 1], [], []>, transpose_lhs_hint = false} : vector<64x2048xbf16>, vector<2048x1024xbf16>, vector<64x1024xf32> -> vector<64x1024xf32>
      %convert_element_type3A_13 = arith.truncf %dot_general3A_12 : vector<64x1024xf32> to vector<64x1024xbf16>
      %get3A_14 = arith.constant 0 : index
      %get3A_15 = arith.constant 0 : index
      %get3A_16 = arith.constant 0 : index
      %get3A_17 = vector.load %arg6[%get3A_14, %get3A_15, %get3A_16] : memref<1x1024x512xf32, #tpu.memory_space<vmem>>, vector<1x1024x512xf32>
      %get3A_18 = vector.shape_cast %get3A_17 : vector<1x1024x512xf32> to vector<1024x512xf32>
      %convert_element_type3A_19 = arith.truncf %get3A_18 : vector<1024x512xf32> to vector<1024x512xbf16>
      %dot_general3A_20 = arith.constant dense<0.000000e+00> : vector<64x512xf32>
      %dot_general3A_21 = tpu.matmul %convert_element_type3A_13, %convert_element_type3A_19, %dot_general3A_20 {dimension_numbers = #tpu.dot_dimension_numbers<[1], [0], [0], [1], [0, 0, 1, 1], [], []>, transpose_lhs_hint = false} : vector<64x1024xbf16>, vector<1024x512xbf16>, vector<64x512xf32> -> vector<64x512xf32>
      %get3A_22 = arith.constant 0 : index
      %get3A_23 = arith.constant 0 : index
      %get3A_24 = arith.constant 0 : index
      %get3A_25 = vector.load %arg7[%get3A_22, %get3A_23, %get3A_24] : memref<1x1024x512xf32, #tpu.memory_space<vmem>>, vector<1x1024x512xf32>
      %get3A_26 = vector.shape_cast %get3A_25 : vector<1x1024x512xf32> to vector<1024x512xf32>
      %convert_element_type3A_27 = arith.truncf %get3A_26 : vector<1024x512xf32> to vector<1024x512xbf16>
      %dot_general3A_28 = arith.constant dense<0.000000e+00> : vector<64x512xf32>
      %dot_general3A_29 = tpu.matmul %convert_element_type3A_13, %convert_element_type3A_27, %dot_general3A_28 {dimension_numbers = #tpu.dot_dimension_numbers<[1], [0], [0], [1], [0, 0, 1, 1], [], []>, transpose_lhs_hint = false} : vector<64x1024xbf16>, vector<1024x512xbf16>, vector<64x512xf32> -> vector<64x512xf32>
      %logistic3A = arith.negf %dot_general3A_21 : vector<64x512xf32>
      %logistic3A_30 = math.exp %logistic3A : vector<64x512xf32>
      %logistic3A_31 = arith.constant 1.000000e+00 : f32
      %logistic3A_32 = vector.broadcast %logistic3A_31 : f32 to vector<64x512xf32>
      %logistic3A_33 = arith.addf %logistic3A_32, %logistic3A_30 : vector<64x512xf32>
      %logistic3A_34 = arith.divf %logistic3A_32, %logistic3A_33 : vector<64x512xf32>
      %mul3A = arith.mulf %dot_general3A_21, %logistic3A_34 : vector<64x512xf32>
      %mul3A_35 = arith.mulf %mul3A, %dot_general3A_29 : vector<64x512xf32>
      %convert_element_type3A_36 = arith.truncf %mul3A_35 : vector<64x512xf32> to vector<64x512xbf16>
      %get3A_37 = arith.constant 0 : index
      %get3A_38 = arith.constant 0 : index
      %get3A_39 = arith.constant 0 : index
      %get3A_40 = vector.load %arg8[%get3A_37, %get3A_38, %get3A_39] : memref<1x512x1024xf32, #tpu.memory_space<vmem>>, vector<1x512x1024xf32>
      %get3A_41 = vector.shape_cast %get3A_40 : vector<1x512x1024xf32> to vector<512x1024xf32>
      %convert_element_type3A_42 = arith.truncf %get3A_41 : vector<512x1024xf32> to vector<512x1024xbf16>
      %dot_general3A_43 = arith.constant dense<0.000000e+00> : vector<64x1024xf32>
      %dot_general3A_44 = tpu.matmul %convert_element_type3A_36, %convert_element_type3A_42, %dot_general3A_43 {dimension_numbers = #tpu.dot_dimension_numbers<[1], [0], [0], [1], [0, 0, 1, 1], [], []>, transpose_lhs_hint = false} : vector<64x512xbf16>, vector<512x1024xbf16>, vector<64x1024xf32> -> vector<64x1024xf32>
      %get3A_45 = arith.constant 0 : index
      %get3A_46 = arith.constant 0 : index
      %get3A_47 = vector.load %arg4[%get3A_45, %get3A_46] : memref<64x1xf32, #tpu.memory_space<vmem>>, vector<64x1xf32>
      %mul3A_48 = vector.broadcast %get3A_47 : vector<64x1xf32> to vector<64x1024xf32>
      %mul3A_49 = arith.mulf %dot_general3A_44, %mul3A_48 : vector<64x1024xf32>
      %swap3A = arith.constant 0 : index
      %swap3A_50 = arith.constant 0 : index
      %swap3A_51 = vector.load %arg9[%swap3A, %swap3A_50] : memref<64x1024xf32, #tpu.memory_space<vmem>>, vector<64x1024xf32>
      tpu.vector_store %arg9[%swap3A, %swap3A_50], %mul3A_49 {strides = array<i32>} : memref<64x1024xf32, #tpu.memory_space<vmem>>, vector<64x1024xf32>,
    } else {
    }
    return
  }
  func.func @transform_0(%arg0: i32, %arg1: memref<128xi32, #tpu.memory_space<smem>>, %arg2: memref<16xi32, #tpu.memory_space<smem>>) -> (i32, i32) {
    %c0_i32 = arith.constant 0 : i32
    %c0_i32_0 = arith.constant 0 : i32
    return %arg0, %c0_i32 : i32, i32
  }
  func.func @transform_1(%arg0: i32, %arg1: memref<128xi32, #tpu.memory_space<smem>>, %arg2: memref<16xi32, #tpu.memory_space<smem>>) -> (i32, i32) {
    %c0_i32 = arith.constant 0 : i32
    %c0_i32_0 = arith.constant 0 : i32
    return %arg0, %c0_i32 : i32, i32
  }
  func.func @transform_2(%arg0: i32, %arg1: memref<128xi32, #tpu.memory_space<smem>>, %arg2: memref<16xi32, #tpu.memory_space<smem>>) -> (i32, i32) {
    %c0_i32 = arith.constant 0 : i32
    %c0_i32_0 = arith.constant 0 : i32
    %c0_i32_1 = arith.constant 0 : i32
    return %c0_i32, %c0_i32_0 : i32, i32
  }
  func.func @transform_3(%arg0: i32, %arg1: memref<128xi32, #tpu.memory_space<smem>>, %arg2: memref<16xi32, #tpu.memory_space<smem>>) -> (i32, i32, i32) {
    %get3A = arith.index_cast %arg0 : i32 to index
    %get3A_0 = memref.load %arg1[%get3A] : memref<128xi32, #tpu.memory_space<smem>>
    %c0_i32 = arith.constant 0 : i32
    %c0_i32_1 = arith.constant 0 : i32
    %c0_i32_2 = arith.constant 0 : i32
    return %get3A_0, %c0_i32, %c0_i32_1 : i32, i32, i32
  }
  func.func @transform_4(%arg0: i32, %arg1: memref<128xi32, #tpu.memory_space<smem>>, %arg2: memref<16xi32, #tpu.memory_space<smem>>) -> (i32, i32, i32) {
    %get3A = arith.index_cast %arg0 : i32 to index
    %get3A_0 = memref.load %arg1[%get3A] : memref<128xi32, #tpu.memory_space<smem>>
    %c0_i32 = arith.constant 0 : i32
    %c0_i32_1 = arith.constant 0 : i32
    %c0_i32_2 = arith.constant 0 : i32
    return %get3A_0, %c0_i32, %c0_i32_1 : i32, i32, i32
  }
  func.func @transform_5(%arg0: i32, %arg1: memref<128xi32, #tpu.memory_space<smem>>, %arg2: memref<16xi32, #tpu.memory_space<smem>>) -> (i32, i32, i32) {
    %get3A = arith.index_cast %arg0 : i32 to index
    %get3A_0 = memref.load %arg1[%get3A] : memref<128xi32, #tpu.memory_space<smem>>
    %c0_i32 = arith.constant 0 : i32
    %c0_i32_1 = arith.constant 0 : i32
    %c0_i32_2 = arith.constant 0 : i32
    return %get3A_0, %c0_i32, %c0_i32_1 : i32, i32, i32
  }
  func.func @transform_6(%arg0: i32, %arg1: memref<128xi32, #tpu.memory_space<smem>>, %arg2: memref<16xi32, #tpu.memory_space<smem>>) -> (i32, i32) {
    %c0_i32 = arith.constant 0 : i32
    %c0_i32_0 = arith.constant 0 : i32
    return %arg0, %c0_i32 : i32, i32
  }
}

</mosaic_0001>

<sc_bundles>
// kernel: gather_offload_async_start
scs
__scs_entry_jumppad:
0x0: {  	(pc) =	sbr.rel $0x88, $3  }
0x1: {  	(tag) =	ssettag $0x0;
	lr =	simm.s32 $0x1  }
0x2: {  	[smem:$0x3F98] =	sst lr;
	_ =	strace $0xD0000000  }
0x3: {  	_ = 	snop  }
0x4: {  	_ = 	snop  }
0x5: {  	_ = 	snop  }
0x6: {  	_ = 	snop  }
0x7: {  	_ = 	snop  }
__scs_overlays_trampoline_lowered:
0x8: {  	[smem:$0x3FA7] =	sst s0  }
0x9: {  	[smem:$0x3FA8] =	sst s1  }
0xa: {  	[smem:$0x3FA9] =	sst s2  }
0xb: {  	[smem:$0x3FAA] =	sst s3  }
0xc: {  	[smem:$0x3FAB] =	sst s4  }
0xd: {  	[smem:$0x3FAC] =	sst s5  }
0xe: {  	[smem:$0x3FAD] =	sst s6  }
0xf: {  	[smem:$0x3FAE] =	sst s7  }
0x10: {  	[smem:$0x3FAF] =	sst s8  }
0x11: {  	[smem:$0x3FB0] =	sst s9;
	s0 =	simm.s32 @!p0 $0x0  }
0x12: {  	s1 =	sld [smem:$0x3F96];
	s0 =	simm.s32 @p0 $0x1  }
0x13: {  	[smem:$0x3FB1] =	sst s0;
	s0 =	simm.s32 @!p1 $0x0  }
0x14: {  	s2 =	sld [smem:$0x3F95];
	s0 =	simm.s32 @p1 $0x1  }
0x15: {  	[smem:$0x3FB2] =	sst s0;
	s0 =	simm.s32 @!p2 $0x0  }
0x16: {  	s3 =	sld [smem:$0x3FDB];
	s0 =	simm.s32 @p2 $0x1  }
0x17: {  	s4 =	simm.s32 $0x1BF5;
	[smem:$0x3FB4] =	sst s0  }
0x18: {  	s0 =	sld [smem:$0x3F97];
	_ =	swait.ge [sflag:s4], $0x0  }
0x19: {  	s7 =	sld [smem:$0x3F98]  }
0x1a: {  	s8 =	sadd.s32 $0xFFFFE003, lr  }
0x1b: {  	s9 =	sadd.s32 $0xFFFFFEF7, lr;
	s5 =	simm.s32 $0xFFFFFFFF;
	p2 =	slt.u32 s8, $0xFFFFF086  }
0x1c: {  	p1 =	slt.u32 s9, $0xF7A;
	s5 =	simm.s32 @!p2 $0x0  }
0x1d: {  	s5 =	simm.s32 @p1 $0x1;
	p0 =	seq.s32 s7, s2  }
0x1e: {  	s7 =	smul.u32 @!p0 $0xF7A, s2;
	p2 =	seq.s32 @!p0 s5, $0x0  }
0x1f: {  	s9 =	smul.u32 $0xF7A, s1;
	s8 =	simm.s32 @!p0 $0x1BF5;
	p2 =	por !p2, p0  }
0x20: {  	[sflag:s8] =	ssyncset.s32 @!p0 $0xFFFFF086;
	s6 =	sadd.s32 @!p0 s3, s7;
	s7 =	simm.s32 @!p0 $0x108  }
0x21: {  	s3 =	sadd.s32 s3, s9;
	s6 =	sadd.s32 @!p0 $0x88, s6;
	s7 =	simm.s32 @p2 $0x1082  }
0x22: {  	[simem:s7], [sflag:s8] =	dma.local @!p0 [hbm:s6], $0xF7A  }
0x23: {  	s9 =	sor.u32 $0xD0000000, s2;
	s6 =	simm.s32 $0x108;
	_ =	swait.ge @!p0 [sflag:s8], $0x0  }
0x24: {  	s3 =	sadd.s32 $0x88, s3;
	s6 =	simm.s32 @!p1 $0x1082;
	[sflag:s4] =	ssyncset.s32 $0xFFFFF086  }
0x25: {  	[simem:s6], [sflag:s4] =	dma.local [hbm:s3], $0xF7A  }
0x26: {  	[smem:$0x3F98] =	sst s1;
	(tag) =	ssettag s2;
	_ =	strace s9  }
0x27: {  	s1 =	sld [smem:$0x3FA8]  }
0x28: {  	s2 =	sld [smem:$0x3FA9]  }
0x29: {  	s4 =	sld [smem:$0x3FAB]  }
0x2a: {  	p0 =	seq.s32 s5, $0x0;
	s5 =	sld [smem:$0x3FAC]  }
0x2b: {  	s6 =	sld [smem:$0x3FAD]  }
0x2c: {  	s7 =	sld [smem:$0x3FAE]  }
0x2d: {  	s3 =	simm.s32 $0x108;
	s8 =	sld [smem:$0x3FAF]  }
0x2e: {  	s3 =	simm.s32 @!p0 $0x1082;
	s9 =	sld [smem:$0x3FB0]  }
0x2f: {  	lr =	sadd.s32 s0, s3;
	s0 =	sld [smem:$0x3FA7]  }
0x30: {  	s3 =	sld [smem:$0x3FAA]  }
0x31: {  	[smem:$0x3FB3] =	sst s10  }
0x32: {  	s10 =	sld [smem:$0x3FB1];
	_ =	sdelay $0x3  }
0x33: {  	p0 =	seq.s32 s10, $0x1;
	s10 =	sld [smem:$0x3FB3];
	_ =	sdelay $0x3  }
0x34: {  	[smem:$0x3FB3] =	sst s10  }
0x35: {  	s10 =	sld [smem:$0x3FB2];
	_ =	sdelay $0x3  }
0x36: {  	p1 =	seq.s32 s10, $0x1;
	s10 =	sld [smem:$0x3FB3];
	_ =	sdelay $0x3  }
0x37: {  	[smem:$0x3FB3] =	sst s10  }
0x38: {  	s10 =	sld [smem:$0x3FB4]  }
0x39: {  	_ = 	snop;
	(pc) =	sbr.ind lr, $3  }
0x3a: {  	_ = 	snop  }
0x3b: {  	_ = 	snop  }
0x3c: {  	p2 =	seq.s32 s10, $0x1;
	s10 =	sld [smem:$0x3FB3]  }
0x3d: {  	_ =	shalt  }
0x3e: {  	_ =	shalt  }
0x3f: {  	_ =	shalt  }
0x40: {  	_ =	shalt  }
0x41: {  	_ =	shalt  }
0x42: {  	_ =	shalt  }
0x43: {  	_ =	shalt  }
0x44: {  	_ =	shalt  }
0x45: {  	_ =	shalt  }
0x46: {  	_ =	shalt  }
0x47: {  	_ =	shalt  }
0x48: {  	_ =	shalt  }
0x49: {  	_ =	shalt  }
0x4a: {  	_ =	shalt  }
0x4b: {  	_ =	shalt  }
0x4c: {  	_ =	shalt  }
0x4d: {  	_ =	shalt  }
0x4e: {  	_ =	shalt  }
0x4f: {  	_ =	shalt  }
0x50: {  	_ =	shalt  }
0x51: {  	_ =	shalt  }
0x52: {  	_ =	shalt  }
0x53: {  	_ =	shalt  }
0x54: {  	_ =	shalt  }
0x55: {  	_ =	shalt  }
0x56: {  	_ =	shalt  }
0x57: {  	_ =	shalt  }
0x58: {  	_ =	shalt  }
0x59: {  	_ =	shalt  }
0x5a: {  	_ =	shalt  }
0x5b: {  	_ =	shalt  }
0x5c: {  	_ =	shalt  }
0x5d: {  	_ =	shalt  }
0x5e: {  	_ =	shalt  }
0x5f: {  	_ =	shalt  }
0x60: {  	_ =	shalt  }
0x61: {  	_ =	shalt  }
0x62: {  	_ =	shalt  }
0x63: {  	_ =	shalt  }
0x64: {  	_ =	shalt  }
0x65: {  	_ =	shalt  }
0x66: {  	_ =	shalt  }
0x67: {  	_ =	shalt  }
0x68: {  	_ =	shalt  }
0x69: {  	_ =	shalt  }
0x6a: {  	_ =	shalt  }
0x6b: {  	_ =	shalt  }
0x6c: {  	_ =	shalt  }
0x6d: {  	_ =	shalt  }
0x6e: {  	_ =	shalt  }
0x6f: {  	_ =	shalt  }
0x70: {  	_ =	shalt  }
0x71: {  	_ =	shalt  }
0x72: {  	_ =	shalt  }
0x73: {  	_ =	shalt  }
0x74: {  	_ =	shalt  }
0x75: {  	_ =	shalt  }
0x76: {  	_ =	shalt  }
0x77: {  	_ =	shalt  }
0x78: {  	_ =	shalt  }
0x79: {  	_ =	shalt  }
0x7a: {  	_ =	shalt  }
0x7b: {  	_ =	shalt  }
0x7c: {  	_ =	shalt  }
0x7d: {  	_ =	shalt  }
0x7e: {  	_ =	shalt  }
0x7f: {  	_ =	shalt  }
0x80: {  	_ =	shalt  }
0x81: {  	_ =	shalt  }
0x82: {  	_ =	shalt  }
0x83: {  	_ =	shalt  }
0x84: {  	_ =	shalt  }
0x85: {  	_ =	shalt  }
0x86: {  	_ =	shalt  }
0x87: {  	_ =	shalt  }
.Lfunc_end0:
.L_simem_size_0:
called_computation_lowered:
.L_overlay_start_0:
0x88: {  	s2 =	sld [smem:$0x3FD9]  }
0x89: {  	s3 =	sld [smem:$0x3FFE];
	_ =	sdelay $0x1  }
0x8a: {  	s1 =	srdreg.scid  }
0x8b: {  	s0 =	sand.u32 $0x1, s1  }
0x8c: {  	s17 =	sshll.u32 s0, $0xA;
	s2 =	sadd.s32 s3, s2  }
0x8d: {  	s2 =	sadd.s32 s2, s17  }
0x8e: {  	[smem:$0x3FBF] =	sst s2  }
0x8f: {  	_ = 	snop  }
0x90: {  	s2 =	sld [smem:$0x3FD0];
	(tm) =	ssettm $0x1  }
0x91: {  	s18 =	sld [smem:$0x3FFB];
	_ =	sdelay $0x3  }
0x92: {  	_ =	strace s18  }
0x93: {  	s3 =	sld [smem:$0x3FFC];
	_ =	sdelay $0x3  }
0x94: {  	_ =	strace s3  }
0x95: {  	s3 =	sld [smem:$0x3FFD];
	_ =	sdelay $0x3  }
0x96: {  	_ =	strace s3  }
0x97: {  	_ =	strace $0x8FFFFFFF  }
0x98: {  	s19 =	sld [smem:$0x3FDB];
	_ =	sdelay $0x1  }
0x99: {  	s4 =	simm.s32 $_scs_section_size  }
0x9a: {  	s5 =	simm.s32 $_size__tile_overlayer_lowered;
	s6 =	simm.s32 $_tile_overlayer_lowered  }
0x9b: {  	s22 =	simm.s32 $0x1BFF;
	s21 =	sshll.u32 s6, $0x1;
	s3 =	sadd.s32 s4, s19  }
0x9c: {  	s7 =	simm.s32 $0x0;
	s20 =	sshll.u32 s5, $0x1;
	s5 =	sadd.s32 s21, s3  }
0x9d: {  	[timem:s7], [sflag:s22] =	dma.local [hbm:s5], s20  }
0x9e: {  	_ =	swait.ge [sflag:s22], s20  }
0x9f: {  	s4 =	ssub.s32 $0x0, s20;
	[sflag:s22] =	ssyncset.done $0x0  }
0xa0: {  	[sflag:s22] =	ssyncadd.s32 s4;
	_ =	sdelay $0x1  }
0xa1: {  	s23 =	simm.s32 $0x1B8B  }
0xa2: {  	_ =	swait.ge [sflag:s23], $0x1  }
0xa3: {  	[sflag:s23] =	ssyncset.done $0x0  }
0xa4: {  	s25 =	simm.s32 $0x1B8E;
	s24 =	sld [smem:$0x3FFE];
	[sflag:s23] =	ssyncadd.s32 $0xFFFFFFFF  }
0xa5: {  	s26 =	simm.s32 $execute0_lowered;
	[smem:$0x3FD2] =	sst s25  }
0xa6: {  	s5 =	sshll.u32 s26, $0x1;
	_ =	strace $0x80000046;
	[dreg:$0x1] =	wrdreg $0xFFFFFFFF  }
0xa7: {  	s28 =	simm.s32 $_size_execute0_lowered;
	s3 =	sadd.s32 s3, s5;
	[dreg:$0x0] =	wrdreg $0x0  }
0xa8: {  	s5 =	sshll.u32 s28, $0x1;
	[dreg:$0x2] =	wrdreg s3  }
0xa9: {  	[dreg:$0x3] =	wrdreg s5  }
0xaa: {  	[dreg:$0x4] =	wrdreg $0xC0  }
0xab: {  	_ =	task [dreg:s7], $0x5FFFF  }
0xac: {  	[dreg:$0x1] =	wrdreg $0xFFFFFFFF  }
0xad: {  	[dreg:$0x0] =	wrdreg $0x60  }
0xae: {  	[dreg:$0x2] =	wrdreg s2  }
0xaf: {  	[dreg:$0x3] =	wrdreg s24  }
0xb0: {  	[dreg:$0x4] =	wrdreg $0x9  }
0xb1: {  	_ =	task.clear_ibuf [dreg:s7], $0x5FFFF;
	_ =	strace $0x90000046  }
0xb2: {  	s29 =	simm.s32 $0x9;
	_ =	strace $0x80000048  }
0xb3: {  	_ =	swait.ge [sflag:s29], $0x1  }
0xb4: {  	[sflag:s29] =	ssyncadd.s32 $0xFFFFFFFF  }
0xb5: {  	_ =	strace $0x90000048  }
0xb6: {  	_ =	sfence  }
0xb7: {  	s30 =	sld [smem:$0x0];
	_ =	sdelay $0x2  }
0xb8: {  	s31 =	sshll.u32 s1, $0xD;
	s1 =	sshrl.u32 s1, $0x2  }
0xb9: {  	s3 =	sand.u32 $0x4000, s31;
	s1 =	sadd.s32 s1, s30  }
0xba: {  	s0 =	sor.u32 s3, s0;
	s1 =	sshll.u32 s1, $0x11  }
0xbb: {  	s0 =	sor.u32 s1, s0  }
0xbc: {  	s0 =	sadd.s32 $0x8F2B, s0  }
0xbd: {  	[sflag:s0] =	ssyncadd.remote.s32 $0x1  }
0xbe: {  	_ =	sfence.sel $0xFFFF  }
0xbf: {  	[dreg:$0x0] =	wrdreg $0xFFFFFFFF;
	(pc) =	sbr.abs _section_cstart, $3  }
0xc0: {  	[dreg:$0x1] =	wrdreg $0xFFFFFFFF  }
0xc1: {  	_ =	task.clear_ibuf [dreg:s7], $0x2FFFF;
	_ =	strace $0x9FFFFFFF  }
0xc2: {  	(tm) =	ssettm $0x7FFFFFFF  }
0xc3: {  	_ =	shalt  }
tec
execute0_lowered:
.L_overlay_start_1:
0x0: {  	(tag) =	ssettag $0x1  }
0x1: {  	s1 =	srdreg.scid;
	s2 =	rddreg [dreg:$0x0]  }
0x2: {  	s0 =	stileid.u32;
	s5 =	rddreg [dreg:$0x1];
	s6 =	simm.s32 $0x1  }
0x3: {  	s9 =	simm.s32 $0x1;
	s10 =	simm.s32 $0x3;
	s1 =	sshll.u32 s1, $0x6  }
0x4: {  	s13 =	simm.s32 $0x0;
	s3 =	sshll.u32 s0, $0x7;
	s4 =	sand.u32 $0x40, s1  }
0x5: {  	s12 =	simm.s32 $0x0;
	s1 =	rddreg [dreg:$0x2];
	s3 =	sor.u32 s3, s4  }
0x6: {  	_ =	strace $0x80000047;
	s4 =	sadd.s32 $0x48200, s5;
	s8 =	ssub.s32 $0x1000, s3  }
.Ltmp0:
0x7: {  	s5 =	sadd.s32 $0x40000, s5;
	s7 =	sand.u32 $0x7C0, s8;
	(pc) =	sbr.rel .LBB2_1-.Ltmp0, $4  }
0x8: {  	[sflag:s6] =	ssyncpa.u1 $0x0;
	s11 =	smov.u32 s3;
	p0 =	sne.s32 s7, $0x0  }
0x9: {  	s8 =	sshrl.u32 s8, $0xB;
	s7 =	simm.s32 $0x2;
	s9 =	simm.s32 @!p0 $0x0  }
0xa: {  	[sflag:s7] =	ssyncpa.u1 $0x0;
	p0 =	por $0x0, $0x0;
	s8 =	sadd.s32 s9, s8  }
0xb: {  	vm0 =	vmmov $0xffff;
	[sflag:s10] =	ssyncpa.u1 $0x0;
	s10 =	simm.s32 $0x0;
	s9 =	sadd.s32 $0x1, s8  }
.LBB2_4:
0xc: {  	v5 =	vshrl.u32 v1, $0xC;
	v6 =	vshll.u32 v1, $0x7  }
0xd: {  	vm1 =	veq.s32 v1, $0x80000000;
	v58 =	vand.u32 $0x3F, v5;
	v59 =	vand.u32 $0x7FF80, v6  }
0xe: {  	v1 =	vsel vm1, $0xFFFFFFFF, v58;
	v5 =	vsel vm1, $0xFFFFFF80, v59  }
0xf: {  	v3 =	vor.u32 v4, v3;
	v60 =	vand.u32 $0xFFFFFC00, v5;
	v61 =	vand.u32 $0xFFFFFC00, v1  }
0x10: {  	v2 =	vor.u32 v2, v3;
	v63 =	vand.u32 $0x380, v5;
	v62 =	vadd.s32 v61, v60  }
0x11: {  	v1 =	vand.u32 $0x7F, v1;
	v3 =	vor.u32 v63, v62  }
0x12: {  	v1 =	vor.u32 v1, v3  }
0x13: {  	[tilespmem:s15], [sflag:$0x1] =	stream.indirect_vreg.gather [hbm4b:s2+s10], $0x1, v0, vm0, $0x4038;
	[tilespmem:$0x100] =	vst v63  }
0x14: {  	(ifvalue) =	ssetifvalue $0x7FFFFFFF  }
0x15: {  	[tilespmem:s16], [sflag:$0x1] =	stream.indirect_vreg.gather [hbm4b:s2+s10], $0x1, v2, vm0, $0x4038;
	[tilespmem:$0x100] =	vst v63  }
0x16: {  	s29 =	sadd.s32 $0x10, s16;
	(ifvalue) =	ssetifvalue $0x7FFFFFFF  }
0x17: {  	[tilespmem:s29], [sflag:$0x1] =	stream.indirect_vreg.gather [hbm4b:s2+s10], $0x1, v1, vm0, $0x4038;
	[tilespmem:$0x100] =	vst v63  }
0x18: {  	_ =	swait.ge [sflag:s6], $0x40  }
0x19: {  	s30 =	sshrl.u32 s13, $0x3;
	[sflag:s6] =	ssyncset.done $0x0  }
0x1a: {  	s31 =	sand.u32 $0x7, s13;
	s15 =	sadd.s32 s5, s30;
	[sflag:s6] =	ssyncadd.s32 $0xFFFFFFC0  }
0x1b: {  	[hbm4b:s15+s31] =	stream.linear.scatter [tilespmem:s14], [sflag:$0x3], $0x40, $0x38;
	[tilespmem:$0x100] =	vst v63  }
.LBB2_5:
0x1c: {  	s15 =	sadd.s32 $0x800, s11  }
0x1d: {  	p2 =	sgt.s32 s15, $0xFFF  }
0x1e: {  	s15 =	smov.u32 @p2 s3;
	p2 =	sne.s32 s12, s9  }
.Ltmp1:
0x1f: {  	p1 =	slt.u32 s12, $0x2;
	(pc) =	sbr.rel @!p2 .LBB2_6-.Ltmp1, $4  }
0x20: {  	s14 =	simm.s32 @!p1 $0x3  }
0x21: {  	s16 =	sadd.s32 $0x1, s12;
	_ =	swait.ge @!p1 [sflag:s14], $0x40  }
0x22: {  	s13 =	smov.u32 s11;
	p0 =	por !p0, !p0;
	[sflag:s14] =	ssyncset.done @!p1 $0x0  }
0x23: {  	s12 =	smov.u32 s16;
	s11 =	smov.u32 s15;
	[sflag:s14] =	ssyncadd.s32 @!p1 $0xFFFFFFC0  }
.LBB2_1:
0x24: {  	p1 =	sge.u32 s12, s8  }
0x25: {  	s14 =	sxor.u32 @!p1 $0xFFFFFFFF, s12  }
0x26: {  	s31 =	sadd.s32 $0xFFFFFFFF, s12;
	s15 =	sshrl.u32 @!p1 s11, $0x3;
	s14 =	sshll.u32 @!p1 s14, $0x6  }
0x27: {  	s16 =	sand.u32 @!p1 $0x7, s11;
	s15 =	sadd.s32 @!p1 s4, s15;
	s14 =	sand.u32 @!p1 $0x40, s14  }
0x28: {  	[tilespmem:s14], [sflag:$0x2] =	stream.linear.gather @!p1 [hbm4b:s15+s16], $0x40, $0x38;
	[tilespmem:$0x100] =	vst v63  }
0x29: {  	p1 =	sge.u32 s31, s8  }
.Ltmp2:
0x2a: {  	_ = 	snop;
	(pc) =	sbr.rel @p1 .LBB2_5-.Ltmp2, $1  }
0x2b: {  	_ =	sdelay $0x3  }
0x2c: {  	s14 =	simm.s32 $0x1  }
0x2d: {  	_ =	swait.ge [sflag:s7], $0x40;
	s14 =	simm.s32 @!p0 $0x0  }
0x2e: {  	[sflag:s7] =	ssyncset.done $0x0;
	s14 =	sshll.u32 s14, $0x6  }
0x2f: {  	[sflag:s7] =	ssyncadd.s32 $0xFFFFFFC0;
	(ifvalue) =	ssetifvalue $0x7FFFFFFF;
	v0 =	vld.msk [tilespmem:s14+$0x0 ss:$0x1], $0xffff;
	_ =	sdelay $0x4  }
0x30: {  	s15 =	sadd.s32 $0x10, s14;
	v2 =	vshrl.u32 v0, $0xC;
	v3 =	vshll.u32 v0, $0x7  }
0x31: {  	v1 =	vld.msk [tilespmem:s15+$0x0 ss:$0x1], $0xffff;
	vm1 =	veq.s32 v0, $0x80000000;
	v0 =	vand.u32 $0x3F, v2;
	v2 =	vand.u32 $0x7FF80, v3  }
0x32: {  	v0 =	vsel vm1, $0xFFFFFFFF, v0;
	v2 =	vsel vm1, $0xFFFFFF80, v2  }
0x33: {  	v3 =	vand.u32 $0xFFFFFC00, v2;
	v4 =	vand.u32 $0xFFFFFC00, v0  }
0x34: {  	v2 =	vand.u32 $0x380, v2;
	v3 =	vadd.s32 v4, v3  }
0x35: {  	v0 =	vand.u32 $0x7F, v0;
	v2 =	vor.u32 v2, v3  }
0x36: {  	v5 =	vshll.u32 v1, $0x7;
	v4 =	vshrl.u32 v1, $0xC;
	v0 =	vor.u32 v0, v2  }
0x37: {  	s16 =	sshll.u32 s12, $0x6;
	vm1 =	veq.s32 v1, $0x80000000;
	v1 =	vand.u32 $0x3F, v4;
	v4 =	vand.u32 $0x7FF80, v5  }
0x38: {  	s16 =	sand.u32 $0x40, s16;
	s18 =	sadd.s32 $0x10, s15;
	v3 =	vsel vm1, $0xFFFFFFFF, v1;
	v4 =	vsel vm1, $0xFFFFFF80, v4  }
0x39: {  	s17 =	simm.s32 $0x20;
	s15 =	sor.u32 $0x80, s14;
	s14 =	sor.u32 $0x80, s16;
	v1 =	vld.msk [tilespmem:s18+$0x0 ss:$0x1], $0xffff;
	v5 =	vand.u32 $0xFFFFFC00, v4;
	v6 =	vand.u32 $0xFFFFFC00, v3  }
0x3a: {  	s16 =	sadd.s32 $0x10, s15;
	s18 =	sadd.s32 $0x10, s18;
	(ifvalue) =	ssetifvalue $0x7FFFFFFF;
	v2 =	vand.u32 $0x7F, v3;
	v4 =	vand.u32 $0x380, v4;
	v3 =	vadd.s32 v6, v5  }
.LBB2_3:
0x3b: {  	[tilespmem:s15], [sflag:$0x1] =	stream.indirect_vreg.gather [hbm4b:s2+s10], $0x1, v0, vm0, $0x4038;
	[tilespmem:$0x100] =	vst v63  }
0x3c: {  	s17 =	sadd.s32 $0x10, s17  }
0x3d: {  	v3 =	vor.u32 v4, v3;
	p1 =	slt.u32 s17, $0x30  }
.Ltmp3:
0x3e: {  	v4 =	vshrl.u32 v1, $0xC;
	v5 =	vshll.u32 v1, $0x7;
	s15 =	smov.u32 s16;
	v0 =	vor.u32 v2, v3;
	v2 =	vmovc v1;
	v1 =	vld.msk [tilespmem:s18+$0x0 ss:$0x1], $0xffff;
	(pc) =	sbr.rel @p1 .LBB2_3-.Ltmp3, $4  }
0x3f: {  	v3 =	vand.u32 $0x7FF80, v5;
	vm1 =	veq.s32 v2, $0x80000000;
	v2 =	vand.u32 $0x3F, v4  }
0x40: {  	v4 =	vsel vm1, $0xFFFFFFFF, v2;
	v5 =	vsel vm1, $0xFFFFFF80, v3  }
0x41: {  	v2 =	vand.u32 $0x7F, v4;
	v3 =	vand.u32 $0xFFFFFC00, v5;
	v4 =	vand.u32 $0xFFFFFC00, v4  }
0x42: {  	s16 =	sadd.s32 $0x10, s16;
	s18 =	sadd.s32 $0x10, s18;
	v3 =	vadd.s32 v4, v3;
	v4 =	vand.u32 $0x380, v5;
	(ifvalue) =	ssetifvalue $0x7FFFFFFF  }
.Ltmp4:
0x43: {  	_ = 	snop;
	(pc) =	sbr.rel .LBB2_4-.Ltmp4, $1  }
0x44: {  	_ =	sdelay $0x3  }
.LBB2_6:
0x45: {  	_ =	sfence.sel $0x180000  }
0x46: {  	s2 =	simm.s32 $0x2;
	[bflag:$0x0] =	sbarrier.arrive $0xFFFF  }
0x47: {  	s30 =	simm.s32 $0x3;
	[sflag:s2] =	ssyncpa.u1 $0x1  }
0x48: {  	s31 =	simm.s32 $0x1;
	[sflag:s30] =	ssyncpa.u1 $0x1  }
0x49: {  	[sflag:s31] =	ssyncpa.u1 $0x1  }
0x4a: {  	p0 =	sne.s32 s0, $0x0;
	_ =	strace $0x90000047  }
0x4b: {  	s0 =	sadd.s32 @!p0 $0x100000, s1;
	[bflag:$0x2] =	sbarrier.arrive $0xFFFF  }
0x4c: {  	[sflag:s0] =	ssyncadd.tile.s32 @!p0 $0x1;
	_ =	shalt  }
.Lfunc_end2:
_tile_overlayer_lowered:
.L_overlay_start_2:
0x4d: {  	(tag) =	ssettag $0x2  }
0x4e: {  	s0 =	rddreg [dreg:$0x0];
	s2 =	stileid.u32  }
0x4f: {  	s1 =	rddreg [dreg:$0x1];
	p0 =	sne.s32 s2, $0x0  }
0x50: {  	s3 =	rddreg [dreg:$0x2];
	[bflag:$0x3] =	sbarrier.arrive $0xFFFF;
	s2 =	simm.s32 @!p0 $0x1C01  }
0x51: {  	[timem:s3], [sflag:s2] =	dma.local @!p0 [hbm:s0], s1  }
0x52: {  	s0 =	simm.s32 @!p0 $0x1  }
0x53: {  	_ =	swait.ge @!p0 [sflag:s0], s1  }
0x54: {  	s1 =	ssub.s32 @!p0 $0x0, s1;
	[sflag:s0] =	ssyncset.done @!p0 $0x0  }
0x55: {  	[sflag:s0] =	ssyncadd.s32 @!p0 s1  }
0x56: {  	[bflag:$0x3] =	sbarrier.arrive $0xFFFF  }
0x57: {  	_ =	shalt  }

// kernel: kernel.5.cloned.1.call-start
scs
__scs_entry_jumppad:
0x0: {  	(pc) =	sbr.rel $0x88, $3  }
0x1: {  	(tag) =	ssettag $0x0;
	lr =	simm.s32 $0x1  }
0x2: {  	[smem:$0x3F98] =	sst lr;
	_ =	strace $0xD0000000  }
0x3: {  	_ = 	snop  }
0x4: {  	_ = 	snop  }
0x5: {  	_ = 	snop  }
0x6: {  	_ = 	snop  }
0x7: {  	_ = 	snop  }
__scs_overlays_trampoline_lowered:
0x8: {  	[smem:$0x3FA7] =	sst s0  }
0x9: {  	[smem:$0x3FA8] =	sst s1  }
0xa: {  	[smem:$0x3FA9] =	sst s2  }
0xb: {  	[smem:$0x3FAA] =	sst s3  }
0xc: {  	[smem:$0x3FAB] =	sst s4  }
0xd: {  	[smem:$0x3FAC] =	sst s5  }
0xe: {  	[smem:$0x3FAD] =	sst s6  }
0xf: {  	[smem:$0x3FAE] =	sst s7  }
0x10: {  	[smem:$0x3FAF] =	sst s8  }
0x11: {  	[smem:$0x3FB0] =	sst s9;
	s0 =	simm.s32 @!p0 $0x0  }
0x12: {  	s1 =	sld [smem:$0x3F96];
	s0 =	simm.s32 @p0 $0x1  }
0x13: {  	[smem:$0x3FB1] =	sst s0;
	s0 =	simm.s32 @!p1 $0x0  }
0x14: {  	s2 =	sld [smem:$0x3F95];
	s0 =	simm.s32 @p1 $0x1  }
0x15: {  	[smem:$0x3FB2] =	sst s0;
	s0 =	simm.s32 @!p2 $0x0  }
0x16: {  	s3 =	sld [smem:$0x3FDB];
	s0 =	simm.s32 @p2 $0x1  }
0x17: {  	s4 =	simm.s32 $0x1BF5;
	[smem:$0x3FB4] =	sst s0  }
0x18: {  	s0 =	sld [smem:$0x3F97];
	_ =	swait.ge [sflag:s4], $0x0  }
0x19: {  	s7 =	sld [smem:$0x3F98]  }
0x1a: {  	s8 =	sadd.s32 $0xFFFFE003, lr  }
0x1b: {  	s9 =	sadd.s32 $0xFFFFFEF7, lr;
	s5 =	simm.s32 $0xFFFFFFFF;
	p2 =	slt.u32 s8, $0xFFFFF086  }
0x1c: {  	p1 =	slt.u32 s9, $0xF7A;
	s5 =	simm.s32 @!p2 $0x0  }
0x1d: {  	s5 =	simm.s32 @p1 $0x1;
	p0 =	seq.s32 s7, s2  }
0x1e: {  	s7 =	smul.u32 @!p0 $0xF7A, s2;
	p2 =	seq.s32 @!p0 s5, $0x0  }
0x1f: {  	s9 =	smul.u32 $0xF7A, s1;
	s8 =	simm.s32 @!p0 $0x1BF5;
	p2 =	por !p2, p0  }
0x20: {  	[sflag:s8] =	ssyncset.s32 @!p0 $0xFFFFF086;
	s6 =	sadd.s32 @!p0 s3, s7;
	s7 =	simm.s32 @!p0 $0x108  }
0x21: {  	s3 =	sadd.s32 s3, s9;
	s6 =	sadd.s32 @!p0 $0x88, s6;
	s7 =	simm.s32 @p2 $0x1082  }
0x22: {  	[simem:s7], [sflag:s8] =	dma.local @!p0 [hbm:s6], $0xF7A  }
0x23: {  	s9 =	sor.u32 $0xD0000000, s2;
	s6 =	simm.s32 $0x108;
	_ =	swait.ge @!p0 [sflag:s8], $0x0  }
0x24: {  	s3 =	sadd.s32 $0x88, s3;
	s6 =	simm.s32 @!p1 $0x1082;
	[sflag:s4] =	ssyncset.s32 $0xFFFFF086  }
0x25: {  	[simem:s6], [sflag:s4] =	dma.local [hbm:s3], $0xF7A  }
0x26: {  	[smem:$0x3F98] =	sst s1;
	(tag) =	ssettag s2;
	_ =	strace s9  }
0x27: {  	s1 =	sld [smem:$0x3FA8]  }
0x28: {  	s2 =	sld [smem:$0x3FA9]  }
0x29: {  	s4 =	sld [smem:$0x3FAB]  }
0x2a: {  	p0 =	seq.s32 s5, $0x0;
	s5 =	sld [smem:$0x3FAC]  }
0x2b: {  	s6 =	sld [smem:$0x3FAD]  }
0x2c: {  	s7 =	sld [smem:$0x3FAE]  }
0x2d: {  	s3 =	simm.s32 $0x108;
	s8 =	sld [smem:$0x3FAF]  }
0x2e: {  	s3 =	simm.s32 @!p0 $0x1082;
	s9 =	sld [smem:$0x3FB0]  }
0x2f: {  	lr =	sadd.s32 s0, s3;
	s0 =	sld [smem:$0x3FA7]  }
0x30: {  	s3 =	sld [smem:$0x3FAA]  }
0x31: {  	[smem:$0x3FB3] =	sst s10  }
0x32: {  	s10 =	sld [smem:$0x3FB1];
	_ =	sdelay $0x3  }
0x33: {  	p0 =	seq.s32 s10, $0x1;
	s10 =	sld [smem:$0x3FB3];
	_ =	sdelay $0x3  }
0x34: {  	[smem:$0x3FB3] =	sst s10  }
0x35: {  	s10 =	sld [smem:$0x3FB2];
	_ =	sdelay $0x3  }
0x36: {  	p1 =	seq.s32 s10, $0x1;
	s10 =	sld [smem:$0x3FB3];
	_ =	sdelay $0x3  }
0x37: {  	[smem:$0x3FB3] =	sst s10  }
0x38: {  	s10 =	sld [smem:$0x3FB4]  }
0x39: {  	_ = 	snop;
	(pc) =	sbr.ind lr, $3  }
0x3a: {  	_ = 	snop  }
0x3b: {  	_ = 	snop  }
0x3c: {  	p2 =	seq.s32 s10, $0x1;
	s10 =	sld [smem:$0x3FB3]  }
0x3d: {  	_ =	shalt  }
0x3e: {  	_ =	shalt  }
0x3f: {  	_ =	shalt  }
0x40: {  	_ =	shalt  }
0x41: {  	_ =	shalt  }
0x42: {  	_ =	shalt  }
0x43: {  	_ =	shalt  }
0x44: {  	_ =	shalt  }
0x45: {  	_ =	shalt  }
0x46: {  	_ =	shalt  }
0x47: {  	_ =	shalt  }
0x48: {  	_ =	shalt  }
0x49: {  	_ =	shalt  }
0x4a: {  	_ =	shalt  }
0x4b: {  	_ =	shalt  }
0x4c: {  	_ =	shalt  }
0x4d: {  	_ =	shalt  }
0x4e: {  	_ =	shalt  }
0x4f: {  	_ =	shalt  }
0x50: {  	_ =	shalt  }
0x51: {  	_ =	shalt  }
0x52: {  	_ =	shalt  }
0x53: {  	_ =	shalt  }
0x54: {  	_ =	shalt  }
0x55: {  	_ =	shalt  }
0x56: {  	_ =	shalt  }
0x57: {  	_ =	shalt  }
0x58: {  	_ =	shalt  }
0x59: {  	_ =	shalt  }
0x5a: {  	_ =	shalt  }
0x5b: {  	_ =	shalt  }
0x5c: {  	_ =	shalt  }
0x5d: {  	_ =	shalt  }
0x5e: {  	_ =	shalt  }
0x5f: {  	_ =	shalt  }
0x60: {  	_ =	shalt  }
0x61: {  	_ =	shalt  }
0x62: {  	_ =	shalt  }
0x63: {  	_ =	shalt  }
0x64: {  	_ =	shalt  }
0x65: {  	_ =	shalt  }
0x66: {  	_ =	shalt  }
0x67: {  	_ =	shalt  }
0x68: {  	_ =	shalt  }
0x69: {  	_ =	shalt  }
0x6a: {  	_ =	shalt  }
0x6b: {  	_ =	shalt  }
0x6c: {  	_ =	shalt  }
0x6d: {  	_ =	shalt  }
0x6e: {  	_ =	shalt  }
0x6f: {  	_ =	shalt  }
0x70: {  	_ =	shalt  }
0x71: {  	_ =	shalt  }
0x72: {  	_ =	shalt  }
0x73: {  	_ =	shalt  }
0x74: {  	_ =	shalt  }
0x75: {  	_ =	shalt  }
0x76: {  	_ =	shalt  }
0x77: {  	_ =	shalt  }
0x78: {  	_ =	shalt  }
0x79: {  	_ =	shalt  }
0x7a: {  	_ =	shalt  }
0x7b: {  	_ =	shalt  }
0x7c: {  	_ =	shalt  }
0x7d: {  	_ =	shalt  }
0x7e: {  	_ =	shalt  }
0x7f: {  	_ =	shalt  }
0x80: {  	_ =	shalt  }
0x81: {  	_ =	shalt  }
0x82: {  	_ =	shalt  }
0x83: {  	_ =	shalt  }
0x84: {  	_ =	shalt  }
0x85: {  	_ =	shalt  }
0x86: {  	_ =	shalt  }
0x87: {  	_ =	shalt  }
.Lfunc_end0:
.L_simem_size_0:
called_computation.1_lowered:
.L_overlay_start_0:
0x88: {  	s2 =	sld [smem:$0x3FD9]  }
0x89: {  	s3 =	sld [smem:$0x3FFE];
	_ =	sdelay $0x1  }
0x8a: {  	s1 =	srdreg.scid  }
0x8b: {  	s0 =	sand.u32 $0x1, s1  }
0x8c: {  	s17 =	sshll.u32 s0, $0xA;
	s2 =	sadd.s32 s3, s2  }
0x8d: {  	s2 =	sadd.s32 s2, s17  }
0x8e: {  	[smem:$0x3FBF] =	sst s2  }
0x8f: {  	_ = 	snop  }
0x90: {  	s2 =	sld [smem:$0x3FD0];
	(tm) =	ssettm $0x1  }
0x91: {  	s18 =	sld [smem:$0x3FFB];
	_ =	sdelay $0x3  }
0x92: {  	_ =	strace s18  }
0x93: {  	s3 =	sld [smem:$0x3FFC];
	_ =	sdelay $0x3  }
0x94: {  	_ =	strace s3  }
0x95: {  	s3 =	sld [smem:$0x3FFD];
	_ =	sdelay $0x3  }
0x96: {  	_ =	strace s3  }
0x97: {  	_ =	strace $0x8FFFFFFF  }
0x98: {  	s19 =	sld [smem:$0x3FDB];
	_ =	sdelay $0x1  }
0x99: {  	s4 =	simm.s32 $_scs_section_size  }
0x9a: {  	s5 =	simm.s32 $_size__tile_overlayer_lowered;
	s6 =	simm.s32 $_tile_overlayer_lowered  }
0x9b: {  	s22 =	simm.s32 $0x1BFF;
	s21 =	sshll.u32 s6, $0x1;
	s3 =	sadd.s32 s4, s19  }
0x9c: {  	s7 =	simm.s32 $0x0;
	s20 =	sshll.u32 s5, $0x1;
	s5 =	sadd.s32 s21, s3  }
0x9d: {  	[timem:s7], [sflag:s22] =	dma.local [hbm:s5], s20  }
0x9e: {  	_ =	swait.ge [sflag:s22], s20  }
0x9f: {  	s4 =	ssub.s32 $0x0, s20;
	[sflag:s22] =	ssyncset.done $0x0  }
0xa0: {  	[sflag:s22] =	ssyncadd.s32 s4;
	_ =	sdelay $0x1  }
0xa1: {  	s23 =	simm.s32 $0x1B8B  }
0xa2: {  	_ =	swait.ge [sflag:s23], $0x1  }
0xa3: {  	[sflag:s23] =	ssyncset.done $0x0  }
0xa4: {  	s25 =	simm.s32 $0x1B8E;
	s24 =	sld [smem:$0x3FFE];
	[sflag:s23] =	ssyncadd.s32 $0xFFFFFFFF  }
0xa5: {  	s26 =	simm.s32 $execute0_lowered;
	[smem:$0x3FD2] =	sst s25  }
0xa6: {  	s5 =	sshll.u32 s26, $0x1;
	_ =	strace $0x80000049;
	[dreg:$0x1] =	wrdreg $0xFFFFFFFF  }
0xa7: {  	s28 =	simm.s32 $_size_execute0_lowered;
	s3 =	sadd.s32 s3, s5;
	[dreg:$0x0] =	wrdreg $0x0  }
0xa8: {  	s5 =	sshll.u32 s28, $0x1;
	[dreg:$0x2] =	wrdreg s3  }
0xa9: {  	[dreg:$0x3] =	wrdreg s5  }
0xaa: {  	[dreg:$0x4] =	wrdreg $0xC0  }
0xab: {  	_ =	task [dreg:s7], $0x5FFFF  }
0xac: {  	[dreg:$0x1] =	wrdreg $0xFFFFFFFF  }
0xad: {  	[dreg:$0x0] =	wrdreg $0x60  }
0xae: {  	[dreg:$0x2] =	wrdreg s24  }
0xaf: {  	[dreg:$0x3] =	wrdreg s2  }
0xb0: {  	[dreg:$0x4] =	wrdreg $0x9  }
0xb1: {  	_ =	task.clear_ibuf [dreg:s7], $0x5FFFF;
	_ =	strace $0x90000049  }
0xb2: {  	s29 =	simm.s32 $0x9;
	_ =	strace $0x8000004B  }
0xb3: {  	_ =	swait.ge [sflag:s29], $0x1  }
0xb4: {  	[sflag:s29] =	ssyncadd.s32 $0xFFFFFFFF  }
0xb5: {  	_ =	strace $0x9000004B  }
0xb6: {  	_ =	sfence  }
0xb7: {  	s30 =	sld [smem:$0x0];
	_ =	sdelay $0x2  }
0xb8: {  	s31 =	sshll.u32 s1, $0xD;
	s1 =	sshrl.u32 s1, $0x2  }
0xb9: {  	s3 =	sand.u32 $0x4000, s31;
	s1 =	sadd.s32 s1, s30  }
0xba: {  	s0 =	sor.u32 s3, s0;
	s1 =	sshll.u32 s1, $0x11  }
0xbb: {  	s0 =	sor.u32 s1, s0  }
0xbc: {  	s0 =	sadd.s32 $0x8F2B, s0  }
0xbd: {  	[sflag:s0] =	ssyncadd.remote.s32 $0x1  }
0xbe: {  	_ =	sfence.sel $0xFFFF  }
0xbf: {  	[dreg:$0x0] =	wrdreg $0xFFFFFFFF;
	(pc) =	sbr.abs _section_cstart, $3  }
0xc0: {  	[dreg:$0x1] =	wrdreg $0xFFFFFFFF  }
0xc1: {  	_ =	task.clear_ibuf [dreg:s7], $0x2FFFF;
	_ =	strace $0x9FFFFFFF  }
0xc2: {  	(tm) =	ssettm $0x7FFFFFFF  }
0xc3: {  	_ =	shalt  }
tec
execute0_lowered:
.L_overlay_start_1:
0x0: {  	(tag) =	ssettag $0x1  }
0x1: {  	s0 =	rddreg [dreg:$0x0]  }
0x2: {  	s1 =	rddreg [dreg:$0x1];
	s2 =	simm.s32 $0x0;
	s3 =	srdreg.scid  }
0x3: {  	s5 =	stileid.u32;
	s28 =	simm.s32 $0x3080;
	s29 =	simm.s32 $0x3880  }
0x4: {  	s30 =	simm.s32 $0x4080;
	s31 =	simm.s32 $0x4880;
	s12 =	simm.s32 $0x8080  }
0x5: {  	s13 =	simm.s32 $0x0;
	[smem:$0x7FF] =	sst s2;
	s4 =	sand.u32 $0x1, s3  }
0x6: {  	s5 =	sshll.u32 s5, $0x1;
	s3 =	sadd.s32 $0x48400, s0;
	s8 =	sadd.s32 $0x48200, s0  }
0x7: {  	_ =	strace $0x8000004A;
	s6 =	ssub.s32 $0x2, s4;
	s4 =	sor.u32 s4, s5  }
0x8: {  	s5 =	sadd.s32 $0x48500, s0;
	s16 =	sshrl.u32 s6, $0x1;
	s7 =	sshll.u32 s4, $0x4  }
0x9: {  	s10 =	sshll.u32 s4, $0x6;
	s4 =	sshll.u32 s4, $0xD;
	s9 =	ssub.s32 s6, s16  }
0xa: {  	s17 =	sadd.s32 s8, s7;
	s6 =	sadd.s32 $0x48600, s0;
	s7 =	sadd.s32 $0x48700, s0  }
0xb: {  	s11 =	sadd.s32 s0, s4;
	s18 =	sor.u32 $0x10, s10;
	[dreg:$0x3] =	wrdreg s17  }
0xc: {  	s4 =	sadd.s32 s1, s4;
	s21 =	sor.u32 $0x20, s10;
	[dreg:$0x4] =	wrdreg s11  }
0xd: {  	s10 =	sor.u32 $0x30, s10;
	[dreg:$0x5] =	wrdreg s4;
	s19 =	sshrl.u32 s18, $0x2  }
0xe: {  	s11 =	sshll.u32 s18, $0x7;
	s22 =	sshrl.u32 s21, $0x2;
	s26 =	smax.u32 s9, $0x1  }
0xf: {  	s24 =	sshrl.u32 s10, $0x2;
	s4 =	sadd.s32 s8, s19;
	[dreg:$0xf] =	wrdreg s26  }
0x10: {  	s10 =	sshll.u32 s10, $0x7;
	s20 =	sadd.s32 s0, s11;
	[dreg:$0x6] =	wrdreg s4  }
0x11: {  	s9 =	simm.s32 $0x7080;
	s11 =	sadd.s32 s1, s11;
	[dreg:$0x7] =	wrdreg s20  }
0x12: {  	s25 =	sadd.s32 s1, s10;
	s26 =	simm.s32 $0x2880;
	[dreg:$0x8] =	wrdreg s11  }
0x13: {  	s4 =	sshll.u32 s21, $0x7;
	s11 =	sadd.s32 s8, s22;
	[dreg:$0xe] =	wrdreg s25  }
0x14: {  	s20 =	simm.s32 $0x2;
	s25 =	simm.s32 $0x2080;
	[dreg:$0x9] =	wrdreg s11  }
0x15: {  	s23 =	sadd.s32 s0, s4;
	s4 =	sadd.s32 s1, s4;
	s0 =	sadd.s32 s0, s10  }
0x16: {  	s1 =	simm.s32 $0x5880;
	s10 =	simm.s32 $0x7880;
	[dreg:$0xa] =	wrdreg s23  }
0x17: {  	v2 =	vlaneseq.u32;
	s11 =	simm.s32 $0x1;
	[dreg:$0xb] =	wrdreg s4;
	s4 =	sadd.s32 s8, s24  }
0x18: {  	vm0 =	vmmov $0xffff;
	v1 =	vshrl.u32 v2, $0x3;
	[dreg:$0xd] =	wrdreg s0;
	s24 =	simm.s32 $0x1880;
	s0 =	simm.s32 $0x5080  }
0x19: {  	v0 =	vand.u32 $0x7, v2;
	v2 =	vor.u32 $0x8, v2;
	v1 =	vmul.u32 $0x8, v1;
	s8 =	simm.s32 $0x6880;
	[dreg:$0xc] =	wrdreg s4;
	s4 =	simm.s32 $0x6080  }
.LBB2_1:
0x1a: {  	s14 =	rddreg [dreg:$0x3]  }
0x1b: {  	[tilespmem:s2], [sflag:$0x2] =	stream.linear.gather [hbm4b:s14+s2], $0x20, $0x38;
	[tilespmem:$0xC080] =	vst v63  }
0x1c: {  	_ =	swait.ge [sflag:s20], $0x20  }
0x1d: {  	[sflag:s20] =	ssyncset.done $0x0  }
0x1e: {  	[sflag:s20] =	ssyncadd.s32 $0xFFFFFFE0  }
0x1f: {  	v3 =	vld [tilespmem:$0x0];
	_ =	sdelay $0x4  }
0x20: {  	v4 =	vshll.u32 v3, $0x3  }
0x21: {  	v3 =	vand.u32 $0x7, v3;
	v4 =	vand.u32 $0xFFFFFFC0, v4  }
0x22: {  	v3 =	vor.u32 v3, v4  }
0x23: {  	v4 =	vperm.xlane v3, v0;
	_ =	sdelay $0x1  }
0x24: {  	v4 =	vadd.s32 v1, v4;
	_ =	sdelay $0x3  }
0x25: {  	s18 =	simm.s32 $0x80  }
0x26: {  	[tilespmem:s18], [sflag:$0x1] =	stream.indirect_vreg.gather [hbm4b:s3+s2], $0x80, v4, vm0, $0xb8;
	[tilespmem:$0xC080] =	vst v63  }
0x27: {  	s19 =	simm.s32 $0x880;
	v3 =	vperm.xlane v3, v2  }
0x28: {  	[tilespmem:s19], [sflag:$0x1] =	stream.indirect_vreg.gather [hbm4b:s5+s2], $0x80, v4, vm0, $0xb8;
	[tilespmem:$0xC080] =	vst v63  }
0x29: {  	s21 =	simm.s32 $0x1080;
	v3 =	vadd.s32 v1, v3  }
0x2a: {  	[tilespmem:s21], [sflag:$0x1] =	stream.indirect_vreg.gather [hbm4b:s6+s2], $0x80, v4, vm0, $0xb8;
	[tilespmem:$0xC080] =	vst v63  }
0x2b: {  	_ = 	snop  }
0x2c: {  	[tilespmem:s24], [sflag:$0x1] =	stream.indirect_vreg.gather [hbm4b:s7+s2], $0x80, v4, vm0, $0xb8;
	[tilespmem:$0xC080] =	vst v63  }
0x2d: {  	_ = 	snop  }
0x2e: {  	[tilespmem:s25], [sflag:$0x1] =	stream.indirect_vreg.gather [hbm4b:s3+s2], $0x80, v3, vm0, $0xb8;
	[tilespmem:$0xC080] =	vst v63  }
0x2f: {  	_ = 	snop  }
0x30: {  	[tilespmem:s26], [sflag:$0x1] =	stream.indirect_vreg.gather [hbm4b:s5+s2], $0x80, v3, vm0, $0xb8;
	[tilespmem:$0xC080] =	vst v63  }
0x31: {  	_ = 	snop  }
0x32: {  	[tilespmem:s28], [sflag:$0x1] =	stream.indirect_vreg.gather [hbm4b:s6+s2], $0x80, v3, vm0, $0xb8;
	[tilespmem:$0xC080] =	vst v63  }
0x33: {  	_ = 	snop  }
0x34: {  	[tilespmem:s29], [sflag:$0x1] =	stream.indirect_vreg.gather [hbm4b:s7+s2], $0x80, v3, vm0, $0xb8;
	[tilespmem:$0xC080] =	vst v63  }
0x35: {  	v3 =	vld [tilespmem:$0x10];
	_ =	sdelay $0x4  }
0x36: {  	v4 =	vshll.u32 v3, $0x3  }
0x37: {  	v3 =	vand.u32 $0x7, v3;
	v4 =	vand.u32 $0xFFFFFFC0, v4  }
0x38: {  	v3 =	vor.u32 v3, v4  }
0x39: {  	v4 =	vperm.xlane v3, v0;
	_ =	sdelay $0x1  }
0x3a: {  	v4 =	vadd.s32 v1, v4;
	_ =	sdelay $0x4  }
0x3b: {  	[tilespmem:s30], [sflag:$0x1] =	stream.indirect_vreg.gather [hbm4b:s3+s2], $0x80, v4, vm0, $0xb8;
	[tilespmem:$0xC080] =	vst v63  }
0x3c: {  	v3 =	vperm.xlane v3, v2  }
0x3d: {  	[tilespmem:s31], [sflag:$0x1] =	stream.indirect_vreg.gather [hbm4b:s5+s2], $0x80, v4, vm0, $0xb8;
	[tilespmem:$0xC080] =	vst v63  }
0x3e: {  	v3 =	vadd.s32 v1, v3  }
0x3f: {  	[tilespmem:s0], [sflag:$0x1] =	stream.indirect_vreg.gather [hbm4b:s6+s2], $0x80, v4, vm0, $0xb8;
	[tilespmem:$0xC080] =	vst v63  }
0x40: {  	_ = 	snop  }
0x41: {  	[tilespmem:s1], [sflag:$0x1] =	stream.indirect_vreg.gather [hbm4b:s7+s2], $0x80, v4, vm0, $0xb8;
	[tilespmem:$0xC080] =	vst v63  }
0x42: {  	_ = 	snop  }
0x43: {  	[tilespmem:s4], [sflag:$0x1] =	stream.indirect_vreg.gather [hbm4b:s3+s2], $0x80, v3, vm0, $0xb8;
	[tilespmem:$0xC080] =	vst v63  }
0x44: {  	_ = 	snop  }
0x45: {  	[tilespmem:s8], [sflag:$0x1] =	stream.indirect_vreg.gather [hbm4b:s5+s2], $0x80, v3, vm0, $0xb8;
	[tilespmem:$0xC080] =	vst v63  }
0x46: {  	_ = 	snop  }
0x47: {  	[tilespmem:s9], [sflag:$0x1] =	stream.indirect_vreg.gather [hbm4b:s6+s2], $0x80, v3, vm0, $0xb8;
	[tilespmem:$0xC080] =	vst v63  }
0x48: {  	_ = 	snop  }
0x49: {  	[tilespmem:s10], [sflag:$0x1] =	stream.indirect_vreg.gather [hbm4b:s7+s2], $0x80, v3, vm0, $0xb8;
	[tilespmem:$0xC080] =	vst v63  }
0x4a: {  	_ =	swait.ge [sflag:s11], $0x8000  }
0x4b: {  	[sflag:s11] =	ssyncset.done $0x0  }
0x4c: {  	s22 =	rddreg [dreg:$0x4];
	[sflag:s11] =	ssyncadd.s32 $0xFFFF8000  }
0x4d: {  	[tilespmem:s12], [sflag:$0x2] =	stream.linear.gather [hbm4b:s22+s2], $0x4000, $0x38;
	[tilespmem:$0xC080] =	vst v63  }
0x4e: {  	_ =	swait.ge [sflag:s20], $0x4000  }
0x4f: {  	s23 =	sand.u32 $0x70, s2;
	s15 =	sand.u32 $0x1C00, s2;
	[sflag:s20] =	ssyncset.done $0x0  }
0x50: {  	s14 =	sor.u32 s23, s15;
	[sflag:s20] =	ssyncadd.s32 $0xFFFFC000  }
0x51: {  	v3 =	vld [tilespmem:s14+$0x80]  }
0x52: {  	v4 =	vld [tilespmem:s14+$0x8080];
	_ =	sdelay $0x1  }
0x53: {  	v5 =	vld [tilespmem:s14+$0x100];
	_ =	sdelay $0x2  }
0x54: {  	v3 =	vadd.f32 v3, v4  }
0x55: {  	s16 =	simm.s32 $0x10;
	s15 =	simm.s32 $0x80  }
0x56: {  	s16 =	sand.u32 $0x70, s16;
	s17 =	sand.u32 $0x1C00, s15;
	v3 =	vadd.f32 v5, v3  }
0x57: {  	s17 =	sor.u32 s16, s17;
	s16 =	simm.s32 $0x20  }
.LBB2_2:
0x58: {  	p0 =	sne.s32 s16, $0x3F0;
	v4 =	vld [tilespmem:s17+$0x80];
	[tilespmem:s14+$0x8080] =	vst v3;
	s14 =	smov.u32 s17  }
0x59: {  	v3 =	vld [tilespmem:s14+$0x8080];
	_ =	sdelay $0x1  }
0x5a: {  	v5 =	vld [tilespmem:s14+$0x100];
	_ =	sdelay $0x1  }
.Ltmp0:
0x5b: {  	(pc) =	sbr.rel @p0 .LBB2_2-.Ltmp0, $4  }
0x5c: {  	v3 =	vadd.f32 v4, v3  }
0x5d: {  	s15 =	sadd.s32 $0x80, s15  }
0x5e: {  	s17 =	sand.u32 $0x70, s16;
	s18 =	sand.u32 $0x1C00, s15;
	v3 =	vadd.f32 v5, v3  }
0x5f: {  	s16 =	sadd.s32 $0x10, s16;
	s17 =	sor.u32 s17, s18  }
0x60: {  	v4 =	vld [tilespmem:s17+$0x80];
	[tilespmem:s14+$0x8080] =	vst v3  }
0x61: {  	v3 =	vld [tilespmem:s17+$0x8080];
	_ =	sdelay $0x1  }
0x62: {  	v5 =	vld [tilespmem:s17+$0x100];
	_ =	sdelay $0x2  }
0x63: {  	v3 =	vadd.f32 v4, v3;
	_ =	sdelay $0x1  }
0x64: {  	s21 =	simm.s32 $0x0;
	v3 =	vadd.f32 v5, v3  }
0x65: {  	s15 =	sand.u32 $0x70, s21;
	s14 =	sand.u32 $0x1C00, s21  }
0x66: {  	s14 =	sor.u32 s15, s14;
	[tilespmem:s17+$0x8080] =	vst v3  }
0x67: {  	v3 =	vld [tilespmem:s14+$0x180]  }
0x68: {  	v4 =	vld [tilespmem:s14+$0x8100];
	_ =	sdelay $0x1  }
0x69: {  	v5 =	vld [tilespmem:s14+$0x200];
	_ =	sdelay $0x2  }
0x6a: {  	v3 =	vadd.f32 v3, v4  }
0x6b: {  	s22 =	simm.s32 $0x10;
	s16 =	simm.s32 $0x80  }
0x6c: {  	s23 =	sand.u32 $0x1C00, s16;
	s15 =	sand.u32 $0x70, s22;
	v3 =	vadd.f32 v5, v3  }
0x6d: {  	s18 =	simm.s32 $0x20;
	s19 =	sor.u32 s15, s23;
	s17 =	smov.u32 s14  }
.LBB2_4:
0x6e: {  	p0 =	sne.s32 s18, $0x3F0;
	v4 =	vld [tilespmem:s19+$0x180];
	[tilespmem:s17+$0x8100] =	vst v3;
	s17 =	smov.u32 s19  }
0x6f: {  	v3 =	vld [tilespmem:s17+$0x8100];
	_ =	sdelay $0x1  }
0x70: {  	v5 =	vld [tilespmem:s17+$0x200];
	_ =	sdelay $0x1  }
.Ltmp1:
0x71: {  	(pc) =	sbr.rel @p0 .LBB2_4-.Ltmp1, $4  }
0x72: {  	v3 =	vadd.f32 v4, v3  }
0x73: {  	s16 =	sadd.s32 $0x80, s16  }
0x74: {  	s19 =	sand.u32 $0x70, s18;
	s21 =	sand.u32 $0x1C00, s16;
	v3 =	vadd.f32 v5, v3  }
0x75: {  	s18 =	sadd.s32 $0x10, s18;
	s19 =	sor.u32 s19, s21  }
0x76: {  	v4 =	vld [tilespmem:s19+$0x180];
	[tilespmem:s17+$0x8100] =	vst v3  }
0x77: {  	v3 =	vld [tilespmem:s19+$0x8100];
	_ =	sdelay $0x1  }
0x78: {  	v5 =	vld [tilespmem:s19+$0x200];
	_ =	sdelay $0x2  }
0x79: {  	v3 =	vadd.f32 v4, v3;
	_ =	sdelay $0x1  }
0x7a: {  	v3 =	vadd.f32 v5, v3;
	_ =	sdelay $0x1  }
0x7b: {  	[tilespmem:s19+$0x8100] =	vst v3  }
0x7c: {  	v3 =	vld [tilespmem:s14+$0x280]  }
0x7d: {  	v4 =	vld [tilespmem:s14+$0x8180];
	_ =	sdelay $0x1  }
0x7e: {  	v5 =	vld [tilespmem:s14+$0x300];
	_ =	sdelay $0x2  }
0x7f: {  	v3 =	vadd.f32 v3, v4  }
0x80: {  	s16 =	simm.s32 $0x80  }
0x81: {  	s23 =	sand.u32 $0x1C00, s16;
	v3 =	vadd.f32 v5, v3  }
0x82: {  	s17 =	sor.u32 s15, s23;
	s15 =	simm.s32 $0x20  }
.LBB2_6:
0x83: {  	p0 =	sne.s32 s15, $0x3F0;
	v4 =	vld [tilespmem:s17+$0x280];
	[tilespmem:s14+$0x8180] =	vst v3;
	s14 =	smov.u32 s17  }
0x84: {  	v3 =	vld [tilespmem:s14+$0x8180];
	_ =	sdelay $0x1  }
0x85: {  	v5 =	vld [tilespmem:s14+$0x300];
	_ =	sdelay $0x1  }
.Ltmp2:
0x86: {  	(pc) =	sbr.rel @p0 .LBB2_6-.Ltmp2, $4  }
0x87: {  	v3 =	vadd.f32 v4, v3  }
0x88: {  	s16 =	sadd.s32 $0x80, s16  }
0x89: {  	s17 =	sand.u32 $0x70, s15;
	s18 =	sand.u32 $0x1C00, s16;
	v3 =	vadd.f32 v5, v3  }
0x8a: {  	s15 =	sadd.s32 $0x10, s15;
	s17 =	sor.u32 s17, s18  }
0x8b: {  	v4 =	vld [tilespmem:s17+$0x280];
	[tilespmem:s14+$0x8180] =	vst v3  }
0x8c: {  	v3 =	vld [tilespmem:s17+$0x8180];
	_ =	sdelay $0x1  }
0x8d: {  	v5 =	vld [tilespmem:s17+$0x300];
	_ =	sdelay $0x2  }
0x8e: {  	v3 =	vadd.f32 v4, v3;
	_ =	sdelay $0x1  }
0x8f: {  	s15 =	simm.s32 $0x0;
	v3 =	vadd.f32 v5, v3  }
0x90: {  	s23 =	sand.u32 $0x70, s15;
	s16 =	sand.u32 $0x1C00, s15  }
0x91: {  	s14 =	sor.u32 s23, s16;
	[tilespmem:s17+$0x8180] =	vst v3  }
0x92: {  	v3 =	vld [tilespmem:s14+$0x380]  }
0x93: {  	s15 =	sor.u32 s15, s15;
	v4 =	vld [tilespmem:s14+$0x8200]  }
0x94: {  	s15 =	sor.u32 $0x380, s15  }
0x95: {  	v5 =	vld [tilespmem:s15+$0x80];
	_ =	sdelay $0x2  }
0x96: {  	v3 =	vadd.f32 v3, v4  }
0x97: {  	s16 =	simm.s32 $0x10;
	s17 =	simm.s32 $0x80  }
0x98: {  	s15 =	sand.u32 $0x70, s16;
	s18 =	sand.u32 $0x1C00, s17;
	v3 =	vadd.f32 v5, v3  }
0x99: {  	s19 =	simm.s32 $0x20;
	s21 =	sor.u32 s15, s18;
	s18 =	smov.u32 s14  }
.LBB2_8:
0x9a: {  	p0 =	sne.s32 s19, $0x3F0;
	v4 =	vld [tilespmem:s21+$0x380];
	[tilespmem:s18+$0x8200] =	vst v3;
	s18 =	smov.u32 s21  }
0x9b: {  	s21 =	sor.u32 s17, s16;
	s16 =	smov.u32 s19;
	v3 =	vld [tilespmem:s18+$0x8200]  }
0x9c: {  	s21 =	sor.u32 $0x380, s21  }
0x9d: {  	v5 =	vld [tilespmem:s21+$0x80];
	_ =	sdelay $0x1  }
.Ltmp3:
0x9e: {  	(pc) =	sbr.rel @p0 .LBB2_8-.Ltmp3, $4  }
0x9f: {  	v3 =	vadd.f32 v4, v3  }
0xa0: {  	s17 =	sadd.s32 $0x80, s17  }
0xa1: {  	s22 =	sand.u32 $0x1C00, s17;
	s21 =	sand.u32 $0x70, s19;
	v3 =	vadd.f32 v5, v3  }
0xa2: {  	s19 =	sadd.s32 $0x10, s19;
	s21 =	sor.u32 s21, s22  }
0xa3: {  	v4 =	vld [tilespmem:s21+$0x380];
	[tilespmem:s18+$0x8200] =	vst v3  }
0xa4: {  	s16 =	sor.u32 s17, s16;
	v3 =	vld [tilespmem:s21+$0x8200]  }
0xa5: {  	s16 =	sor.u32 $0x380, s16  }
0xa6: {  	v5 =	vld [tilespmem:s16+$0x80];
	_ =	sdelay $0x2  }
0xa7: {  	v3 =	vadd.f32 v4, v3;
	_ =	sdelay $0x1  }
0xa8: {  	v3 =	vadd.f32 v5, v3;
	_ =	sdelay $0x1  }
0xa9: {  	[tilespmem:s21+$0x8200] =	vst v3  }
0xaa: {  	v3 =	vld [tilespmem:s14+$0x2080]  }
0xab: {  	v4 =	vld [tilespmem:s14+$0x8280];
	_ =	sdelay $0x1  }
0xac: {  	v5 =	vld [tilespmem:s14+$0x2100];
	_ =	sdelay $0x2  }
0xad: {  	v3 =	vadd.f32 v3, v4  }
0xae: {  	s16 =	simm.s32 $0x80  }
0xaf: {  	s23 =	sand.u32 $0x1C00, s16;
	v3 =	vadd.f32 v5, v3  }
0xb0: {  	s17 =	sor.u32 s15, s23;
	s15 =	simm.s32 $0x20  }
.LBB2_10:
0xb1: {  	p0 =	sne.s32 s15, $0x3F0;
	v4 =	vld [tilespmem:s17+$0x2080];
	[tilespmem:s14+$0x8280] =	vst v3;
	s14 =	smov.u32 s17  }
0xb2: {  	v3 =	vld [tilespmem:s14+$0x8280];
	_ =	sdelay $0x1  }
0xb3: {  	v5 =	vld [tilespmem:s14+$0x2100];
	_ =	sdelay $0x1  }
.Ltmp4:
0xb4: {  	(pc) =	sbr.rel @p0 .LBB2_10-.Ltmp4, $4  }
0xb5: {  	v3 =	vadd.f32 v4, v3  }
0xb6: {  	s16 =	sadd.s32 $0x80, s16  }
0xb7: {  	s17 =	sand.u32 $0x70, s15;
	s18 =	sand.u32 $0x1C00, s16;
	v3 =	vadd.f32 v5, v3  }
0xb8: {  	s15 =	sadd.s32 $0x10, s15;
	s17 =	sor.u32 s17, s18  }
0xb9: {  	v4 =	vld [tilespmem:s17+$0x2080];
	[tilespmem:s14+$0x8280] =	vst v3  }
0xba: {  	v3 =	vld [tilespmem:s17+$0x8280];
	_ =	sdelay $0x1  }
0xbb: {  	v5 =	vld [tilespmem:s17+$0x2100];
	_ =	sdelay $0x2  }
0xbc: {  	v3 =	vadd.f32 v4, v3;
	_ =	sdelay $0x1  }
0xbd: {  	s21 =	simm.s32 $0x0;
	v3 =	vadd.f32 v5, v3  }
0xbe: {  	s15 =	sand.u32 $0x70, s21;
	s14 =	sand.u32 $0x1C00, s21  }
0xbf: {  	s14 =	sor.u32 s15, s14;
	[tilespmem:s17+$0x8280] =	vst v3  }
0xc0: {  	v3 =	vld [tilespmem:s14+$0x2180]  }
0xc1: {  	v4 =	vld [tilespmem:s14+$0x8300];
	_ =	sdelay $0x1  }
0xc2: {  	v5 =	vld [tilespmem:s14+$0x2200];
	_ =	sdelay $0x2  }
0xc3: {  	v3 =	vadd.f32 v3, v4  }
0xc4: {  	s22 =	simm.s32 $0x10;
	s16 =	simm.s32 $0x80  }
0xc5: {  	s23 =	sand.u32 $0x1C00, s16;
	s15 =	sand.u32 $0x70, s22;
	v3 =	vadd.f32 v5, v3  }
0xc6: {  	s18 =	simm.s32 $0x20;
	s19 =	sor.u32 s15, s23;
	s17 =	smov.u32 s14  }
.LBB2_12:
0xc7: {  	p0 =	sne.s32 s18, $0x3F0;
	v4 =	vld [tilespmem:s19+$0x2180];
	[tilespmem:s17+$0x8300] =	vst v3;
	s17 =	smov.u32 s19  }
0xc8: {  	v3 =	vld [tilespmem:s17+$0x8300];
	_ =	sdelay $0x1  }
0xc9: {  	v5 =	vld [tilespmem:s17+$0x2200];
	_ =	sdelay $0x1  }
.Ltmp5:
0xca: {  	(pc) =	sbr.rel @p0 .LBB2_12-.Ltmp5, $4  }
0xcb: {  	v3 =	vadd.f32 v4, v3  }
0xcc: {  	s16 =	sadd.s32 $0x80, s16  }
0xcd: {  	s19 =	sand.u32 $0x70, s18;
	s21 =	sand.u32 $0x1C00, s16;
	v3 =	vadd.f32 v5, v3  }
0xce: {  	s18 =	sadd.s32 $0x10, s18;
	s19 =	sor.u32 s19, s21  }
0xcf: {  	v4 =	vld [tilespmem:s19+$0x2180];
	[tilespmem:s17+$0x8300] =	vst v3  }
0xd0: {  	v3 =	vld [tilespmem:s19+$0x8300];
	_ =	sdelay $0x1  }
0xd1: {  	v5 =	vld [tilespmem:s19+$0x2200];
	_ =	sdelay $0x2  }
0xd2: {  	v3 =	vadd.f32 v4, v3;
	_ =	sdelay $0x1  }
0xd3: {  	v3 =	vadd.f32 v5, v3;
	_ =	sdelay $0x1  }
0xd4: {  	[tilespmem:s19+$0x8300] =	vst v3  }
0xd5: {  	v3 =	vld [tilespmem:s14+$0x2280]  }
0xd6: {  	v4 =	vld [tilespmem:s14+$0x8380];
	_ =	sdelay $0x1  }
0xd7: {  	v5 =	vld [tilespmem:s14+$0x2300];
	_ =	sdelay $0x2  }
0xd8: {  	v3 =	vadd.f32 v3, v4  }
0xd9: {  	s16 =	simm.s32 $0x80  }
0xda: {  	s23 =	sand.u32 $0x1C00, s16;
	v3 =	vadd.f32 v5, v3  }
0xdb: {  	s17 =	sor.u32 s15, s23;
	s15 =	simm.s32 $0x20  }
.LBB2_14:
0xdc: {  	p0 =	sne.s32 s15, $0x3F0;
	v4 =	vld [tilespmem:s17+$0x2280];
	[tilespmem:s14+$0x8380] =	vst v3;
	s14 =	smov.u32 s17  }
0xdd: {  	v3 =	vld [tilespmem:s14+$0x8380];
	_ =	sdelay $0x1  }
0xde: {  	v5 =	vld [tilespmem:s14+$0x2300];
	_ =	sdelay $0x1  }
.Ltmp6:
0xdf: {  	(pc) =	sbr.rel @p0 .LBB2_14-.Ltmp6, $4  }
0xe0: {  	v3 =	vadd.f32 v4, v3  }
0xe1: {  	s16 =	sadd.s32 $0x80, s16  }
0xe2: {  	s17 =	sand.u32 $0x70, s15;
	s18 =	sand.u32 $0x1C00, s16;
	v3 =	vadd.f32 v5, v3  }
0xe3: {  	s15 =	sadd.s32 $0x10, s15;
	s17 =	sor.u32 s17, s18  }
0xe4: {  	v4 =	vld [tilespmem:s17+$0x2280];
	[tilespmem:s14+$0x8380] =	vst v3  }
0xe5: {  	v3 =	vld [tilespmem:s17+$0x8380];
	_ =	sdelay $0x1  }
0xe6: {  	v5 =	vld [tilespmem:s17+$0x2300];
	_ =	sdelay $0x2  }
0xe7: {  	v3 =	vadd.f32 v4, v3;
	_ =	sdelay $0x1  }
0xe8: {  	s16 =	simm.s32 $0x0;
	v3 =	vadd.f32 v5, v3  }
0xe9: {  	s14 =	sand.u32 $0x70, s16;
	s15 =	sand.u32 $0x1C00, s16  }
0xea: {  	s19 =	sor.u32 s16, s16;
	s18 =	sor.u32 s14, s15;
	[tilespmem:s17+$0x8380] =	vst v3;
	s17 =	simm.s32 $0x10  }
.LBB2_16:
0xeb: {  	p0 =	sne.s32 s17, $0x3F0;
	s21 =	sor.u32 $0x380, s19;
	v3 =	vld [tilespmem:s18+$0x2380]  }
0xec: {  	v4 =	vld [tilespmem:s21+$0x8080];
	_ =	sdelay $0x1  }
0xed: {  	v5 =	vld [tilespmem:s18+$0x2400];
	_ =	sdelay $0x2  }
.Ltmp7:
0xee: {  	v3 =	vadd.f32 v3, v4;
	(pc) =	sbr.rel @p0 .LBB2_16-.Ltmp7, $4  }
0xef: {  	_ = 	snop  }
0xf0: {  	s16 =	sadd.s32 $0x80, s16;
	v3 =	vadd.f32 v5, v3  }
0xf1: {  	s22 =	sand.u32 $0x1C00, s16;
	s18 =	sand.u32 $0x70, s17  }
0xf2: {  	s19 =	sor.u32 s16, s17;
	s17 =	sadd.s32 $0x10, s17;
	s18 =	sor.u32 s18, s22;
	[tilespmem:s21+$0x8080] =	vst v3  }
0xf3: {  	s16 =	sor.u32 $0x380, s19;
	v3 =	vld [tilespmem:s18+$0x2380]  }
0xf4: {  	v4 =	vld [tilespmem:s16+$0x8080];
	_ =	sdelay $0x1  }
0xf5: {  	v5 =	vld [tilespmem:s18+$0x2400];
	_ =	sdelay $0x2  }
0xf6: {  	v3 =	vadd.f32 v3, v4;
	_ =	sdelay $0x1  }
0xf7: {  	v3 =	vadd.f32 v5, v3;
	_ =	sdelay $0x1  }
0xf8: {  	s14 =	sor.u32 s14, s15;
	[tilespmem:s16+$0x8080] =	vst v3  }
0xf9: {  	v3 =	vld [tilespmem:s14+$0x4080]  }
0xfa: {  	v4 =	vld [tilespmem:s14+$0xA080];
	_ =	sdelay $0x1  }
0xfb: {  	v5 =	vld [tilespmem:s14+$0x4100];
	_ =	sdelay $0x2  }
0xfc: {  	v3 =	vadd.f32 v3, v4  }
0xfd: {  	s23 =	simm.s32 $0x10;
	s15 =	simm.s32 $0x80  }
0xfe: {  	s17 =	sand.u32 $0x1C00, s15;
	s16 =	sand.u32 $0x70, s23;
	v3 =	vadd.f32 v5, v3  }
0xff: {  	s17 =	sor.u32 s16, s17;
	s16 =	simm.s32 $0x20  }
.LBB2_18:
0x100: {  	p0 =	sne.s32 s16, $0x3F0;
	v4 =	vld [tilespmem:s17+$0x4080];
	[tilespmem:s14+$0xA080] =	vst v3;
	s14 =	smov.u32 s17  }
0x101: {  	v3 =	vld [tilespmem:s14+$0xA080];
	_ =	sdelay $0x1  }
0x102: {  	v5 =	vld [tilespmem:s14+$0x4100];
	_ =	sdelay $0x1  }
.Ltmp8:
0x103: {  	(pc) =	sbr.rel @p0 .LBB2_18-.Ltmp8, $4  }
0x104: {  	v3 =	vadd.f32 v4, v3  }
0x105: {  	s15 =	sadd.s32 $0x80, s15  }
0x106: {  	s17 =	sand.u32 $0x70, s16;
	s18 =	sand.u32 $0x1C00, s15;
	v3 =	vadd.f32 v5, v3  }
0x107: {  	s16 =	sadd.s32 $0x10, s16;
	s17 =	sor.u32 s17, s18  }
0x108: {  	v4 =	vld [tilespmem:s17+$0x4080];
	[tilespmem:s14+$0xA080] =	vst v3  }
0x109: {  	v3 =	vld [tilespmem:s17+$0xA080];
	_ =	sdelay $0x1  }
0x10a: {  	v5 =	vld [tilespmem:s17+$0x4100];
	_ =	sdelay $0x2  }
0x10b: {  	v3 =	vadd.f32 v4, v3;
	_ =	sdelay $0x1  }
0x10c: {  	s21 =	simm.s32 $0x0;
	v3 =	vadd.f32 v5, v3  }
0x10d: {  	s15 =	sand.u32 $0x70, s21;
	s14 =	sand.u32 $0x1C00, s21  }
0x10e: {  	s14 =	sor.u32 s15, s14;
	[tilespmem:s17+$0xA080] =	vst v3  }
0x10f: {  	v3 =	vld [tilespmem:s14+$0x4180]  }
0x110: {  	v4 =	vld [tilespmem:s14+$0xA100];
	_ =	sdelay $0x1  }
0x111: {  	v5 =	vld [tilespmem:s14+$0x4200];
	_ =	sdelay $0x2  }
0x112: {  	v3 =	vadd.f32 v3, v4  }
0x113: {  	s22 =	simm.s32 $0x10;
	s16 =	simm.s32 $0x80  }
0x114: {  	s23 =	sand.u32 $0x1C00, s16;
	s15 =	sand.u32 $0x70, s22;
	v3 =	vadd.f32 v5, v3  }
0x115: {  	s18 =	simm.s32 $0x20;
	s19 =	sor.u32 s15, s23;
	s17 =	smov.u32 s14  }
.LBB2_20:
0x116: {  	p0 =	sne.s32 s18, $0x3F0;
	v4 =	vld [tilespmem:s19+$0x4180];
	[tilespmem:s17+$0xA100] =	vst v3;
	s17 =	smov.u32 s19  }
0x117: {  	v3 =	vld [tilespmem:s17+$0xA100];
	_ =	sdelay $0x1  }
0x118: {  	v5 =	vld [tilespmem:s17+$0x4200];
	_ =	sdelay $0x1  }
.Ltmp9:
0x119: {  	(pc) =	sbr.rel @p0 .LBB2_20-.Ltmp9, $4  }
0x11a: {  	v3 =	vadd.f32 v4, v3  }
0x11b: {  	s16 =	sadd.s32 $0x80, s16  }
0x11c: {  	s19 =	sand.u32 $0x70, s18;
	s21 =	sand.u32 $0x1C00, s16;
	v3 =	vadd.f32 v5, v3  }
0x11d: {  	s18 =	sadd.s32 $0x10, s18;
	s19 =	sor.u32 s19, s21  }
0x11e: {  	v4 =	vld [tilespmem:s19+$0x4180];
	[tilespmem:s17+$0xA100] =	vst v3  }
0x11f: {  	v3 =	vld [tilespmem:s19+$0xA100];
	_ =	sdelay $0x1  }
0x120: {  	v5 =	vld [tilespmem:s19+$0x4200];
	_ =	sdelay $0x2  }
0x121: {  	v3 =	vadd.f32 v4, v3;
	_ =	sdelay $0x1  }
0x122: {  	v3 =	vadd.f32 v5, v3;
	_ =	sdelay $0x1  }
0x123: {  	[tilespmem:s19+$0xA100] =	vst v3  }
0x124: {  	v3 =	vld [tilespmem:s14+$0x4280]  }
0x125: {  	v4 =	vld [tilespmem:s14+$0xA180];
	_ =	sdelay $0x1  }
0x126: {  	v5 =	vld [tilespmem:s14+$0x4300];
	_ =	sdelay $0x2  }
0x127: {  	v3 =	vadd.f32 v3, v4  }
0x128: {  	s16 =	simm.s32 $0x80  }
0x129: {  	s23 =	sand.u32 $0x1C00, s16;
	v3 =	vadd.f32 v5, v3  }
0x12a: {  	s17 =	sor.u32 s15, s23;
	s15 =	simm.s32 $0x20  }
.LBB2_22:
0x12b: {  	p0 =	sne.s32 s15, $0x3F0;
	v4 =	vld [tilespmem:s17+$0x4280];
	[tilespmem:s14+$0xA180] =	vst v3;
	s14 =	smov.u32 s17  }
0x12c: {  	v3 =	vld [tilespmem:s14+$0xA180];
	_ =	sdelay $0x1  }
0x12d: {  	v5 =	vld [tilespmem:s14+$0x4300];
	_ =	sdelay $0x1  }
.Ltmp10:
0x12e: {  	(pc) =	sbr.rel @p0 .LBB2_22-.Ltmp10, $4  }
0x12f: {  	v3 =	vadd.f32 v4, v3  }
0x130: {  	s16 =	sadd.s32 $0x80, s16  }
0x131: {  	s17 =	sand.u32 $0x70, s15;
	s18 =	sand.u32 $0x1C00, s16;
	v3 =	vadd.f32 v5, v3  }
0x132: {  	s15 =	sadd.s32 $0x10, s15;
	s17 =	sor.u32 s17, s18  }
0x133: {  	v4 =	vld [tilespmem:s17+$0x4280];
	[tilespmem:s14+$0xA180] =	vst v3  }
0x134: {  	v3 =	vld [tilespmem:s17+$0xA180];
	_ =	sdelay $0x1  }
0x135: {  	v5 =	vld [tilespmem:s17+$0x4300];
	_ =	sdelay $0x2  }
0x136: {  	v3 =	vadd.f32 v4, v3;
	_ =	sdelay $0x1  }
0x137: {  	s21 =	simm.s32 $0x0;
	v3 =	vadd.f32 v5, v3  }
0x138: {  	s15 =	sand.u32 $0x70, s21;
	s14 =	sand.u32 $0x1C00, s21  }
0x139: {  	s14 =	sor.u32 s15, s14;
	[tilespmem:s17+$0xA180] =	vst v3  }
0x13a: {  	v3 =	vld [tilespmem:s14+$0x4380]  }
0x13b: {  	v4 =	vld [tilespmem:s14+$0xA200];
	_ =	sdelay $0x1  }
0x13c: {  	v5 =	vld [tilespmem:s14+$0x4400];
	_ =	sdelay $0x2  }
0x13d: {  	v3 =	vadd.f32 v3, v4  }
0x13e: {  	s22 =	simm.s32 $0x10;
	s16 =	simm.s32 $0x80  }
0x13f: {  	s23 =	sand.u32 $0x1C00, s16;
	s15 =	sand.u32 $0x70, s22;
	v3 =	vadd.f32 v5, v3  }
0x140: {  	s18 =	simm.s32 $0x20;
	s19 =	sor.u32 s15, s23;
	s17 =	smov.u32 s14  }
.LBB2_24:
0x141: {  	p0 =	sne.s32 s18, $0x3F0;
	v4 =	vld [tilespmem:s19+$0x4380];
	[tilespmem:s17+$0xA200] =	vst v3;
	s17 =	smov.u32 s19  }
0x142: {  	v3 =	vld [tilespmem:s17+$0xA200];
	_ =	sdelay $0x1  }
0x143: {  	v5 =	vld [tilespmem:s17+$0x4400];
	_ =	sdelay $0x1  }
.Ltmp11:
0x144: {  	(pc) =	sbr.rel @p0 .LBB2_24-.Ltmp11, $4  }
0x145: {  	v3 =	vadd.f32 v4, v3  }
0x146: {  	s16 =	sadd.s32 $0x80, s16  }
0x147: {  	s19 =	sand.u32 $0x70, s18;
	s21 =	sand.u32 $0x1C00, s16;
	v3 =	vadd.f32 v5, v3  }
0x148: {  	s18 =	sadd.s32 $0x10, s18;
	s19 =	sor.u32 s19, s21  }
0x149: {  	v4 =	vld [tilespmem:s19+$0x4380];
	[tilespmem:s17+$0xA200] =	vst v3  }
0x14a: {  	v3 =	vld [tilespmem:s19+$0xA200];
	_ =	sdelay $0x1  }
0x14b: {  	v5 =	vld [tilespmem:s19+$0x4400];
	_ =	sdelay $0x2  }
0x14c: {  	v3 =	vadd.f32 v4, v3;
	_ =	sdelay $0x1  }
0x14d: {  	v3 =	vadd.f32 v5, v3;
	_ =	sdelay $0x1  }
0x14e: {  	[tilespmem:s19+$0xA200] =	vst v3  }
0x14f: {  	v3 =	vld [tilespmem:s14+$0x6080]  }
0x150: {  	v4 =	vld [tilespmem:s14+$0xA280];
	_ =	sdelay $0x1  }
0x151: {  	v5 =	vld [tilespmem:s14+$0x6100];
	_ =	sdelay $0x2  }
0x152: {  	v3 =	vadd.f32 v3, v4  }
0x153: {  	s16 =	simm.s32 $0x80  }
0x154: {  	s23 =	sand.u32 $0x1C00, s16;
	v3 =	vadd.f32 v5, v3  }
0x155: {  	s17 =	sor.u32 s15, s23;
	s15 =	simm.s32 $0x20  }
.LBB2_26:
0x156: {  	p0 =	sne.s32 s15, $0x3F0;
	v4 =	vld [tilespmem:s17+$0x6080];
	[tilespmem:s14+$0xA280] =	vst v3;
	s14 =	smov.u32 s17  }
0x157: {  	v3 =	vld [tilespmem:s14+$0xA280];
	_ =	sdelay $0x1  }
0x158: {  	v5 =	vld [tilespmem:s14+$0x6100];
	_ =	sdelay $0x1  }
.Ltmp12:
0x159: {  	(pc) =	sbr.rel @p0 .LBB2_26-.Ltmp12, $4  }
0x15a: {  	v3 =	vadd.f32 v4, v3  }
0x15b: {  	s16 =	sadd.s32 $0x80, s16  }
0x15c: {  	s17 =	sand.u32 $0x70, s15;
	s18 =	sand.u32 $0x1C00, s16;
	v3 =	vadd.f32 v5, v3  }
0x15d: {  	s15 =	sadd.s32 $0x10, s15;
	s17 =	sor.u32 s17, s18  }
0x15e: {  	v4 =	vld [tilespmem:s17+$0x6080];
	[tilespmem:s14+$0xA280] =	vst v3  }
0x15f: {  	v3 =	vld [tilespmem:s17+$0xA280];
	_ =	sdelay $0x1  }
0x160: {  	v5 =	vld [tilespmem:s17+$0x6100];
	_ =	sdelay $0x2  }
0x161: {  	v3 =	vadd.f32 v4, v3;
	_ =	sdelay $0x1  }
0x162: {  	s21 =	simm.s32 $0x0;
	v3 =	vadd.f32 v5, v3  }
0x163: {  	s15 =	sand.u32 $0x70, s21;
	s14 =	sand.u32 $0x1C00, s21  }
0x164: {  	s14 =	sor.u32 s15, s14;
	[tilespmem:s17+$0xA280] =	vst v3  }
0x165: {  	v3 =	vld [tilespmem:s14+$0x6180]  }
0x166: {  	v4 =	vld [tilespmem:s14+$0xA300];
	_ =	sdelay $0x1  }
0x167: {  	v5 =	vld [tilespmem:s14+$0x6200];
	_ =	sdelay $0x2  }
0x168: {  	v3 =	vadd.f32 v3, v4  }
0x169: {  	s22 =	simm.s32 $0x10;
	s16 =	simm.s32 $0x80  }
0x16a: {  	s23 =	sand.u32 $0x1C00, s16;
	s15 =	sand.u32 $0x70, s22;
	v3 =	vadd.f32 v5, v3  }
0x16b: {  	s18 =	simm.s32 $0x20;
	s19 =	sor.u32 s15, s23;
	s17 =	smov.u32 s14  }
.LBB2_28:
0x16c: {  	p0 =	sne.s32 s18, $0x3F0;
	v4 =	vld [tilespmem:s19+$0x6180];
	[tilespmem:s17+$0xA300] =	vst v3;
	s17 =	smov.u32 s19  }
0x16d: {  	v3 =	vld [tilespmem:s17+$0xA300];
	_ =	sdelay $0x1  }
0x16e: {  	v5 =	vld [tilespmem:s17+$0x6200];
	_ =	sdelay $0x1  }
.Ltmp13:
0x16f: {  	(pc) =	sbr.rel @p0 .LBB2_28-.Ltmp13, $4  }
0x170: {  	v3 =	vadd.f32 v4, v3  }
0x171: {  	s16 =	sadd.s32 $0x80, s16  }
0x172: {  	s19 =	sand.u32 $0x70, s18;
	s21 =	sand.u32 $0x1C00, s16;
	v3 =	vadd.f32 v5, v3  }
0x173: {  	s18 =	sadd.s32 $0x10, s18;
	s19 =	sor.u32 s19, s21  }
0x174: {  	v4 =	vld [tilespmem:s19+$0x6180];
	[tilespmem:s17+$0xA300] =	vst v3  }
0x175: {  	v3 =	vld [tilespmem:s19+$0xA300];
	_ =	sdelay $0x1  }
0x176: {  	v5 =	vld [tilespmem:s19+$0x6200];
	_ =	sdelay $0x2  }
0x177: {  	v3 =	vadd.f32 v4, v3;
	_ =	sdelay $0x1  }
0x178: {  	v3 =	vadd.f32 v5, v3;
	_ =	sdelay $0x1  }
0x179: {  	[tilespmem:s19+$0xA300] =	vst v3  }
0x17a: {  	v3 =	vld [tilespmem:s14+$0x6280]  }
0x17b: {  	v4 =	vld [tilespmem:s14+$0xA380];
	_ =	sdelay $0x1  }
0x17c: {  	v5 =	vld [tilespmem:s14+$0x6300];
	_ =	sdelay $0x2  }
0x17d: {  	v3 =	vadd.f32 v3, v4  }
0x17e: {  	s16 =	simm.s32 $0x80  }
0x17f: {  	s23 =	sand.u32 $0x1C00, s16;
	v3 =	vadd.f32 v5, v3  }
0x180: {  	s17 =	sor.u32 s15, s23;
	s15 =	simm.s32 $0x20  }
.LBB2_30:
0x181: {  	p0 =	sne.s32 s15, $0x3F0;
	v4 =	vld [tilespmem:s17+$0x6280];
	[tilespmem:s14+$0xA380] =	vst v3;
	s14 =	smov.u32 s17  }
0x182: {  	v3 =	vld [tilespmem:s14+$0xA380];
	_ =	sdelay $0x1  }
0x183: {  	v5 =	vld [tilespmem:s14+$0x6300];
	_ =	sdelay $0x1  }
.Ltmp14:
0x184: {  	(pc) =	sbr.rel @p0 .LBB2_30-.Ltmp14, $4  }
0x185: {  	v3 =	vadd.f32 v4, v3  }
0x186: {  	s16 =	sadd.s32 $0x80, s16  }
0x187: {  	s17 =	sand.u32 $0x70, s15;
	s18 =	sand.u32 $0x1C00, s16;
	v3 =	vadd.f32 v5, v3  }
0x188: {  	s15 =	sadd.s32 $0x10, s15;
	s17 =	sor.u32 s17, s18  }
0x189: {  	v4 =	vld [tilespmem:s17+$0x6280];
	[tilespmem:s14+$0xA380] =	vst v3  }
0x18a: {  	v3 =	vld [tilespmem:s17+$0xA380];
	_ =	sdelay $0x1  }
0x18b: {  	v5 =	vld [tilespmem:s17+$0x6300];
	_ =	sdelay $0x2  }
0x18c: {  	v3 =	vadd.f32 v4, v3;
	_ =	sdelay $0x1  }
0x18d: {  	s22 =	simm.s32 $0x0;
	v3 =	vadd.f32 v5, v3  }
0x18e: {  	s15 =	sand.u32 $0x70, s22;
	s14 =	sand.u32 $0x1C00, s22  }
0x18f: {  	s14 =	sor.u32 s15, s14;
	[tilespmem:s17+$0xA380] =	vst v3  }
0x190: {  	v3 =	vld [tilespmem:s14+$0x6380]  }
0x191: {  	v4 =	vld [tilespmem:s14+$0xA400];
	_ =	sdelay $0x1  }
0x192: {  	v5 =	vld [tilespmem:s14+$0x6400];
	_ =	sdelay $0x2  }
0x193: {  	v3 =	vadd.f32 v3, v4  }
0x194: {  	s16 =	simm.s32 $0x10;
	s15 =	simm.s32 $0x80  }
0x195: {  	s16 =	sand.u32 $0x70, s16;
	s23 =	sand.u32 $0x1C00, s15;
	v3 =	vadd.f32 v5, v3  }
0x196: {  	s17 =	sor.u32 s16, s23;
	s16 =	simm.s32 $0x20  }
.LBB2_32:
0x197: {  	p0 =	sne.s32 s16, $0x3F0;
	v4 =	vld [tilespmem:s17+$0x6380];
	[tilespmem:s14+$0xA400] =	vst v3;
	s14 =	smov.u32 s17  }
0x198: {  	v3 =	vld [tilespmem:s14+$0xA400];
	_ =	sdelay $0x1  }
0x199: {  	v5 =	vld [tilespmem:s14+$0x6400];
	_ =	sdelay $0x1  }
.Ltmp15:
0x19a: {  	(pc) =	sbr.rel @p0 .LBB2_32-.Ltmp15, $4  }
0x19b: {  	v3 =	vadd.f32 v4, v3  }
0x19c: {  	s15 =	sadd.s32 $0x80, s15  }
0x19d: {  	s17 =	sand.u32 $0x70, s16;
	s18 =	sand.u32 $0x1C00, s15;
	v3 =	vadd.f32 v5, v3  }
0x19e: {  	s16 =	sadd.s32 $0x10, s16;
	s17 =	sor.u32 s17, s18  }
0x19f: {  	v4 =	vld [tilespmem:s17+$0x6380];
	[tilespmem:s14+$0xA400] =	vst v3  }
0x1a0: {  	v3 =	vld [tilespmem:s17+$0xA400];
	_ =	sdelay $0x1  }
0x1a1: {  	v5 =	vld [tilespmem:s17+$0x6400];
	_ =	sdelay $0x2  }
0x1a2: {  	v3 =	vadd.f32 v4, v3;
	_ =	sdelay $0x1  }
0x1a3: {  	v3 =	vadd.f32 v5, v3;
	_ =	sdelay $0x1  }
0x1a4: {  	s22 =	simm.s32 $0x0;
	s15 =	rddreg [dreg:$0x5];
	[tilespmem:s17+$0xA400] =	vst v3  }
0x1a5: {  	[hbm4b:s15+s22] =	stream.linear.scatter [tilespmem:s12], [sflag:$0x2], $0x4000, $0x38;
	[tilespmem:$0xC080] =	vst v63  }
0x1a6: {  	_ =	swait.ge [sflag:s20], $0x4000  }
0x1a7: {  	[sflag:s20] =	ssyncset.done $0x0  }
0x1a8: {  	s23 =	rddreg [dreg:$0x6];
	[sflag:s20] =	ssyncadd.s32 $0xFFFFC000  }
0x1a9: {  	[tilespmem:s22], [sflag:$0x2] =	stream.linear.gather [hbm4b:s23+s22], $0x20, $0x38;
	[tilespmem:$0xC080] =	vst v63  }
0x1aa: {  	_ =	swait.ge [sflag:s20], $0x20  }
0x1ab: {  	[sflag:s20] =	ssyncset.done $0x0  }
0x1ac: {  	[sflag:s20] =	ssyncadd.s32 $0xFFFFFFE0  }
0x1ad: {  	v3 =	vld [tilespmem:$0x0];
	_ =	sdelay $0x4  }
0x1ae: {  	v4 =	vshll.u32 v3, $0x3  }
0x1af: {  	v3 =	vand.u32 $0x7, v3;
	v4 =	vand.u32 $0xFFFFFFC0, v4  }
0x1b0: {  	v3 =	vor.u32 v3, v4  }
0x1b1: {  	v4 =	vperm.xlane v3, v0;
	_ =	sdelay $0x1  }
0x1b2: {  	v4 =	vadd.s32 v1, v4;
	_ =	sdelay $0x3  }
0x1b3: {  	s16 =	simm.s32 $0x80  }
0x1b4: {  	[tilespmem:s16], [sflag:$0x1] =	stream.indirect_vreg.gather [hbm4b:s3+s22], $0x80, v4, vm0, $0xb8;
	[tilespmem:$0xC080] =	vst v63  }
0x1b5: {  	s17 =	simm.s32 $0x880;
	v3 =	vperm.xlane v3, v2  }
0x1b6: {  	[tilespmem:s17], [sflag:$0x1] =	stream.indirect_vreg.gather [hbm4b:s5+s22], $0x80, v4, vm0, $0xb8;
	[tilespmem:$0xC080] =	vst v63  }
0x1b7: {  	s18 =	simm.s32 $0x1080;
	v3 =	vadd.s32 v1, v3  }
0x1b8: {  	[tilespmem:s18], [sflag:$0x1] =	stream.indirect_vreg.gather [hbm4b:s6+s22], $0x80, v4, vm0, $0xb8;
	[tilespmem:$0xC080] =	vst v63  }
0x1b9: {  	_ = 	snop  }
0x1ba: {  	[tilespmem:s24], [sflag:$0x1] =	stream.indirect_vreg.gather [hbm4b:s7+s22], $0x80, v4, vm0, $0xb8;
	[tilespmem:$0xC080] =	vst v63  }
0x1bb: {  	_ = 	snop  }
0x1bc: {  	[tilespmem:s25], [sflag:$0x1] =	stream.indirect_vreg.gather [hbm4b:s3+s22], $0x80, v3, vm0, $0xb8;
	[tilespmem:$0xC080] =	vst v63  }
0x1bd: {  	_ = 	snop  }
0x1be: {  	[tilespmem:s26], [sflag:$0x1] =	stream.indirect_vreg.gather [hbm4b:s5+s22], $0x80, v3, vm0, $0xb8;
	[tilespmem:$0xC080] =	vst v63  }
0x1bf: {  	_ = 	snop  }
0x1c0: {  	[tilespmem:s28], [sflag:$0x1] =	stream.indirect_vreg.gather [hbm4b:s6+s22], $0x80, v3, vm0, $0xb8;
	[tilespmem:$0xC080] =	vst v63  }
0x1c1: {  	_ = 	snop  }
0x1c2: {  	[tilespmem:s29], [sflag:$0x1] =	stream.indirect_vreg.gather [hbm4b:s7+s22], $0x80, v3, vm0, $0xb8;
	[tilespmem:$0xC080] =	vst v63  }
0x1c3: {  	v3 =	vld [tilespmem:$0x10];
	_ =	sdelay $0x4  }
0x1c4: {  	v4 =	vshll.u32 v3, $0x3  }
0x1c5: {  	v3 =	vand.u32 $0x7, v3;
	v4 =	vand.u32 $0xFFFFFFC0, v4  }
0x1c6: {  	v3 =	vor.u32 v3, v4  }
0x1c7: {  	v4 =	vperm.xlane v3, v0;
	_ =	sdelay $0x1  }
0x1c8: {  	v4 =	vadd.s32 v1, v4;
	_ =	sdelay $0x4  }
0x1c9: {  	[tilespmem:s30], [sflag:$0x1] =	stream.indirect_vreg.gather [hbm4b:s3+s22], $0x80, v4, vm0, $0xb8;
	[tilespmem:$0xC080] =	vst v63  }
0x1ca: {  	v3 =	vperm.xlane v3, v2  }
0x1cb: {  	[tilespmem:s31], [sflag:$0x1] =	stream.indirect_vreg.gather [hbm4b:s5+s22], $0x80, v4, vm0, $0xb8;
	[tilespmem:$0xC080] =	vst v63  }
0x1cc: {  	v3 =	vadd.s32 v1, v3  }
0x1cd: {  	[tilespmem:s0], [sflag:$0x1] =	stream.indirect_vreg.gather [hbm4b:s6+s22], $0x80, v4, vm0, $0xb8;
	[tilespmem:$0xC080] =	vst v63  }
0x1ce: {  	_ = 	snop  }
0x1cf: {  	[tilespmem:s1], [sflag:$0x1] =	stream.indirect_vreg.gather [hbm4b:s7+s22], $0x80, v4, vm0, $0xb8;
	[tilespmem:$0xC080] =	vst v63  }
0x1d0: {  	_ = 	snop  }
0x1d1: {  	[tilespmem:s4], [sflag:$0x1] =	stream.indirect_vreg.gather [hbm4b:s3+s22], $0x80, v3, vm0, $0xb8;
	[tilespmem:$0xC080] =	vst v63  }
0x1d2: {  	_ = 	snop  }
0x1d3: {  	[tilespmem:s8], [sflag:$0x1] =	stream.indirect_vreg.gather [hbm4b:s5+s22], $0x80, v3, vm0, $0xb8;
	[tilespmem:$0xC080] =	vst v63  }
0x1d4: {  	_ = 	snop  }
0x1d5: {  	[tilespmem:s9], [sflag:$0x1] =	stream.indirect_vreg.gather [hbm4b:s6+s22], $0x80, v3, vm0, $0xb8;
	[tilespmem:$0xC080] =	vst v63  }
0x1d6: {  	_ = 	snop  }
0x1d7: {  	[tilespmem:s10], [sflag:$0x1] =	stream.indirect_vreg.gather [hbm4b:s7+s22], $0x80, v3, vm0, $0xb8;
	[tilespmem:$0xC080] =	vst v63  }
0x1d8: {  	_ =	swait.ge [sflag:s11], $0x8000  }
0x1d9: {  	[sflag:s11] =	ssyncset.done $0x0  }
0x1da: {  	s19 =	rddreg [dreg:$0x7];
	[sflag:s11] =	ssyncadd.s32 $0xFFFF8000  }
0x1db: {  	[tilespmem:s12], [sflag:$0x2] =	stream.linear.gather [hbm4b:s19+s22], $0x4000, $0x38;
	[tilespmem:$0xC080] =	vst v63  }
0x1dc: {  	_ =	swait.ge [sflag:s20], $0x4000  }
0x1dd: {  	s21 =	sand.u32 $0x70, s22;
	s14 =	sand.u32 $0x1C00, s22;
	[sflag:s20] =	ssyncset.done $0x0  }
0x1de: {  	s14 =	sor.u32 s21, s14;
	[sflag:s20] =	ssyncadd.s32 $0xFFFFC000  }
0x1df: {  	v3 =	vld [tilespmem:s14+$0x80]  }
0x1e0: {  	v4 =	vld [tilespmem:s14+$0x8080];
	_ =	sdelay $0x1  }
0x1e1: {  	v5 =	vld [tilespmem:s14+$0x100];
	_ =	sdelay $0x2  }
0x1e2: {  	v3 =	vadd.f32 v3, v4  }
0x1e3: {  	s16 =	simm.s32 $0x80;
	s22 =	simm.s32 $0x10  }
0x1e4: {  	s23 =	sand.u32 $0x1C00, s16;
	s15 =	sand.u32 $0x70, s22;
	v3 =	vadd.f32 v5, v3  }
0x1e5: {  	s17 =	smov.u32 s14;
	s18 =	simm.s32 $0x20;
	s19 =	sor.u32 s15, s23  }
.LBB2_34:
0x1e6: {  	p0 =	sne.s32 s18, $0x3F0;
	v4 =	vld [tilespmem:s19+$0x80];
	[tilespmem:s17+$0x8080] =	vst v3;
	s17 =	smov.u32 s19  }
0x1e7: {  	v3 =	vld [tilespmem:s17+$0x8080];
	_ =	sdelay $0x1  }
0x1e8: {  	v5 =	vld [tilespmem:s17+$0x100];
	_ =	sdelay $0x1  }
.Ltmp16:
0x1e9: {  	(pc) =	sbr.rel @p0 .LBB2_34-.Ltmp16, $4  }
0x1ea: {  	v3 =	vadd.f32 v4, v3  }
0x1eb: {  	s16 =	sadd.s32 $0x80, s16  }
0x1ec: {  	s19 =	sand.u32 $0x70, s18;
	s21 =	sand.u32 $0x1C00, s16;
	v3 =	vadd.f32 v5, v3  }
0x1ed: {  	s18 =	sadd.s32 $0x10, s18;
	s19 =	sor.u32 s19, s21  }
0x1ee: {  	v4 =	vld [tilespmem:s19+$0x80];
	[tilespmem:s17+$0x8080] =	vst v3  }
0x1ef: {  	v3 =	vld [tilespmem:s19+$0x8080];
	_ =	sdelay $0x1  }
0x1f0: {  	v5 =	vld [tilespmem:s19+$0x100];
	_ =	sdelay $0x2  }
0x1f1: {  	v3 =	vadd.f32 v4, v3;
	_ =	sdelay $0x1  }
0x1f2: {  	v3 =	vadd.f32 v5, v3;
	_ =	sdelay $0x1  }
0x1f3: {  	[tilespmem:s19+$0x8080] =	vst v3  }
0x1f4: {  	v3 =	vld [tilespmem:s14+$0x180]  }
0x1f5: {  	v4 =	vld [tilespmem:s14+$0x8100];
	_ =	sdelay $0x1  }
0x1f6: {  	v5 =	vld [tilespmem:s14+$0x200];
	_ =	sdelay $0x2  }
0x1f7: {  	v3 =	vadd.f32 v3, v4  }
0x1f8: {  	s16 =	simm.s32 $0x80  }
0x1f9: {  	s23 =	sand.u32 $0x1C00, s16;
	v3 =	vadd.f32 v5, v3  }
0x1fa: {  	s17 =	sor.u32 s15, s23;
	s15 =	simm.s32 $0x20  }
.LBB2_36:
0x1fb: {  	p0 =	sne.s32 s15, $0x3F0;
	v4 =	vld [tilespmem:s17+$0x180];
	[tilespmem:s14+$0x8100] =	vst v3;
	s14 =	smov.u32 s17  }
0x1fc: {  	v3 =	vld [tilespmem:s14+$0x8100];
	_ =	sdelay $0x1  }
0x1fd: {  	v5 =	vld [tilespmem:s14+$0x200];
	_ =	sdelay $0x1  }
.Ltmp17:
0x1fe: {  	(pc) =	sbr.rel @p0 .LBB2_36-.Ltmp17, $4  }
0x1ff: {  	v3 =	vadd.f32 v4, v3  }
0x200: {  	s16 =	sadd.s32 $0x80, s16  }
0x201: {  	s17 =	sand.u32 $0x70, s15;
	s18 =	sand.u32 $0x1C00, s16;
	v3 =	vadd.f32 v5, v3  }
0x202: {  	s15 =	sadd.s32 $0x10, s15;
	s17 =	sor.u32 s17, s18  }
0x203: {  	v4 =	vld [tilespmem:s17+$0x180];
	[tilespmem:s14+$0x8100] =	vst v3  }
0x204: {  	v3 =	vld [tilespmem:s17+$0x8100];
	_ =	sdelay $0x1  }
0x205: {  	v5 =	vld [tilespmem:s17+$0x200];
	_ =	sdelay $0x2  }
0x206: {  	v3 =	vadd.f32 v4, v3;
	_ =	sdelay $0x1  }
0x207: {  	s16 =	simm.s32 $0x0;
	v3 =	vadd.f32 v5, v3  }
0x208: {  	s23 =	sand.u32 $0x70, s16;
	s15 =	sand.u32 $0x1C00, s16  }
0x209: {  	s14 =	sor.u32 s23, s15;
	[tilespmem:s17+$0x8100] =	vst v3  }
0x20a: {  	v3 =	vld [tilespmem:s14+$0x280]  }
0x20b: {  	v4 =	vld [tilespmem:s14+$0x8180];
	_ =	sdelay $0x1  }
0x20c: {  	v5 =	vld [tilespmem:s14+$0x300];
	_ =	sdelay $0x2  }
0x20d: {  	v3 =	vadd.f32 v3, v4  }
0x20e: {  	s18 =	simm.s32 $0x80;
	s15 =	simm.s32 $0x10  }
0x20f: {  	s19 =	sand.u32 $0x1C00, s18;
	s17 =	sand.u32 $0x70, s15;
	v3 =	vadd.f32 v5, v3  }
0x210: {  	s21 =	simm.s32 $0x20;
	s22 =	sor.u32 s17, s19;
	s19 =	smov.u32 s14  }
.LBB2_38:
0x211: {  	p0 =	sne.s32 s21, $0x3F0;
	v4 =	vld [tilespmem:s22+$0x280];
	[tilespmem:s19+$0x8180] =	vst v3;
	s19 =	smov.u32 s22  }
0x212: {  	v3 =	vld [tilespmem:s19+$0x8180];
	_ =	sdelay $0x1  }
0x213: {  	v5 =	vld [tilespmem:s19+$0x300];
	_ =	sdelay $0x1  }
.Ltmp18:
0x214: {  	(pc) =	sbr.rel @p0 .LBB2_38-.Ltmp18, $4  }
0x215: {  	v3 =	vadd.f32 v4, v3  }
0x216: {  	s18 =	sadd.s32 $0x80, s18  }
0x217: {  	s22 =	sand.u32 $0x70, s21;
	s23 =	sand.u32 $0x1C00, s18;
	v3 =	vadd.f32 v5, v3  }
0x218: {  	s21 =	sadd.s32 $0x10, s21;
	s22 =	sor.u32 s22, s23  }
0x219: {  	v4 =	vld [tilespmem:s22+$0x280];
	[tilespmem:s19+$0x8180] =	vst v3  }
0x21a: {  	v3 =	vld [tilespmem:s22+$0x8180];
	_ =	sdelay $0x1  }
0x21b: {  	v5 =	vld [tilespmem:s22+$0x300];
	_ =	sdelay $0x2  }
0x21c: {  	v3 =	vadd.f32 v4, v3;
	_ =	sdelay $0x1  }
0x21d: {  	v3 =	vadd.f32 v5, v3;
	_ =	sdelay $0x1  }
0x21e: {  	[tilespmem:s22+$0x8180] =	vst v3  }
0x21f: {  	v3 =	vld [tilespmem:s14+$0x380]  }
0x220: {  	s16 =	sor.u32 s16, s16;
	v4 =	vld [tilespmem:s14+$0x8200]  }
0x221: {  	s16 =	sor.u32 $0x380, s16  }
0x222: {  	v5 =	vld [tilespmem:s16+$0x80];
	_ =	sdelay $0x2  }
0x223: {  	v3 =	vadd.f32 v3, v4  }
0x224: {  	s16 =	simm.s32 $0x80  }
0x225: {  	s18 =	sand.u32 $0x1C00, s16;
	v3 =	vadd.f32 v5, v3  }
0x226: {  	s18 =	sor.u32 s17, s18;
	s17 =	simm.s32 $0x20  }
.LBB2_40:
0x227: {  	p0 =	sne.s32 s17, $0x3F0;
	v4 =	vld [tilespmem:s18+$0x380];
	[tilespmem:s14+$0x8200] =	vst v3;
	s14 =	smov.u32 s18  }
0x228: {  	s18 =	sor.u32 s16, s15;
	s15 =	smov.u32 s17;
	v3 =	vld [tilespmem:s14+$0x8200]  }
0x229: {  	s18 =	sor.u32 $0x380, s18  }
0x22a: {  	v5 =	vld [tilespmem:s18+$0x80];
	_ =	sdelay $0x1  }
.Ltmp19:
0x22b: {  	(pc) =	sbr.rel @p0 .LBB2_40-.Ltmp19, $4  }
0x22c: {  	v3 =	vadd.f32 v4, v3  }
0x22d: {  	s16 =	sadd.s32 $0x80, s16  }
0x22e: {  	s19 =	sand.u32 $0x1C00, s16;
	s18 =	sand.u32 $0x70, s17;
	v3 =	vadd.f32 v5, v3  }
0x22f: {  	s17 =	sadd.s32 $0x10, s17;
	s18 =	sor.u32 s18, s19  }
0x230: {  	v4 =	vld [tilespmem:s18+$0x380];
	[tilespmem:s14+$0x8200] =	vst v3  }
0x231: {  	s19 =	sor.u32 s16, s15;
	v3 =	vld [tilespmem:s18+$0x8200]  }
0x232: {  	s14 =	sor.u32 $0x380, s19  }
0x233: {  	v5 =	vld [tilespmem:s14+$0x80];
	_ =	sdelay $0x2  }
0x234: {  	v3 =	vadd.f32 v4, v3;
	_ =	sdelay $0x1  }
0x235: {  	s21 =	simm.s32 $0x0;
	v3 =	vadd.f32 v5, v3  }
0x236: {  	s22 =	sand.u32 $0x70, s21;
	s14 =	sand.u32 $0x1C00, s21  }
0x237: {  	s14 =	sor.u32 s22, s14;
	[tilespmem:s18+$0x8200] =	vst v3  }
0x238: {  	v3 =	vld [tilespmem:s14+$0x2080]  }
0x239: {  	v4 =	vld [tilespmem:s14+$0x8280];
	_ =	sdelay $0x1  }
0x23a: {  	v5 =	vld [tilespmem:s14+$0x2100];
	_ =	sdelay $0x2  }
0x23b: {  	v3 =	vadd.f32 v3, v4  }
0x23c: {  	s23 =	simm.s32 $0x10;
	s16 =	simm.s32 $0x80  }
0x23d: {  	s15 =	sand.u32 $0x70, s23;
	s17 =	sand.u32 $0x1C00, s16;
	v3 =	vadd.f32 v5, v3  }
0x23e: {  	s19 =	sor.u32 s15, s17;
	s17 =	smov.u32 s14;
	s18 =	simm.s32 $0x20  }
.LBB2_42:
0x23f: {  	p0 =	sne.s32 s18, $0x3F0;
	v4 =	vld [tilespmem:s19+$0x2080];
	[tilespmem:s17+$0x8280] =	vst v3;
	s17 =	smov.u32 s19  }
0x240: {  	v3 =	vld [tilespmem:s17+$0x8280];
	_ =	sdelay $0x1  }
0x241: {  	v5 =	vld [tilespmem:s17+$0x2100];
	_ =	sdelay $0x1  }
.Ltmp20:
0x242: {  	(pc) =	sbr.rel @p0 .LBB2_42-.Ltmp20, $4  }
0x243: {  	v3 =	vadd.f32 v4, v3  }
0x244: {  	s16 =	sadd.s32 $0x80, s16  }
0x245: {  	s19 =	sand.u32 $0x70, s18;
	s21 =	sand.u32 $0x1C00, s16;
	v3 =	vadd.f32 v5, v3  }
0x246: {  	s18 =	sadd.s32 $0x10, s18;
	s19 =	sor.u32 s19, s21  }
0x247: {  	v4 =	vld [tilespmem:s19+$0x2080];
	[tilespmem:s17+$0x8280] =	vst v3  }
0x248: {  	v3 =	vld [tilespmem:s19+$0x8280];
	_ =	sdelay $0x1  }
0x249: {  	v5 =	vld [tilespmem:s19+$0x2100];
	_ =	sdelay $0x2  }
0x24a: {  	v3 =	vadd.f32 v4, v3;
	_ =	sdelay $0x1  }
0x24b: {  	v3 =	vadd.f32 v5, v3;
	_ =	sdelay $0x1  }
0x24c: {  	[tilespmem:s19+$0x8280] =	vst v3  }
0x24d: {  	v3 =	vld [tilespmem:s14+$0x2180]  }
0x24e: {  	v4 =	vld [tilespmem:s14+$0x8300];
	_ =	sdelay $0x1  }
0x24f: {  	v5 =	vld [tilespmem:s14+$0x2200];
	_ =	sdelay $0x2  }
0x250: {  	v3 =	vadd.f32 v3, v4  }
0x251: {  	s16 =	simm.s32 $0x80  }
0x252: {  	s23 =	sand.u32 $0x1C00, s16;
	v3 =	vadd.f32 v5, v3  }
0x253: {  	s17 =	sor.u32 s15, s23;
	s15 =	simm.s32 $0x20  }
.LBB2_44:
0x254: {  	p0 =	sne.s32 s15, $0x3F0;
	v4 =	vld [tilespmem:s17+$0x2180];
	[tilespmem:s14+$0x8300] =	vst v3;
	s14 =	smov.u32 s17  }
0x255: {  	v3 =	vld [tilespmem:s14+$0x8300];
	_ =	sdelay $0x1  }
0x256: {  	v5 =	vld [tilespmem:s14+$0x2200];
	_ =	sdelay $0x1  }
.Ltmp21:
0x257: {  	(pc) =	sbr.rel @p0 .LBB2_44-.Ltmp21, $4  }
0x258: {  	v3 =	vadd.f32 v4, v3  }
0x259: {  	s16 =	sadd.s32 $0x80, s16  }
0x25a: {  	s17 =	sand.u32 $0x70, s15;
	s18 =	sand.u32 $0x1C00, s16;
	v3 =	vadd.f32 v5, v3  }
0x25b: {  	s15 =	sadd.s32 $0x10, s15;
	s17 =	sor.u32 s17, s18  }
0x25c: {  	v4 =	vld [tilespmem:s17+$0x2180];
	[tilespmem:s14+$0x8300] =	vst v3  }
0x25d: {  	v3 =	vld [tilespmem:s17+$0x8300];
	_ =	sdelay $0x1  }
0x25e: {  	v5 =	vld [tilespmem:s17+$0x2200];
	_ =	sdelay $0x2  }
0x25f: {  	v3 =	vadd.f32 v4, v3;
	_ =	sdelay $0x1  }
0x260: {  	s14 =	simm.s32 $0x0;
	v3 =	vadd.f32 v5, v3  }
0x261: {  	s15 =	sand.u32 $0x70, s14;
	s16 =	sand.u32 $0x1C00, s14  }
0x262: {  	s16 =	sor.u32 s15, s16;
	[tilespmem:s17+$0x8300] =	vst v3  }
0x263: {  	v3 =	vld [tilespmem:s16+$0x2280]  }
0x264: {  	v4 =	vld [tilespmem:s16+$0x8380];
	_ =	sdelay $0x1  }
0x265: {  	v5 =	vld [tilespmem:s16+$0x2300];
	_ =	sdelay $0x2  }
0x266: {  	v3 =	vadd.f32 v3, v4  }
0x267: {  	s15 =	simm.s32 $0x10;
	s17 =	simm.s32 $0x80  }
0x268: {  	s18 =	sand.u32 $0x70, s15;
	s19 =	sand.u32 $0x1C00, s17;
	v3 =	vadd.f32 v5, v3  }
0x269: {  	s21 =	sor.u32 s18, s19;
	s19 =	simm.s32 $0x20;
	s18 =	smov.u32 s16  }
.LBB2_46:
0x26a: {  	p0 =	sne.s32 s19, $0x3F0;
	v4 =	vld [tilespmem:s21+$0x2280];
	[tilespmem:s18+$0x8380] =	vst v3;
	s18 =	smov.u32 s21  }
0x26b: {  	v3 =	vld [tilespmem:s18+$0x8380];
	_ =	sdelay $0x1  }
0x26c: {  	v5 =	vld [tilespmem:s18+$0x2300];
	_ =	sdelay $0x1  }
.Ltmp22:
0x26d: {  	(pc) =	sbr.rel @p0 .LBB2_46-.Ltmp22, $4  }
0x26e: {  	v3 =	vadd.f32 v4, v3  }
0x26f: {  	s17 =	sadd.s32 $0x80, s17  }
0x270: {  	s21 =	sand.u32 $0x70, s19;
	s22 =	sand.u32 $0x1C00, s17;
	v3 =	vadd.f32 v5, v3  }
0x271: {  	s19 =	sadd.s32 $0x10, s19;
	s21 =	sor.u32 s21, s22  }
0x272: {  	v4 =	vld [tilespmem:s21+$0x2280];
	[tilespmem:s18+$0x8380] =	vst v3  }
0x273: {  	v3 =	vld [tilespmem:s21+$0x8380];
	_ =	sdelay $0x1  }
0x274: {  	v5 =	vld [tilespmem:s21+$0x2300];
	_ =	sdelay $0x2  }
0x275: {  	v3 =	vadd.f32 v4, v3;
	_ =	sdelay $0x1  }
0x276: {  	v3 =	vadd.f32 v5, v3;
	_ =	sdelay $0x1  }
0x277: {  	s17 =	sor.u32 s14, s14;
	[tilespmem:s21+$0x8380] =	vst v3  }
.LBB2_48:
0x278: {  	p0 =	sne.s32 s15, $0x3F0;
	s18 =	sor.u32 $0x380, s17;
	v3 =	vld [tilespmem:s16+$0x2380]  }
0x279: {  	v4 =	vld [tilespmem:s18+$0x8080];
	_ =	sdelay $0x1  }
0x27a: {  	v5 =	vld [tilespmem:s16+$0x2400];
	_ =	sdelay $0x2  }
.Ltmp23:
0x27b: {  	v3 =	vadd.f32 v3, v4;
	(pc) =	sbr.rel @p0 .LBB2_48-.Ltmp23, $4  }
0x27c: {  	_ = 	snop  }
0x27d: {  	s14 =	sadd.s32 $0x80, s14;
	v3 =	vadd.f32 v5, v3  }
0x27e: {  	s19 =	sand.u32 $0x1C00, s14;
	s16 =	sand.u32 $0x70, s15  }
0x27f: {  	s17 =	sor.u32 s14, s15;
	s15 =	sadd.s32 $0x10, s15;
	s16 =	sor.u32 s16, s19;
	[tilespmem:s18+$0x8080] =	vst v3  }
0x280: {  	s14 =	sor.u32 $0x380, s17;
	v3 =	vld [tilespmem:s16+$0x2380]  }
0x281: {  	v4 =	vld [tilespmem:s14+$0x8080];
	_ =	sdelay $0x1  }
0x282: {  	v5 =	vld [tilespmem:s16+$0x2400];
	_ =	sdelay $0x2  }
0x283: {  	v3 =	vadd.f32 v3, v4;
	_ =	sdelay $0x1  }
0x284: {  	s15 =	simm.s32 $0x0;
	v3 =	vadd.f32 v5, v3  }
0x285: {  	s21 =	sand.u32 $0x70, s15;
	s15 =	sand.u32 $0x1C00, s15  }
0x286: {  	[tilespmem:s14+$0x8080] =	vst v3;
	s14 =	sor.u32 s21, s15  }
0x287: {  	v3 =	vld [tilespmem:s14+$0x4080]  }
0x288: {  	v4 =	vld [tilespmem:s14+$0xA080];
	_ =	sdelay $0x1  }
0x289: {  	v5 =	vld [tilespmem:s14+$0x4100];
	_ =	sdelay $0x2  }
0x28a: {  	v3 =	vadd.f32 v3, v4  }
0x28b: {  	s22 =	simm.s32 $0x10;
	s16 =	simm.s32 $0x80  }
0x28c: {  	s23 =	sand.u32 $0x1C00, s16;
	s15 =	sand.u32 $0x70, s22;
	v3 =	vadd.f32 v5, v3  }
0x28d: {  	s18 =	simm.s32 $0x20;
	s19 =	sor.u32 s15, s23;
	s17 =	smov.u32 s14  }
.LBB2_50:
0x28e: {  	p0 =	sne.s32 s18, $0x3F0;
	v4 =	vld [tilespmem:s19+$0x4080];
	[tilespmem:s17+$0xA080] =	vst v3;
	s17 =	smov.u32 s19  }
0x28f: {  	v3 =	vld [tilespmem:s17+$0xA080];
	_ =	sdelay $0x1  }
0x290: {  	v5 =	vld [tilespmem:s17+$0x4100];
	_ =	sdelay $0x1  }
.Ltmp24:
0x291: {  	(pc) =	sbr.rel @p0 .LBB2_50-.Ltmp24, $4  }
0x292: {  	v3 =	vadd.f32 v4, v3  }
0x293: {  	s16 =	sadd.s32 $0x80, s16  }
0x294: {  	s19 =	sand.u32 $0x70, s18;
	s21 =	sand.u32 $0x1C00, s16;
	v3 =	vadd.f32 v5, v3  }
0x295: {  	s18 =	sadd.s32 $0x10, s18;
	s19 =	sor.u32 s19, s21  }
0x296: {  	v4 =	vld [tilespmem:s19+$0x4080];
	[tilespmem:s17+$0xA080] =	vst v3  }
0x297: {  	v3 =	vld [tilespmem:s19+$0xA080];
	_ =	sdelay $0x1  }
0x298: {  	v5 =	vld [tilespmem:s19+$0x4100];
	_ =	sdelay $0x2  }
0x299: {  	v3 =	vadd.f32 v4, v3;
	_ =	sdelay $0x1  }
0x29a: {  	v3 =	vadd.f32 v5, v3;
	_ =	sdelay $0x1  }
0x29b: {  	[tilespmem:s19+$0xA080] =	vst v3  }
0x29c: {  	v3 =	vld [tilespmem:s14+$0x4180]  }
0x29d: {  	v4 =	vld [tilespmem:s14+$0xA100];
	_ =	sdelay $0x1  }
0x29e: {  	v5 =	vld [tilespmem:s14+$0x4200];
	_ =	sdelay $0x2  }
0x29f: {  	v3 =	vadd.f32 v3, v4  }
0x2a0: {  	s16 =	simm.s32 $0x80  }
0x2a1: {  	s23 =	sand.u32 $0x1C00, s16;
	v3 =	vadd.f32 v5, v3  }
0x2a2: {  	s17 =	sor.u32 s15, s23;
	s15 =	simm.s32 $0x20  }
.LBB2_52:
0x2a3: {  	p0 =	sne.s32 s15, $0x3F0;
	v4 =	vld [tilespmem:s17+$0x4180];
	[tilespmem:s14+$0xA100] =	vst v3;
	s14 =	smov.u32 s17  }
0x2a4: {  	v3 =	vld [tilespmem:s14+$0xA100];
	_ =	sdelay $0x1  }
0x2a5: {  	v5 =	vld [tilespmem:s14+$0x4200];
	_ =	sdelay $0x1  }
.Ltmp25:
0x2a6: {  	(pc) =	sbr.rel @p0 .LBB2_52-.Ltmp25, $4  }
0x2a7: {  	v3 =	vadd.f32 v4, v3  }
0x2a8: {  	s16 =	sadd.s32 $0x80, s16  }
0x2a9: {  	s17 =	sand.u32 $0x70, s15;
	s18 =	sand.u32 $0x1C00, s16;
	v3 =	vadd.f32 v5, v3  }
0x2aa: {  	s15 =	sadd.s32 $0x10, s15;
	s17 =	sor.u32 s17, s18  }
0x2ab: {  	v4 =	vld [tilespmem:s17+$0x4180];
	[tilespmem:s14+$0xA100] =	vst v3  }
0x2ac: {  	v3 =	vld [tilespmem:s17+$0xA100];
	_ =	sdelay $0x1  }
0x2ad: {  	v5 =	vld [tilespmem:s17+$0x4200];
	_ =	sdelay $0x2  }
0x2ae: {  	v3 =	vadd.f32 v4, v3;
	_ =	sdelay $0x1  }
0x2af: {  	s21 =	simm.s32 $0x0;
	v3 =	vadd.f32 v5, v3  }
0x2b0: {  	s15 =	sand.u32 $0x70, s21;
	s14 =	sand.u32 $0x1C00, s21  }
0x2b1: {  	s14 =	sor.u32 s15, s14;
	[tilespmem:s17+$0xA100] =	vst v3  }
0x2b2: {  	v3 =	vld [tilespmem:s14+$0x4280]  }
0x2b3: {  	v4 =	vld [tilespmem:s14+$0xA180];
	_ =	sdelay $0x1  }
0x2b4: {  	v5 =	vld [tilespmem:s14+$0x4300];
	_ =	sdelay $0x2  }
0x2b5: {  	v3 =	vadd.f32 v3, v4  }
0x2b6: {  	s22 =	simm.s32 $0x10;
	s16 =	simm.s32 $0x80  }
0x2b7: {  	s23 =	sand.u32 $0x1C00, s16;
	s15 =	sand.u32 $0x70, s22;
	v3 =	vadd.f32 v5, v3  }
0x2b8: {  	s18 =	simm.s32 $0x20;
	s19 =	sor.u32 s15, s23;
	s17 =	smov.u32 s14  }
.LBB2_54:
0x2b9: {  	p0 =	sne.s32 s18, $0x3F0;
	v4 =	vld [tilespmem:s19+$0x4280];
	[tilespmem:s17+$0xA180] =	vst v3;
	s17 =	smov.u32 s19  }
0x2ba: {  	v3 =	vld [tilespmem:s17+$0xA180];
	_ =	sdelay $0x1  }
0x2bb: {  	v5 =	vld [tilespmem:s17+$0x4300];
	_ =	sdelay $0x1  }
.Ltmp26:
0x2bc: {  	(pc) =	sbr.rel @p0 .LBB2_54-.Ltmp26, $4  }
0x2bd: {  	v3 =	vadd.f32 v4, v3  }
0x2be: {  	s16 =	sadd.s32 $0x80, s16  }
0x2bf: {  	s19 =	sand.u32 $0x70, s18;
	s21 =	sand.u32 $0x1C00, s16;
	v3 =	vadd.f32 v5, v3  }
0x2c0: {  	s18 =	sadd.s32 $0x10, s18;
	s19 =	sor.u32 s19, s21  }
0x2c1: {  	v4 =	vld [tilespmem:s19+$0x4280];
	[tilespmem:s17+$0xA180] =	vst v3  }
0x2c2: {  	v3 =	vld [tilespmem:s19+$0xA180];
	_ =	sdelay $0x1  }
0x2c3: {  	v5 =	vld [tilespmem:s19+$0x4300];
	_ =	sdelay $0x2  }
0x2c4: {  	v3 =	vadd.f32 v4, v3;
	_ =	sdelay $0x1  }
0x2c5: {  	v3 =	vadd.f32 v5, v3;
	_ =	sdelay $0x1  }
0x2c6: {  	[tilespmem:s19+$0xA180] =	vst v3  }
0x2c7: {  	v3 =	vld [tilespmem:s14+$0x4380]  }
0x2c8: {  	v4 =	vld [tilespmem:s14+$0xA200];
	_ =	sdelay $0x1  }
0x2c9: {  	v5 =	vld [tilespmem:s14+$0x4400];
	_ =	sdelay $0x2  }
0x2ca: {  	v3 =	vadd.f32 v3, v4  }
0x2cb: {  	s16 =	simm.s32 $0x80  }
0x2cc: {  	s23 =	sand.u32 $0x1C00, s16;
	v3 =	vadd.f32 v5, v3  }
0x2cd: {  	s17 =	sor.u32 s15, s23;
	s15 =	simm.s32 $0x20  }
.LBB2_56:
0x2ce: {  	p0 =	sne.s32 s15, $0x3F0;
	v4 =	vld [tilespmem:s17+$0x4380];
	[tilespmem:s14+$0xA200] =	vst v3;
	s14 =	smov.u32 s17  }
0x2cf: {  	v3 =	vld [tilespmem:s14+$0xA200];
	_ =	sdelay $0x1  }
0x2d0: {  	v5 =	vld [tilespmem:s14+$0x4400];
	_ =	sdelay $0x1  }
.Ltmp27:
0x2d1: {  	(pc) =	sbr.rel @p0 .LBB2_56-.Ltmp27, $4  }
0x2d2: {  	v3 =	vadd.f32 v4, v3  }
0x2d3: {  	s16 =	sadd.s32 $0x80, s16  }
0x2d4: {  	s17 =	sand.u32 $0x70, s15;
	s18 =	sand.u32 $0x1C00, s16;
	v3 =	vadd.f32 v5, v3  }
0x2d5: {  	s15 =	sadd.s32 $0x10, s15;
	s17 =	sor.u32 s17, s18  }
0x2d6: {  	v4 =	vld [tilespmem:s17+$0x4380];
	[tilespmem:s14+$0xA200] =	vst v3  }
0x2d7: {  	v3 =	vld [tilespmem:s17+$0xA200];
	_ =	sdelay $0x1  }
0x2d8: {  	v5 =	vld [tilespmem:s17+$0x4400];
	_ =	sdelay $0x2  }
0x2d9: {  	v3 =	vadd.f32 v4, v3;
	_ =	sdelay $0x1  }
0x2da: {  	s21 =	simm.s32 $0x0;
	v3 =	vadd.f32 v5, v3  }
0x2db: {  	s15 =	sand.u32 $0x70, s21;
	s14 =	sand.u32 $0x1C00, s21  }
0x2dc: {  	s14 =	sor.u32 s15, s14;
	[tilespmem:s17+$0xA200] =	vst v3  }
0x2dd: {  	v3 =	vld [tilespmem:s14+$0x6080]  }
0x2de: {  	v4 =	vld [tilespmem:s14+$0xA280];
	_ =	sdelay $0x1  }
0x2df: {  	v5 =	vld [tilespmem:s14+$0x6100];
	_ =	sdelay $0x2  }
0x2e0: {  	v3 =	vadd.f32 v3, v4  }
0x2e1: {  	s22 =	simm.s32 $0x10;
	s16 =	simm.s32 $0x80  }
0x2e2: {  	s23 =	sand.u32 $0x1C00, s16;
	s15 =	sand.u32 $0x70, s22;
	v3 =	vadd.f32 v5, v3  }
0x2e3: {  	s18 =	simm.s32 $0x20;
	s19 =	sor.u32 s15, s23;
	s17 =	smov.u32 s14  }
.LBB2_58:
0x2e4: {  	p0 =	sne.s32 s18, $0x3F0;
	v4 =	vld [tilespmem:s19+$0x6080];
	[tilespmem:s17+$0xA280] =	vst v3;
	s17 =	smov.u32 s19  }
0x2e5: {  	v3 =	vld [tilespmem:s17+$0xA280];
	_ =	sdelay $0x1  }
0x2e6: {  	v5 =	vld [tilespmem:s17+$0x6100];
	_ =	sdelay $0x1  }
.Ltmp28:
0x2e7: {  	(pc) =	sbr.rel @p0 .LBB2_58-.Ltmp28, $4  }
0x2e8: {  	v3 =	vadd.f32 v4, v3  }
0x2e9: {  	s16 =	sadd.s32 $0x80, s16  }
0x2ea: {  	s19 =	sand.u32 $0x70, s18;
	s21 =	sand.u32 $0x1C00, s16;
	v3 =	vadd.f32 v5, v3  }
0x2eb: {  	s18 =	sadd.s32 $0x10, s18;
	s19 =	sor.u32 s19, s21  }
0x2ec: {  	v4 =	vld [tilespmem:s19+$0x6080];
	[tilespmem:s17+$0xA280] =	vst v3  }
0x2ed: {  	v3 =	vld [tilespmem:s19+$0xA280];
	_ =	sdelay $0x1  }
0x2ee: {  	v5 =	vld [tilespmem:s19+$0x6100];
	_ =	sdelay $0x2  }
0x2ef: {  	v3 =	vadd.f32 v4, v3;
	_ =	sdelay $0x1  }
0x2f0: {  	v3 =	vadd.f32 v5, v3;
	_ =	sdelay $0x1  }
0x2f1: {  	[tilespmem:s19+$0xA280] =	vst v3  }
0x2f2: {  	v3 =	vld [tilespmem:s14+$0x6180]  }
0x2f3: {  	v4 =	vld [tilespmem:s14+$0xA300];
	_ =	sdelay $0x1  }
0x2f4: {  	v5 =	vld [tilespmem:s14+$0x6200];
	_ =	sdelay $0x2  }
0x2f5: {  	v3 =	vadd.f32 v3, v4  }
0x2f6: {  	s16 =	simm.s32 $0x80  }
0x2f7: {  	s23 =	sand.u32 $0x1C00, s16;
	v3 =	vadd.f32 v5, v3  }
0x2f8: {  	s17 =	sor.u32 s15, s23;
	s15 =	simm.s32 $0x20  }
.LBB2_60:
0x2f9: {  	p0 =	sne.s32 s15, $0x3F0;
	v4 =	vld [tilespmem:s17+$0x6180];
	[tilespmem:s14+$0xA300] =	vst v3;
	s14 =	smov.u32 s17  }
0x2fa: {  	v3 =	vld [tilespmem:s14+$0xA300];
	_ =	sdelay $0x1  }
0x2fb: {  	v5 =	vld [tilespmem:s14+$0x6200];
	_ =	sdelay $0x1  }
.Ltmp29:
0x2fc: {  	(pc) =	sbr.rel @p0 .LBB2_60-.Ltmp29, $4  }
0x2fd: {  	v3 =	vadd.f32 v4, v3  }
0x2fe: {  	s16 =	sadd.s32 $0x80, s16  }
0x2ff: {  	s17 =	sand.u32 $0x70, s15;
	s18 =	sand.u32 $0x1C00, s16;
	v3 =	vadd.f32 v5, v3  }
0x300: {  	s15 =	sadd.s32 $0x10, s15;
	s17 =	sor.u32 s17, s18  }
0x301: {  	v4 =	vld [tilespmem:s17+$0x6180];
	[tilespmem:s14+$0xA300] =	vst v3  }
0x302: {  	v3 =	vld [tilespmem:s17+$0xA300];
	_ =	sdelay $0x1  }
0x303: {  	v5 =	vld [tilespmem:s17+$0x6200];
	_ =	sdelay $0x2  }
0x304: {  	v3 =	vadd.f32 v4, v3;
	_ =	sdelay $0x1  }
0x305: {  	s21 =	simm.s32 $0x0;
	v3 =	vadd.f32 v5, v3  }
0x306: {  	s15 =	sand.u32 $0x70, s21;
	s14 =	sand.u32 $0x1C00, s21  }
0x307: {  	s14 =	sor.u32 s15, s14;
	[tilespmem:s17+$0xA300] =	vst v3  }
0x308: {  	v3 =	vld [tilespmem:s14+$0x6280]  }
0x309: {  	v4 =	vld [tilespmem:s14+$0xA380];
	_ =	sdelay $0x1  }
0x30a: {  	v5 =	vld [tilespmem:s14+$0x6300];
	_ =	sdelay $0x2  }
0x30b: {  	v3 =	vadd.f32 v3, v4  }
0x30c: {  	s22 =	simm.s32 $0x10;
	s16 =	simm.s32 $0x80  }
0x30d: {  	s23 =	sand.u32 $0x1C00, s16;
	s15 =	sand.u32 $0x70, s22;
	v3 =	vadd.f32 v5, v3  }
0x30e: {  	s18 =	simm.s32 $0x20;
	s19 =	sor.u32 s15, s23;
	s17 =	smov.u32 s14  }
.LBB2_62:
0x30f: {  	p0 =	sne.s32 s18, $0x3F0;
	v4 =	vld [tilespmem:s19+$0x6280];
	[tilespmem:s17+$0xA380] =	vst v3;
	s17 =	smov.u32 s19  }
0x310: {  	v3 =	vld [tilespmem:s17+$0xA380];
	_ =	sdelay $0x1  }
0x311: {  	v5 =	vld [tilespmem:s17+$0x6300];
	_ =	sdelay $0x1  }
.Ltmp30:
0x312: {  	(pc) =	sbr.rel @p0 .LBB2_62-.Ltmp30, $4  }
0x313: {  	v3 =	vadd.f32 v4, v3  }
0x314: {  	s16 =	sadd.s32 $0x80, s16  }
0x315: {  	s19 =	sand.u32 $0x70, s18;
	s21 =	sand.u32 $0x1C00, s16;
	v3 =	vadd.f32 v5, v3  }
0x316: {  	s18 =	sadd.s32 $0x10, s18;
	s19 =	sor.u32 s19, s21  }
0x317: {  	v4 =	vld [tilespmem:s19+$0x6280];
	[tilespmem:s17+$0xA380] =	vst v3  }
0x318: {  	v3 =	vld [tilespmem:s19+$0xA380];
	_ =	sdelay $0x1  }
0x319: {  	v5 =	vld [tilespmem:s19+$0x6300];
	_ =	sdelay $0x2  }
0x31a: {  	v3 =	vadd.f32 v4, v3;
	_ =	sdelay $0x1  }
0x31b: {  	v3 =	vadd.f32 v5, v3;
	_ =	sdelay $0x1  }
0x31c: {  	[tilespmem:s19+$0xA380] =	vst v3  }
0x31d: {  	v3 =	vld [tilespmem:s14+$0x6380]  }
0x31e: {  	v4 =	vld [tilespmem:s14+$0xA400];
	_ =	sdelay $0x1  }
0x31f: {  	v5 =	vld [tilespmem:s14+$0x6400];
	_ =	sdelay $0x2  }
0x320: {  	v3 =	vadd.f32 v3, v4  }
0x321: {  	s16 =	simm.s32 $0x80  }
0x322: {  	s23 =	sand.u32 $0x1C00, s16;
	v3 =	vadd.f32 v5, v3  }
0x323: {  	s17 =	sor.u32 s15, s23;
	s15 =	simm.s32 $0x20  }
.LBB2_64:
0x324: {  	p0 =	sne.s32 s15, $0x3F0;
	v4 =	vld [tilespmem:s17+$0x6380];
	[tilespmem:s14+$0xA400] =	vst v3;
	s14 =	smov.u32 s17  }
0x325: {  	v3 =	vld [tilespmem:s14+$0xA400];
	_ =	sdelay $0x1  }
0x326: {  	v5 =	vld [tilespmem:s14+$0x6400];
	_ =	sdelay $0x1  }
.Ltmp31:
0x327: {  	(pc) =	sbr.rel @p0 .LBB2_64-.Ltmp31, $4  }
0x328: {  	v3 =	vadd.f32 v4, v3  }
0x329: {  	s16 =	sadd.s32 $0x80, s16  }
0x32a: {  	s17 =	sand.u32 $0x70, s15;
	s18 =	sand.u32 $0x1C00, s16;
	v3 =	vadd.f32 v5, v3  }
0x32b: {  	s15 =	sadd.s32 $0x10, s15;
	s17 =	sor.u32 s17, s18  }
0x32c: {  	v4 =	vld [tilespmem:s17+$0x6380];
	[tilespmem:s14+$0xA400] =	vst v3  }
0x32d: {  	v3 =	vld [tilespmem:s17+$0xA400];
	_ =	sdelay $0x1  }
0x32e: {  	v5 =	vld [tilespmem:s17+$0x6400];
	_ =	sdelay $0x2  }
0x32f: {  	v3 =	vadd.f32 v4, v3;
	_ =	sdelay $0x1  }
0x330: {  	v3 =	vadd.f32 v5, v3;
	_ =	sdelay $0x1  }
0x331: {  	s22 =	simm.s32 $0x0;
	s15 =	rddreg [dreg:$0x8];
	[tilespmem:s17+$0xA400] =	vst v3  }
0x332: {  	[hbm4b:s15+s22] =	stream.linear.scatter [tilespmem:s12], [sflag:$0x2], $0x4000, $0x38;
	[tilespmem:$0xC080] =	vst v63  }
0x333: {  	_ =	swait.ge [sflag:s20], $0x4000  }
0x334: {  	[sflag:s20] =	ssyncset.done $0x0  }
0x335: {  	s23 =	rddreg [dreg:$0x9];
	[sflag:s20] =	ssyncadd.s32 $0xFFFFC000  }
0x336: {  	[tilespmem:s22], [sflag:$0x2] =	stream.linear.gather [hbm4b:s23+s22], $0x20, $0x38;
	[tilespmem:$0xC080] =	vst v63  }
0x337: {  	_ =	swait.ge [sflag:s20], $0x20  }
0x338: {  	[sflag:s20] =	ssyncset.done $0x0  }
0x339: {  	[sflag:s20] =	ssyncadd.s32 $0xFFFFFFE0  }
0x33a: {  	v3 =	vld [tilespmem:$0x0];
	_ =	sdelay $0x4  }
0x33b: {  	v4 =	vshll.u32 v3, $0x3  }
0x33c: {  	v3 =	vand.u32 $0x7, v3;
	v4 =	vand.u32 $0xFFFFFFC0, v4  }
0x33d: {  	v3 =	vor.u32 v3, v4  }
0x33e: {  	v4 =	vperm.xlane v3, v0;
	_ =	sdelay $0x1  }
0x33f: {  	v4 =	vadd.s32 v1, v4;
	_ =	sdelay $0x3  }
0x340: {  	s16 =	simm.s32 $0x80  }
0x341: {  	[tilespmem:s16], [sflag:$0x1] =	stream.indirect_vreg.gather [hbm4b:s3+s22], $0x80, v4, vm0, $0xb8;
	[tilespmem:$0xC080] =	vst v63  }
0x342: {  	s17 =	simm.s32 $0x880;
	v3 =	vperm.xlane v3, v2  }
0x343: {  	[tilespmem:s17], [sflag:$0x1] =	stream.indirect_vreg.gather [hbm4b:s5+s22], $0x80, v4, vm0, $0xb8;
	[tilespmem:$0xC080] =	vst v63  }
0x344: {  	s18 =	simm.s32 $0x1080;
	v3 =	vadd.s32 v1, v3  }
0x345: {  	[tilespmem:s18], [sflag:$0x1] =	stream.indirect_vreg.gather [hbm4b:s6+s22], $0x80, v4, vm0, $0xb8;
	[tilespmem:$0xC080] =	vst v63  }
0x346: {  	_ = 	snop  }
0x347: {  	[tilespmem:s24], [sflag:$0x1] =	stream.indirect_vreg.gather [hbm4b:s7+s22], $0x80, v4, vm0, $0xb8;
	[tilespmem:$0xC080] =	vst v63  }
0x348: {  	_ = 	snop  }
0x349: {  	[tilespmem:s25], [sflag:$0x1] =	stream.indirect_vreg.gather [hbm4b:s3+s22], $0x80, v3, vm0, $0xb8;
	[tilespmem:$0xC080] =	vst v63  }
0x34a: {  	_ = 	snop  }
0x34b: {  	[tilespmem:s26], [sflag:$0x1] =	stream.indirect_vreg.gather [hbm4b:s5+s22], $0x80, v3, vm0, $0xb8;
	[tilespmem:$0xC080] =	vst v63  }
0x34c: {  	_ = 	snop  }
0x34d: {  	[tilespmem:s28], [sflag:$0x1] =	stream.indirect_vreg.gather [hbm4b:s6+s22], $0x80, v3, vm0, $0xb8;
	[tilespmem:$0xC080] =	vst v63  }
0x34e: {  	_ = 	snop  }
0x34f: {  	[tilespmem:s29], [sflag:$0x1] =	stream.indirect_vreg.gather [hbm4b:s7+s22], $0x80, v3, vm0, $0xb8;
	[tilespmem:$0xC080] =	vst v63  }
0x350: {  	v3 =	vld [tilespmem:$0x10];
	_ =	sdelay $0x4  }
0x351: {  	v4 =	vshll.u32 v3, $0x3  }
0x352: {  	v3 =	vand.u32 $0x7, v3;
	v4 =	vand.u32 $0xFFFFFFC0, v4  }
0x353: {  	v3 =	vor.u32 v3, v4  }
0x354: {  	v4 =	vperm.xlane v3, v0;
	_ =	sdelay $0x1  }
0x355: {  	v4 =	vadd.s32 v1, v4;
	_ =	sdelay $0x4  }
0x356: {  	[tilespmem:s30], [sflag:$0x1] =	stream.indirect_vreg.gather [hbm4b:s3+s22], $0x80, v4, vm0, $0xb8;
	[tilespmem:$0xC080] =	vst v63  }
0x357: {  	v3 =	vperm.xlane v3, v2  }
0x358: {  	[tilespmem:s31], [sflag:$0x1] =	stream.indirect_vreg.gather [hbm4b:s5+s22], $0x80, v4, vm0, $0xb8;
	[tilespmem:$0xC080] =	vst v63  }
0x359: {  	v3 =	vadd.s32 v1, v3  }
0x35a: {  	[tilespmem:s0], [sflag:$0x1] =	stream.indirect_vreg.gather [hbm4b:s6+s22], $0x80, v4, vm0, $0xb8;
	[tilespmem:$0xC080] =	vst v63  }
0x35b: {  	_ = 	snop  }
0x35c: {  	[tilespmem:s1], [sflag:$0x1] =	stream.indirect_vreg.gather [hbm4b:s7+s22], $0x80, v4, vm0, $0xb8;
	[tilespmem:$0xC080] =	vst v63  }
0x35d: {  	_ = 	snop  }
0x35e: {  	[tilespmem:s4], [sflag:$0x1] =	stream.indirect_vreg.gather [hbm4b:s3+s22], $0x80, v3, vm0, $0xb8;
	[tilespmem:$0xC080] =	vst v63  }
0x35f: {  	_ = 	snop  }
0x360: {  	[tilespmem:s8], [sflag:$0x1] =	stream.indirect_vreg.gather [hbm4b:s5+s22], $0x80, v3, vm0, $0xb8;
	[tilespmem:$0xC080] =	vst v63  }
0x361: {  	_ = 	snop  }
0x362: {  	[tilespmem:s9], [sflag:$0x1] =	stream.indirect_vreg.gather [hbm4b:s6+s22], $0x80, v3, vm0, $0xb8;
	[tilespmem:$0xC080] =	vst v63  }
0x363: {  	_ = 	snop  }
0x364: {  	[tilespmem:s10], [sflag:$0x1] =	stream.indirect_vreg.gather [hbm4b:s7+s22], $0x80, v3, vm0, $0xb8;
	[tilespmem:$0xC080] =	vst v63  }
0x365: {  	_ =	swait.ge [sflag:s11], $0x8000  }
0x366: {  	[sflag:s11] =	ssyncset.done $0x0  }
0x367: {  	s19 =	rddreg [dreg:$0xa];
	[sflag:s11] =	ssyncadd.s32 $0xFFFF8000  }
0x368: {  	[tilespmem:s12], [sflag:$0x2] =	stream.linear.gather [hbm4b:s19+s22], $0x4000, $0x38;
	[tilespmem:$0xC080] =	vst v63  }
0x369: {  	_ =	swait.ge [sflag:s20], $0x4000  }
0x36a: {  	s21 =	sand.u32 $0x70, s22;
	s14 =	sand.u32 $0x1C00, s22;
	[sflag:s20] =	ssyncset.done $0x0  }
0x36b: {  	s14 =	sor.u32 s21, s14;
	[sflag:s20] =	ssyncadd.s32 $0xFFFFC000  }
0x36c: {  	v3 =	vld [tilespmem:s14+$0x80]  }
0x36d: {  	v4 =	vld [tilespmem:s14+$0x8080];
	_ =	sdelay $0x1  }
0x36e: {  	v5 =	vld [tilespmem:s14+$0x100];
	_ =	sdelay $0x2  }
0x36f: {  	v3 =	vadd.f32 v3, v4  }
0x370: {  	s16 =	simm.s32 $0x80;
	s22 =	simm.s32 $0x10  }
0x371: {  	s23 =	sand.u32 $0x1C00, s16;
	s15 =	sand.u32 $0x70, s22;
	v3 =	vadd.f32 v5, v3  }
0x372: {  	s17 =	smov.u32 s14;
	s18 =	simm.s32 $0x20;
	s19 =	sor.u32 s15, s23  }
.LBB2_66:
0x373: {  	p0 =	sne.s32 s18, $0x3F0;
	v4 =	vld [tilespmem:s19+$0x80];
	[tilespmem:s17+$0x8080] =	vst v3;
	s17 =	smov.u32 s19  }
0x374: {  	v3 =	vld [tilespmem:s17+$0x8080];
	_ =	sdelay $0x1  }
0x375: {  	v5 =	vld [tilespmem:s17+$0x100];
	_ =	sdelay $0x1  }
.Ltmp32:
0x376: {  	(pc) =	sbr.rel @p0 .LBB2_66-.Ltmp32, $4  }
0x377: {  	v3 =	vadd.f32 v4, v3  }
0x378: {  	s16 =	sadd.s32 $0x80, s16  }
0x379: {  	s19 =	sand.u32 $0x70, s18;
	s21 =	sand.u32 $0x1C00, s16;
	v3 =	vadd.f32 v5, v3  }
0x37a: {  	s18 =	sadd.s32 $0x10, s18;
	s19 =	sor.u32 s19, s21  }
0x37b: {  	v4 =	vld [tilespmem:s19+$0x80];
	[tilespmem:s17+$0x8080] =	vst v3  }
0x37c: {  	v3 =	vld [tilespmem:s19+$0x8080];
	_ =	sdelay $0x1  }
0x37d: {  	v5 =	vld [tilespmem:s19+$0x100];
	_ =	sdelay $0x2  }
0x37e: {  	v3 =	vadd.f32 v4, v3;
	_ =	sdelay $0x1  }
0x37f: {  	v3 =	vadd.f32 v5, v3;
	_ =	sdelay $0x1  }
0x380: {  	[tilespmem:s19+$0x8080] =	vst v3  }
0x381: {  	v3 =	vld [tilespmem:s14+$0x180]  }
0x382: {  	v4 =	vld [tilespmem:s14+$0x8100];
	_ =	sdelay $0x1  }
0x383: {  	v5 =	vld [tilespmem:s14+$0x200];
	_ =	sdelay $0x2  }
0x384: {  	v3 =	vadd.f32 v3, v4  }
0x385: {  	s16 =	simm.s32 $0x80  }
0x386: {  	s23 =	sand.u32 $0x1C00, s16;
	v3 =	vadd.f32 v5, v3  }
0x387: {  	s17 =	sor.u32 s15, s23;
	s15 =	simm.s32 $0x20  }
.LBB2_68:
0x388: {  	p0 =	sne.s32 s15, $0x3F0;
	v4 =	vld [tilespmem:s17+$0x180];
	[tilespmem:s14+$0x8100] =	vst v3;
	s14 =	smov.u32 s17  }
0x389: {  	v3 =	vld [tilespmem:s14+$0x8100];
	_ =	sdelay $0x1  }
0x38a: {  	v5 =	vld [tilespmem:s14+$0x200];
	_ =	sdelay $0x1  }
.Ltmp33:
0x38b: {  	(pc) =	sbr.rel @p0 .LBB2_68-.Ltmp33, $4  }
0x38c: {  	v3 =	vadd.f32 v4, v3  }
0x38d: {  	s16 =	sadd.s32 $0x80, s16  }
0x38e: {  	s17 =	sand.u32 $0x70, s15;
	s18 =	sand.u32 $0x1C00, s16;
	v3 =	vadd.f32 v5, v3  }
0x38f: {  	s15 =	sadd.s32 $0x10, s15;
	s17 =	sor.u32 s17, s18  }
0x390: {  	v4 =	vld [tilespmem:s17+$0x180];
	[tilespmem:s14+$0x8100] =	vst v3  }
0x391: {  	v3 =	vld [tilespmem:s17+$0x8100];
	_ =	sdelay $0x1  }
0x392: {  	v5 =	vld [tilespmem:s17+$0x200];
	_ =	sdelay $0x2  }
0x393: {  	v3 =	vadd.f32 v4, v3;
	_ =	sdelay $0x1  }
0x394: {  	s16 =	simm.s32 $0x0;
	v3 =	vadd.f32 v5, v3  }
0x395: {  	s23 =	sand.u32 $0x70, s16;
	s15 =	sand.u32 $0x1C00, s16  }
0x396: {  	s14 =	sor.u32 s23, s15;
	[tilespmem:s17+$0x8100] =	vst v3  }
0x397: {  	v3 =	vld [tilespmem:s14+$0x280]  }
0x398: {  	v4 =	vld [tilespmem:s14+$0x8180];
	_ =	sdelay $0x1  }
0x399: {  	v5 =	vld [tilespmem:s14+$0x300];
	_ =	sdelay $0x2  }
0x39a: {  	v3 =	vadd.f32 v3, v4  }
0x39b: {  	s18 =	simm.s32 $0x80;
	s15 =	simm.s32 $0x10  }
0x39c: {  	s19 =	sand.u32 $0x1C00, s18;
	s17 =	sand.u32 $0x70, s15;
	v3 =	vadd.f32 v5, v3  }
0x39d: {  	s21 =	simm.s32 $0x20;
	s22 =	sor.u32 s17, s19;
	s19 =	smov.u32 s14  }
.LBB2_70:
0x39e: {  	p0 =	sne.s32 s21, $0x3F0;
	v4 =	vld [tilespmem:s22+$0x280];
	[tilespmem:s19+$0x8180] =	vst v3;
	s19 =	smov.u32 s22  }
0x39f: {  	v3 =	vld [tilespmem:s19+$0x8180];
	_ =	sdelay $0x1  }
0x3a0: {  	v5 =	vld [tilespmem:s19+$0x300];
	_ =	sdelay $0x1  }
.Ltmp34:
0x3a1: {  	(pc) =	sbr.rel @p0 .LBB2_70-.Ltmp34, $4  }
0x3a2: {  	v3 =	vadd.f32 v4, v3  }
0x3a3: {  	s18 =	sadd.s32 $0x80, s18  }
0x3a4: {  	s22 =	sand.u32 $0x70, s21;
	s23 =	sand.u32 $0x1C00, s18;
	v3 =	vadd.f32 v5, v3  }
0x3a5: {  	s21 =	sadd.s32 $0x10, s21;
	s22 =	sor.u32 s22, s23  }
0x3a6: {  	v4 =	vld [tilespmem:s22+$0x280];
	[tilespmem:s19+$0x8180] =	vst v3  }
0x3a7: {  	v3 =	vld [tilespmem:s22+$0x8180];
	_ =	sdelay $0x1  }
0x3a8: {  	v5 =	vld [tilespmem:s22+$0x300];
	_ =	sdelay $0x2  }
0x3a9: {  	v3 =	vadd.f32 v4, v3;
	_ =	sdelay $0x1  }
0x3aa: {  	v3 =	vadd.f32 v5, v3;
	_ =	sdelay $0x1  }
0x3ab: {  	[tilespmem:s22+$0x8180] =	vst v3  }
0x3ac: {  	v3 =	vld [tilespmem:s14+$0x380]  }
0x3ad: {  	s16 =	sor.u32 s16, s16;
	v4 =	vld [tilespmem:s14+$0x8200]  }
0x3ae: {  	s16 =	sor.u32 $0x380, s16  }
0x3af: {  	v5 =	vld [tilespmem:s16+$0x80];
	_ =	sdelay $0x2  }
0x3b0: {  	v3 =	vadd.f32 v3, v4  }
0x3b1: {  	s16 =	simm.s32 $0x80  }
0x3b2: {  	s18 =	sand.u32 $0x1C00, s16;
	v3 =	vadd.f32 v5, v3  }
0x3b3: {  	s18 =	sor.u32 s17, s18;
	s17 =	simm.s32 $0x20  }
.LBB2_72:
0x3b4: {  	p0 =	sne.s32 s17, $0x3F0;
	v4 =	vld [tilespmem:s18+$0x380];
	[tilespmem:s14+$0x8200] =	vst v3;
	s14 =	smov.u32 s18  }
0x3b5: {  	s18 =	sor.u32 s16, s15;
	s15 =	smov.u32 s17;
	v3 =	vld [tilespmem:s14+$0x8200]  }
0x3b6: {  	s18 =	sor.u32 $0x380, s18  }
0x3b7: {  	v5 =	vld [tilespmem:s18+$0x80];
	_ =	sdelay $0x1  }
.Ltmp35:
0x3b8: {  	(pc) =	sbr.rel @p0 .LBB2_72-.Ltmp35, $4  }
0x3b9: {  	v3 =	vadd.f32 v4, v3  }
0x3ba: {  	s16 =	sadd.s32 $0x80, s16  }
0x3bb: {  	s19 =	sand.u32 $0x1C00, s16;
	s18 =	sand.u32 $0x70, s17;
	v3 =	vadd.f32 v5, v3  }
0x3bc: {  	s17 =	sadd.s32 $0x10, s17;
	s18 =	sor.u32 s18, s19  }
0x3bd: {  	v4 =	vld [tilespmem:s18+$0x380];
	[tilespmem:s14+$0x8200] =	vst v3  }
0x3be: {  	s19 =	sor.u32 s16, s15;
	v3 =	vld [tilespmem:s18+$0x8200]  }
0x3bf: {  	s14 =	sor.u32 $0x380, s19  }
0x3c0: {  	v5 =	vld [tilespmem:s14+$0x80];
	_ =	sdelay $0x2  }
0x3c1: {  	v3 =	vadd.f32 v4, v3;
	_ =	sdelay $0x1  }
0x3c2: {  	s21 =	simm.s32 $0x0;
	v3 =	vadd.f32 v5, v3  }
0x3c3: {  	s22 =	sand.u32 $0x70, s21;
	s14 =	sand.u32 $0x1C00, s21  }
0x3c4: {  	s14 =	sor.u32 s22, s14;
	[tilespmem:s18+$0x8200] =	vst v3  }
0x3c5: {  	v3 =	vld [tilespmem:s14+$0x2080]  }
0x3c6: {  	v4 =	vld [tilespmem:s14+$0x8280];
	_ =	sdelay $0x1  }
0x3c7: {  	v5 =	vld [tilespmem:s14+$0x2100];
	_ =	sdelay $0x2  }
0x3c8: {  	v3 =	vadd.f32 v3, v4  }
0x3c9: {  	s23 =	simm.s32 $0x10;
	s16 =	simm.s32 $0x80  }
0x3ca: {  	s15 =	sand.u32 $0x70, s23;
	s17 =	sand.u32 $0x1C00, s16;
	v3 =	vadd.f32 v5, v3  }
0x3cb: {  	s19 =	sor.u32 s15, s17;
	s17 =	smov.u32 s14;
	s18 =	simm.s32 $0x20  }
.LBB2_74:
0x3cc: {  	p0 =	sne.s32 s18, $0x3F0;
	v4 =	vld [tilespmem:s19+$0x2080];
	[tilespmem:s17+$0x8280] =	vst v3;
	s17 =	smov.u32 s19  }
0x3cd: {  	v3 =	vld [tilespmem:s17+$0x8280];
	_ =	sdelay $0x1  }
0x3ce: {  	v5 =	vld [tilespmem:s17+$0x2100];
	_ =	sdelay $0x1  }
.Ltmp36:
0x3cf: {  	(pc) =	sbr.rel @p0 .LBB2_74-.Ltmp36, $4  }
0x3d0: {  	v3 =	vadd.f32 v4, v3  }
0x3d1: {  	s16 =	sadd.s32 $0x80, s16  }
0x3d2: {  	s19 =	sand.u32 $0x70, s18;
	s21 =	sand.u32 $0x1C00, s16;
	v3 =	vadd.f32 v5, v3  }
0x3d3: {  	s18 =	sadd.s32 $0x10, s18;
	s19 =	sor.u32 s19, s21  }
0x3d4: {  	v4 =	vld [tilespmem:s19+$0x2080];
	[tilespmem:s17+$0x8280] =	vst v3  }
0x3d5: {  	v3 =	vld [tilespmem:s19+$0x8280];
	_ =	sdelay $0x1  }
0x3d6: {  	v5 =	vld [tilespmem:s19+$0x2100];
	_ =	sdelay $0x2  }
0x3d7: {  	v3 =	vadd.f32 v4, v3;
	_ =	sdelay $0x1  }
0x3d8: {  	v3 =	vadd.f32 v5, v3;
	_ =	sdelay $0x1  }
0x3d9: {  	[tilespmem:s19+$0x8280] =	vst v3  }
0x3da: {  	v3 =	vld [tilespmem:s14+$0x2180]  }
0x3db: {  	v4 =	vld [tilespmem:s14+$0x8300];
	_ =	sdelay $0x1  }
0x3dc: {  	v5 =	vld [tilespmem:s14+$0x2200];
	_ =	sdelay $0x2  }
0x3dd: {  	v3 =	vadd.f32 v3, v4  }
0x3de: {  	s16 =	simm.s32 $0x80  }
0x3df: {  	s23 =	sand.u32 $0x1C00, s16;
	v3 =	vadd.f32 v5, v3  }
0x3e0: {  	s17 =	sor.u32 s15, s23;
	s15 =	simm.s32 $0x20  }
.LBB2_76:
0x3e1: {  	p0 =	sne.s32 s15, $0x3F0;
	v4 =	vld [tilespmem:s17+$0x2180];
	[tilespmem:s14+$0x8300] =	vst v3;
	s14 =	smov.u32 s17  }
0x3e2: {  	v3 =	vld [tilespmem:s14+$0x8300];
	_ =	sdelay $0x1  }
0x3e3: {  	v5 =	vld [tilespmem:s14+$0x2200];
	_ =	sdelay $0x1  }
.Ltmp37:
0x3e4: {  	(pc) =	sbr.rel @p0 .LBB2_76-.Ltmp37, $4  }
0x3e5: {  	v3 =	vadd.f32 v4, v3  }
0x3e6: {  	s16 =	sadd.s32 $0x80, s16  }
0x3e7: {  	s17 =	sand.u32 $0x70, s15;
	s18 =	sand.u32 $0x1C00, s16;
	v3 =	vadd.f32 v5, v3  }
0x3e8: {  	s15 =	sadd.s32 $0x10, s15;
	s17 =	sor.u32 s17, s18  }
0x3e9: {  	v4 =	vld [tilespmem:s17+$0x2180];
	[tilespmem:s14+$0x8300] =	vst v3  }
0x3ea: {  	v3 =	vld [tilespmem:s17+$0x8300];
	_ =	sdelay $0x1  }
0x3eb: {  	v5 =	vld [tilespmem:s17+$0x2200];
	_ =	sdelay $0x2  }
0x3ec: {  	v3 =	vadd.f32 v4, v3;
	_ =	sdelay $0x1  }
0x3ed: {  	s14 =	simm.s32 $0x0;
	v3 =	vadd.f32 v5, v3  }
0x3ee: {  	s15 =	sand.u32 $0x70, s14;
	s16 =	sand.u32 $0x1C00, s14  }
0x3ef: {  	s16 =	sor.u32 s15, s16;
	[tilespmem:s17+$0x8300] =	vst v3  }
0x3f0: {  	v3 =	vld [tilespmem:s16+$0x2280]  }
0x3f1: {  	v4 =	vld [tilespmem:s16+$0x8380];
	_ =	sdelay $0x1  }
0x3f2: {  	v5 =	vld [tilespmem:s16+$0x2300];
	_ =	sdelay $0x2  }
0x3f3: {  	v3 =	vadd.f32 v3, v4  }
0x3f4: {  	s15 =	simm.s32 $0x10;
	s17 =	simm.s32 $0x80  }
0x3f5: {  	s18 =	sand.u32 $0x70, s15;
	s19 =	sand.u32 $0x1C00, s17;
	v3 =	vadd.f32 v5, v3  }
0x3f6: {  	s21 =	sor.u32 s18, s19;
	s19 =	simm.s32 $0x20;
	s18 =	smov.u32 s16  }
.LBB2_78:
0x3f7: {  	p0 =	sne.s32 s19, $0x3F0;
	v4 =	vld [tilespmem:s21+$0x2280];
	[tilespmem:s18+$0x8380] =	vst v3;
	s18 =	smov.u32 s21  }
0x3f8: {  	v3 =	vld [tilespmem:s18+$0x8380];
	_ =	sdelay $0x1  }
0x3f9: {  	v5 =	vld [tilespmem:s18+$0x2300];
	_ =	sdelay $0x1  }
.Ltmp38:
0x3fa: {  	(pc) =	sbr.rel @p0 .LBB2_78-.Ltmp38, $4  }
0x3fb: {  	v3 =	vadd.f32 v4, v3  }
0x3fc: {  	s17 =	sadd.s32 $0x80, s17  }
0x3fd: {  	s21 =	sand.u32 $0x70, s19;
	s22 =	sand.u32 $0x1C00, s17;
	v3 =	vadd.f32 v5, v3  }
0x3fe: {  	s19 =	sadd.s32 $0x10, s19;
	s21 =	sor.u32 s21, s22  }
0x3ff: {  	v4 =	vld [tilespmem:s21+$0x2280];
	[tilespmem:s18+$0x8380] =	vst v3  }
0x400: {  	v3 =	vld [tilespmem:s21+$0x8380];
	_ =	sdelay $0x1  }
0x401: {  	v5 =	vld [tilespmem:s21+$0x2300];
	_ =	sdelay $0x2  }
0x402: {  	v3 =	vadd.f32 v4, v3;
	_ =	sdelay $0x1  }
0x403: {  	v3 =	vadd.f32 v5, v3;
	_ =	sdelay $0x1  }
0x404: {  	s17 =	sor.u32 s14, s14;
	[tilespmem:s21+$0x8380] =	vst v3  }
.LBB2_80:
0x405: {  	p0 =	sne.s32 s15, $0x3F0;
	s18 =	sor.u32 $0x380, s17;
	v3 =	vld [tilespmem:s16+$0x2380]  }
0x406: {  	v4 =	vld [tilespmem:s18+$0x8080];
	_ =	sdelay $0x1  }
0x407: {  	v5 =	vld [tilespmem:s16+$0x2400];
	_ =	sdelay $0x2  }
.Ltmp39:
0x408: {  	v3 =	vadd.f32 v3, v4;
	(pc) =	sbr.rel @p0 .LBB2_80-.Ltmp39, $4  }
0x409: {  	_ = 	snop  }
0x40a: {  	s14 =	sadd.s32 $0x80, s14;
	v3 =	vadd.f32 v5, v3  }
0x40b: {  	s19 =	sand.u32 $0x1C00, s14;
	s16 =	sand.u32 $0x70, s15  }
0x40c: {  	s17 =	sor.u32 s14, s15;
	s15 =	sadd.s32 $0x10, s15;
	s16 =	sor.u32 s16, s19;
	[tilespmem:s18+$0x8080] =	vst v3  }
0x40d: {  	s14 =	sor.u32 $0x380, s17;
	v3 =	vld [tilespmem:s16+$0x2380]  }
0x40e: {  	v4 =	vld [tilespmem:s14+$0x8080];
	_ =	sdelay $0x1  }
0x40f: {  	v5 =	vld [tilespmem:s16+$0x2400];
	_ =	sdelay $0x2  }
0x410: {  	v3 =	vadd.f32 v3, v4;
	_ =	sdelay $0x1  }
0x411: {  	s15 =	simm.s32 $0x0;
	v3 =	vadd.f32 v5, v3  }
0x412: {  	s21 =	sand.u32 $0x70, s15;
	s15 =	sand.u32 $0x1C00, s15  }
0x413: {  	[tilespmem:s14+$0x8080] =	vst v3;
	s14 =	sor.u32 s21, s15  }
0x414: {  	v3 =	vld [tilespmem:s14+$0x4080]  }
0x415: {  	v4 =	vld [tilespmem:s14+$0xA080];
	_ =	sdelay $0x1  }
0x416: {  	v5 =	vld [tilespmem:s14+$0x4100];
	_ =	sdelay $0x2  }
0x417: {  	v3 =	vadd.f32 v3, v4  }
0x418: {  	s22 =	simm.s32 $0x10;
	s16 =	simm.s32 $0x80  }
0x419: {  	s23 =	sand.u32 $0x1C00, s16;
	s15 =	sand.u32 $0x70, s22;
	v3 =	vadd.f32 v5, v3  }
0x41a: {  	s18 =	simm.s32 $0x20;
	s19 =	sor.u32 s15, s23;
	s17 =	smov.u32 s14  }
.LBB2_82:
0x41b: {  	p0 =	sne.s32 s18, $0x3F0;
	v4 =	vld [tilespmem:s19+$0x4080];
	[tilespmem:s17+$0xA080] =	vst v3;
	s17 =	smov.u32 s19  }
0x41c: {  	v3 =	vld [tilespmem:s17+$0xA080];
	_ =	sdelay $0x1  }
0x41d: {  	v5 =	vld [tilespmem:s17+$0x4100];
	_ =	sdelay $0x1  }
.Ltmp40:
0x41e: {  	(pc) =	sbr.rel @p0 .LBB2_82-.Ltmp40, $4  }
0x41f: {  	v3 =	vadd.f32 v4, v3  }
0x420: {  	s16 =	sadd.s32 $0x80, s16  }
0x421: {  	s19 =	sand.u32 $0x70, s18;
	s21 =	sand.u32 $0x1C00, s16;
	v3 =	vadd.f32 v5, v3  }
0x422: {  	s18 =	sadd.s32 $0x10, s18;
	s19 =	sor.u32 s19, s21  }
0x423: {  	v4 =	vld [tilespmem:s19+$0x4080];
	[tilespmem:s17+$0xA080] =	vst v3  }
0x424: {  	v3 =	vld [tilespmem:s19+$0xA080];
	_ =	sdelay $0x1  }
0x425: {  	v5 =	vld [tilespmem:s19+$0x4100];
	_ =	sdelay $0x2  }
0x426: {  	v3 =	vadd.f32 v4, v3;
	_ =	sdelay $0x1  }
0x427: {  	v3 =	vadd.f32 v5, v3;
	_ =	sdelay $0x1  }
0x428: {  	[tilespmem:s19+$0xA080] =	vst v3  }
0x429: {  	v3 =	vld [tilespmem:s14+$0x4180]  }
0x42a: {  	v4 =	vld [tilespmem:s14+$0xA100];
	_ =	sdelay $0x1  }
0x42b: {  	v5 =	vld [tilespmem:s14+$0x4200];
	_ =	sdelay $0x2  }
0x42c: {  	v3 =	vadd.f32 v3, v4  }
0x42d: {  	s16 =	simm.s32 $0x80  }
0x42e: {  	s23 =	sand.u32 $0x1C00, s16;
	v3 =	vadd.f32 v5, v3  }
0x42f: {  	s17 =	sor.u32 s15, s23;
	s15 =	simm.s32 $0x20  }
.LBB2_84:
0x430: {  	p0 =	sne.s32 s15, $0x3F0;
	v4 =	vld [tilespmem:s17+$0x4180];
	[tilespmem:s14+$0xA100] =	vst v3;
	s14 =	smov.u32 s17  }
0x431: {  	v3 =	vld [tilespmem:s14+$0xA100];
	_ =	sdelay $0x1  }
0x432: {  	v5 =	vld [tilespmem:s14+$0x4200];
	_ =	sdelay $0x1  }
.Ltmp41:
0x433: {  	(pc) =	sbr.rel @p0 .LBB2_84-.Ltmp41, $4  }
0x434: {  	v3 =	vadd.f32 v4, v3  }
0x435: {  	s16 =	sadd.s32 $0x80, s16  }
0x436: {  	s17 =	sand.u32 $0x70, s15;
	s18 =	sand.u32 $0x1C00, s16;
	v3 =	vadd.f32 v5, v3  }
0x437: {  	s15 =	sadd.s32 $0x10, s15;
	s17 =	sor.u32 s17, s18  }
0x438: {  	v4 =	vld [tilespmem:s17+$0x4180];
	[tilespmem:s14+$0xA100] =	vst v3  }
0x439: {  	v3 =	vld [tilespmem:s17+$0xA100];
	_ =	sdelay $0x1  }
0x43a: {  	v5 =	vld [tilespmem:s17+$0x4200];
	_ =	sdelay $0x2  }
0x43b: {  	v3 =	vadd.f32 v4, v3;
	_ =	sdelay $0x1  }
0x43c: {  	s21 =	simm.s32 $0x0;
	v3 =	vadd.f32 v5, v3  }
0x43d: {  	s15 =	sand.u32 $0x70, s21;
	s14 =	sand.u32 $0x1C00, s21  }
0x43e: {  	s14 =	sor.u32 s15, s14;
	[tilespmem:s17+$0xA100] =	vst v3  }
0x43f: {  	v3 =	vld [tilespmem:s14+$0x4280]  }
0x440: {  	v4 =	vld [tilespmem:s14+$0xA180];
	_ =	sdelay $0x1  }
0x441: {  	v5 =	vld [tilespmem:s14+$0x4300];
	_ =	sdelay $0x2  }
0x442: {  	v3 =	vadd.f32 v3, v4  }
0x443: {  	s22 =	simm.s32 $0x10;
	s16 =	simm.s32 $0x80  }
0x444: {  	s23 =	sand.u32 $0x1C00, s16;
	s15 =	sand.u32 $0x70, s22;
	v3 =	vadd.f32 v5, v3  }
0x445: {  	s18 =	simm.s32 $0x20;
	s19 =	sor.u32 s15, s23;
	s17 =	smov.u32 s14  }
.LBB2_86:
0x446: {  	p0 =	sne.s32 s18, $0x3F0;
	v4 =	vld [tilespmem:s19+$0x4280];
	[tilespmem:s17+$0xA180] =	vst v3;
	s17 =	smov.u32 s19  }
0x447: {  	v3 =	vld [tilespmem:s17+$0xA180];
	_ =	sdelay $0x1  }
0x448: {  	v5 =	vld [tilespmem:s17+$0x4300];
	_ =	sdelay $0x1  }
.Ltmp42:
0x449: {  	(pc) =	sbr.rel @p0 .LBB2_86-.Ltmp42, $4  }
0x44a: {  	v3 =	vadd.f32 v4, v3  }
0x44b: {  	s16 =	sadd.s32 $0x80, s16  }
0x44c: {  	s19 =	sand.u32 $0x70, s18;
	s21 =	sand.u32 $0x1C00, s16;
	v3 =	vadd.f32 v5, v3  }
0x44d: {  	s18 =	sadd.s32 $0x10, s18;
	s19 =	sor.u32 s19, s21  }
0x44e: {  	v4 =	vld [tilespmem:s19+$0x4280];
	[tilespmem:s17+$0xA180] =	vst v3  }
0x44f: {  	v3 =	vld [tilespmem:s19+$0xA180];
	_ =	sdelay $0x1  }
0x450: {  	v5 =	vld [tilespmem:s19+$0x4300];
	_ =	sdelay $0x2  }
0x451: {  	v3 =	vadd.f32 v4, v3;
	_ =	sdelay $0x1  }
0x452: {  	v3 =	vadd.f32 v5, v3;
	_ =	sdelay $0x1  }
0x453: {  	[tilespmem:s19+$0xA180] =	vst v3  }
0x454: {  	v3 =	vld [tilespmem:s14+$0x4380]  }
0x455: {  	v4 =	vld [tilespmem:s14+$0xA200];
	_ =	sdelay $0x1  }
0x456: {  	v5 =	vld [tilespmem:s14+$0x4400];
	_ =	sdelay $0x2  }
0x457: {  	v3 =	vadd.f32 v3, v4  }
0x458: {  	s16 =	simm.s32 $0x80  }
0x459: {  	s23 =	sand.u32 $0x1C00, s16;
	v3 =	vadd.f32 v5, v3  }
0x45a: {  	s17 =	sor.u32 s15, s23;
	s15 =	simm.s32 $0x20  }
.LBB2_88:
0x45b: {  	p0 =	sne.s32 s15, $0x3F0;
	v4 =	vld [tilespmem:s17+$0x4380];
	[tilespmem:s14+$0xA200] =	vst v3;
	s14 =	smov.u32 s17  }
0x45c: {  	v3 =	vld [tilespmem:s14+$0xA200];
	_ =	sdelay $0x1  }
0x45d: {  	v5 =	vld [tilespmem:s14+$0x4400];
	_ =	sdelay $0x1  }
.Ltmp43:
0x45e: {  	(pc) =	sbr.rel @p0 .LBB2_88-.Ltmp43, $4  }
0x45f: {  	v3 =	vadd.f32 v4, v3  }
0x460: {  	s16 =	sadd.s32 $0x80, s16  }
0x461: {  	s17 =	sand.u32 $0x70, s15;
	s18 =	sand.u32 $0x1C00, s16;
	v3 =	vadd.f32 v5, v3  }
0x462: {  	s15 =	sadd.s32 $0x10, s15;
	s17 =	sor.u32 s17, s18  }
0x463: {  	v4 =	vld [tilespmem:s17+$0x4380];
	[tilespmem:s14+$0xA200] =	vst v3  }
0x464: {  	v3 =	vld [tilespmem:s17+$0xA200];
	_ =	sdelay $0x1  }
0x465: {  	v5 =	vld [tilespmem:s17+$0x4400];
	_ =	sdelay $0x2  }
0x466: {  	v3 =	vadd.f32 v4, v3;
	_ =	sdelay $0x1  }
0x467: {  	s21 =	simm.s32 $0x0;
	v3 =	vadd.f32 v5, v3  }
0x468: {  	s15 =	sand.u32 $0x70, s21;
	s14 =	sand.u32 $0x1C00, s21  }
0x469: {  	s14 =	sor.u32 s15, s14;
	[tilespmem:s17+$0xA200] =	vst v3  }
0x46a: {  	v3 =	vld [tilespmem:s14+$0x6080]  }
0x46b: {  	v4 =	vld [tilespmem:s14+$0xA280];
	_ =	sdelay $0x1  }
0x46c: {  	v5 =	vld [tilespmem:s14+$0x6100];
	_ =	sdelay $0x2  }
0x46d: {  	v3 =	vadd.f32 v3, v4  }
0x46e: {  	s22 =	simm.s32 $0x10;
	s16 =	simm.s32 $0x80  }
0x46f: {  	s23 =	sand.u32 $0x1C00, s16;
	s15 =	sand.u32 $0x70, s22;
	v3 =	vadd.f32 v5, v3  }
0x470: {  	s18 =	simm.s32 $0x20;
	s19 =	sor.u32 s15, s23;
	s17 =	smov.u32 s14  }
.LBB2_90:
0x471: {  	p0 =	sne.s32 s18, $0x3F0;
	v4 =	vld [tilespmem:s19+$0x6080];
	[tilespmem:s17+$0xA280] =	vst v3;
	s17 =	smov.u32 s19  }
0x472: {  	v3 =	vld [tilespmem:s17+$0xA280];
	_ =	sdelay $0x1  }
0x473: {  	v5 =	vld [tilespmem:s17+$0x6100];
	_ =	sdelay $0x1  }
.Ltmp44:
0x474: {  	(pc) =	sbr.rel @p0 .LBB2_90-.Ltmp44, $4  }
0x475: {  	v3 =	vadd.f32 v4, v3  }
0x476: {  	s16 =	sadd.s32 $0x80, s16  }
0x477: {  	s19 =	sand.u32 $0x70, s18;
	s21 =	sand.u32 $0x1C00, s16;
	v3 =	vadd.f32 v5, v3  }
0x478: {  	s18 =	sadd.s32 $0x10, s18;
	s19 =	sor.u32 s19, s21  }
0x479: {  	v4 =	vld [tilespmem:s19+$0x6080];
	[tilespmem:s17+$0xA280] =	vst v3  }
0x47a: {  	v3 =	vld [tilespmem:s19+$0xA280];
	_ =	sdelay $0x1  }
0x47b: {  	v5 =	vld [tilespmem:s19+$0x6100];
	_ =	sdelay $0x2  }
0x47c: {  	v3 =	vadd.f32 v4, v3;
	_ =	sdelay $0x1  }
0x47d: {  	v3 =	vadd.f32 v5, v3;
	_ =	sdelay $0x1  }
0x47e: {  	[tilespmem:s19+$0xA280] =	vst v3  }
0x47f: {  	v3 =	vld [tilespmem:s14+$0x6180]  }
0x480: {  	v4 =	vld [tilespmem:s14+$0xA300];
	_ =	sdelay $0x1  }
0x481: {  	v5 =	vld [tilespmem:s14+$0x6200];
	_ =	sdelay $0x2  }
0x482: {  	v3 =	vadd.f32 v3, v4  }
0x483: {  	s16 =	simm.s32 $0x80  }
0x484: {  	s23 =	sand.u32 $0x1C00, s16;
	v3 =	vadd.f32 v5, v3  }
0x485: {  	s17 =	sor.u32 s15, s23;
	s15 =	simm.s32 $0x20  }
.LBB2_92:
0x486: {  	p0 =	sne.s32 s15, $0x3F0;
	v4 =	vld [tilespmem:s17+$0x6180];
	[tilespmem:s14+$0xA300] =	vst v3;
	s14 =	smov.u32 s17  }
0x487: {  	v3 =	vld [tilespmem:s14+$0xA300];
	_ =	sdelay $0x1  }
0x488: {  	v5 =	vld [tilespmem:s14+$0x6200];
	_ =	sdelay $0x1  }
.Ltmp45:
0x489: {  	(pc) =	sbr.rel @p0 .LBB2_92-.Ltmp45, $4  }
0x48a: {  	v3 =	vadd.f32 v4, v3  }
0x48b: {  	s16 =	sadd.s32 $0x80, s16  }
0x48c: {  	s17 =	sand.u32 $0x70, s15;
	s18 =	sand.u32 $0x1C00, s16;
	v3 =	vadd.f32 v5, v3  }
0x48d: {  	s15 =	sadd.s32 $0x10, s15;
	s17 =	sor.u32 s17, s18  }
0x48e: {  	v4 =	vld [tilespmem:s17+$0x6180];
	[tilespmem:s14+$0xA300] =	vst v3  }
0x48f: {  	v3 =	vld [tilespmem:s17+$0xA300];
	_ =	sdelay $0x1  }
0x490: {  	v5 =	vld [tilespmem:s17+$0x6200];
	_ =	sdelay $0x2  }
0x491: {  	v3 =	vadd.f32 v4, v3;
	_ =	sdelay $0x1  }
0x492: {  	s21 =	simm.s32 $0x0;
	v3 =	vadd.f32 v5, v3  }
0x493: {  	s15 =	sand.u32 $0x70, s21;
	s14 =	sand.u32 $0x1C00, s21  }
0x494: {  	s14 =	sor.u32 s15, s14;
	[tilespmem:s17+$0xA300] =	vst v3  }
0x495: {  	v3 =	vld [tilespmem:s14+$0x6280]  }
0x496: {  	v4 =	vld [tilespmem:s14+$0xA380];
	_ =	sdelay $0x1  }
0x497: {  	v5 =	vld [tilespmem:s14+$0x6300];
	_ =	sdelay $0x2  }
0x498: {  	v3 =	vadd.f32 v3, v4  }
0x499: {  	s22 =	simm.s32 $0x10;
	s16 =	simm.s32 $0x80  }
0x49a: {  	s23 =	sand.u32 $0x1C00, s16;
	s15 =	sand.u32 $0x70, s22;
	v3 =	vadd.f32 v5, v3  }
0x49b: {  	s18 =	simm.s32 $0x20;
	s19 =	sor.u32 s15, s23;
	s17 =	smov.u32 s14  }
.LBB2_94:
0x49c: {  	p0 =	sne.s32 s18, $0x3F0;
	v4 =	vld [tilespmem:s19+$0x6280];
	[tilespmem:s17+$0xA380] =	vst v3;
	s17 =	smov.u32 s19  }
0x49d: {  	v3 =	vld [tilespmem:s17+$0xA380];
	_ =	sdelay $0x1  }
0x49e: {  	v5 =	vld [tilespmem:s17+$0x6300];
	_ =	sdelay $0x1  }
.Ltmp46:
0x49f: {  	(pc) =	sbr.rel @p0 .LBB2_94-.Ltmp46, $4  }
0x4a0: {  	v3 =	vadd.f32 v4, v3  }
0x4a1: {  	s16 =	sadd.s32 $0x80, s16  }
0x4a2: {  	s19 =	sand.u32 $0x70, s18;
	s21 =	sand.u32 $0x1C00, s16;
	v3 =	vadd.f32 v5, v3  }
0x4a3: {  	s18 =	sadd.s32 $0x10, s18;
	s19 =	sor.u32 s19, s21  }
0x4a4: {  	v4 =	vld [tilespmem:s19+$0x6280];
	[tilespmem:s17+$0xA380] =	vst v3  }
0x4a5: {  	v3 =	vld [tilespmem:s19+$0xA380];
	_ =	sdelay $0x1  }
0x4a6: {  	v5 =	vld [tilespmem:s19+$0x6300];
	_ =	sdelay $0x2  }
0x4a7: {  	v3 =	vadd.f32 v4, v3;
	_ =	sdelay $0x1  }
0x4a8: {  	v3 =	vadd.f32 v5, v3;
	_ =	sdelay $0x1  }
0x4a9: {  	[tilespmem:s19+$0xA380] =	vst v3  }
0x4aa: {  	v3 =	vld [tilespmem:s14+$0x6380]  }
0x4ab: {  	v4 =	vld [tilespmem:s14+$0xA400];
	_ =	sdelay $0x1  }
0x4ac: {  	v5 =	vld [tilespmem:s14+$0x6400];
	_ =	sdelay $0x2  }
0x4ad: {  	v3 =	vadd.f32 v3, v4  }
0x4ae: {  	s16 =	simm.s32 $0x80  }
0x4af: {  	s23 =	sand.u32 $0x1C00, s16;
	v3 =	vadd.f32 v5, v3  }
0x4b0: {  	s17 =	sor.u32 s15, s23;
	s15 =	simm.s32 $0x20  }
.LBB2_96:
0x4b1: {  	p0 =	sne.s32 s15, $0x3F0;
	v4 =	vld [tilespmem:s17+$0x6380];
	[tilespmem:s14+$0xA400] =	vst v3;
	s14 =	smov.u32 s17  }
0x4b2: {  	v3 =	vld [tilespmem:s14+$0xA400];
	_ =	sdelay $0x1  }
0x4b3: {  	v5 =	vld [tilespmem:s14+$0x6400];
	_ =	sdelay $0x1  }
.Ltmp47:
0x4b4: {  	(pc) =	sbr.rel @p0 .LBB2_96-.Ltmp47, $4  }
0x4b5: {  	v3 =	vadd.f32 v4, v3  }
0x4b6: {  	s16 =	sadd.s32 $0x80, s16  }
0x4b7: {  	s17 =	sand.u32 $0x70, s15;
	s18 =	sand.u32 $0x1C00, s16;
	v3 =	vadd.f32 v5, v3  }
0x4b8: {  	s15 =	sadd.s32 $0x10, s15;
	s17 =	sor.u32 s17, s18  }
0x4b9: {  	v4 =	vld [tilespmem:s17+$0x6380];
	[tilespmem:s14+$0xA400] =	vst v3  }
0x4ba: {  	v3 =	vld [tilespmem:s17+$0xA400];
	_ =	sdelay $0x1  }
0x4bb: {  	v5 =	vld [tilespmem:s17+$0x6400];
	_ =	sdelay $0x2  }
0x4bc: {  	v3 =	vadd.f32 v4, v3;
	_ =	sdelay $0x1  }
0x4bd: {  	v3 =	vadd.f32 v5, v3;
	_ =	sdelay $0x1  }
0x4be: {  	s22 =	simm.s32 $0x0;
	s15 =	rddreg [dreg:$0xb];
	[tilespmem:s17+$0xA400] =	vst v3  }
0x4bf: {  	[hbm4b:s15+s22] =	stream.linear.scatter [tilespmem:s12], [sflag:$0x2], $0x4000, $0x38;
	[tilespmem:$0xC080] =	vst v63  }
0x4c0: {  	_ =	swait.ge [sflag:s20], $0x4000  }
0x4c1: {  	[sflag:s20] =	ssyncset.done $0x0  }
0x4c2: {  	s23 =	rddreg [dreg:$0xc];
	[sflag:s20] =	ssyncadd.s32 $0xFFFFC000  }
0x4c3: {  	[tilespmem:s22], [sflag:$0x2] =	stream.linear.gather [hbm4b:s23+s22], $0x20, $0x38;
	[tilespmem:$0xC080] =	vst v63  }
0x4c4: {  	_ =	swait.ge [sflag:s20], $0x20  }
0x4c5: {  	[sflag:s20] =	ssyncset.done $0x0  }
0x4c6: {  	[sflag:s20] =	ssyncadd.s32 $0xFFFFFFE0  }
0x4c7: {  	v3 =	vld [tilespmem:$0x0];
	_ =	sdelay $0x4  }
0x4c8: {  	v4 =	vshll.u32 v3, $0x3  }
0x4c9: {  	v3 =	vand.u32 $0x7, v3;
	v4 =	vand.u32 $0xFFFFFFC0, v4  }
0x4ca: {  	v3 =	vor.u32 v3, v4  }
0x4cb: {  	v4 =	vperm.xlane v3, v0;
	_ =	sdelay $0x1  }
0x4cc: {  	v4 =	vadd.s32 v1, v4;
	_ =	sdelay $0x3  }
0x4cd: {  	s16 =	simm.s32 $0x80  }
0x4ce: {  	[tilespmem:s16], [sflag:$0x1] =	stream.indirect_vreg.gather [hbm4b:s3+s22], $0x80, v4, vm0, $0xb8;
	[tilespmem:$0xC080] =	vst v63  }
0x4cf: {  	s17 =	simm.s32 $0x880;
	v3 =	vperm.xlane v3, v2  }
0x4d0: {  	[tilespmem:s17], [sflag:$0x1] =	stream.indirect_vreg.gather [hbm4b:s5+s22], $0x80, v4, vm0, $0xb8;
	[tilespmem:$0xC080] =	vst v63  }
0x4d1: {  	s18 =	simm.s32 $0x1080;
	v3 =	vadd.s32 v1, v3  }
0x4d2: {  	[tilespmem:s18], [sflag:$0x1] =	stream.indirect_vreg.gather [hbm4b:s6+s22], $0x80, v4, vm0, $0xb8;
	[tilespmem:$0xC080] =	vst v63  }
0x4d3: {  	_ = 	snop  }
0x4d4: {  	[tilespmem:s24], [sflag:$0x1] =	stream.indirect_vreg.gather [hbm4b:s7+s22], $0x80, v4, vm0, $0xb8;
	[tilespmem:$0xC080] =	vst v63  }
0x4d5: {  	_ = 	snop  }
0x4d6: {  	[tilespmem:s25], [sflag:$0x1] =	stream.indirect_vreg.gather [hbm4b:s3+s22], $0x80, v3, vm0, $0xb8;
	[tilespmem:$0xC080] =	vst v63  }
0x4d7: {  	_ = 	snop  }
0x4d8: {  	[tilespmem:s26], [sflag:$0x1] =	stream.indirect_vreg.gather [hbm4b:s5+s22], $0x80, v3, vm0, $0xb8;
	[tilespmem:$0xC080] =	vst v63  }
0x4d9: {  	_ = 	snop  }
0x4da: {  	[tilespmem:s28], [sflag:$0x1] =	stream.indirect_vreg.gather [hbm4b:s6+s22], $0x80, v3, vm0, $0xb8;
	[tilespmem:$0xC080] =	vst v63  }
0x4db: {  	_ = 	snop  }
0x4dc: {  	[tilespmem:s29], [sflag:$0x1] =	stream.indirect_vreg.gather [hbm4b:s7+s22], $0x80, v3, vm0, $0xb8;
	[tilespmem:$0xC080] =	vst v63  }
0x4dd: {  	v3 =	vld [tilespmem:$0x10];
	_ =	sdelay $0x4  }
0x4de: {  	v4 =	vshll.u32 v3, $0x3  }
0x4df: {  	v3 =	vand.u32 $0x7, v3;
	v4 =	vand.u32 $0xFFFFFFC0, v4  }
0x4e0: {  	v3 =	vor.u32 v3, v4  }
0x4e1: {  	v4 =	vperm.xlane v3, v0;
	_ =	sdelay $0x1  }
0x4e2: {  	v4 =	vadd.s32 v1, v4;
	_ =	sdelay $0x4  }
0x4e3: {  	[tilespmem:s30], [sflag:$0x1] =	stream.indirect_vreg.gather [hbm4b:s3+s22], $0x80, v4, vm0, $0xb8;
	[tilespmem:$0xC080] =	vst v63  }
0x4e4: {  	v3 =	vperm.xlane v3, v2  }
0x4e5: {  	[tilespmem:s31], [sflag:$0x1] =	stream.indirect_vreg.gather [hbm4b:s5+s22], $0x80, v4, vm0, $0xb8;
	[tilespmem:$0xC080] =	vst v63  }
0x4e6: {  	v3 =	vadd.s32 v1, v3  }
0x4e7: {  	[tilespmem:s0], [sflag:$0x1] =	stream.indirect_vreg.gather [hbm4b:s6+s22], $0x80, v4, vm0, $0xb8;
	[tilespmem:$0xC080] =	vst v63  }
0x4e8: {  	_ = 	snop  }
0x4e9: {  	[tilespmem:s1], [sflag:$0x1] =	stream.indirect_vreg.gather [hbm4b:s7+s22], $0x80, v4, vm0, $0xb8;
	[tilespmem:$0xC080] =	vst v63  }
0x4ea: {  	_ = 	snop  }
0x4eb: {  	[tilespmem:s4], [sflag:$0x1] =	stream.indirect_vreg.gather [hbm4b:s3+s22], $0x80, v3, vm0, $0xb8;
	[tilespmem:$0xC080] =	vst v63  }
0x4ec: {  	_ = 	snop  }
0x4ed: {  	[tilespmem:s8], [sflag:$0x1] =	stream.indirect_vreg.gather [hbm4b:s5+s22], $0x80, v3, vm0, $0xb8;
	[tilespmem:$0xC080] =	vst v63  }
0x4ee: {  	_ = 	snop  }
0x4ef: {  	[tilespmem:s9], [sflag:$0x1] =	stream.indirect_vreg.gather [hbm4b:s6+s22], $0x80, v3, vm0, $0xb8;
	[tilespmem:$0xC080] =	vst v63  }
0x4f0: {  	_ = 	snop  }
0x4f1: {  	[tilespmem:s10], [sflag:$0x1] =	stream.indirect_vreg.gather [hbm4b:s7+s22], $0x80, v3, vm0, $0xb8;
	[tilespmem:$0xC080] =	vst v63  }
0x4f2: {  	_ =	swait.ge [sflag:s11], $0x8000  }
0x4f3: {  	[sflag:s11] =	ssyncset.done $0x0  }
0x4f4: {  	s19 =	rddreg [dreg:$0xd];
	[sflag:s11] =	ssyncadd.s32 $0xFFFF8000  }
0x4f5: {  	[tilespmem:s12], [sflag:$0x2] =	stream.linear.gather [hbm4b:s19+s22], $0x4000, $0x38;
	[tilespmem:$0xC080] =	vst v63  }
0x4f6: {  	_ =	swait.ge [sflag:s20], $0x4000  }
0x4f7: {  	s21 =	sand.u32 $0x70, s22;
	s14 =	sand.u32 $0x1C00, s22;
	[sflag:s20] =	ssyncset.done $0x0  }
0x4f8: {  	s14 =	sor.u32 s21, s14;
	[sflag:s20] =	ssyncadd.s32 $0xFFFFC000  }
0x4f9: {  	v3 =	vld [tilespmem:s14+$0x80]  }
0x4fa: {  	v4 =	vld [tilespmem:s14+$0x8080];
	_ =	sdelay $0x1  }
0x4fb: {  	v5 =	vld [tilespmem:s14+$0x100];
	_ =	sdelay $0x2  }
0x4fc: {  	v3 =	vadd.f32 v3, v4  }
0x4fd: {  	s16 =	simm.s32 $0x80;
	s22 =	simm.s32 $0x10  }
0x4fe: {  	s23 =	sand.u32 $0x1C00, s16;
	s15 =	sand.u32 $0x70, s22;
	v3 =	vadd.f32 v5, v3  }
0x4ff: {  	s17 =	smov.u32 s14;
	s18 =	simm.s32 $0x20;
	s19 =	sor.u32 s15, s23  }
.LBB2_98:
0x500: {  	p0 =	sne.s32 s18, $0x3F0;
	v4 =	vld [tilespmem:s19+$0x80];
	[tilespmem:s17+$0x8080] =	vst v3;
	s17 =	smov.u32 s19  }
0x501: {  	v3 =	vld [tilespmem:s17+$0x8080];
	_ =	sdelay $0x1  }
0x502: {  	v5 =	vld [tilespmem:s17+$0x100];
	_ =	sdelay $0x1  }
.Ltmp48:
0x503: {  	(pc) =	sbr.rel @p0 .LBB2_98-.Ltmp48, $4  }
0x504: {  	v3 =	vadd.f32 v4, v3  }
0x505: {  	s16 =	sadd.s32 $0x80, s16  }
0x506: {  	s19 =	sand.u32 $0x70, s18;
	s21 =	sand.u32 $0x1C00, s16;
	v3 =	vadd.f32 v5, v3  }
0x507: {  	s18 =	sadd.s32 $0x10, s18;
	s19 =	sor.u32 s19, s21  }
0x508: {  	v4 =	vld [tilespmem:s19+$0x80];
	[tilespmem:s17+$0x8080] =	vst v3  }
0x509: {  	v3 =	vld [tilespmem:s19+$0x8080];
	_ =	sdelay $0x1  }
0x50a: {  	v5 =	vld [tilespmem:s19+$0x100];
	_ =	sdelay $0x2  }
0x50b: {  	v3 =	vadd.f32 v4, v3;
	_ =	sdelay $0x1  }
0x50c: {  	v3 =	vadd.f32 v5, v3;
	_ =	sdelay $0x1  }
0x50d: {  	[tilespmem:s19+$0x8080] =	vst v3  }
0x50e: {  	v3 =	vld [tilespmem:s14+$0x180]  }
0x50f: {  	v4 =	vld [tilespmem:s14+$0x8100];
	_ =	sdelay $0x1  }
0x510: {  	v5 =	vld [tilespmem:s14+$0x200];
	_ =	sdelay $0x2  }
0x511: {  	v3 =	vadd.f32 v3, v4  }
0x512: {  	s16 =	simm.s32 $0x80  }
0x513: {  	s23 =	sand.u32 $0x1C00, s16;
	v3 =	vadd.f32 v5, v3  }
0x514: {  	s17 =	sor.u32 s15, s23;
	s15 =	simm.s32 $0x20  }
.LBB2_100:
0x515: {  	p0 =	sne.s32 s15, $0x3F0;
	v4 =	vld [tilespmem:s17+$0x180];
	[tilespmem:s14+$0x8100] =	vst v3;
	s14 =	smov.u32 s17  }
0x516: {  	v3 =	vld [tilespmem:s14+$0x8100];
	_ =	sdelay $0x1  }
0x517: {  	v5 =	vld [tilespmem:s14+$0x200];
	_ =	sdelay $0x1  }
.Ltmp49:
0x518: {  	(pc) =	sbr.rel @p0 .LBB2_100-.Ltmp49, $4  }
0x519: {  	v3 =	vadd.f32 v4, v3  }
0x51a: {  	s16 =	sadd.s32 $0x80, s16  }
0x51b: {  	s17 =	sand.u32 $0x70, s15;
	s18 =	sand.u32 $0x1C00, s16;
	v3 =	vadd.f32 v5, v3  }
0x51c: {  	s15 =	sadd.s32 $0x10, s15;
	s17 =	sor.u32 s17, s18  }
0x51d: {  	v4 =	vld [tilespmem:s17+$0x180];
	[tilespmem:s14+$0x8100] =	vst v3  }
0x51e: {  	v3 =	vld [tilespmem:s17+$0x8100];
	_ =	sdelay $0x1  }
0x51f: {  	v5 =	vld [tilespmem:s17+$0x200];
	_ =	sdelay $0x2  }
0x520: {  	v3 =	vadd.f32 v4, v3;
	_ =	sdelay $0x1  }
0x521: {  	s16 =	simm.s32 $0x0;
	v3 =	vadd.f32 v5, v3  }
0x522: {  	s23 =	sand.u32 $0x70, s16;
	s15 =	sand.u32 $0x1C00, s16  }
0x523: {  	s14 =	sor.u32 s23, s15;
	[tilespmem:s17+$0x8100] =	vst v3  }
0x524: {  	v3 =	vld [tilespmem:s14+$0x280]  }
0x525: {  	v4 =	vld [tilespmem:s14+$0x8180];
	_ =	sdelay $0x1  }
0x526: {  	v5 =	vld [tilespmem:s14+$0x300];
	_ =	sdelay $0x2  }
0x527: {  	v3 =	vadd.f32 v3, v4  }
0x528: {  	s18 =	simm.s32 $0x80;
	s15 =	simm.s32 $0x10  }
0x529: {  	s19 =	sand.u32 $0x1C00, s18;
	s17 =	sand.u32 $0x70, s15;
	v3 =	vadd.f32 v5, v3  }
0x52a: {  	s21 =	simm.s32 $0x20;
	s22 =	sor.u32 s17, s19;
	s19 =	smov.u32 s14  }
.LBB2_102:
0x52b: {  	p0 =	sne.s32 s21, $0x3F0;
	v4 =	vld [tilespmem:s22+$0x280];
	[tilespmem:s19+$0x8180] =	vst v3;
	s19 =	smov.u32 s22  }
0x52c: {  	v3 =	vld [tilespmem:s19+$0x8180];
	_ =	sdelay $0x1  }
0x52d: {  	v5 =	vld [tilespmem:s19+$0x300];
	_ =	sdelay $0x1  }
.Ltmp50:
0x52e: {  	(pc) =	sbr.rel @p0 .LBB2_102-.Ltmp50, $4  }
0x52f: {  	v3 =	vadd.f32 v4, v3  }
0x530: {  	s18 =	sadd.s32 $0x80, s18  }
0x531: {  	s22 =	sand.u32 $0x70, s21;
	s23 =	sand.u32 $0x1C00, s18;
	v3 =	vadd.f32 v5, v3  }
0x532: {  	s21 =	sadd.s32 $0x10, s21;
	s22 =	sor.u32 s22, s23  }
0x533: {  	v4 =	vld [tilespmem:s22+$0x280];
	[tilespmem:s19+$0x8180] =	vst v3  }
0x534: {  	v3 =	vld [tilespmem:s22+$0x8180];
	_ =	sdelay $0x1  }
0x535: {  	v5 =	vld [tilespmem:s22+$0x300];
	_ =	sdelay $0x2  }
0x536: {  	v3 =	vadd.f32 v4, v3;
	_ =	sdelay $0x1  }
0x537: {  	v3 =	vadd.f32 v5, v3;
	_ =	sdelay $0x1  }
0x538: {  	[tilespmem:s22+$0x8180] =	vst v3  }
0x539: {  	v3 =	vld [tilespmem:s14+$0x380]  }
0x53a: {  	s16 =	sor.u32 s16, s16;
	v4 =	vld [tilespmem:s14+$0x8200]  }
0x53b: {  	s16 =	sor.u32 $0x380, s16  }
0x53c: {  	v5 =	vld [tilespmem:s16+$0x80];
	_ =	sdelay $0x2  }
0x53d: {  	v3 =	vadd.f32 v3, v4  }
0x53e: {  	s16 =	simm.s32 $0x80  }
0x53f: {  	s18 =	sand.u32 $0x1C00, s16;
	v3 =	vadd.f32 v5, v3  }
0x540: {  	s18 =	sor.u32 s17, s18;
	s17 =	simm.s32 $0x20  }
.LBB2_104:
0x541: {  	p0 =	sne.s32 s17, $0x3F0;
	v4 =	vld [tilespmem:s18+$0x380];
	[tilespmem:s14+$0x8200] =	vst v3;
	s14 =	smov.u32 s18  }
0x542: {  	s18 =	sor.u32 s16, s15;
	s15 =	smov.u32 s17;
	v3 =	vld [tilespmem:s14+$0x8200]  }
0x543: {  	s18 =	sor.u32 $0x380, s18  }
0x544: {  	v5 =	vld [tilespmem:s18+$0x80];
	_ =	sdelay $0x1  }
.Ltmp51:
0x545: {  	(pc) =	sbr.rel @p0 .LBB2_104-.Ltmp51, $4  }
0x546: {  	v3 =	vadd.f32 v4, v3  }
0x547: {  	s16 =	sadd.s32 $0x80, s16  }
0x548: {  	s19 =	sand.u32 $0x1C00, s16;
	s18 =	sand.u32 $0x70, s17;
	v3 =	vadd.f32 v5, v3  }
0x549: {  	s17 =	sadd.s32 $0x10, s17;
	s18 =	sor.u32 s18, s19  }
0x54a: {  	v4 =	vld [tilespmem:s18+$0x380];
	[tilespmem:s14+$0x8200] =	vst v3  }
0x54b: {  	s19 =	sor.u32 s16, s15;
	v3 =	vld [tilespmem:s18+$0x8200]  }
0x54c: {  	s14 =	sor.u32 $0x380, s19  }
0x54d: {  	v5 =	vld [tilespmem:s14+$0x80];
	_ =	sdelay $0x2  }
0x54e: {  	v3 =	vadd.f32 v4, v3;
	_ =	sdelay $0x1  }
0x54f: {  	s21 =	simm.s32 $0x0;
	v3 =	vadd.f32 v5, v3  }
0x550: {  	s22 =	sand.u32 $0x70, s21;
	s14 =	sand.u32 $0x1C00, s21  }
0x551: {  	s14 =	sor.u32 s22, s14;
	[tilespmem:s18+$0x8200] =	vst v3  }
0x552: {  	v3 =	vld [tilespmem:s14+$0x2080]  }
0x553: {  	v4 =	vld [tilespmem:s14+$0x8280];
	_ =	sdelay $0x1  }
0x554: {  	v5 =	vld [tilespmem:s14+$0x2100];
	_ =	sdelay $0x2  }
0x555: {  	v3 =	vadd.f32 v3, v4  }
0x556: {  	s23 =	simm.s32 $0x10;
	s16 =	simm.s32 $0x80  }
0x557: {  	s15 =	sand.u32 $0x70, s23;
	s17 =	sand.u32 $0x1C00, s16;
	v3 =	vadd.f32 v5, v3  }
0x558: {  	s19 =	sor.u32 s15, s17;
	s17 =	smov.u32 s14;
	s18 =	simm.s32 $0x20  }
.LBB2_106:
0x559: {  	p0 =	sne.s32 s18, $0x3F0;
	v4 =	vld [tilespmem:s19+$0x2080];
	[tilespmem:s17+$0x8280] =	vst v3;
	s17 =	smov.u32 s19  }
0x55a: {  	v3 =	vld [tilespmem:s17+$0x8280];
	_ =	sdelay $0x1  }
0x55b: {  	v5 =	vld [tilespmem:s17+$0x2100];
	_ =	sdelay $0x1  }
.Ltmp52:
0x55c: {  	(pc) =	sbr.rel @p0 .LBB2_106-.Ltmp52, $4  }
0x55d: {  	v3 =	vadd.f32 v4, v3  }
0x55e: {  	s16 =	sadd.s32 $0x80, s16  }
0x55f: {  	s19 =	sand.u32 $0x70, s18;
	s21 =	sand.u32 $0x1C00, s16;
	v3 =	vadd.f32 v5, v3  }
0x560: {  	s18 =	sadd.s32 $0x10, s18;
	s19 =	sor.u32 s19, s21  }
0x561: {  	v4 =	vld [tilespmem:s19+$0x2080];
	[tilespmem:s17+$0x8280] =	vst v3  }
0x562: {  	v3 =	vld [tilespmem:s19+$0x8280];
	_ =	sdelay $0x1  }
0x563: {  	v5 =	vld [tilespmem:s19+$0x2100];
	_ =	sdelay $0x2  }
0x564: {  	v3 =	vadd.f32 v4, v3;
	_ =	sdelay $0x1  }
0x565: {  	v3 =	vadd.f32 v5, v3;
	_ =	sdelay $0x1  }
0x566: {  	[tilespmem:s19+$0x8280] =	vst v3  }
0x567: {  	v3 =	vld [tilespmem:s14+$0x2180]  }
0x568: {  	v4 =	vld [tilespmem:s14+$0x8300];
	_ =	sdelay $0x1  }
0x569: {  	v5 =	vld [tilespmem:s14+$0x2200];
	_ =	sdelay $0x2  }
0x56a: {  	v3 =	vadd.f32 v3, v4  }
0x56b: {  	s16 =	simm.s32 $0x80  }
0x56c: {  	s23 =	sand.u32 $0x1C00, s16;
	v3 =	vadd.f32 v5, v3  }
0x56d: {  	s17 =	sor.u32 s15, s23;
	s15 =	simm.s32 $0x20  }
.LBB2_108:
0x56e: {  	p0 =	sne.s32 s15, $0x3F0;
	v4 =	vld [tilespmem:s17+$0x2180];
	[tilespmem:s14+$0x8300] =	vst v3;
	s14 =	smov.u32 s17  }
0x56f: {  	v3 =	vld [tilespmem:s14+$0x8300];
	_ =	sdelay $0x1  }
0x570: {  	v5 =	vld [tilespmem:s14+$0x2200];
	_ =	sdelay $0x1  }
.Ltmp53:
0x571: {  	(pc) =	sbr.rel @p0 .LBB2_108-.Ltmp53, $4  }
0x572: {  	v3 =	vadd.f32 v4, v3  }
0x573: {  	s16 =	sadd.s32 $0x80, s16  }
0x574: {  	s17 =	sand.u32 $0x70, s15;
	s18 =	sand.u32 $0x1C00, s16;
	v3 =	vadd.f32 v5, v3  }
0x575: {  	s15 =	sadd.s32 $0x10, s15;
	s17 =	sor.u32 s17, s18  }
0x576: {  	v4 =	vld [tilespmem:s17+$0x2180];
	[tilespmem:s14+$0x8300] =	vst v3  }
0x577: {  	v3 =	vld [tilespmem:s17+$0x8300];
	_ =	sdelay $0x1  }
0x578: {  	v5 =	vld [tilespmem:s17+$0x2200];
	_ =	sdelay $0x2  }
0x579: {  	v3 =	vadd.f32 v4, v3;
	_ =	sdelay $0x1  }
0x57a: {  	s14 =	simm.s32 $0x0;
	v3 =	vadd.f32 v5, v3  }
0x57b: {  	s15 =	sand.u32 $0x70, s14;
	s16 =	sand.u32 $0x1C00, s14  }
0x57c: {  	s16 =	sor.u32 s15, s16;
	[tilespmem:s17+$0x8300] =	vst v3  }
0x57d: {  	v3 =	vld [tilespmem:s16+$0x2280]  }
0x57e: {  	v4 =	vld [tilespmem:s16+$0x8380];
	_ =	sdelay $0x1  }
0x57f: {  	v5 =	vld [tilespmem:s16+$0x2300];
	_ =	sdelay $0x2  }
0x580: {  	v3 =	vadd.f32 v3, v4  }
0x581: {  	s15 =	simm.s32 $0x10;
	s17 =	simm.s32 $0x80  }
0x582: {  	s18 =	sand.u32 $0x70, s15;
	s19 =	sand.u32 $0x1C00, s17;
	v3 =	vadd.f32 v5, v3  }
0x583: {  	s21 =	sor.u32 s18, s19;
	s19 =	simm.s32 $0x20;
	s18 =	smov.u32 s16  }
.LBB2_110:
0x584: {  	p0 =	sne.s32 s19, $0x3F0;
	v4 =	vld [tilespmem:s21+$0x2280];
	[tilespmem:s18+$0x8380] =	vst v3;
	s18 =	smov.u32 s21  }
0x585: {  	v3 =	vld [tilespmem:s18+$0x8380];
	_ =	sdelay $0x1  }
0x586: {  	v5 =	vld [tilespmem:s18+$0x2300];
	_ =	sdelay $0x1  }
.Ltmp54:
0x587: {  	(pc) =	sbr.rel @p0 .LBB2_110-.Ltmp54, $4  }
0x588: {  	v3 =	vadd.f32 v4, v3  }
0x589: {  	s17 =	sadd.s32 $0x80, s17  }
0x58a: {  	s21 =	sand.u32 $0x70, s19;
	s22 =	sand.u32 $0x1C00, s17;
	v3 =	vadd.f32 v5, v3  }
0x58b: {  	s19 =	sadd.s32 $0x10, s19;
	s21 =	sor.u32 s21, s22  }
0x58c: {  	v4 =	vld [tilespmem:s21+$0x2280];
	[tilespmem:s18+$0x8380] =	vst v3  }
0x58d: {  	v3 =	vld [tilespmem:s21+$0x8380];
	_ =	sdelay $0x1  }
0x58e: {  	v5 =	vld [tilespmem:s21+$0x2300];
	_ =	sdelay $0x2  }
0x58f: {  	v3 =	vadd.f32 v4, v3;
	_ =	sdelay $0x1  }
0x590: {  	v3 =	vadd.f32 v5, v3;
	_ =	sdelay $0x1  }
0x591: {  	s17 =	sor.u32 s14, s14;
	[tilespmem:s21+$0x8380] =	vst v3  }
.LBB2_112:
0x592: {  	p0 =	sne.s32 s15, $0x3F0;
	s18 =	sor.u32 $0x380, s17;
	v3 =	vld [tilespmem:s16+$0x2380]  }
0x593: {  	v4 =	vld [tilespmem:s18+$0x8080];
	_ =	sdelay $0x1  }
0x594: {  	v5 =	vld [tilespmem:s16+$0x2400];
	_ =	sdelay $0x2  }
.Ltmp55:
0x595: {  	v3 =	vadd.f32 v3, v4;
	(pc) =	sbr.rel @p0 .LBB2_112-.Ltmp55, $4  }
0x596: {  	_ = 	snop  }
0x597: {  	s14 =	sadd.s32 $0x80, s14;
	v3 =	vadd.f32 v5, v3  }
0x598: {  	s19 =	sand.u32 $0x1C00, s14;
	s16 =	sand.u32 $0x70, s15  }
0x599: {  	s17 =	sor.u32 s14, s15;
	s15 =	sadd.s32 $0x10, s15;
	s16 =	sor.u32 s16, s19;
	[tilespmem:s18+$0x8080] =	vst v3  }
0x59a: {  	s14 =	sor.u32 $0x380, s17;
	v3 =	vld [tilespmem:s16+$0x2380]  }
0x59b: {  	v4 =	vld [tilespmem:s14+$0x8080];
	_ =	sdelay $0x1  }
0x59c: {  	v5 =	vld [tilespmem:s16+$0x2400];
	_ =	sdelay $0x2  }
0x59d: {  	v3 =	vadd.f32 v3, v4;
	_ =	sdelay $0x1  }
0x59e: {  	s15 =	simm.s32 $0x0;
	v3 =	vadd.f32 v5, v3  }
0x59f: {  	s21 =	sand.u32 $0x70, s15;
	s15 =	sand.u32 $0x1C00, s15  }
0x5a0: {  	[tilespmem:s14+$0x8080] =	vst v3;
	s14 =	sor.u32 s21, s15  }
0x5a1: {  	v3 =	vld [tilespmem:s14+$0x4080]  }
0x5a2: {  	v4 =	vld [tilespmem:s14+$0xA080];
	_ =	sdelay $0x1  }
0x5a3: {  	v5 =	vld [tilespmem:s14+$0x4100];
	_ =	sdelay $0x2  }
0x5a4: {  	v3 =	vadd.f32 v3, v4  }
0x5a5: {  	s22 =	simm.s32 $0x10;
	s16 =	simm.s32 $0x80  }
0x5a6: {  	s23 =	sand.u32 $0x1C00, s16;
	s15 =	sand.u32 $0x70, s22;
	v3 =	vadd.f32 v5, v3  }
0x5a7: {  	s18 =	simm.s32 $0x20;
	s19 =	sor.u32 s15, s23;
	s17 =	smov.u32 s14  }
.LBB2_114:
0x5a8: {  	p0 =	sne.s32 s18, $0x3F0;
	v4 =	vld [tilespmem:s19+$0x4080];
	[tilespmem:s17+$0xA080] =	vst v3;
	s17 =	smov.u32 s19  }
0x5a9: {  	v3 =	vld [tilespmem:s17+$0xA080];
	_ =	sdelay $0x1  }
0x5aa: {  	v5 =	vld [tilespmem:s17+$0x4100];
	_ =	sdelay $0x1  }
.Ltmp56:
0x5ab: {  	(pc) =	sbr.rel @p0 .LBB2_114-.Ltmp56, $4  }
0x5ac: {  	v3 =	vadd.f32 v4, v3  }
0x5ad: {  	s16 =	sadd.s32 $0x80, s16  }
0x5ae: {  	s19 =	sand.u32 $0x70, s18;
	s21 =	sand.u32 $0x1C00, s16;
	v3 =	vadd.f32 v5, v3  }
0x5af: {  	s18 =	sadd.s32 $0x10, s18;
	s19 =	sor.u32 s19, s21  }
0x5b0: {  	v4 =	vld [tilespmem:s19+$0x4080];
	[tilespmem:s17+$0xA080] =	vst v3  }
0x5b1: {  	v3 =	vld [tilespmem:s19+$0xA080];
	_ =	sdelay $0x1  }
0x5b2: {  	v5 =	vld [tilespmem:s19+$0x4100];
	_ =	sdelay $0x2  }
0x5b3: {  	v3 =	vadd.f32 v4, v3;
	_ =	sdelay $0x1  }
0x5b4: {  	v3 =	vadd.f32 v5, v3;
	_ =	sdelay $0x1  }
0x5b5: {  	[tilespmem:s19+$0xA080] =	vst v3  }
0x5b6: {  	v3 =	vld [tilespmem:s14+$0x4180]  }
0x5b7: {  	v4 =	vld [tilespmem:s14+$0xA100];
	_ =	sdelay $0x1  }
0x5b8: {  	v5 =	vld [tilespmem:s14+$0x4200];
	_ =	sdelay $0x2  }
0x5b9: {  	v3 =	vadd.f32 v3, v4  }
0x5ba: {  	s16 =	simm.s32 $0x80  }
0x5bb: {  	s23 =	sand.u32 $0x1C00, s16;
	v3 =	vadd.f32 v5, v3  }
0x5bc: {  	s17 =	sor.u32 s15, s23;
	s15 =	simm.s32 $0x20  }
.LBB2_116:
0x5bd: {  	p0 =	sne.s32 s15, $0x3F0;
	v4 =	vld [tilespmem:s17+$0x4180];
	[tilespmem:s14+$0xA100] =	vst v3;
	s14 =	smov.u32 s17  }
0x5be: {  	v3 =	vld [tilespmem:s14+$0xA100];
	_ =	sdelay $0x1  }
0x5bf: {  	v5 =	vld [tilespmem:s14+$0x4200];
	_ =	sdelay $0x1  }
.Ltmp57:
0x5c0: {  	(pc) =	sbr.rel @p0 .LBB2_116-.Ltmp57, $4  }
0x5c1: {  	v3 =	vadd.f32 v4, v3  }
0x5c2: {  	s16 =	sadd.s32 $0x80, s16  }
0x5c3: {  	s17 =	sand.u32 $0x70, s15;
	s18 =	sand.u32 $0x1C00, s16;
	v3 =	vadd.f32 v5, v3  }
0x5c4: {  	s15 =	sadd.s32 $0x10, s15;
	s17 =	sor.u32 s17, s18  }
0x5c5: {  	v4 =	vld [tilespmem:s17+$0x4180];
	[tilespmem:s14+$0xA100] =	vst v3  }
0x5c6: {  	v3 =	vld [tilespmem:s17+$0xA100];
	_ =	sdelay $0x1  }
0x5c7: {  	v5 =	vld [tilespmem:s17+$0x4200];
	_ =	sdelay $0x2  }
0x5c8: {  	v3 =	vadd.f32 v4, v3;
	_ =	sdelay $0x1  }
0x5c9: {  	s21 =	simm.s32 $0x0;
	v3 =	vadd.f32 v5, v3  }
0x5ca: {  	s15 =	sand.u32 $0x70, s21;
	s14 =	sand.u32 $0x1C00, s21  }
0x5cb: {  	s14 =	sor.u32 s15, s14;
	[tilespmem:s17+$0xA100] =	vst v3  }
0x5cc: {  	v3 =	vld [tilespmem:s14+$0x4280]  }
0x5cd: {  	v4 =	vld [tilespmem:s14+$0xA180];
	_ =	sdelay $0x1  }
0x5ce: {  	v5 =	vld [tilespmem:s14+$0x4300];
	_ =	sdelay $0x2  }
0x5cf: {  	v3 =	vadd.f32 v3, v4  }
0x5d0: {  	s22 =	simm.s32 $0x10;
	s16 =	simm.s32 $0x80  }
0x5d1: {  	s23 =	sand.u32 $0x1C00, s16;
	s15 =	sand.u32 $0x70, s22;
	v3 =	vadd.f32 v5, v3  }
0x5d2: {  	s18 =	simm.s32 $0x20;
	s19 =	sor.u32 s15, s23;
	s17 =	smov.u32 s14  }
.LBB2_118:
0x5d3: {  	p0 =	sne.s32 s18, $0x3F0;
	v4 =	vld [tilespmem:s19+$0x4280];
	[tilespmem:s17+$0xA180] =	vst v3;
	s17 =	smov.u32 s19  }
0x5d4: {  	v3 =	vld [tilespmem:s17+$0xA180];
	_ =	sdelay $0x1  }
0x5d5: {  	v5 =	vld [tilespmem:s17+$0x4300];
	_ =	sdelay $0x1  }
.Ltmp58:
0x5d6: {  	(pc) =	sbr.rel @p0 .LBB2_118-.Ltmp58, $4  }
0x5d7: {  	v3 =	vadd.f32 v4, v3  }
0x5d8: {  	s16 =	sadd.s32 $0x80, s16  }
0x5d9: {  	s19 =	sand.u32 $0x70, s18;
	s21 =	sand.u32 $0x1C00, s16;
	v3 =	vadd.f32 v5, v3  }
0x5da: {  	s18 =	sadd.s32 $0x10, s18;
	s19 =	sor.u32 s19, s21  }
0x5db: {  	v4 =	vld [tilespmem:s19+$0x4280];
	[tilespmem:s17+$0xA180] =	vst v3  }
0x5dc: {  	v3 =	vld [tilespmem:s19+$0xA180];
	_ =	sdelay $0x1  }
0x5dd: {  	v5 =	vld [tilespmem:s19+$0x4300];
	_ =	sdelay $0x2  }
0x5de: {  	v3 =	vadd.f32 v4, v3;
	_ =	sdelay $0x1  }
0x5df: {  	v3 =	vadd.f32 v5, v3;
	_ =	sdelay $0x1  }
0x5e0: {  	[tilespmem:s19+$0xA180] =	vst v3  }
0x5e1: {  	v3 =	vld [tilespmem:s14+$0x4380]  }
0x5e2: {  	v4 =	vld [tilespmem:s14+$0xA200];
	_ =	sdelay $0x1  }
0x5e3: {  	v5 =	vld [tilespmem:s14+$0x4400];
	_ =	sdelay $0x2  }
0x5e4: {  	v3 =	vadd.f32 v3, v4  }
0x5e5: {  	s16 =	simm.s32 $0x80  }
0x5e6: {  	s23 =	sand.u32 $0x1C00, s16;
	v3 =	vadd.f32 v5, v3  }
0x5e7: {  	s17 =	sor.u32 s15, s23;
	s15 =	simm.s32 $0x20  }
.LBB2_120:
0x5e8: {  	p0 =	sne.s32 s15, $0x3F0;
	v4 =	vld [tilespmem:s17+$0x4380];
	[tilespmem:s14+$0xA200] =	vst v3;
	s14 =	smov.u32 s17  }
0x5e9: {  	v3 =	vld [tilespmem:s14+$0xA200];
	_ =	sdelay $0x1  }
0x5ea: {  	v5 =	vld [tilespmem:s14+$0x4400];
	_ =	sdelay $0x1  }
.Ltmp59:
0x5eb: {  	(pc) =	sbr.rel @p0 .LBB2_120-.Ltmp59, $4  }
0x5ec: {  	v3 =	vadd.f32 v4, v3  }
0x5ed: {  	s16 =	sadd.s32 $0x80, s16  }
0x5ee: {  	s17 =	sand.u32 $0x70, s15;
	s18 =	sand.u32 $0x1C00, s16;
	v3 =	vadd.f32 v5, v3  }
0x5ef: {  	s15 =	sadd.s32 $0x10, s15;
	s17 =	sor.u32 s17, s18  }
0x5f0: {  	v4 =	vld [tilespmem:s17+$0x4380];
	[tilespmem:s14+$0xA200] =	vst v3  }
0x5f1: {  	v3 =	vld [tilespmem:s17+$0xA200];
	_ =	sdelay $0x1  }
0x5f2: {  	v5 =	vld [tilespmem:s17+$0x4400];
	_ =	sdelay $0x2  }
0x5f3: {  	v3 =	vadd.f32 v4, v3;
	_ =	sdelay $0x1  }
0x5f4: {  	s21 =	simm.s32 $0x0;
	v3 =	vadd.f32 v5, v3  }
0x5f5: {  	s15 =	sand.u32 $0x70, s21;
	s14 =	sand.u32 $0x1C00, s21  }
0x5f6: {  	s14 =	sor.u32 s15, s14;
	[tilespmem:s17+$0xA200] =	vst v3  }
0x5f7: {  	v3 =	vld [tilespmem:s14+$0x6080]  }
0x5f8: {  	v4 =	vld [tilespmem:s14+$0xA280];
	_ =	sdelay $0x1  }
0x5f9: {  	v5 =	vld [tilespmem:s14+$0x6100];
	_ =	sdelay $0x2  }
0x5fa: {  	v3 =	vadd.f32 v3, v4  }
0x5fb: {  	s22 =	simm.s32 $0x10;
	s16 =	simm.s32 $0x80  }
0x5fc: {  	s23 =	sand.u32 $0x1C00, s16;
	s15 =	sand.u32 $0x70, s22;
	v3 =	vadd.f32 v5, v3  }
0x5fd: {  	s18 =	simm.s32 $0x20;
	s19 =	sor.u32 s15, s23;
	s17 =	smov.u32 s14  }
.LBB2_122:
0x5fe: {  	p0 =	sne.s32 s18, $0x3F0;
	v4 =	vld [tilespmem:s19+$0x6080];
	[tilespmem:s17+$0xA280] =	vst v3;
	s17 =	smov.u32 s19  }
0x5ff: {  	v3 =	vld [tilespmem:s17+$0xA280];
	_ =	sdelay $0x1  }
0x600: {  	v5 =	vld [tilespmem:s17+$0x6100];
	_ =	sdelay $0x1  }
.Ltmp60:
0x601: {  	(pc) =	sbr.rel @p0 .LBB2_122-.Ltmp60, $4  }
0x602: {  	v3 =	vadd.f32 v4, v3  }
0x603: {  	s16 =	sadd.s32 $0x80, s16  }
0x604: {  	s19 =	sand.u32 $0x70, s18;
	s21 =	sand.u32 $0x1C00, s16;
	v3 =	vadd.f32 v5, v3  }
0x605: {  	s18 =	sadd.s32 $0x10, s18;
	s19 =	sor.u32 s19, s21  }
0x606: {  	v4 =	vld [tilespmem:s19+$0x6080];
	[tilespmem:s17+$0xA280] =	vst v3  }
0x607: {  	v3 =	vld [tilespmem:s19+$0xA280];
	_ =	sdelay $0x1  }
0x608: {  	v5 =	vld [tilespmem:s19+$0x6100];
	_ =	sdelay $0x2  }
0x609: {  	v3 =	vadd.f32 v4, v3;
	_ =	sdelay $0x1  }
0x60a: {  	v3 =	vadd.f32 v5, v3;
	_ =	sdelay $0x1  }
0x60b: {  	[tilespmem:s19+$0xA280] =	vst v3  }
0x60c: {  	v3 =	vld [tilespmem:s14+$0x6180]  }
0x60d: {  	v4 =	vld [tilespmem:s14+$0xA300];
	_ =	sdelay $0x1  }
0x60e: {  	v5 =	vld [tilespmem:s14+$0x6200];
	_ =	sdelay $0x2  }
0x60f: {  	v3 =	vadd.f32 v3, v4  }
0x610: {  	s16 =	simm.s32 $0x80  }
0x611: {  	s23 =	sand.u32 $0x1C00, s16;
	v3 =	vadd.f32 v5, v3  }
0x612: {  	s17 =	sor.u32 s15, s23;
	s15 =	simm.s32 $0x20  }
.LBB2_124:
0x613: {  	p0 =	sne.s32 s15, $0x3F0;
	v4 =	vld [tilespmem:s17+$0x6180];
	[tilespmem:s14+$0xA300] =	vst v3;
	s14 =	smov.u32 s17  }
0x614: {  	v3 =	vld [tilespmem:s14+$0xA300];
	_ =	sdelay $0x1  }
0x615: {  	v5 =	vld [tilespmem:s14+$0x6200];
	_ =	sdelay $0x1  }
.Ltmp61:
0x616: {  	(pc) =	sbr.rel @p0 .LBB2_124-.Ltmp61, $4  }
0x617: {  	v3 =	vadd.f32 v4, v3  }
0x618: {  	s16 =	sadd.s32 $0x80, s16  }
0x619: {  	s17 =	sand.u32 $0x70, s15;
	s18 =	sand.u32 $0x1C00, s16;
	v3 =	vadd.f32 v5, v3  }
0x61a: {  	s15 =	sadd.s32 $0x10, s15;
	s17 =	sor.u32 s17, s18  }
0x61b: {  	v4 =	vld [tilespmem:s17+$0x6180];
	[tilespmem:s14+$0xA300] =	vst v3  }
0x61c: {  	v3 =	vld [tilespmem:s17+$0xA300];
	_ =	sdelay $0x1  }
0x61d: {  	v5 =	vld [tilespmem:s17+$0x6200];
	_ =	sdelay $0x2  }
0x61e: {  	v3 =	vadd.f32 v4, v3;
	_ =	sdelay $0x1  }
0x61f: {  	s21 =	simm.s32 $0x0;
	v3 =	vadd.f32 v5, v3  }
0x620: {  	s15 =	sand.u32 $0x70, s21;
	s14 =	sand.u32 $0x1C00, s21  }
0x621: {  	s14 =	sor.u32 s15, s14;
	[tilespmem:s17+$0xA300] =	vst v3  }
0x622: {  	v3 =	vld [tilespmem:s14+$0x6280]  }
0x623: {  	v4 =	vld [tilespmem:s14+$0xA380];
	_ =	sdelay $0x1  }
0x624: {  	v5 =	vld [tilespmem:s14+$0x6300];
	_ =	sdelay $0x2  }
0x625: {  	v3 =	vadd.f32 v3, v4  }
0x626: {  	s22 =	simm.s32 $0x10;
	s16 =	simm.s32 $0x80  }
0x627: {  	s23 =	sand.u32 $0x1C00, s16;
	s15 =	sand.u32 $0x70, s22;
	v3 =	vadd.f32 v5, v3  }
0x628: {  	s18 =	simm.s32 $0x20;
	s19 =	sor.u32 s15, s23;
	s17 =	smov.u32 s14  }
.LBB2_126:
0x629: {  	p0 =	sne.s32 s18, $0x3F0;
	v4 =	vld [tilespmem:s19+$0x6280];
	[tilespmem:s17+$0xA380] =	vst v3;
	s17 =	smov.u32 s19  }
0x62a: {  	v3 =	vld [tilespmem:s17+$0xA380];
	_ =	sdelay $0x1  }
0x62b: {  	v5 =	vld [tilespmem:s17+$0x6300];
	_ =	sdelay $0x1  }
.Ltmp62:
0x62c: {  	(pc) =	sbr.rel @p0 .LBB2_126-.Ltmp62, $4  }
0x62d: {  	v3 =	vadd.f32 v4, v3  }
0x62e: {  	s16 =	sadd.s32 $0x80, s16  }
0x62f: {  	s19 =	sand.u32 $0x70, s18;
	s21 =	sand.u32 $0x1C00, s16;
	v3 =	vadd.f32 v5, v3  }
0x630: {  	s18 =	sadd.s32 $0x10, s18;
	s19 =	sor.u32 s19, s21  }
0x631: {  	v4 =	vld [tilespmem:s19+$0x6280];
	[tilespmem:s17+$0xA380] =	vst v3  }
0x632: {  	v3 =	vld [tilespmem:s19+$0xA380];
	_ =	sdelay $0x1  }
0x633: {  	v5 =	vld [tilespmem:s19+$0x6300];
	_ =	sdelay $0x2  }
0x634: {  	v3 =	vadd.f32 v4, v3;
	_ =	sdelay $0x1  }
0x635: {  	v3 =	vadd.f32 v5, v3;
	_ =	sdelay $0x1  }
0x636: {  	[tilespmem:s19+$0xA380] =	vst v3  }
0x637: {  	v3 =	vld [tilespmem:s14+$0x6380]  }
0x638: {  	v4 =	vld [tilespmem:s14+$0xA400];
	_ =	sdelay $0x1  }
0x639: {  	v5 =	vld [tilespmem:s14+$0x6400];
	_ =	sdelay $0x2  }
0x63a: {  	v3 =	vadd.f32 v3, v4  }
0x63b: {  	s16 =	simm.s32 $0x80  }
0x63c: {  	s23 =	sand.u32 $0x1C00, s16;
	v3 =	vadd.f32 v5, v3  }
0x63d: {  	s17 =	sor.u32 s15, s23;
	s15 =	simm.s32 $0x20  }
.LBB2_128:
0x63e: {  	p0 =	sne.s32 s15, $0x3F0;
	v4 =	vld [tilespmem:s17+$0x6380];
	[tilespmem:s14+$0xA400] =	vst v3;
	s14 =	smov.u32 s17  }
0x63f: {  	v3 =	vld [tilespmem:s14+$0xA400];
	_ =	sdelay $0x1  }
0x640: {  	v5 =	vld [tilespmem:s14+$0x6400];
	_ =	sdelay $0x1  }
.Ltmp63:
0x641: {  	(pc) =	sbr.rel @p0 .LBB2_128-.Ltmp63, $4  }
0x642: {  	v3 =	vadd.f32 v4, v3  }
0x643: {  	s16 =	sadd.s32 $0x80, s16  }
0x644: {  	s17 =	sand.u32 $0x70, s15;
	s18 =	sand.u32 $0x1C00, s16;
	v3 =	vadd.f32 v5, v3  }
0x645: {  	s15 =	sadd.s32 $0x10, s15;
	s17 =	sor.u32 s17, s18  }
0x646: {  	v4 =	vld [tilespmem:s17+$0x6380];
	[tilespmem:s14+$0xA400] =	vst v3  }
0x647: {  	v3 =	vld [tilespmem:s17+$0xA400];
	_ =	sdelay $0x1  }
0x648: {  	v5 =	vld [tilespmem:s17+$0x6400];
	_ =	sdelay $0x2  }
0x649: {  	v3 =	vadd.f32 v4, v3;
	_ =	sdelay $0x1  }
0x64a: {  	v3 =	vadd.f32 v5, v3;
	_ =	sdelay $0x1  }
0x64b: {  	s22 =	rddreg [dreg:$0xe];
	[tilespmem:s17+$0xA400] =	vst v3  }
0x64c: {  	[hbm4b:s22+s2] =	stream.linear.scatter [tilespmem:s12], [sflag:$0x2], $0x4000, $0x38;
	[tilespmem:$0xC080] =	vst v63  }
0x64d: {  	_ =	swait.ge [sflag:s20], $0x4000  }
0x64e: {  	s13 =	sadd.s32 $0x1, s13;
	s23 =	rddreg [dreg:$0xf]  }
0x64f: {  	p0 =	sne.s32 s13, s23  }
.Ltmp64:
0x650: {  	_ = 	snop;
	(pc) =	sbr.rel @p0 .LBB2_1-.Ltmp64, $3  }
0x651: {  	_ =	sdelay $0x1  }
0x652: {  	[sflag:s20] =	ssyncset.done $0x0  }
0x653: {  	[sflag:s20] =	ssyncadd.s32 $0xFFFFC000  }
0x654: {  	_ =	sfence.sel $0x180000  }
0x655: {  	[bflag:$0x0] =	sbarrier.arrive $0xFFFF  }
0x656: {  	_ =	strace $0x9000004A  }
0x657: {  	s0 =	stileid.u32;
	[bflag:$0x2] =	sbarrier.arrive $0xFFFF  }
0x658: {  	p0 =	sne.s32 s0, $0x0;
	s0 =	rddreg [dreg:$0x2]  }
0x659: {  	s0 =	sadd.s32 @!p0 $0x100000, s0  }
0x65a: {  	[sflag:s0] =	ssyncadd.tile.s32 @!p0 $0x1;
	_ =	shalt  }
.Lfunc_end2:
_tile_overlayer_lowered:
.L_overlay_start_2:
0x65b: {  	(tag) =	ssettag $0x2  }
0x65c: {  	s0 =	rddreg [dreg:$0x0];
	s2 =	stileid.u32  }
0x65d: {  	s1 =	rddreg [dreg:$0x1];
	p0 =	sne.s32 s2, $0x0  }
0x65e: {  	s3 =	rddreg [dreg:$0x2];
	[bflag:$0x3] =	sbarrier.arrive $0xFFFF;
	s2 =	simm.s32 @!p0 $0x1C02  }
0x65f: {  	[timem:s3], [sflag:s2] =	dma.local @!p0 [hbm:s0], s1  }
0x660: {  	s0 =	simm.s32 @!p0 $0x2  }
0x661: {  	_ =	swait.ge @!p0 [sflag:s0], s1  }
0x662: {  	s1 =	ssub.s32 @!p0 $0x0, s1;
	[sflag:s0] =	ssyncset.done @!p0 $0x0  }
0x663: {  	[sflag:s0] =	ssyncadd.s32 @!p0 s1  }
0x664: {  	[bflag:$0x3] =	sbarrier.arrive $0xFFFF  }
0x665: {  	_ =	shalt  }

</sc_bundles>
